<compile_context>
chip_gen: v7x
topology: tpu7x:2x2x1
jax: 0.10.2.dev20260603
libtpu: 0.0.44.dev20260713+nightly
codegen_flags: <defaults>
</compile_context>

<pallas_src>
import functools

import jax
import jax.numpy as jnp
from jax import lax
from jax.experimental import pallas as pl
from jax.experimental.pallas import tpu as pltpu
from jax.experimental.pallas import tpu_sc as plsc

L = 16
NUM_SLOTS = 100000
BATCH = 16384
NCORES = 2
NTILES = 16 * NCORES
RPT = BATCH // NTILES
WCHUNK = 4096
NCHUNK = BATCH // WCHUNK
U = 8
KC = 4


def _sc_body(we_hbm, ben_hbm, wd_hbm, bd_hbm, idx_hbm, val_hbm, ridx_hbm,
             out_hbm, we_v, ben_v, wd_v, bd_v, ridx_v, out_v, cval_v, cpos_v,
             ia, fa, ib, fb, table, sem_a, sem_b, sem_c):
    cid = lax.axis_index("c")
    sid = lax.axis_index("s")
    wid = sid * NCORES + cid
    rbase = pl.multiple_of(wid * RPT, RPT)

    iota = lax.iota(jnp.int32, L)
    nan_v = jnp.full((L,), jnp.nan, jnp.float32)
    gather_dnums = lax.GatherDimensionNumbers(
        offset_dims=(), collapsed_slice_dims=(0,), start_index_map=(0,))

    def permute(x, idxs):
        return lax.gather(x, idxs[:, None], gather_dnums, (1,),
                          mode=lax.GatherScatterMode.PROMISE_IN_BOUNDS)

    def all_lanes_sum(x):
        for d in (1, 2, 4, 8):
            x = x + permute(x, jnp.bitwise_xor(iota, d))
        return x

    def bf16_round(x):
        u = plsc.bitcast(x, jnp.uint32)
        u = (u + jnp.uint32(0x8000)) & jnp.uint32(0xFFFF0000)
        return plsc.bitcast(u, jnp.float32)

    bufs = ((ia, fa, sem_a), (ib, fb, sem_b))

    def start_chunk(c, slot):
        i_v, f_v, sem = bufs[slot]
        cp_i = pltpu.make_async_copy(idx_hbm.at[pl.ds(c * WCHUNK, WCHUNK)],
                                     i_v, sem)
        cp_f = pltpu.make_async_copy(val_hbm.at[pl.ds(c * WCHUNK, WCHUNK)],
                                     f_v, sem)
        cp_i.start()
        cp_f.start()
        return cp_i, cp_f

    cps = [pltpu.make_async_copy(we_hbm, we_v, sem_c),
           pltpu.make_async_copy(ben_hbm, ben_v, sem_c),
           pltpu.make_async_copy(wd_hbm, wd_v, sem_c),
           pltpu.make_async_copy(bd_hbm, bd_v.at[pl.ds(0, 1)], sem_c),
           pltpu.make_async_copy(ridx_hbm.at[pl.ds(rbase, RPT)], ridx_v,
                                 sem_c)]
    for cp in cps:
        cp.start()
    pends = [start_chunk(0, 0), start_chunk(1, 1)]
    for cp in cps:
        cp.wait()

    we_c = [we_v[pl.ds(k * L, L)] for k in range(KC)]
    be_c = [ben_v[pl.ds(k * L, L)] for k in range(KC)]
    wdr_c = [bf16_round(wd_v[pl.ds(k * L, L)]) for k in range(KC)]
    bd = permute(bd_v[pl.ds(0, L)], jnp.zeros((L,), jnp.int32))

    def zbody(it, _):
        for u in range(U):
            base = pl.multiple_of((it * U + u) * L, L)
            r = ridx_v[pl.ds(base, L)]
            plsc.store_scatter(table, [r], nan_v)
        return 0

    lax.fori_loop(0, RPT // L // U, zbody, 0)

    for c in range(NCHUNK):
        slot = c % 2
        i_v, f_v, _ = bufs[slot]
        pend = pends[c]
        pend[0].wait()
        pend[1].wait()

        def wbody(it, _):
            ivs, vvs = [], []
            for u in range(U):
                base = pl.multiple_of((it * U + u) * L, L)
                ivs.append(i_v[pl.ds(base, L)])
                vvs.append(f_v[pl.ds(base, L)])
            for u in range(U):
                plsc.store_scatter(table, [ivs[u]], vvs[u])
            return 0

        lax.fori_loop(0, WCHUNK // L // U, wbody, 0)
        if c + 2 < NCHUNK:
            pends.append(start_chunk(c + 2, slot))

    sinkpos = jnp.full((L,), RPT, jnp.int32)
    for g in range(RPT // L + 1):
        cpos_v[pl.ds(g * L, L)] = sinkpos

    def cbody(it, cur):
        base = pl.multiple_of(it * L, L)
        r = ridx_v[pl.ds(base, L)]
        t = plsc.load_gather(table, [r])
        written = t == t
        out_v[pl.ds(base, L)] = bd
        plsc.store_compressed(cval_v.at[pl.ds(cur, L)], t, mask=written)
        plsc.store_compressed(cpos_v.at[pl.ds(cur, L)], base + iota, mask=written)
        return cur + jnp.sum(written.astype(jnp.int32))

    total = lax.fori_loop(0, RPT // L, cbody, jnp.int32(0))

    def dbody(g, _):
        base = pl.multiple_of(g * L, L)
        vw = cval_v[pl.ds(base, L)]
        outv = jnp.zeros((L,), jnp.float32)
        for rr in range(L):
            vs = permute(vw, jnp.full((L,), rr, jnp.int32))
            acc = jnp.zeros((L,), jnp.float32)
            for k in range(KC):
                row = bf16_round(vs * we_c[k] + be_c[k])
                acc = acc + row * wdr_c[k]
            s = all_lanes_sum(acc)
            outv = jnp.where(iota == rr, s, outv)
        plsc.store_scatter(out_v, [cpos_v[pl.ds(base, L)]], outv + bd)
        return 0

    lax.fori_loop(0, (total + L - 1) // L, dbody, 0)
    pltpu.sync_copy(out_v.at[pl.ds(0, RPT)], out_hbm.at[pl.ds(rbase, RPT)])


@functools.partial(
    pl.kernel,
    out_type=jax.ShapeDtypeStruct((BATCH,), jnp.float32),
    mesh=plsc.VectorSubcoreMesh(core_axis_name="c", subcore_axis_name="s",
                                num_cores=NCORES),
    compiler_params=pltpu.CompilerParams(needs_layout_passes=False),
    scratch_types=[
        pltpu.VMEM((64,), jnp.float32),
        pltpu.VMEM((64,), jnp.float32),
        pltpu.VMEM((64,), jnp.float32),
        pltpu.VMEM((L,), jnp.float32),
        pltpu.VMEM((RPT,), jnp.int32),
        pltpu.VMEM((RPT + L,), jnp.float32),
        pltpu.VMEM((RPT + L,), jnp.float32),
        pltpu.VMEM((RPT + L,), jnp.int32),
        pltpu.VMEM((WCHUNK,), jnp.int32),
        pltpu.VMEM((WCHUNK,), jnp.float32),
        pltpu.VMEM((WCHUNK,), jnp.int32),
        pltpu.VMEM((WCHUNK,), jnp.float32),
        pltpu.VMEM((NUM_SLOTS,), jnp.float32),
        pltpu.SemaphoreType.DMA,
        pltpu.SemaphoreType.DMA,
        pltpu.SemaphoreType.DMA,
    ],
)
def _sc_kernel(*refs):
    _sc_body(*refs)


@jax.jit
def kernel(memory, W_enc, b_enc, W_dec, b_dec, idx, val, read_idx):
    del memory
    out = _sc_kernel(W_enc.reshape(-1).astype(jnp.float32),
                     b_enc.reshape(-1).astype(jnp.float32),
                     W_dec.reshape(-1).astype(jnp.float32),
                     b_dec.reshape(-1).astype(jnp.float32),
                     idx.astype(jnp.int32), val.astype(jnp.float32),
                     read_idx.astype(jnp.int32))
    return out[:, None]

# --- scband reference (transcript-rebuilt; emitter-appended) ---
"""Pipeline reference for scband-neural-game-memory-18975165514086 (READ-ONLY COPY).

The authoritative reference and input builder live on the scoring server;
editing this copy changes nothing except your own understanding.
"""

import jax, jax.numpy as jnp
import numpy as np

NUM_SLOTS = 100000
VALUE_DIM = 64
BATCH = 16384


def setup_inputs(seed: int = 0) -> dict:
    key = jax.random.key(seed)
    k1, k2, k3, k4, k5, k6, k7 = jax.random.split(key, 7)
    idx = jax.random.randint(k1, (BATCH,), 0, NUM_SLOTS, dtype=jnp.int64 if jax.config.jax_enable_x64 else jnp.int32)
    val = jax.random.normal(k2, (BATCH,), dtype=jnp.float32)
    read_idx = jax.random.randint(k3, (BATCH,), 0, NUM_SLOTS, dtype=jnp.int64 if jax.config.jax_enable_x64 else jnp.int32)
    # Learned parameters, sized per init_kwargs. memory param initialized to zeros (as in __init__).
    memory = jnp.zeros((NUM_SLOTS, VALUE_DIM), dtype=jnp.float32)
    # value_encoder: nn.Linear(1, value_dim); torch init uniform(-1/sqrt(fan_in), 1/sqrt(fan_in)), fan_in=1
    W_enc = jax.random.uniform(k4, (1, VALUE_DIM), minval=-1.0, maxval=1.0, dtype=jnp.float32)
    b_enc = jax.random.uniform(k5, (VALUE_DIM,), minval=-1.0, maxval=1.0, dtype=jnp.float32)
    # value_decoder: nn.Linear(value_dim, 1)
    lim = 1.0 / np.sqrt(VALUE_DIM)
    W_dec = jax.random.uniform(k6, (VALUE_DIM, 1), minval=-lim, maxval=lim, dtype=jnp.float32)
    b_dec = jax.random.uniform(k7, (1,), minval=-lim, maxval=lim, dtype=jnp.float32)
    return {"memory": memory, "W_enc": W_enc, "b_enc": b_enc, "W_dec": W_dec, "b_dec": b_dec,
            "idx": idx, "val": val, "read_idx": read_idx}


def reference(memory, W_enc, b_enc, W_dec, b_dec, idx, val, read_idx):
    # Batched 'write': encode scalar values to value_dim vectors and scatter-overwrite memory rows.
    # Faithful to NeuralGameMemory.write: memory.data[slot_idx] = value_encoder([[value]]).squeeze()
    encoded = val[:, None] @ W_enc + b_enc            # [B, value_dim]
    mem2 = memory.at[idx].set(encoded)                # scatter-overwrite [num_slots, value_dim]
    # Batched 'read': gather rows and decode back to scalars.
    # Faithful to NeuralGameMemory.read: value_decoder(memory[slot_idx:slot_idx+1])
    read_rows = mem2[read_idx]                        # gather [B, value_dim]
    decoded = read_rows @ W_dec + b_dec               # [B, 1]
    return decoded

if __name__ == "__main__":
    import jax
    _d = setup_inputs()
    print(jax.jit(kernel)(*tuple(_d.values())))

</pallas_src>

<mosaic_0001>
#map = affine_map<(d0, d1) -> (0)>
module attributes {stable_mosaic.version = 14 : i64} {
  func.func @_sc_kernel(%arg0: i32, %arg1: i32, %arg2: memref<64xf32, #tpu.memory_space<hbm>>, %arg3: memref<64xf32, #tpu.memory_space<hbm>>, %arg4: memref<64xf32, #tpu.memory_space<hbm>>, %arg5: memref<1xf32, #tpu.memory_space<hbm>>, %arg6: memref<16384xi32, #tpu.memory_space<hbm>>, %arg7: memref<16384xf32, #tpu.memory_space<hbm>>, %arg8: memref<16384xi32, #tpu.memory_space<hbm>>, %arg9: memref<16384xf32, #tpu.memory_space<hbm>>, %arg10: memref<64xf32, #tpu.memory_space<vmem>>, %arg11: memref<64xf32, #tpu.memory_space<vmem>>, %arg12: memref<64xf32, #tpu.memory_space<vmem>>, %arg13: memref<16xf32, #tpu.memory_space<vmem>>, %arg14: memref<512xi32, #tpu.memory_space<vmem>>, %arg15: memref<528xf32, #tpu.memory_space<vmem>>, %arg16: memref<528xf32, #tpu.memory_space<vmem>>, %arg17: memref<528xi32, #tpu.memory_space<vmem>>, %arg18: memref<4096xi32, #tpu.memory_space<vmem>>, %arg19: memref<4096xf32, #tpu.memory_space<vmem>>, %arg20: memref<4096xi32, #tpu.memory_space<vmem>>, %arg21: memref<4096xf32, #tpu.memory_space<vmem>>, %arg22: memref<100000xf32, #tpu.memory_space<vmem>>, %arg23: memref<!tpu.dma_semaphore, #tpu.memory_space<semaphore_mem>>, %arg24: memref<!tpu.dma_semaphore, #tpu.memory_space<semaphore_mem>>, %arg25: memref<!tpu.dma_semaphore, #tpu.memory_space<semaphore_mem>>) attributes {dimension_semantics = [#tpu.dimension_semantics<core_parallel>, #tpu.dimension_semantics<subcore_parallel>], iteration_bounds = array<i64: 2, 16>, scalar_prefetch = 0 : i64, scratch_operands = 16 : i64, tpu.core_type = #tpu.core_type<sc_vector_subcore>, window_params = [{transform_indices = #map}, {transform_indices = #map}, {transform_indices = #map}, {transform_indices = #map}, {transform_indices = #map}, {transform_indices = #map}, {transform_indices = #map}, {transform_indices = #map}]} {
    %mul3A = arith.constant 2 : i32
    %mul3A_0 = arith.muli %arg1, %mul3A : i32
    %add3A = arith.addi %mul3A_0, %arg0 : i32
    %mul3A_1 = arith.constant 512 : i32
    %mul3A_2 = arith.muli %add3A, %mul3A_1 : i32
    %multiple_of3A = tpu.assume_multiple %mul3A_2, 512 : i32
    %iota3A = tpu.iota {dimensions = array<i32: 0>} : vector<16xi32>
    %broadcast_in_dim3A = arith.constant 0x7FC00000 : f32
    %broadcast_in_dim3A_3 = vector.broadcast %broadcast_in_dim3A : f32 to vector<16xf32>
    tpu.enqueue_dma source(%arg2 : memref<64xf32, #tpu.memory_space<hbm>>) target(%arg10 : memref<64xf32, #tpu.memory_space<vmem>>) target_semaphore(%arg25 : memref<!tpu.dma_semaphore, #tpu.memory_space<semaphore_mem>>)
    tpu.enqueue_dma source(%arg3 : memref<64xf32, #tpu.memory_space<hbm>>) target(%arg11 : memref<64xf32, #tpu.memory_space<vmem>>) target_semaphore(%arg25 : memref<!tpu.dma_semaphore, #tpu.memory_space<semaphore_mem>>)
    tpu.enqueue_dma source(%arg4 : memref<64xf32, #tpu.memory_space<hbm>>) target(%arg12 : memref<64xf32, #tpu.memory_space<vmem>>) target_semaphore(%arg25 : memref<!tpu.dma_semaphore, #tpu.memory_space<semaphore_mem>>)
    %dma_start3A = arith.constant 0 : i32
    %dma_start3A_4 = tpu.memref_slice %arg13[%dma_start3A] : memref<16xf32, #tpu.memory_space<vmem>> -> memref<1xf32, #tpu.memory_space<vmem>>
    %dma_start3A_5 = arith.constant 0 : i32
    %dma_start3A_6 = tpu.memref_slice %arg13[%dma_start3A_5] : memref<16xf32, #tpu.memory_space<vmem>> -> memref<1xf32, #tpu.memory_space<vmem>>
    tpu.enqueue_dma source(%arg5 : memref<1xf32, #tpu.memory_space<hbm>>) target(%dma_start3A_6 : memref<1xf32, #tpu.memory_space<vmem>>) target_semaphore(%arg25 : memref<!tpu.dma_semaphore, #tpu.memory_space<semaphore_mem>>)
    %dma_start3A_7 = tpu.memref_slice %arg8[%multiple_of3A] : memref<16384xi32, #tpu.memory_space<hbm>> -> memref<512xi32, #tpu.memory_space<hbm>>
    %dma_start3A_8 = tpu.memref_slice %arg8[%multiple_of3A] : memref<16384xi32, #tpu.memory_space<hbm>> -> memref<512xi32, #tpu.memory_space<hbm>>
    tpu.enqueue_dma source(%dma_start3A_8 : memref<512xi32, #tpu.memory_space<hbm>>) target(%arg14 : memref<512xi32, #tpu.memory_space<vmem>>) target_semaphore(%arg25 : memref<!tpu.dma_semaphore, #tpu.memory_space<semaphore_mem>>)
    %dma_start3A_9 = arith.constant 0 : i32
    %dma_start3A_10 = tpu.memref_slice %arg6[%dma_start3A_9] : memref<16384xi32, #tpu.memory_space<hbm>> -> memref<4096xi32, #tpu.memory_space<hbm>>
    %dma_start3A_11 = arith.constant 0 : i32
    %dma_start3A_12 = tpu.memref_slice %arg6[%dma_start3A_11] : memref<16384xi32, #tpu.memory_space<hbm>> -> memref<4096xi32, #tpu.memory_space<hbm>>
    tpu.enqueue_dma source(%dma_start3A_12 : memref<4096xi32, #tpu.memory_space<hbm>>) target(%arg18 : memref<4096xi32, #tpu.memory_space<vmem>>) target_semaphore(%arg23 : memref<!tpu.dma_semaphore, #tpu.memory_space<semaphore_mem>>)
    %dma_start3A_13 = arith.constant 0 : i32
    %dma_start3A_14 = tpu.memref_slice %arg7[%dma_start3A_13] : memref<16384xf32, #tpu.memory_space<hbm>> -> memref<4096xf32, #tpu.memory_space<hbm>>
    %dma_start3A_15 = arith.constant 0 : i32
    %dma_start3A_16 = tpu.memref_slice %arg7[%dma_start3A_15] : memref<16384xf32, #tpu.memory_space<hbm>> -> memref<4096xf32, #tpu.memory_space<hbm>>
    tpu.enqueue_dma source(%dma_start3A_16 : memref<4096xf32, #tpu.memory_space<hbm>>) target(%arg19 : memref<4096xf32, #tpu.memory_space<vmem>>) target_semaphore(%arg23 : memref<!tpu.dma_semaphore, #tpu.memory_space<semaphore_mem>>)
    %dma_start3A_17 = arith.constant 4096 : i32
    %dma_start3A_18 = tpu.memref_slice %arg6[%dma_start3A_17] : memref<16384xi32, #tpu.memory_space<hbm>> -> memref<4096xi32, #tpu.memory_space<hbm>>
    %dma_start3A_19 = arith.constant 4096 : i32
    %dma_start3A_20 = tpu.memref_slice %arg6[%dma_start3A_19] : memref<16384xi32, #tpu.memory_space<hbm>> -> memref<4096xi32, #tpu.memory_space<hbm>>
    tpu.enqueue_dma source(%dma_start3A_20 : memref<4096xi32, #tpu.memory_space<hbm>>) target(%arg20 : memref<4096xi32, #tpu.memory_space<vmem>>) target_semaphore(%arg24 : memref<!tpu.dma_semaphore, #tpu.memory_space<semaphore_mem>>)
    %dma_start3A_21 = arith.constant 4096 : i32
    %dma_start3A_22 = tpu.memref_slice %arg7[%dma_start3A_21] : memref<16384xf32, #tpu.memory_space<hbm>> -> memref<4096xf32, #tpu.memory_space<hbm>>
    %dma_start3A_23 = arith.constant 4096 : i32
    %dma_start3A_24 = tpu.memref_slice %arg7[%dma_start3A_23] : memref<16384xf32, #tpu.memory_space<hbm>> -> memref<4096xf32, #tpu.memory_space<hbm>>
    tpu.enqueue_dma source(%dma_start3A_24 : memref<4096xf32, #tpu.memory_space<hbm>>) target(%arg21 : memref<4096xf32, #tpu.memory_space<vmem>>) target_semaphore(%arg24 : memref<!tpu.dma_semaphore, #tpu.memory_space<semaphore_mem>>)
    tpu.wait_dma2 semaphore(%arg25 : memref<!tpu.dma_semaphore, #tpu.memory_space<semaphore_mem>>) src(%arg2 : memref<64xf32, #tpu.memory_space<hbm>>) dst(%arg10 : memref<64xf32, #tpu.memory_space<vmem>>)
    tpu.wait_dma2 semaphore(%arg25 : memref<!tpu.dma_semaphore, #tpu.memory_space<semaphore_mem>>) src(%arg3 : memref<64xf32, #tpu.memory_space<hbm>>) dst(%arg11 : memref<64xf32, #tpu.memory_space<vmem>>)
    tpu.wait_dma2 semaphore(%arg25 : memref<!tpu.dma_semaphore, #tpu.memory_space<semaphore_mem>>) src(%arg4 : memref<64xf32, #tpu.memory_space<hbm>>) dst(%arg12 : memref<64xf32, #tpu.memory_space<vmem>>)
    %dma_wait3A = arith.constant 0 : i32
    %dma_wait3A_25 = tpu.memref_slice %arg13[%dma_wait3A] : memref<16xf32, #tpu.memory_space<vmem>> -> memref<1xf32, #tpu.memory_space<vmem>>
    %dma_wait3A_26 = arith.constant 0 : i32
    %dma_wait3A_27 = tpu.memref_slice %arg13[%dma_wait3A_26] : memref<16xf32, #tpu.memory_space<vmem>> -> memref<1xf32, #tpu.memory_space<vmem>>
    tpu.wait_dma2 semaphore(%arg25 : memref<!tpu.dma_semaphore, #tpu.memory_space<semaphore_mem>>) src(%arg5 : memref<1xf32, #tpu.memory_space<hbm>>) dst(%dma_wait3A_27 : memref<1xf32, #tpu.memory_space<vmem>>)
    %dma_wait3A_28 = tpu.memref_slice %arg8[%multiple_of3A] : memref<16384xi32, #tpu.memory_space<hbm>> -> memref<512xi32, #tpu.memory_space<hbm>>
    %dma_wait3A_29 = tpu.memref_slice %arg8[%multiple_of3A] : memref<16384xi32, #tpu.memory_space<hbm>> -> memref<512xi32, #tpu.memory_space<hbm>>
    tpu.wait_dma2 semaphore(%arg25 : memref<!tpu.dma_semaphore, #tpu.memory_space<semaphore_mem>>) src(%dma_wait3A_29 : memref<512xi32, #tpu.memory_space<hbm>>) dst(%arg14 : memref<512xi32, #tpu.memory_space<vmem>>)
    %get3A = arith.constant 0 : index
    %get3A_30 = tpu.vector_load %arg10[%get3A] {strides = array<i32>} : memref<64xf32, #tpu.memory_space<vmem>>, vector<16xf32>,
    %get3A_31 = arith.constant 16 : index
    %get3A_32 = tpu.vector_load %arg10[%get3A_31] {strides = array<i32>} : memref<64xf32, #tpu.memory_space<vmem>>, vector<16xf32>,
    %get3A_33 = arith.constant 32 : index
    %get3A_34 = tpu.vector_load %arg10[%get3A_33] {strides = array<i32>} : memref<64xf32, #tpu.memory_space<vmem>>, vector<16xf32>,
    %get3A_35 = arith.constant 48 : index
    %get3A_36 = tpu.vector_load %arg10[%get3A_35] {strides = array<i32>} : memref<64xf32, #tpu.memory_space<vmem>>, vector<16xf32>,
    %get3A_37 = arith.constant 0 : index
    %get3A_38 = tpu.vector_load %arg11[%get3A_37] {strides = array<i32>} : memref<64xf32, #tpu.memory_space<vmem>>, vector<16xf32>,
    %get3A_39 = arith.constant 16 : index
    %get3A_40 = tpu.vector_load %arg11[%get3A_39] {strides = array<i32>} : memref<64xf32, #tpu.memory_space<vmem>>, vector<16xf32>,
    %get3A_41 = arith.constant 32 : index
    %get3A_42 = tpu.vector_load %arg11[%get3A_41] {strides = array<i32>} : memref<64xf32, #tpu.memory_space<vmem>>, vector<16xf32>,
    %get3A_43 = arith.constant 48 : index
    %get3A_44 = tpu.vector_load %arg11[%get3A_43] {strides = array<i32>} : memref<64xf32, #tpu.memory_space<vmem>>, vector<16xf32>,
    %get3A_45 = arith.constant 0 : index
    %get3A_46 = tpu.vector_load %arg12[%get3A_45] {strides = array<i32>} : memref<64xf32, #tpu.memory_space<vmem>>, vector<16xf32>,
    %bitcast3A = vector.bitcast %get3A_46 : vector<16xf32> to vector<16xi32>
    %add3A_47 = arith.constant 32768 : i32
    %add3A_48 = vector.broadcast %add3A_47 : i32 to vector<16xi32>
    %add3A_49 = arith.addi %bitcast3A, %add3A_48 : vector<16xi32>
    %and3A = arith.constant -65536 : i32
    %and3A_50 = vector.broadcast %and3A : i32 to vector<16xi32>
    %and3A_51 = arith.andi %add3A_49, %and3A_50 : vector<16xi32>
    %bitcast3A_52 = vector.bitcast %and3A_51 : vector<16xi32> to vector<16xf32>
    %get3A_53 = arith.constant 16 : index
    %get3A_54 = tpu.vector_load %arg12[%get3A_53] {strides = array<i32>} : memref<64xf32, #tpu.memory_space<vmem>>, vector<16xf32>,
    %bitcast3A_55 = vector.bitcast %get3A_54 : vector<16xf32> to vector<16xi32>
    %add3A_56 = arith.constant 32768 : i32
    %add3A_57 = vector.broadcast %add3A_56 : i32 to vector<16xi32>
    %add3A_58 = arith.addi %bitcast3A_55, %add3A_57 : vector<16xi32>
    %and3A_59 = arith.constant -65536 : i32
    %and3A_60 = vector.broadcast %and3A_59 : i32 to vector<16xi32>
    %and3A_61 = arith.andi %add3A_58, %and3A_60 : vector<16xi32>
    %bitcast3A_62 = vector.bitcast %and3A_61 : vector<16xi32> to vector<16xf32>
    %get3A_63 = arith.constant 32 : index
    %get3A_64 = tpu.vector_load %arg12[%get3A_63] {strides = array<i32>} : memref<64xf32, #tpu.memory_space<vmem>>, vector<16xf32>,
    %bitcast3A_65 = vector.bitcast %get3A_64 : vector<16xf32> to vector<16xi32>
    %add3A_66 = arith.constant 32768 : i32
    %add3A_67 = vector.broadcast %add3A_66 : i32 to vector<16xi32>
    %add3A_68 = arith.addi %bitcast3A_65, %add3A_67 : vector<16xi32>
    %and3A_69 = arith.constant -65536 : i32
    %and3A_70 = vector.broadcast %and3A_69 : i32 to vector<16xi32>
    %and3A_71 = arith.andi %add3A_68, %and3A_70 : vector<16xi32>
    %bitcast3A_72 = vector.bitcast %and3A_71 : vector<16xi32> to vector<16xf32>
    %get3A_73 = arith.constant 48 : index
    %get3A_74 = tpu.vector_load %arg12[%get3A_73] {strides = array<i32>} : memref<64xf32, #tpu.memory_space<vmem>>, vector<16xf32>,
    %bitcast3A_75 = vector.bitcast %get3A_74 : vector<16xf32> to vector<16xi32>
    %add3A_76 = arith.constant 32768 : i32
    %add3A_77 = vector.broadcast %add3A_76 : i32 to vector<16xi32>
    %add3A_78 = arith.addi %bitcast3A_75, %add3A_77 : vector<16xi32>
    %and3A_79 = arith.constant -65536 : i32
    %and3A_80 = vector.broadcast %and3A_79 : i32 to vector<16xi32>
    %and3A_81 = arith.andi %add3A_78, %and3A_80 : vector<16xi32>
    %bitcast3A_82 = vector.bitcast %and3A_81 : vector<16xi32> to vector<16xf32>
    %get3A_83 = arith.constant 0 : index
    %get3A_84 = tpu.vector_load %arg13[%get3A_83] {strides = array<i32>} : memref<16xf32, #tpu.memory_space<vmem>>, vector<16xf32>,
    %broadcast_in_dim3A_85 = arith.constant 0 : i32
    %broadcast_in_dim3A_86 = vector.broadcast %broadcast_in_dim3A_85 : i32 to vector<16xi32>
    %broadcast_in_dim3A_87 = vector.shape_cast %broadcast_in_dim3A_86 : vector<16xi32> to vector<16x1xi32>
    %gather3A = vector.shape_cast %broadcast_in_dim3A_87 : vector<16x1xi32> to vector<16xi32>
    %gather3A_88 = tpu.dynamic_gather %get3A_84[%gather3A] in [0] : vector<16xf32>, vector<16xi32> -> vector<16xf32>
    %scan3A = arith.constant 0 : i32
    %scan3A_89 = arith.constant 0 : i32
    %scan3A_90 = arith.constant 4 : i32
    %scan3A_91 = arith.addi %scan3A_89, %scan3A_90 : i32
    %scan3A_92 = arith.constant 1 : i32
    %scan3A_93 = scf.for %scan3A_277 = %scan3A_89 to %scan3A_91 step %scan3A_92 iter_args(%scan3A_278 = %scan3A) -> (i32)  : i32 {
      %mul3A_279 = arith.constant 8 : i32
      %mul3A_280 = arith.muli %scan3A_277, %mul3A_279 : i32
      %add3A_281 = arith.constant 0 : i32
      %add3A_282 = arith.addi %mul3A_280, %add3A_281 : i32
      %mul3A_283 = arith.constant 16 : i32
      %mul3A_284 = arith.muli %add3A_282, %mul3A_283 : i32
      %multiple_of3A_285 = tpu.assume_multiple %mul3A_284, 16 : i32
      %get3A_286 = arith.index_cast %multiple_of3A_285 : i32 to index
      %get3A_287 = tpu.vector_load %arg14[%get3A_286] {strides = array<i32>} : memref<512xi32, #tpu.memory_space<vmem>>, vector<16xi32>,
      tpu.vector_store_idx %arg22[%get3A_287], %broadcast_in_dim3A_3 : memref<100000xf32, #tpu.memory_space<vmem>>[vector<16xi32>], vector<16xf32>,
      %mul3A_288 = arith.constant 8 : i32
      %mul3A_289 = arith.muli %scan3A_277, %mul3A_288 : i32
      %add3A_290 = arith.constant 1 : i32
      %add3A_291 = arith.addi %mul3A_289, %add3A_290 : i32
      %mul3A_292 = arith.constant 16 : i32
      %mul3A_293 = arith.muli %add3A_291, %mul3A_292 : i32
      %multiple_of3A_294 = tpu.assume_multiple %mul3A_293, 16 : i32
      %get3A_295 = arith.index_cast %multiple_of3A_294 : i32 to index
      %get3A_296 = tpu.vector_load %arg14[%get3A_295] {strides = array<i32>} : memref<512xi32, #tpu.memory_space<vmem>>, vector<16xi32>,
      tpu.vector_store_idx %arg22[%get3A_296], %broadcast_in_dim3A_3 : memref<100000xf32, #tpu.memory_space<vmem>>[vector<16xi32>], vector<16xf32>,
      %mul3A_297 = arith.constant 8 : i32
      %mul3A_298 = arith.muli %scan3A_277, %mul3A_297 : i32
      %add3A_299 = arith.constant 2 : i32
      %add3A_300 = arith.addi %mul3A_298, %add3A_299 : i32
      %mul3A_301 = arith.constant 16 : i32
      %mul3A_302 = arith.muli %add3A_300, %mul3A_301 : i32
      %multiple_of3A_303 = tpu.assume_multiple %mul3A_302, 16 : i32
      %get3A_304 = arith.index_cast %multiple_of3A_303 : i32 to index
      %get3A_305 = tpu.vector_load %arg14[%get3A_304] {strides = array<i32>} : memref<512xi32, #tpu.memory_space<vmem>>, vector<16xi32>,
      tpu.vector_store_idx %arg22[%get3A_305], %broadcast_in_dim3A_3 : memref<100000xf32, #tpu.memory_space<vmem>>[vector<16xi32>], vector<16xf32>,
      %mul3A_306 = arith.constant 8 : i32
      %mul3A_307 = arith.muli %scan3A_277, %mul3A_306 : i32
      %add3A_308 = arith.constant 3 : i32
      %add3A_309 = arith.addi %mul3A_307, %add3A_308 : i32
      %mul3A_310 = arith.constant 16 : i32
      %mul3A_311 = arith.muli %add3A_309, %mul3A_310 : i32
      %multiple_of3A_312 = tpu.assume_multiple %mul3A_311, 16 : i32
      %get3A_313 = arith.index_cast %multiple_of3A_312 : i32 to index
      %get3A_314 = tpu.vector_load %arg14[%get3A_313] {strides = array<i32>} : memref<512xi32, #tpu.memory_space<vmem>>, vector<16xi32>,
      tpu.vector_store_idx %arg22[%get3A_314], %broadcast_in_dim3A_3 : memref<100000xf32, #tpu.memory_space<vmem>>[vector<16xi32>], vector<16xf32>,
      %mul3A_315 = arith.constant 8 : i32
      %mul3A_316 = arith.muli %scan3A_277, %mul3A_315 : i32
      %add3A_317 = arith.constant 4 : i32
      %add3A_318 = arith.addi %mul3A_316, %add3A_317 : i32
      %mul3A_319 = arith.constant 16 : i32
      %mul3A_320 = arith.muli %add3A_318, %mul3A_319 : i32
      %multiple_of3A_321 = tpu.assume_multiple %mul3A_320, 16 : i32
      %get3A_322 = arith.index_cast %multiple_of3A_321 : i32 to index
      %get3A_323 = tpu.vector_load %arg14[%get3A_322] {strides = array<i32>} : memref<512xi32, #tpu.memory_space<vmem>>, vector<16xi32>,
      tpu.vector_store_idx %arg22[%get3A_323], %broadcast_in_dim3A_3 : memref<100000xf32, #tpu.memory_space<vmem>>[vector<16xi32>], vector<16xf32>,
      %mul3A_324 = arith.constant 8 : i32
      %mul3A_325 = arith.muli %scan3A_277, %mul3A_324 : i32
      %add3A_326 = arith.constant 5 : i32
      %add3A_327 = arith.addi %mul3A_325, %add3A_326 : i32
      %mul3A_328 = arith.constant 16 : i32
      %mul3A_329 = arith.muli %add3A_327, %mul3A_328 : i32
      %multiple_of3A_330 = tpu.assume_multiple %mul3A_329, 16 : i32
      %get3A_331 = arith.index_cast %multiple_of3A_330 : i32 to index
      %get3A_332 = tpu.vector_load %arg14[%get3A_331] {strides = array<i32>} : memref<512xi32, #tpu.memory_space<vmem>>, vector<16xi32>,
      tpu.vector_store_idx %arg22[%get3A_332], %broadcast_in_dim3A_3 : memref<100000xf32, #tpu.memory_space<vmem>>[vector<16xi32>], vector<16xf32>,
      %mul3A_333 = arith.constant 8 : i32
      %mul3A_334 = arith.muli %scan3A_277, %mul3A_333 : i32
      %add3A_335 = arith.constant 6 : i32
      %add3A_336 = arith.addi %mul3A_334, %add3A_335 : i32
      %mul3A_337 = arith.constant 16 : i32
      %mul3A_338 = arith.muli %add3A_336, %mul3A_337 : i32
      %multiple_of3A_339 = tpu.assume_multiple %mul3A_338, 16 : i32
      %get3A_340 = arith.index_cast %multiple_of3A_339 : i32 to index
      %get3A_341 = tpu.vector_load %arg14[%get3A_340] {strides = array<i32>} : memref<512xi32, #tpu.memory_space<vmem>>, vector<16xi32>,
      tpu.vector_store_idx %arg22[%get3A_341], %broadcast_in_dim3A_3 : memref<100000xf32, #tpu.memory_space<vmem>>[vector<16xi32>], vector<16xf32>,
      %mul3A_342 = arith.constant 8 : i32
      %mul3A_343 = arith.muli %scan3A_277, %mul3A_342 : i32
      %add3A_344 = arith.constant 7 : i32
      %add3A_345 = arith.addi %mul3A_343, %add3A_344 : i32
      %mul3A_346 = arith.constant 16 : i32
      %mul3A_347 = arith.muli %add3A_345, %mul3A_346 : i32
      %multiple_of3A_348 = tpu.assume_multiple %mul3A_347, 16 : i32
      %get3A_349 = arith.index_cast %multiple_of3A_348 : i32 to index
      %get3A_350 = tpu.vector_load %arg14[%get3A_349] {strides = array<i32>} : memref<512xi32, #tpu.memory_space<vmem>>, vector<16xi32>,
      tpu.vector_store_idx %arg22[%get3A_350], %broadcast_in_dim3A_3 : memref<100000xf32, #tpu.memory_space<vmem>>[vector<16xi32>], vector<16xf32>,
      %scan3A_351 = arith.constant 0 : i32
      scf.yield %scan3A_351 : i32
    }
    %scan3A_94 = arith.constant 4 : i32
    %dma_wait3A_95 = arith.constant 0 : i32
    %dma_wait3A_96 = tpu.memref_slice %arg6[%dma_wait3A_95] : memref<16384xi32, #tpu.memory_space<hbm>> -> memref<4096xi32, #tpu.memory_space<hbm>>
    %dma_wait3A_97 = arith.constant 0 : i32
    %dma_wait3A_98 = tpu.memref_slice %arg6[%dma_wait3A_97] : memref<16384xi32, #tpu.memory_space<hbm>> -> memref<4096xi32, #tpu.memory_space<hbm>>
    tpu.wait_dma2 semaphore(%arg23 : memref<!tpu.dma_semaphore, #tpu.memory_space<semaphore_mem>>) src(%dma_wait3A_98 : memref<4096xi32, #tpu.memory_space<hbm>>) dst(%arg18 : memref<4096xi32, #tpu.memory_space<vmem>>)
    %dma_wait3A_99 = arith.constant 0 : i32
    %dma_wait3A_100 = tpu.memref_slice %arg7[%dma_wait3A_99] : memref<16384xf32, #tpu.memory_space<hbm>> -> memref<4096xf32, #tpu.memory_space<hbm>>
    %dma_wait3A_101 = arith.constant 0 : i32
    %dma_wait3A_102 = tpu.memref_slice %arg7[%dma_wait3A_101] : memref<16384xf32, #tpu.memory_space<hbm>> -> memref<4096xf32, #tpu.memory_space<hbm>>
    tpu.wait_dma2 semaphore(%arg23 : memref<!tpu.dma_semaphore, #tpu.memory_space<semaphore_mem>>) src(%dma_wait3A_102 : memref<4096xf32, #tpu.memory_space<hbm>>) dst(%arg19 : memref<4096xf32, #tpu.memory_space<vmem>>)
    %scan3A_103 = arith.constant 0 : i32
    %scan3A_104 = arith.constant 0 : i32
    %scan3A_105 = arith.constant 32 : i32
    %scan3A_106 = arith.addi %scan3A_104, %scan3A_105 : i32
    %scan3A_107 = arith.constant 1 : i32
    %scan3A_108 = scf.for %scan3A_277 = %scan3A_104 to %scan3A_106 step %scan3A_107 iter_args(%scan3A_278 = %scan3A_103) -> (i32)  : i32 {
      %mul3A_279 = arith.constant 8 : i32
      %mul3A_280 = arith.muli %scan3A_277, %mul3A_279 : i32
      %add3A_281 = arith.constant 0 : i32
      %add3A_282 = arith.addi %mul3A_280, %add3A_281 : i32
      %mul3A_283 = arith.constant 16 : i32
      %mul3A_284 = arith.muli %add3A_282, %mul3A_283 : i32
      %multiple_of3A_285 = tpu.assume_multiple %mul3A_284, 16 : i32
      %get3A_286 = arith.index_cast %multiple_of3A_285 : i32 to index
      %get3A_287 = tpu.vector_load %arg18[%get3A_286] {strides = array<i32>} : memref<4096xi32, #tpu.memory_space<vmem>>, vector<16xi32>,
      %get3A_288 = arith.index_cast %multiple_of3A_285 : i32 to index
      %get3A_289 = tpu.vector_load %arg19[%get3A_288] {strides = array<i32>} : memref<4096xf32, #tpu.memory_space<vmem>>, vector<16xf32>,
      %mul3A_290 = arith.constant 8 : i32
      %mul3A_291 = arith.muli %scan3A_277, %mul3A_290 : i32
      %add3A_292 = arith.constant 1 : i32
      %add3A_293 = arith.addi %mul3A_291, %add3A_292 : i32
      %mul3A_294 = arith.constant 16 : i32
      %mul3A_295 = arith.muli %add3A_293, %mul3A_294 : i32
      %multiple_of3A_296 = tpu.assume_multiple %mul3A_295, 16 : i32
      %get3A_297 = arith.index_cast %multiple_of3A_296 : i32 to index
      %get3A_298 = tpu.vector_load %arg18[%get3A_297] {strides = array<i32>} : memref<4096xi32, #tpu.memory_space<vmem>>, vector<16xi32>,
      %get3A_299 = arith.index_cast %multiple_of3A_296 : i32 to index
      %get3A_300 = tpu.vector_load %arg19[%get3A_299] {strides = array<i32>} : memref<4096xf32, #tpu.memory_space<vmem>>, vector<16xf32>,
      %mul3A_301 = arith.constant 8 : i32
      %mul3A_302 = arith.muli %scan3A_277, %mul3A_301 : i32
      %add3A_303 = arith.constant 2 : i32
      %add3A_304 = arith.addi %mul3A_302, %add3A_303 : i32
      %mul3A_305 = arith.constant 16 : i32
      %mul3A_306 = arith.muli %add3A_304, %mul3A_305 : i32
      %multiple_of3A_307 = tpu.assume_multiple %mul3A_306, 16 : i32
      %get3A_308 = arith.index_cast %multiple_of3A_307 : i32 to index
      %get3A_309 = tpu.vector_load %arg18[%get3A_308] {strides = array<i32>} : memref<4096xi32, #tpu.memory_space<vmem>>, vector<16xi32>,
      %get3A_310 = arith.index_cast %multiple_of3A_307 : i32 to index
      %get3A_311 = tpu.vector_load %arg19[%get3A_310] {strides = array<i32>} : memref<4096xf32, #tpu.memory_space<vmem>>, vector<16xf32>,
      %mul3A_312 = arith.constant 8 : i32
      %mul3A_313 = arith.muli %scan3A_277, %mul3A_312 : i32
      %add3A_314 = arith.constant 3 : i32
      %add3A_315 = arith.addi %mul3A_313, %add3A_314 : i32
      %mul3A_316 = arith.constant 16 : i32
      %mul3A_317 = arith.muli %add3A_315, %mul3A_316 : i32
      %multiple_of3A_318 = tpu.assume_multiple %mul3A_317, 16 : i32
      %get3A_319 = arith.index_cast %multiple_of3A_318 : i32 to index
      %get3A_320 = tpu.vector_load %arg18[%get3A_319] {strides = array<i32>} : memref<4096xi32, #tpu.memory_space<vmem>>, vector<16xi32>,
      %get3A_321 = arith.index_cast %multiple_of3A_318 : i32 to index
      %get3A_322 = tpu.vector_load %arg19[%get3A_321] {strides = array<i32>} : memref<4096xf32, #tpu.memory_space<vmem>>, vector<16xf32>,
      %mul3A_323 = arith.constant 8 : i32
      %mul3A_324 = arith.muli %scan3A_277, %mul3A_323 : i32
      %add3A_325 = arith.constant 4 : i32
      %add3A_326 = arith.addi %mul3A_324, %add3A_325 : i32
      %mul3A_327 = arith.constant 16 : i32
      %mul3A_328 = arith.muli %add3A_326, %mul3A_327 : i32
      %multiple_of3A_329 = tpu.assume_multiple %mul3A_328, 16 : i32
      %get3A_330 = arith.index_cast %multiple_of3A_329 : i32 to index
      %get3A_331 = tpu.vector_load %arg18[%get3A_330] {strides = array<i32>} : memref<4096xi32, #tpu.memory_space<vmem>>, vector<16xi32>,
      %get3A_332 = arith.index_cast %multiple_of3A_329 : i32 to index
      %get3A_333 = tpu.vector_load %arg19[%get3A_332] {strides = array<i32>} : memref<4096xf32, #tpu.memory_space<vmem>>, vector<16xf32>,
      %mul3A_334 = arith.constant 8 : i32
      %mul3A_335 = arith.muli %scan3A_277, %mul3A_334 : i32
      %add3A_336 = arith.constant 5 : i32
      %add3A_337 = arith.addi %mul3A_335, %add3A_336 : i32
      %mul3A_338 = arith.constant 16 : i32
      %mul3A_339 = arith.muli %add3A_337, %mul3A_338 : i32
      %multiple_of3A_340 = tpu.assume_multiple %mul3A_339, 16 : i32
      %get3A_341 = arith.index_cast %multiple_of3A_340 : i32 to index
      %get3A_342 = tpu.vector_load %arg18[%get3A_341] {strides = array<i32>} : memref<4096xi32, #tpu.memory_space<vmem>>, vector<16xi32>,
      %get3A_343 = arith.index_cast %multiple_of3A_340 : i32 to index
      %get3A_344 = tpu.vector_load %arg19[%get3A_343] {strides = array<i32>} : memref<4096xf32, #tpu.memory_space<vmem>>, vector<16xf32>,
      %mul3A_345 = arith.constant 8 : i32
      %mul3A_346 = arith.muli %scan3A_277, %mul3A_345 : i32
      %add3A_347 = arith.constant 6 : i32
      %add3A_348 = arith.addi %mul3A_346, %add3A_347 : i32
      %mul3A_349 = arith.constant 16 : i32
      %mul3A_350 = arith.muli %add3A_348, %mul3A_349 : i32
      %multiple_of3A_351 = tpu.assume_multiple %mul3A_350, 16 : i32
      %get3A_352 = arith.index_cast %multiple_of3A_351 : i32 to index
      %get3A_353 = tpu.vector_load %arg18[%get3A_352] {strides = array<i32>} : memref<4096xi32, #tpu.memory_space<vmem>>, vector<16xi32>,
      %get3A_354 = arith.index_cast %multiple_of3A_351 : i32 to index
      %get3A_355 = tpu.vector_load %arg19[%get3A_354] {strides = array<i32>} : memref<4096xf32, #tpu.memory_space<vmem>>, vector<16xf32>,
      %mul3A_356 = arith.constant 8 : i32
      %mul3A_357 = arith.muli %scan3A_277, %mul3A_356 : i32
      %add3A_358 = arith.constant 7 : i32
      %add3A_359 = arith.addi %mul3A_357, %add3A_358 : i32
      %mul3A_360 = arith.constant 16 : i32
      %mul3A_361 = arith.muli %add3A_359, %mul3A_360 : i32
      %multiple_of3A_362 = tpu.assume_multiple %mul3A_361, 16 : i32
      %get3A_363 = arith.index_cast %multiple_of3A_362 : i32 to index
      %get3A_364 = tpu.vector_load %arg18[%get3A_363] {strides = array<i32>} : memref<4096xi32, #tpu.memory_space<vmem>>, vector<16xi32>,
      %get3A_365 = arith.index_cast %multiple_of3A_362 : i32 to index
      %get3A_366 = tpu.vector_load %arg19[%get3A_365] {strides = array<i32>} : memref<4096xf32, #tpu.memory_space<vmem>>, vector<16xf32>,
      tpu.vector_store_idx %arg22[%get3A_287], %get3A_289 : memref<100000xf32, #tpu.memory_space<vmem>>[vector<16xi32>], vector<16xf32>,
      tpu.vector_store_idx %arg22[%get3A_298], %get3A_300 : memref<100000xf32, #tpu.memory_space<vmem>>[vector<16xi32>], vector<16xf32>,
      tpu.vector_store_idx %arg22[%get3A_309], %get3A_311 : memref<100000xf32, #tpu.memory_space<vmem>>[vector<16xi32>], vector<16xf32>,
      tpu.vector_store_idx %arg22[%get3A_320], %get3A_322 : memref<100000xf32, #tpu.memory_space<vmem>>[vector<16xi32>], vector<16xf32>,
      tpu.vector_store_idx %arg22[%get3A_331], %get3A_333 : memref<100000xf32, #tpu.memory_space<vmem>>[vector<16xi32>], vector<16xf32>,
      tpu.vector_store_idx %arg22[%get3A_342], %get3A_344 : memref<100000xf32, #tpu.memory_space<vmem>>[vector<16xi32>], vector<16xf32>,
      tpu.vector_store_idx %arg22[%get3A_353], %get3A_355 : memref<100000xf32, #tpu.memory_space<vmem>>[vector<16xi32>], vector<16xf32>,
      tpu.vector_store_idx %arg22[%get3A_364], %get3A_366 : memref<100000xf32, #tpu.memory_space<vmem>>[vector<16xi32>], vector<16xf32>,
      %scan3A_367 = arith.constant 0 : i32
      scf.yield %scan3A_367 : i32
    }
    %scan3A_109 = arith.constant 32 : i32
    %dma_start3A_110 = arith.constant 8192 : i32
    %dma_start3A_111 = tpu.memref_slice %arg6[%dma_start3A_110] : memref<16384xi32, #tpu.memory_space<hbm>> -> memref<4096xi32, #tpu.memory_space<hbm>>
    %dma_start3A_112 = arith.constant 8192 : i32
    %dma_start3A_113 = tpu.memref_slice %arg6[%dma_start3A_112] : memref<16384xi32, #tpu.memory_space<hbm>> -> memref<4096xi32, #tpu.memory_space<hbm>>
    tpu.enqueue_dma source(%dma_start3A_113 : memref<4096xi32, #tpu.memory_space<hbm>>) target(%arg18 : memref<4096xi32, #tpu.memory_space<vmem>>) target_semaphore(%arg23 : memref<!tpu.dma_semaphore, #tpu.memory_space<semaphore_mem>>)
    %dma_start3A_114 = arith.constant 8192 : i32
    %dma_start3A_115 = tpu.memref_slice %arg7[%dma_start3A_114] : memref<16384xf32, #tpu.memory_space<hbm>> -> memref<4096xf32, #tpu.memory_space<hbm>>
    %dma_start3A_116 = arith.constant 8192 : i32
    %dma_start3A_117 = tpu.memref_slice %arg7[%dma_start3A_116] : memref<16384xf32, #tpu.memory_space<hbm>> -> memref<4096xf32, #tpu.memory_space<hbm>>
    tpu.enqueue_dma source(%dma_start3A_117 : memref<4096xf32, #tpu.memory_space<hbm>>) target(%arg19 : memref<4096xf32, #tpu.memory_space<vmem>>) target_semaphore(%arg23 : memref<!tpu.dma_semaphore, #tpu.memory_space<semaphore_mem>>)
    %dma_wait3A_118 = arith.constant 4096 : i32
    %dma_wait3A_119 = tpu.memref_slice %arg6[%dma_wait3A_118] : memref<16384xi32, #tpu.memory_space<hbm>> -> memref<4096xi32, #tpu.memory_space<hbm>>
    %dma_wait3A_120 = arith.constant 4096 : i32
    %dma_wait3A_121 = tpu.memref_slice %arg6[%dma_wait3A_120] : memref<16384xi32, #tpu.memory_space<hbm>> -> memref<4096xi32, #tpu.memory_space<hbm>>
    tpu.wait_dma2 semaphore(%arg24 : memref<!tpu.dma_semaphore, #tpu.memory_space<semaphore_mem>>) src(%dma_wait3A_121 : memref<4096xi32, #tpu.memory_space<hbm>>) dst(%arg20 : memref<4096xi32, #tpu.memory_space<vmem>>)
    %dma_wait3A_122 = arith.constant 4096 : i32
    %dma_wait3A_123 = tpu.memref_slice %arg7[%dma_wait3A_122] : memref<16384xf32, #tpu.memory_space<hbm>> -> memref<4096xf32, #tpu.memory_space<hbm>>
    %dma_wait3A_124 = arith.constant 4096 : i32
    %dma_wait3A_125 = tpu.memref_slice %arg7[%dma_wait3A_124] : memref<16384xf32, #tpu.memory_space<hbm>> -> memref<4096xf32, #tpu.memory_space<hbm>>
    tpu.wait_dma2 semaphore(%arg24 : memref<!tpu.dma_semaphore, #tpu.memory_space<semaphore_mem>>) src(%dma_wait3A_125 : memref<4096xf32, #tpu.memory_space<hbm>>) dst(%arg21 : memref<4096xf32, #tpu.memory_space<vmem>>)
    %scan3A_126 = arith.constant 0 : i32
    %scan3A_127 = arith.constant 0 : i32
    %scan3A_128 = arith.constant 32 : i32
    %scan3A_129 = arith.addi %scan3A_127, %scan3A_128 : i32
    %scan3A_130 = arith.constant 1 : i32
    %scan3A_131 = scf.for %scan3A_277 = %scan3A_127 to %scan3A_129 step %scan3A_130 iter_args(%scan3A_278 = %scan3A_126) -> (i32)  : i32 {
      %mul3A_279 = arith.constant 8 : i32
      %mul3A_280 = arith.muli %scan3A_277, %mul3A_279 : i32
      %add3A_281 = arith.constant 0 : i32
      %add3A_282 = arith.addi %mul3A_280, %add3A_281 : i32
      %mul3A_283 = arith.constant 16 : i32
      %mul3A_284 = arith.muli %add3A_282, %mul3A_283 : i32
      %multiple_of3A_285 = tpu.assume_multiple %mul3A_284, 16 : i32
      %get3A_286 = arith.index_cast %multiple_of3A_285 : i32 to index
      %get3A_287 = tpu.vector_load %arg20[%get3A_286] {strides = array<i32>} : memref<4096xi32, #tpu.memory_space<vmem>>, vector<16xi32>,
      %get3A_288 = arith.index_cast %multiple_of3A_285 : i32 to index
      %get3A_289 = tpu.vector_load %arg21[%get3A_288] {strides = array<i32>} : memref<4096xf32, #tpu.memory_space<vmem>>, vector<16xf32>,
      %mul3A_290 = arith.constant 8 : i32
      %mul3A_291 = arith.muli %scan3A_277, %mul3A_290 : i32
      %add3A_292 = arith.constant 1 : i32
      %add3A_293 = arith.addi %mul3A_291, %add3A_292 : i32
      %mul3A_294 = arith.constant 16 : i32
      %mul3A_295 = arith.muli %add3A_293, %mul3A_294 : i32
      %multiple_of3A_296 = tpu.assume_multiple %mul3A_295, 16 : i32
      %get3A_297 = arith.index_cast %multiple_of3A_296 : i32 to index
      %get3A_298 = tpu.vector_load %arg20[%get3A_297] {strides = array<i32>} : memref<4096xi32, #tpu.memory_space<vmem>>, vector<16xi32>,
      %get3A_299 = arith.index_cast %multiple_of3A_296 : i32 to index
      %get3A_300 = tpu.vector_load %arg21[%get3A_299] {strides = array<i32>} : memref<4096xf32, #tpu.memory_space<vmem>>, vector<16xf32>,
      %mul3A_301 = arith.constant 8 : i32
      %mul3A_302 = arith.muli %scan3A_277, %mul3A_301 : i32
      %add3A_303 = arith.constant 2 : i32
      %add3A_304 = arith.addi %mul3A_302, %add3A_303 : i32
      %mul3A_305 = arith.constant 16 : i32
      %mul3A_306 = arith.muli %add3A_304, %mul3A_305 : i32
      %multiple_of3A_307 = tpu.assume_multiple %mul3A_306, 16 : i32
      %get3A_308 = arith.index_cast %multiple_of3A_307 : i32 to index
      %get3A_309 = tpu.vector_load %arg20[%get3A_308] {strides = array<i32>} : memref<4096xi32, #tpu.memory_space<vmem>>, vector<16xi32>,
      %get3A_310 = arith.index_cast %multiple_of3A_307 : i32 to index
      %get3A_311 = tpu.vector_load %arg21[%get3A_310] {strides = array<i32>} : memref<4096xf32, #tpu.memory_space<vmem>>, vector<16xf32>,
      %mul3A_312 = arith.constant 8 : i32
      %mul3A_313 = arith.muli %scan3A_277, %mul3A_312 : i32
      %add3A_314 = arith.constant 3 : i32
      %add3A_315 = arith.addi %mul3A_313, %add3A_314 : i32
      %mul3A_316 = arith.constant 16 : i32
      %mul3A_317 = arith.muli %add3A_315, %mul3A_316 : i32
      %multiple_of3A_318 = tpu.assume_multiple %mul3A_317, 16 : i32
      %get3A_319 = arith.index_cast %multiple_of3A_318 : i32 to index
      %get3A_320 = tpu.vector_load %arg20[%get3A_319] {strides = array<i32>} : memref<4096xi32, #tpu.memory_space<vmem>>, vector<16xi32>,
      %get3A_321 = arith.index_cast %multiple_of3A_318 : i32 to index
      %get3A_322 = tpu.vector_load %arg21[%get3A_321] {strides = array<i32>} : memref<4096xf32, #tpu.memory_space<vmem>>, vector<16xf32>,
      %mul3A_323 = arith.constant 8 : i32
      %mul3A_324 = arith.muli %scan3A_277, %mul3A_323 : i32
      %add3A_325 = arith.constant 4 : i32
      %add3A_326 = arith.addi %mul3A_324, %add3A_325 : i32
      %mul3A_327 = arith.constant 16 : i32
      %mul3A_328 = arith.muli %add3A_326, %mul3A_327 : i32
      %multiple_of3A_329 = tpu.assume_multiple %mul3A_328, 16 : i32
      %get3A_330 = arith.index_cast %multiple_of3A_329 : i32 to index
      %get3A_331 = tpu.vector_load %arg20[%get3A_330] {strides = array<i32>} : memref<4096xi32, #tpu.memory_space<vmem>>, vector<16xi32>,
      %get3A_332 = arith.index_cast %multiple_of3A_329 : i32 to index
      %get3A_333 = tpu.vector_load %arg21[%get3A_332] {strides = array<i32>} : memref<4096xf32, #tpu.memory_space<vmem>>, vector<16xf32>,
      %mul3A_334 = arith.constant 8 : i32
      %mul3A_335 = arith.muli %scan3A_277, %mul3A_334 : i32
      %add3A_336 = arith.constant 5 : i32
      %add3A_337 = arith.addi %mul3A_335, %add3A_336 : i32
      %mul3A_338 = arith.constant 16 : i32
      %mul3A_339 = arith.muli %add3A_337, %mul3A_338 : i32
      %multiple_of3A_340 = tpu.assume_multiple %mul3A_339, 16 : i32
      %get3A_341 = arith.index_cast %multiple_of3A_340 : i32 to index
      %get3A_342 = tpu.vector_load %arg20[%get3A_341] {strides = array<i32>} : memref<4096xi32, #tpu.memory_space<vmem>>, vector<16xi32>,
      %get3A_343 = arith.index_cast %multiple_of3A_340 : i32 to index
      %get3A_344 = tpu.vector_load %arg21[%get3A_343] {strides = array<i32>} : memref<4096xf32, #tpu.memory_space<vmem>>, vector<16xf32>,
      %mul3A_345 = arith.constant 8 : i32
      %mul3A_346 = arith.muli %scan3A_277, %mul3A_345 : i32
      %add3A_347 = arith.constant 6 : i32
      %add3A_348 = arith.addi %mul3A_346, %add3A_347 : i32
      %mul3A_349 = arith.constant 16 : i32
      %mul3A_350 = arith.muli %add3A_348, %mul3A_349 : i32
      %multiple_of3A_351 = tpu.assume_multiple %mul3A_350, 16 : i32
      %get3A_352 = arith.index_cast %multiple_of3A_351 : i32 to index
      %get3A_353 = tpu.vector_load %arg20[%get3A_352] {strides = array<i32>} : memref<4096xi32, #tpu.memory_space<vmem>>, vector<16xi32>,
      %get3A_354 = arith.index_cast %multiple_of3A_351 : i32 to index
      %get3A_355 = tpu.vector_load %arg21[%get3A_354] {strides = array<i32>} : memref<4096xf32, #tpu.memory_space<vmem>>, vector<16xf32>,
      %mul3A_356 = arith.constant 8 : i32
      %mul3A_357 = arith.muli %scan3A_277, %mul3A_356 : i32
      %add3A_358 = arith.constant 7 : i32
      %add3A_359 = arith.addi %mul3A_357, %add3A_358 : i32
      %mul3A_360 = arith.constant 16 : i32
      %mul3A_361 = arith.muli %add3A_359, %mul3A_360 : i32
      %multiple_of3A_362 = tpu.assume_multiple %mul3A_361, 16 : i32
      %get3A_363 = arith.index_cast %multiple_of3A_362 : i32 to index
      %get3A_364 = tpu.vector_load %arg20[%get3A_363] {strides = array<i32>} : memref<4096xi32, #tpu.memory_space<vmem>>, vector<16xi32>,
      %get3A_365 = arith.index_cast %multiple_of3A_362 : i32 to index
      %get3A_366 = tpu.vector_load %arg21[%get3A_365] {strides = array<i32>} : memref<4096xf32, #tpu.memory_space<vmem>>, vector<16xf32>,
      tpu.vector_store_idx %arg22[%get3A_287], %get3A_289 : memref<100000xf32, #tpu.memory_space<vmem>>[vector<16xi32>], vector<16xf32>,
      tpu.vector_store_idx %arg22[%get3A_298], %get3A_300 : memref<100000xf32, #tpu.memory_space<vmem>>[vector<16xi32>], vector<16xf32>,
      tpu.vector_store_idx %arg22[%get3A_309], %get3A_311 : memref<100000xf32, #tpu.memory_space<vmem>>[vector<16xi32>], vector<16xf32>,
      tpu.vector_store_idx %arg22[%get3A_320], %get3A_322 : memref<100000xf32, #tpu.memory_space<vmem>>[vector<16xi32>], vector<16xf32>,
      tpu.vector_store_idx %arg22[%get3A_331], %get3A_333 : memref<100000xf32, #tpu.memory_space<vmem>>[vector<16xi32>], vector<16xf32>,
      tpu.vector_store_idx %arg22[%get3A_342], %get3A_344 : memref<100000xf32, #tpu.memory_space<vmem>>[vector<16xi32>], vector<16xf32>,
      tpu.vector_store_idx %arg22[%get3A_353], %get3A_355 : memref<100000xf32, #tpu.memory_space<vmem>>[vector<16xi32>], vector<16xf32>,
      tpu.vector_store_idx %arg22[%get3A_364], %get3A_366 : memref<100000xf32, #tpu.memory_space<vmem>>[vector<16xi32>], vector<16xf32>,
      %scan3A_367 = arith.constant 0 : i32
      scf.yield %scan3A_367 : i32
    }
    %scan3A_132 = arith.constant 32 : i32
    %dma_start3A_133 = arith.constant 12288 : i32
    %dma_start3A_134 = tpu.memref_slice %arg6[%dma_start3A_133] : memref<16384xi32, #tpu.memory_space<hbm>> -> memref<4096xi32, #tpu.memory_space<hbm>>
    %dma_start3A_135 = arith.constant 12288 : i32
    %dma_start3A_136 = tpu.memref_slice %arg6[%dma_start3A_135] : memref<16384xi32, #tpu.memory_space<hbm>> -> memref<4096xi32, #tpu.memory_space<hbm>>
    tpu.enqueue_dma source(%dma_start3A_136 : memref<4096xi32, #tpu.memory_space<hbm>>) target(%arg20 : memref<4096xi32, #tpu.memory_space<vmem>>) target_semaphore(%arg24 : memref<!tpu.dma_semaphore, #tpu.memory_space<semaphore_mem>>)
    %dma_start3A_137 = arith.constant 12288 : i32
    %dma_start3A_138 = tpu.memref_slice %arg7[%dma_start3A_137] : memref<16384xf32, #tpu.memory_space<hbm>> -> memref<4096xf32, #tpu.memory_space<hbm>>
    %dma_start3A_139 = arith.constant 12288 : i32
    %dma_start3A_140 = tpu.memref_slice %arg7[%dma_start3A_139] : memref<16384xf32, #tpu.memory_space<hbm>> -> memref<4096xf32, #tpu.memory_space<hbm>>
    tpu.enqueue_dma source(%dma_start3A_140 : memref<4096xf32, #tpu.memory_space<hbm>>) target(%arg21 : memref<4096xf32, #tpu.memory_space<vmem>>) target_semaphore(%arg24 : memref<!tpu.dma_semaphore, #tpu.memory_space<semaphore_mem>>)
    %dma_wait3A_141 = arith.constant 8192 : i32
    %dma_wait3A_142 = tpu.memref_slice %arg6[%dma_wait3A_141] : memref<16384xi32, #tpu.memory_space<hbm>> -> memref<4096xi32, #tpu.memory_space<hbm>>
    %dma_wait3A_143 = arith.constant 8192 : i32
    %dma_wait3A_144 = tpu.memref_slice %arg6[%dma_wait3A_143] : memref<16384xi32, #tpu.memory_space<hbm>> -> memref<4096xi32, #tpu.memory_space<hbm>>
    tpu.wait_dma2 semaphore(%arg23 : memref<!tpu.dma_semaphore, #tpu.memory_space<semaphore_mem>>) src(%dma_wait3A_144 : memref<4096xi32, #tpu.memory_space<hbm>>) dst(%arg18 : memref<4096xi32, #tpu.memory_space<vmem>>)
    %dma_wait3A_145 = arith.constant 8192 : i32
    %dma_wait3A_146 = tpu.memref_slice %arg7[%dma_wait3A_145] : memref<16384xf32, #tpu.memory_space<hbm>> -> memref<4096xf32, #tpu.memory_space<hbm>>
    %dma_wait3A_147 = arith.constant 8192 : i32
    %dma_wait3A_148 = tpu.memref_slice %arg7[%dma_wait3A_147] : memref<16384xf32, #tpu.memory_space<hbm>> -> memref<4096xf32, #tpu.memory_space<hbm>>
    tpu.wait_dma2 semaphore(%arg23 : memref<!tpu.dma_semaphore, #tpu.memory_space<semaphore_mem>>) src(%dma_wait3A_148 : memref<4096xf32, #tpu.memory_space<hbm>>) dst(%arg19 : memref<4096xf32, #tpu.memory_space<vmem>>)
    %scan3A_149 = arith.constant 0 : i32
    %scan3A_150 = arith.constant 0 : i32
    %scan3A_151 = arith.constant 32 : i32
    %scan3A_152 = arith.addi %scan3A_150, %scan3A_151 : i32
    %scan3A_153 = arith.constant 1 : i32
    %scan3A_154 = scf.for %scan3A_277 = %scan3A_150 to %scan3A_152 step %scan3A_153 iter_args(%scan3A_278 = %scan3A_149) -> (i32)  : i32 {
      %mul3A_279 = arith.constant 8 : i32
      %mul3A_280 = arith.muli %scan3A_277, %mul3A_279 : i32
      %add3A_281 = arith.constant 0 : i32
      %add3A_282 = arith.addi %mul3A_280, %add3A_281 : i32
      %mul3A_283 = arith.constant 16 : i32
      %mul3A_284 = arith.muli %add3A_282, %mul3A_283 : i32
      %multiple_of3A_285 = tpu.assume_multiple %mul3A_284, 16 : i32
      %get3A_286 = arith.index_cast %multiple_of3A_285 : i32 to index
      %get3A_287 = tpu.vector_load %arg18[%get3A_286] {strides = array<i32>} : memref<4096xi32, #tpu.memory_space<vmem>>, vector<16xi32>,
      %get3A_288 = arith.index_cast %multiple_of3A_285 : i32 to index
      %get3A_289 = tpu.vector_load %arg19[%get3A_288] {strides = array<i32>} : memref<4096xf32, #tpu.memory_space<vmem>>, vector<16xf32>,
      %mul3A_290 = arith.constant 8 : i32
      %mul3A_291 = arith.muli %scan3A_277, %mul3A_290 : i32
      %add3A_292 = arith.constant 1 : i32
      %add3A_293 = arith.addi %mul3A_291, %add3A_292 : i32
      %mul3A_294 = arith.constant 16 : i32
      %mul3A_295 = arith.muli %add3A_293, %mul3A_294 : i32
      %multiple_of3A_296 = tpu.assume_multiple %mul3A_295, 16 : i32
      %get3A_297 = arith.index_cast %multiple_of3A_296 : i32 to index
      %get3A_298 = tpu.vector_load %arg18[%get3A_297] {strides = array<i32>} : memref<4096xi32, #tpu.memory_space<vmem>>, vector<16xi32>,
      %get3A_299 = arith.index_cast %multiple_of3A_296 : i32 to index
      %get3A_300 = tpu.vector_load %arg19[%get3A_299] {strides = array<i32>} : memref<4096xf32, #tpu.memory_space<vmem>>, vector<16xf32>,
      %mul3A_301 = arith.constant 8 : i32
      %mul3A_302 = arith.muli %scan3A_277, %mul3A_301 : i32
      %add3A_303 = arith.constant 2 : i32
      %add3A_304 = arith.addi %mul3A_302, %add3A_303 : i32
      %mul3A_305 = arith.constant 16 : i32
      %mul3A_306 = arith.muli %add3A_304, %mul3A_305 : i32
      %multiple_of3A_307 = tpu.assume_multiple %mul3A_306, 16 : i32
      %get3A_308 = arith.index_cast %multiple_of3A_307 : i32 to index
      %get3A_309 = tpu.vector_load %arg18[%get3A_308] {strides = array<i32>} : memref<4096xi32, #tpu.memory_space<vmem>>, vector<16xi32>,
      %get3A_310 = arith.index_cast %multiple_of3A_307 : i32 to index
      %get3A_311 = tpu.vector_load %arg19[%get3A_310] {strides = array<i32>} : memref<4096xf32, #tpu.memory_space<vmem>>, vector<16xf32>,
      %mul3A_312 = arith.constant 8 : i32
      %mul3A_313 = arith.muli %scan3A_277, %mul3A_312 : i32
      %add3A_314 = arith.constant 3 : i32
      %add3A_315 = arith.addi %mul3A_313, %add3A_314 : i32
      %mul3A_316 = arith.constant 16 : i32
      %mul3A_317 = arith.muli %add3A_315, %mul3A_316 : i32
      %multiple_of3A_318 = tpu.assume_multiple %mul3A_317, 16 : i32
      %get3A_319 = arith.index_cast %multiple_of3A_318 : i32 to index
      %get3A_320 = tpu.vector_load %arg18[%get3A_319] {strides = array<i32>} : memref<4096xi32, #tpu.memory_space<vmem>>, vector<16xi32>,
      %get3A_321 = arith.index_cast %multiple_of3A_318 : i32 to index
      %get3A_322 = tpu.vector_load %arg19[%get3A_321] {strides = array<i32>} : memref<4096xf32, #tpu.memory_space<vmem>>, vector<16xf32>,
      %mul3A_323 = arith.constant 8 : i32
      %mul3A_324 = arith.muli %scan3A_277, %mul3A_323 : i32
      %add3A_325 = arith.constant 4 : i32
      %add3A_326 = arith.addi %mul3A_324, %add3A_325 : i32
      %mul3A_327 = arith.constant 16 : i32
      %mul3A_328 = arith.muli %add3A_326, %mul3A_327 : i32
      %multiple_of3A_329 = tpu.assume_multiple %mul3A_328, 16 : i32
      %get3A_330 = arith.index_cast %multiple_of3A_329 : i32 to index
      %get3A_331 = tpu.vector_load %arg18[%get3A_330] {strides = array<i32>} : memref<4096xi32, #tpu.memory_space<vmem>>, vector<16xi32>,
      %get3A_332 = arith.index_cast %multiple_of3A_329 : i32 to index
      %get3A_333 = tpu.vector_load %arg19[%get3A_332] {strides = array<i32>} : memref<4096xf32, #tpu.memory_space<vmem>>, vector<16xf32>,
      %mul3A_334 = arith.constant 8 : i32
      %mul3A_335 = arith.muli %scan3A_277, %mul3A_334 : i32
      %add3A_336 = arith.constant 5 : i32
      %add3A_337 = arith.addi %mul3A_335, %add3A_336 : i32
      %mul3A_338 = arith.constant 16 : i32
      %mul3A_339 = arith.muli %add3A_337, %mul3A_338 : i32
      %multiple_of3A_340 = tpu.assume_multiple %mul3A_339, 16 : i32
      %get3A_341 = arith.index_cast %multiple_of3A_340 : i32 to index
      %get3A_342 = tpu.vector_load %arg18[%get3A_341] {strides = array<i32>} : memref<4096xi32, #tpu.memory_space<vmem>>, vector<16xi32>,
      %get3A_343 = arith.index_cast %multiple_of3A_340 : i32 to index
      %get3A_344 = tpu.vector_load %arg19[%get3A_343] {strides = array<i32>} : memref<4096xf32, #tpu.memory_space<vmem>>, vector<16xf32>,
      %mul3A_345 = arith.constant 8 : i32
      %mul3A_346 = arith.muli %scan3A_277, %mul3A_345 : i32
      %add3A_347 = arith.constant 6 : i32
      %add3A_348 = arith.addi %mul3A_346, %add3A_347 : i32
      %mul3A_349 = arith.constant 16 : i32
      %mul3A_350 = arith.muli %add3A_348, %mul3A_349 : i32
      %multiple_of3A_351 = tpu.assume_multiple %mul3A_350, 16 : i32
      %get3A_352 = arith.index_cast %multiple_of3A_351 : i32 to index
      %get3A_353 = tpu.vector_load %arg18[%get3A_352] {strides = array<i32>} : memref<4096xi32, #tpu.memory_space<vmem>>, vector<16xi32>,
      %get3A_354 = arith.index_cast %multiple_of3A_351 : i32 to index
      %get3A_355 = tpu.vector_load %arg19[%get3A_354] {strides = array<i32>} : memref<4096xf32, #tpu.memory_space<vmem>>, vector<16xf32>,
      %mul3A_356 = arith.constant 8 : i32
      %mul3A_357 = arith.muli %scan3A_277, %mul3A_356 : i32
      %add3A_358 = arith.constant 7 : i32
      %add3A_359 = arith.addi %mul3A_357, %add3A_358 : i32
      %mul3A_360 = arith.constant 16 : i32
      %mul3A_361 = arith.muli %add3A_359, %mul3A_360 : i32
      %multiple_of3A_362 = tpu.assume_multiple %mul3A_361, 16 : i32
      %get3A_363 = arith.index_cast %multiple_of3A_362 : i32 to index
      %get3A_364 = tpu.vector_load %arg18[%get3A_363] {strides = array<i32>} : memref<4096xi32, #tpu.memory_space<vmem>>, vector<16xi32>,
      %get3A_365 = arith.index_cast %multiple_of3A_362 : i32 to index
      %get3A_366 = tpu.vector_load %arg19[%get3A_365] {strides = array<i32>} : memref<4096xf32, #tpu.memory_space<vmem>>, vector<16xf32>,
      tpu.vector_store_idx %arg22[%get3A_287], %get3A_289 : memref<100000xf32, #tpu.memory_space<vmem>>[vector<16xi32>], vector<16xf32>,
      tpu.vector_store_idx %arg22[%get3A_298], %get3A_300 : memref<100000xf32, #tpu.memory_space<vmem>>[vector<16xi32>], vector<16xf32>,
      tpu.vector_store_idx %arg22[%get3A_309], %get3A_311 : memref<100000xf32, #tpu.memory_space<vmem>>[vector<16xi32>], vector<16xf32>,
      tpu.vector_store_idx %arg22[%get3A_320], %get3A_322 : memref<100000xf32, #tpu.memory_space<vmem>>[vector<16xi32>], vector<16xf32>,
      tpu.vector_store_idx %arg22[%get3A_331], %get3A_333 : memref<100000xf32, #tpu.memory_space<vmem>>[vector<16xi32>], vector<16xf32>,
      tpu.vector_store_idx %arg22[%get3A_342], %get3A_344 : memref<100000xf32, #tpu.memory_space<vmem>>[vector<16xi32>], vector<16xf32>,
      tpu.vector_store_idx %arg22[%get3A_353], %get3A_355 : memref<100000xf32, #tpu.memory_space<vmem>>[vector<16xi32>], vector<16xf32>,
      tpu.vector_store_idx %arg22[%get3A_364], %get3A_366 : memref<100000xf32, #tpu.memory_space<vmem>>[vector<16xi32>], vector<16xf32>,
      %scan3A_367 = arith.constant 0 : i32
      scf.yield %scan3A_367 : i32
    }
    %scan3A_155 = arith.constant 32 : i32
    %dma_wait3A_156 = arith.constant 12288 : i32
    %dma_wait3A_157 = tpu.memref_slice %arg6[%dma_wait3A_156] : memref<16384xi32, #tpu.memory_space<hbm>> -> memref<4096xi32, #tpu.memory_space<hbm>>
    %dma_wait3A_158 = arith.constant 12288 : i32
    %dma_wait3A_159 = tpu.memref_slice %arg6[%dma_wait3A_158] : memref<16384xi32, #tpu.memory_space<hbm>> -> memref<4096xi32, #tpu.memory_space<hbm>>
    tpu.wait_dma2 semaphore(%arg24 : memref<!tpu.dma_semaphore, #tpu.memory_space<semaphore_mem>>) src(%dma_wait3A_159 : memref<4096xi32, #tpu.memory_space<hbm>>) dst(%arg20 : memref<4096xi32, #tpu.memory_space<vmem>>)
    %dma_wait3A_160 = arith.constant 12288 : i32
    %dma_wait3A_161 = tpu.memref_slice %arg7[%dma_wait3A_160] : memref<16384xf32, #tpu.memory_space<hbm>> -> memref<4096xf32, #tpu.memory_space<hbm>>
    %dma_wait3A_162 = arith.constant 12288 : i32
    %dma_wait3A_163 = tpu.memref_slice %arg7[%dma_wait3A_162] : memref<16384xf32, #tpu.memory_space<hbm>> -> memref<4096xf32, #tpu.memory_space<hbm>>
    tpu.wait_dma2 semaphore(%arg24 : memref<!tpu.dma_semaphore, #tpu.memory_space<semaphore_mem>>) src(%dma_wait3A_163 : memref<4096xf32, #tpu.memory_space<hbm>>) dst(%arg21 : memref<4096xf32, #tpu.memory_space<vmem>>)
    %scan3A_164 = arith.constant 0 : i32
    %scan3A_165 = arith.constant 0 : i32
    %scan3A_166 = arith.constant 32 : i32
    %scan3A_167 = arith.addi %scan3A_165, %scan3A_166 : i32
    %scan3A_168 = arith.constant 1 : i32
    %scan3A_169 = scf.for %scan3A_277 = %scan3A_165 to %scan3A_167 step %scan3A_168 iter_args(%scan3A_278 = %scan3A_164) -> (i32)  : i32 {
      %mul3A_279 = arith.constant 8 : i32
      %mul3A_280 = arith.muli %scan3A_277, %mul3A_279 : i32
      %add3A_281 = arith.constant 0 : i32
      %add3A_282 = arith.addi %mul3A_280, %add3A_281 : i32
      %mul3A_283 = arith.constant 16 : i32
      %mul3A_284 = arith.muli %add3A_282, %mul3A_283 : i32
      %multiple_of3A_285 = tpu.assume_multiple %mul3A_284, 16 : i32
      %get3A_286 = arith.index_cast %multiple_of3A_285 : i32 to index
      %get3A_287 = tpu.vector_load %arg20[%get3A_286] {strides = array<i32>} : memref<4096xi32, #tpu.memory_space<vmem>>, vector<16xi32>,
      %get3A_288 = arith.index_cast %multiple_of3A_285 : i32 to index
      %get3A_289 = tpu.vector_load %arg21[%get3A_288] {strides = array<i32>} : memref<4096xf32, #tpu.memory_space<vmem>>, vector<16xf32>,
      %mul3A_290 = arith.constant 8 : i32
      %mul3A_291 = arith.muli %scan3A_277, %mul3A_290 : i32
      %add3A_292 = arith.constant 1 : i32
      %add3A_293 = arith.addi %mul3A_291, %add3A_292 : i32
      %mul3A_294 = arith.constant 16 : i32
      %mul3A_295 = arith.muli %add3A_293, %mul3A_294 : i32
      %multiple_of3A_296 = tpu.assume_multiple %mul3A_295, 16 : i32
      %get3A_297 = arith.index_cast %multiple_of3A_296 : i32 to index
      %get3A_298 = tpu.vector_load %arg20[%get3A_297] {strides = array<i32>} : memref<4096xi32, #tpu.memory_space<vmem>>, vector<16xi32>,
      %get3A_299 = arith.index_cast %multiple_of3A_296 : i32 to index
      %get3A_300 = tpu.vector_load %arg21[%get3A_299] {strides = array<i32>} : memref<4096xf32, #tpu.memory_space<vmem>>, vector<16xf32>,
      %mul3A_301 = arith.constant 8 : i32
      %mul3A_302 = arith.muli %scan3A_277, %mul3A_301 : i32
      %add3A_303 = arith.constant 2 : i32
      %add3A_304 = arith.addi %mul3A_302, %add3A_303 : i32
      %mul3A_305 = arith.constant 16 : i32
      %mul3A_306 = arith.muli %add3A_304, %mul3A_305 : i32
      %multiple_of3A_307 = tpu.assume_multiple %mul3A_306, 16 : i32
      %get3A_308 = arith.index_cast %multiple_of3A_307 : i32 to index
      %get3A_309 = tpu.vector_load %arg20[%get3A_308] {strides = array<i32>} : memref<4096xi32, #tpu.memory_space<vmem>>, vector<16xi32>,
      %get3A_310 = arith.index_cast %multiple_of3A_307 : i32 to index
      %get3A_311 = tpu.vector_load %arg21[%get3A_310] {strides = array<i32>} : memref<4096xf32, #tpu.memory_space<vmem>>, vector<16xf32>,
      %mul3A_312 = arith.constant 8 : i32
      %mul3A_313 = arith.muli %scan3A_277, %mul3A_312 : i32
      %add3A_314 = arith.constant 3 : i32
      %add3A_315 = arith.addi %mul3A_313, %add3A_314 : i32
      %mul3A_316 = arith.constant 16 : i32
      %mul3A_317 = arith.muli %add3A_315, %mul3A_316 : i32
      %multiple_of3A_318 = tpu.assume_multiple %mul3A_317, 16 : i32
      %get3A_319 = arith.index_cast %multiple_of3A_318 : i32 to index
      %get3A_320 = tpu.vector_load %arg20[%get3A_319] {strides = array<i32>} : memref<4096xi32, #tpu.memory_space<vmem>>, vector<16xi32>,
      %get3A_321 = arith.index_cast %multiple_of3A_318 : i32 to index
      %get3A_322 = tpu.vector_load %arg21[%get3A_321] {strides = array<i32>} : memref<4096xf32, #tpu.memory_space<vmem>>, vector<16xf32>,
      %mul3A_323 = arith.constant 8 : i32
      %mul3A_324 = arith.muli %scan3A_277, %mul3A_323 : i32
      %add3A_325 = arith.constant 4 : i32
      %add3A_326 = arith.addi %mul3A_324, %add3A_325 : i32
      %mul3A_327 = arith.constant 16 : i32
      %mul3A_328 = arith.muli %add3A_326, %mul3A_327 : i32
      %multiple_of3A_329 = tpu.assume_multiple %mul3A_328, 16 : i32
      %get3A_330 = arith.index_cast %multiple_of3A_329 : i32 to index
      %get3A_331 = tpu.vector_load %arg20[%get3A_330] {strides = array<i32>} : memref<4096xi32, #tpu.memory_space<vmem>>, vector<16xi32>,
      %get3A_332 = arith.index_cast %multiple_of3A_329 : i32 to index
      %get3A_333 = tpu.vector_load %arg21[%get3A_332] {strides = array<i32>} : memref<4096xf32, #tpu.memory_space<vmem>>, vector<16xf32>,
      %mul3A_334 = arith.constant 8 : i32
      %mul3A_335 = arith.muli %scan3A_277, %mul3A_334 : i32
      %add3A_336 = arith.constant 5 : i32
      %add3A_337 = arith.addi %mul3A_335, %add3A_336 : i32
      %mul3A_338 = arith.constant 16 : i32
      %mul3A_339 = arith.muli %add3A_337, %mul3A_338 : i32
      %multiple_of3A_340 = tpu.assume_multiple %mul3A_339, 16 : i32
      %get3A_341 = arith.index_cast %multiple_of3A_340 : i32 to index
      %get3A_342 = tpu.vector_load %arg20[%get3A_341] {strides = array<i32>} : memref<4096xi32, #tpu.memory_space<vmem>>, vector<16xi32>,
      %get3A_343 = arith.index_cast %multiple_of3A_340 : i32 to index
      %get3A_344 = tpu.vector_load %arg21[%get3A_343] {strides = array<i32>} : memref<4096xf32, #tpu.memory_space<vmem>>, vector<16xf32>,
      %mul3A_345 = arith.constant 8 : i32
      %mul3A_346 = arith.muli %scan3A_277, %mul3A_345 : i32
      %add3A_347 = arith.constant 6 : i32
      %add3A_348 = arith.addi %mul3A_346, %add3A_347 : i32
      %mul3A_349 = arith.constant 16 : i32
      %mul3A_350 = arith.muli %add3A_348, %mul3A_349 : i32
      %multiple_of3A_351 = tpu.assume_multiple %mul3A_350, 16 : i32
      %get3A_352 = arith.index_cast %multiple_of3A_351 : i32 to index
      %get3A_353 = tpu.vector_load %arg20[%get3A_352] {strides = array<i32>} : memref<4096xi32, #tpu.memory_space<vmem>>, vector<16xi32>,
      %get3A_354 = arith.index_cast %multiple_of3A_351 : i32 to index
      %get3A_355 = tpu.vector_load %arg21[%get3A_354] {strides = array<i32>} : memref<4096xf32, #tpu.memory_space<vmem>>, vector<16xf32>,
      %mul3A_356 = arith.constant 8 : i32
      %mul3A_357 = arith.muli %scan3A_277, %mul3A_356 : i32
      %add3A_358 = arith.constant 7 : i32
      %add3A_359 = arith.addi %mul3A_357, %add3A_358 : i32
      %mul3A_360 = arith.constant 16 : i32
      %mul3A_361 = arith.muli %add3A_359, %mul3A_360 : i32
      %multiple_of3A_362 = tpu.assume_multiple %mul3A_361, 16 : i32
      %get3A_363 = arith.index_cast %multiple_of3A_362 : i32 to index
      %get3A_364 = tpu.vector_load %arg20[%get3A_363] {strides = array<i32>} : memref<4096xi32, #tpu.memory_space<vmem>>, vector<16xi32>,
      %get3A_365 = arith.index_cast %multiple_of3A_362 : i32 to index
      %get3A_366 = tpu.vector_load %arg21[%get3A_365] {strides = array<i32>} : memref<4096xf32, #tpu.memory_space<vmem>>, vector<16xf32>,
      tpu.vector_store_idx %arg22[%get3A_287], %get3A_289 : memref<100000xf32, #tpu.memory_space<vmem>>[vector<16xi32>], vector<16xf32>,
      tpu.vector_store_idx %arg22[%get3A_298], %get3A_300 : memref<100000xf32, #tpu.memory_space<vmem>>[vector<16xi32>], vector<16xf32>,
      tpu.vector_store_idx %arg22[%get3A_309], %get3A_311 : memref<100000xf32, #tpu.memory_space<vmem>>[vector<16xi32>], vector<16xf32>,
      tpu.vector_store_idx %arg22[%get3A_320], %get3A_322 : memref<100000xf32, #tpu.memory_space<vmem>>[vector<16xi32>], vector<16xf32>,
      tpu.vector_store_idx %arg22[%get3A_331], %get3A_333 : memref<100000xf32, #tpu.memory_space<vmem>>[vector<16xi32>], vector<16xf32>,
      tpu.vector_store_idx %arg22[%get3A_342], %get3A_344 : memref<100000xf32, #tpu.memory_space<vmem>>[vector<16xi32>], vector<16xf32>,
      tpu.vector_store_idx %arg22[%get3A_353], %get3A_355 : memref<100000xf32, #tpu.memory_space<vmem>>[vector<16xi32>], vector<16xf32>,
      tpu.vector_store_idx %arg22[%get3A_364], %get3A_366 : memref<100000xf32, #tpu.memory_space<vmem>>[vector<16xi32>], vector<16xf32>,
      %scan3A_367 = arith.constant 0 : i32
      scf.yield %scan3A_367 : i32
    }
    %scan3A_170 = arith.constant 32 : i32
    %broadcast_in_dim3A_171 = arith.constant 512 : i32
    %broadcast_in_dim3A_172 = vector.broadcast %broadcast_in_dim3A_171 : i32 to vector<16xi32>
    %swap3A = arith.constant 0 : index
    %swap3A_173 = tpu.vector_load %arg17[%swap3A] {strides = array<i32>} : memref<528xi32, #tpu.memory_space<vmem>>, vector<16xi32>,
    tpu.vector_store %arg17[%swap3A], %broadcast_in_dim3A_172 {strides = array<i32>} : memref<528xi32, #tpu.memory_space<vmem>>, vector<16xi32>,
    %swap3A_174 = arith.constant 16 : index
    %swap3A_175 = tpu.vector_load %arg17[%swap3A_174] {strides = array<i32>} : memref<528xi32, #tpu.memory_space<vmem>>, vector<16xi32>,
    tpu.vector_store %arg17[%swap3A_174], %broadcast_in_dim3A_172 {strides = array<i32>} : memref<528xi32, #tpu.memory_space<vmem>>, vector<16xi32>,
    %swap3A_176 = arith.constant 32 : index
    %swap3A_177 = tpu.vector_load %arg17[%swap3A_176] {strides = array<i32>} : memref<528xi32, #tpu.memory_space<vmem>>, vector<16xi32>,
    tpu.vector_store %arg17[%swap3A_176], %broadcast_in_dim3A_172 {strides = array<i32>} : memref<528xi32, #tpu.memory_space<vmem>>, vector<16xi32>,
    %swap3A_178 = arith.constant 48 : index
    %swap3A_179 = tpu.vector_load %arg17[%swap3A_178] {strides = array<i32>} : memref<528xi32, #tpu.memory_space<vmem>>, vector<16xi32>,
    tpu.vector_store %arg17[%swap3A_178], %broadcast_in_dim3A_172 {strides = array<i32>} : memref<528xi32, #tpu.memory_space<vmem>>, vector<16xi32>,
    %swap3A_180 = arith.constant 64 : index
    %swap3A_181 = tpu.vector_load %arg17[%swap3A_180] {strides = array<i32>} : memref<528xi32, #tpu.memory_space<vmem>>, vector<16xi32>,
    tpu.vector_store %arg17[%swap3A_180], %broadcast_in_dim3A_172 {strides = array<i32>} : memref<528xi32, #tpu.memory_space<vmem>>, vector<16xi32>,
    %swap3A_182 = arith.constant 80 : index
    %swap3A_183 = tpu.vector_load %arg17[%swap3A_182] {strides = array<i32>} : memref<528xi32, #tpu.memory_space<vmem>>, vector<16xi32>,
    tpu.vector_store %arg17[%swap3A_182], %broadcast_in_dim3A_172 {strides = array<i32>} : memref<528xi32, #tpu.memory_space<vmem>>, vector<16xi32>,
    %swap3A_184 = arith.constant 96 : index
    %swap3A_185 = tpu.vector_load %arg17[%swap3A_184] {strides = array<i32>} : memref<528xi32, #tpu.memory_space<vmem>>, vector<16xi32>,
    tpu.vector_store %arg17[%swap3A_184], %broadcast_in_dim3A_172 {strides = array<i32>} : memref<528xi32, #tpu.memory_space<vmem>>, vector<16xi32>,
    %swap3A_186 = arith.constant 112 : index
    %swap3A_187 = tpu.vector_load %arg17[%swap3A_186] {strides = array<i32>} : memref<528xi32, #tpu.memory_space<vmem>>, vector<16xi32>,
    tpu.vector_store %arg17[%swap3A_186], %broadcast_in_dim3A_172 {strides = array<i32>} : memref<528xi32, #tpu.memory_space<vmem>>, vector<16xi32>,
    %swap3A_188 = arith.constant 128 : index
    %swap3A_189 = tpu.vector_load %arg17[%swap3A_188] {strides = array<i32>} : memref<528xi32, #tpu.memory_space<vmem>>, vector<16xi32>,
    tpu.vector_store %arg17[%swap3A_188], %broadcast_in_dim3A_172 {strides = array<i32>} : memref<528xi32, #tpu.memory_space<vmem>>, vector<16xi32>,
    %swap3A_190 = arith.constant 144 : index
    %swap3A_191 = tpu.vector_load %arg17[%swap3A_190] {strides = array<i32>} : memref<528xi32, #tpu.memory_space<vmem>>, vector<16xi32>,
    tpu.vector_store %arg17[%swap3A_190], %broadcast_in_dim3A_172 {strides = array<i32>} : memref<528xi32, #tpu.memory_space<vmem>>, vector<16xi32>,
    %swap3A_192 = arith.constant 160 : index
    %swap3A_193 = tpu.vector_load %arg17[%swap3A_192] {strides = array<i32>} : memref<528xi32, #tpu.memory_space<vmem>>, vector<16xi32>,
    tpu.vector_store %arg17[%swap3A_192], %broadcast_in_dim3A_172 {strides = array<i32>} : memref<528xi32, #tpu.memory_space<vmem>>, vector<16xi32>,
    %swap3A_194 = arith.constant 176 : index
    %swap3A_195 = tpu.vector_load %arg17[%swap3A_194] {strides = array<i32>} : memref<528xi32, #tpu.memory_space<vmem>>, vector<16xi32>,
    tpu.vector_store %arg17[%swap3A_194], %broadcast_in_dim3A_172 {strides = array<i32>} : memref<528xi32, #tpu.memory_space<vmem>>, vector<16xi32>,
    %swap3A_196 = arith.constant 192 : index
    %swap3A_197 = tpu.vector_load %arg17[%swap3A_196] {strides = array<i32>} : memref<528xi32, #tpu.memory_space<vmem>>, vector<16xi32>,
    tpu.vector_store %arg17[%swap3A_196], %broadcast_in_dim3A_172 {strides = array<i32>} : memref<528xi32, #tpu.memory_space<vmem>>, vector<16xi32>,
    %swap3A_198 = arith.constant 208 : index
    %swap3A_199 = tpu.vector_load %arg17[%swap3A_198] {strides = array<i32>} : memref<528xi32, #tpu.memory_space<vmem>>, vector<16xi32>,
    tpu.vector_store %arg17[%swap3A_198], %broadcast_in_dim3A_172 {strides = array<i32>} : memref<528xi32, #tpu.memory_space<vmem>>, vector<16xi32>,
    %swap3A_200 = arith.constant 224 : index
    %swap3A_201 = tpu.vector_load %arg17[%swap3A_200] {strides = array<i32>} : memref<528xi32, #tpu.memory_space<vmem>>, vector<16xi32>,
    tpu.vector_store %arg17[%swap3A_200], %broadcast_in_dim3A_172 {strides = array<i32>} : memref<528xi32, #tpu.memory_space<vmem>>, vector<16xi32>,
    %swap3A_202 = arith.constant 240 : index
    %swap3A_203 = tpu.vector_load %arg17[%swap3A_202] {strides = array<i32>} : memref<528xi32, #tpu.memory_space<vmem>>, vector<16xi32>,
    tpu.vector_store %arg17[%swap3A_202], %broadcast_in_dim3A_172 {strides = array<i32>} : memref<528xi32, #tpu.memory_space<vmem>>, vector<16xi32>,
    %swap3A_204 = arith.constant 256 : index
    %swap3A_205 = tpu.vector_load %arg17[%swap3A_204] {strides = array<i32>} : memref<528xi32, #tpu.memory_space<vmem>>, vector<16xi32>,
    tpu.vector_store %arg17[%swap3A_204], %broadcast_in_dim3A_172 {strides = array<i32>} : memref<528xi32, #tpu.memory_space<vmem>>, vector<16xi32>,
    %swap3A_206 = arith.constant 272 : index
    %swap3A_207 = tpu.vector_load %arg17[%swap3A_206] {strides = array<i32>} : memref<528xi32, #tpu.memory_space<vmem>>, vector<16xi32>,
    tpu.vector_store %arg17[%swap3A_206], %broadcast_in_dim3A_172 {strides = array<i32>} : memref<528xi32, #tpu.memory_space<vmem>>, vector<16xi32>,
    %swap3A_208 = arith.constant 288 : index
    %swap3A_209 = tpu.vector_load %arg17[%swap3A_208] {strides = array<i32>} : memref<528xi32, #tpu.memory_space<vmem>>, vector<16xi32>,
    tpu.vector_store %arg17[%swap3A_208], %broadcast_in_dim3A_172 {strides = array<i32>} : memref<528xi32, #tpu.memory_space<vmem>>, vector<16xi32>,
    %swap3A_210 = arith.constant 304 : index
    %swap3A_211 = tpu.vector_load %arg17[%swap3A_210] {strides = array<i32>} : memref<528xi32, #tpu.memory_space<vmem>>, vector<16xi32>,
    tpu.vector_store %arg17[%swap3A_210], %broadcast_in_dim3A_172 {strides = array<i32>} : memref<528xi32, #tpu.memory_space<vmem>>, vector<16xi32>,
    %swap3A_212 = arith.constant 320 : index
    %swap3A_213 = tpu.vector_load %arg17[%swap3A_212] {strides = array<i32>} : memref<528xi32, #tpu.memory_space<vmem>>, vector<16xi32>,
    tpu.vector_store %arg17[%swap3A_212], %broadcast_in_dim3A_172 {strides = array<i32>} : memref<528xi32, #tpu.memory_space<vmem>>, vector<16xi32>,
    %swap3A_214 = arith.constant 336 : index
    %swap3A_215 = tpu.vector_load %arg17[%swap3A_214] {strides = array<i32>} : memref<528xi32, #tpu.memory_space<vmem>>, vector<16xi32>,
    tpu.vector_store %arg17[%swap3A_214], %broadcast_in_dim3A_172 {strides = array<i32>} : memref<528xi32, #tpu.memory_space<vmem>>, vector<16xi32>,
    %swap3A_216 = arith.constant 352 : index
    %swap3A_217 = tpu.vector_load %arg17[%swap3A_216] {strides = array<i32>} : memref<528xi32, #tpu.memory_space<vmem>>, vector<16xi32>,
    tpu.vector_store %arg17[%swap3A_216], %broadcast_in_dim3A_172 {strides = array<i32>} : memref<528xi32, #tpu.memory_space<vmem>>, vector<16xi32>,
    %swap3A_218 = arith.constant 368 : index
    %swap3A_219 = tpu.vector_load %arg17[%swap3A_218] {strides = array<i32>} : memref<528xi32, #tpu.memory_space<vmem>>, vector<16xi32>,
    tpu.vector_store %arg17[%swap3A_218], %broadcast_in_dim3A_172 {strides = array<i32>} : memref<528xi32, #tpu.memory_space<vmem>>, vector<16xi32>,
    %swap3A_220 = arith.constant 384 : index
    %swap3A_221 = tpu.vector_load %arg17[%swap3A_220] {strides = array<i32>} : memref<528xi32, #tpu.memory_space<vmem>>, vector<16xi32>,
    tpu.vector_store %arg17[%swap3A_220], %broadcast_in_dim3A_172 {strides = array<i32>} : memref<528xi32, #tpu.memory_space<vmem>>, vector<16xi32>,
    %swap3A_222 = arith.constant 400 : index
    %swap3A_223 = tpu.vector_load %arg17[%swap3A_222] {strides = array<i32>} : memref<528xi32, #tpu.memory_space<vmem>>, vector<16xi32>,
    tpu.vector_store %arg17[%swap3A_222], %broadcast_in_dim3A_172 {strides = array<i32>} : memref<528xi32, #tpu.memory_space<vmem>>, vector<16xi32>,
    %swap3A_224 = arith.constant 416 : index
    %swap3A_225 = tpu.vector_load %arg17[%swap3A_224] {strides = array<i32>} : memref<528xi32, #tpu.memory_space<vmem>>, vector<16xi32>,
    tpu.vector_store %arg17[%swap3A_224], %broadcast_in_dim3A_172 {strides = array<i32>} : memref<528xi32, #tpu.memory_space<vmem>>, vector<16xi32>,
    %swap3A_226 = arith.constant 432 : index
    %swap3A_227 = tpu.vector_load %arg17[%swap3A_226] {strides = array<i32>} : memref<528xi32, #tpu.memory_space<vmem>>, vector<16xi32>,
    tpu.vector_store %arg17[%swap3A_226], %broadcast_in_dim3A_172 {strides = array<i32>} : memref<528xi32, #tpu.memory_space<vmem>>, vector<16xi32>,
    %swap3A_228 = arith.constant 448 : index
    %swap3A_229 = tpu.vector_load %arg17[%swap3A_228] {strides = array<i32>} : memref<528xi32, #tpu.memory_space<vmem>>, vector<16xi32>,
    tpu.vector_store %arg17[%swap3A_228], %broadcast_in_dim3A_172 {strides = array<i32>} : memref<528xi32, #tpu.memory_space<vmem>>, vector<16xi32>,
    %swap3A_230 = arith.constant 464 : index
    %swap3A_231 = tpu.vector_load %arg17[%swap3A_230] {strides = array<i32>} : memref<528xi32, #tpu.memory_space<vmem>>, vector<16xi32>,
    tpu.vector_store %arg17[%swap3A_230], %broadcast_in_dim3A_172 {strides = array<i32>} : memref<528xi32, #tpu.memory_space<vmem>>, vector<16xi32>,
    %swap3A_232 = arith.constant 480 : index
    %swap3A_233 = tpu.vector_load %arg17[%swap3A_232] {strides = array<i32>} : memref<528xi32, #tpu.memory_space<vmem>>, vector<16xi32>,
    tpu.vector_store %arg17[%swap3A_232], %broadcast_in_dim3A_172 {strides = array<i32>} : memref<528xi32, #tpu.memory_space<vmem>>, vector<16xi32>,
    %swap3A_234 = arith.constant 496 : index
    %swap3A_235 = tpu.vector_load %arg17[%swap3A_234] {strides = array<i32>} : memref<528xi32, #tpu.memory_space<vmem>>, vector<16xi32>,
    tpu.vector_store %arg17[%swap3A_234], %broadcast_in_dim3A_172 {strides = array<i32>} : memref<528xi32, #tpu.memory_space<vmem>>, vector<16xi32>,
    %swap3A_236 = arith.constant 512 : index
    %swap3A_237 = tpu.vector_load %arg17[%swap3A_236] {strides = array<i32>} : memref<528xi32, #tpu.memory_space<vmem>>, vector<16xi32>,
    tpu.vector_store %arg17[%swap3A_236], %broadcast_in_dim3A_172 {strides = array<i32>} : memref<528xi32, #tpu.memory_space<vmem>>, vector<16xi32>,
    %scan3A_238 = arith.constant 0 : i32
    %scan3A_239 = arith.constant 0 : i32
    %scan3A_240 = arith.constant 32 : i32
    %scan3A_241 = arith.addi %scan3A_239, %scan3A_240 : i32
    %scan3A_242 = arith.constant 1 : i32
    %scan3A_243 = scf.for %scan3A_277 = %scan3A_239 to %scan3A_241 step %scan3A_242 iter_args(%scan3A_278 = %scan3A_238) -> (i32)  : i32 {
      %mul3A_279 = arith.constant 16 : i32
      %mul3A_280 = arith.muli %scan3A_277, %mul3A_279 : i32
      %multiple_of3A_281 = tpu.assume_multiple %mul3A_280, 16 : i32
      %get3A_282 = arith.index_cast %multiple_of3A_281 : i32 to index
      %get3A_283 = tpu.vector_load %arg14[%get3A_282] {strides = array<i32>} : memref<512xi32, #tpu.memory_space<vmem>>, vector<16xi32>,
      %gather3A_284 = tpu.vector_load_idx %arg22[%get3A_283] : memref<100000xf32, #tpu.memory_space<vmem>>[vector<16xi32>], vector<16xf32>,
      %eq3A = arith.cmpf oeq, %gather3A_284, %gather3A_284 : vector<16xf32>
      %swap3A_285 = arith.index_cast %multiple_of3A_281 : i32 to index
      %swap3A_286 = tpu.vector_load %arg15[%swap3A_285] {strides = array<i32>} : memref<528xf32, #tpu.memory_space<vmem>>, vector<16xf32>,
      tpu.vector_store %arg15[%swap3A_285], %gather3A_88 {strides = array<i32>} : memref<528xf32, #tpu.memory_space<vmem>>, vector<16xf32>,
      %swap3A_287 = arith.index_cast %scan3A_278 : i32 to index
      %swap3A_288 = tpu.vector_load %arg16[%swap3A_287] masked %eq3A {strides = array<i32>} : memref<528xf32, #tpu.memory_space<vmem>>, vector<16xf32>, vector<16xi1>
      tpu.vector_store %arg16[%swap3A_287], %gather3A_284 masked %eq3A {strides = array<i32>} : memref<528xf32, #tpu.memory_space<vmem>>, vector<16xf32>, vector<16xi1>
      %add3A_289 = vector.broadcast %multiple_of3A_281 : i32 to vector<16xi32>
      %add3A_290 = arith.addi %add3A_289, %iota3A : vector<16xi32>
      %swap3A_291 = arith.index_cast %scan3A_278 : i32 to index
      %swap3A_292 = tpu.vector_load %arg17[%swap3A_291] masked %eq3A {strides = array<i32>} : memref<528xi32, #tpu.memory_space<vmem>>, vector<16xi32>, vector<16xi1>
      tpu.vector_store %arg17[%swap3A_291], %add3A_290 masked %eq3A {strides = array<i32>} : memref<528xi32, #tpu.memory_space<vmem>>, vector<16xi32>, vector<16xi1>
      %convert_element_type3A = arith.extui %eq3A : vector<16xi1> to vector<16xi32>
      %reduce_sum3A = arith.constant true
      %reduce_sum3A_293 = vector.broadcast %reduce_sum3A : i1 to vector<16xi1>
      %reduce_sum3A_294 = tpu.scan <sum>, %convert_element_type3A masked %reduce_sum3A_293 : vector<16xi32>, vector<16xi1> -> vector<16xi32>
      %reduce_sum3A_295 = vector.extract %reduce_sum3A_294[15] : i32 from vector<16xi32>
      %add3A_296 = arith.addi %scan3A_278, %reduce_sum3A_295 : i32
      scf.yield %add3A_296 : i32
    }
    %scan3A_244 = arith.constant 32 : i32
    %add3A_245 = arith.constant 16 : i32
    %add3A_246 = arith.addi %scan3A_243, %add3A_245 : i32
    %sub3A = arith.constant 1 : i32
    %sub3A_247 = arith.subi %add3A_246, %sub3A : i32
    %jit3A = arith.constant 16 : i32
    %div3A = arith.divsi %sub3A_247, %jit3A : i32
    %sign3A = arith.constant 0 : i32
    %sign3A_248 = arith.cmpi sgt, %sub3A_247, %sign3A : i32
    %sign3A_249 = arith.extui %sign3A_248 : i1 to i32
    %sign3A_250 = arith.constant 0 : i32
    %sign3A_251 = arith.cmpi slt, %sub3A_247, %sign3A_250 : i32
    %sign3A_252 = arith.extui %sign3A_251 : i1 to i32
    %sign3A_253 = arith.subi %sign3A_249, %sign3A_252 : i32
    %sign3A_254 = arith.constant 0 : i32
    %sign3A_255 = arith.cmpi sgt, %jit3A, %sign3A_254 : i32
    %sign3A_256 = arith.extui %sign3A_255 : i1 to i32
    %sign3A_257 = arith.constant 0 : i32
    %sign3A_258 = arith.cmpi slt, %jit3A, %sign3A_257 : i32
    %sign3A_259 = arith.extui %sign3A_258 : i1 to i32
    %sign3A_260 = arith.subi %sign3A_256, %sign3A_259 : i32
    %ne3A = arith.cmpi ne, %sign3A_253, %sign3A_260 : i32
    %rem3A = arith.remsi %sub3A_247, %jit3A : i32
    %ne3A_261 = arith.constant 0 : i32
    %ne3A_262 = arith.cmpi ne, %rem3A, %ne3A_261 : i32
    %and3A_263 = arith.andi %ne3A, %ne3A_262 : i1
    %sub3A_264 = arith.constant 1 : i32
    %sub3A_265 = arith.subi %div3A, %sub3A_264 : i32
    %select_n3A = arith.select %and3A_263, %sub3A_265, %div3A : i32
    %while3A = arith.constant 0 : i32
    %while3A_266 = arith.constant 0 : i32
    %while3A_267 = arith.subi %select_n3A, %while3A : i32
    %while3A_268 = arith.addi %while3A, %while3A_267 : i32
    %while3A_269 = arith.constant 1 : i32
    %while3A_270 = arith.divsi %while3A_267, %while3A_269 : i32
    %while3A_271 = arith.muli %while3A_270, %while3A_269 : i32
    %while3A_272 = arith.addi %while3A, %while3A_271 : i32
    %while3A_273 = arith.constant 1 : i32
    %while3A_274 = scf.for %while3A_277 = %while3A to %while3A_272 step %while3A_273 iter_args(%while3A_278 = %while3A_266) -> (i32)  : i32 {
      %mul3A_279 = arith.constant 16 : i32
      %mul3A_280 = arith.muli %while3A_277, %mul3A_279 : i32
      %multiple_of3A_281 = tpu.assume_multiple %mul3A_280, 16 : i32
      %get3A_282 = arith.index_cast %multiple_of3A_281 : i32 to index
      %get3A_283 = tpu.vector_load %arg16[%get3A_282] {strides = array<i32>} : memref<528xf32, #tpu.memory_space<vmem>>, vector<16xf32>,
      %broadcast_in_dim3A_284 = arith.constant 0.000000e+00 : f32
      %broadcast_in_dim3A_285 = vector.broadcast %broadcast_in_dim3A_284 : f32 to vector<16xf32>
      %broadcast_in_dim3A_286 = arith.constant 0 : i32
      %broadcast_in_dim3A_287 = vector.broadcast %broadcast_in_dim3A_286 : i32 to vector<16xi32>
      %broadcast_in_dim3A_288 = vector.shape_cast %broadcast_in_dim3A_287 : vector<16xi32> to vector<16x1xi32>
      %gather3A_289 = vector.shape_cast %broadcast_in_dim3A_288 : vector<16x1xi32> to vector<16xi32>
      %gather3A_290 = tpu.dynamic_gather %get3A_283[%gather3A_289] in [0] : vector<16xf32>, vector<16xi32> -> vector<16xf32>
      %broadcast_in_dim3A_291 = arith.constant 0.000000e+00 : f32
      %broadcast_in_dim3A_292 = vector.broadcast %broadcast_in_dim3A_291 : f32 to vector<16xf32>
      %mul3A_293 = arith.mulf %gather3A_290, %get3A_30 : vector<16xf32>
      %add3A_294 = arith.addf %mul3A_293, %get3A_38 : vector<16xf32>
      %bitcast3A_295 = vector.bitcast %add3A_294 : vector<16xf32> to vector<16xi32>
      %add3A_296 = arith.constant 32768 : i32
      %add3A_297 = vector.broadcast %add3A_296 : i32 to vector<16xi32>
      %add3A_298 = arith.addi %bitcast3A_295, %add3A_297 : vector<16xi32>
      %and3A_299 = arith.constant -65536 : i32
      %and3A_300 = vector.broadcast %and3A_299 : i32 to vector<16xi32>
      %and3A_301 = arith.andi %add3A_298, %and3A_300 : vector<16xi32>
      %bitcast3A_302 = vector.bitcast %and3A_301 : vector<16xi32> to vector<16xf32>
      %mul3A_303 = arith.mulf %bitcast3A_302, %bitcast3A_52 : vector<16xf32>
      %add3A_304 = arith.addf %broadcast_in_dim3A_292, %mul3A_303 : vector<16xf32>
      %mul3A_305 = arith.mulf %gather3A_290, %get3A_32 : vector<16xf32>
      %add3A_306 = arith.addf %mul3A_305, %get3A_40 : vector<16xf32>
      %bitcast3A_307 = vector.bitcast %add3A_306 : vector<16xf32> to vector<16xi32>
      %add3A_308 = arith.constant 32768 : i32
      %add3A_309 = vector.broadcast %add3A_308 : i32 to vector<16xi32>
      %add3A_310 = arith.addi %bitcast3A_307, %add3A_309 : vector<16xi32>
      %and3A_311 = arith.constant -65536 : i32
      %and3A_312 = vector.broadcast %and3A_311 : i32 to vector<16xi32>
      %and3A_313 = arith.andi %add3A_310, %and3A_312 : vector<16xi32>
      %bitcast3A_314 = vector.bitcast %and3A_313 : vector<16xi32> to vector<16xf32>
      %mul3A_315 = arith.mulf %bitcast3A_314, %bitcast3A_62 : vector<16xf32>
      %add3A_316 = arith.addf %add3A_304, %mul3A_315 : vector<16xf32>
      %mul3A_317 = arith.mulf %gather3A_290, %get3A_34 : vector<16xf32>
      %add3A_318 = arith.addf %mul3A_317, %get3A_42 : vector<16xf32>
      %bitcast3A_319 = vector.bitcast %add3A_318 : vector<16xf32> to vector<16xi32>
      %add3A_320 = arith.constant 32768 : i32
      %add3A_321 = vector.broadcast %add3A_320 : i32 to vector<16xi32>
      %add3A_322 = arith.addi %bitcast3A_319, %add3A_321 : vector<16xi32>
      %and3A_323 = arith.constant -65536 : i32
      %and3A_324 = vector.broadcast %and3A_323 : i32 to vector<16xi32>
      %and3A_325 = arith.andi %add3A_322, %and3A_324 : vector<16xi32>
      %bitcast3A_326 = vector.bitcast %and3A_325 : vector<16xi32> to vector<16xf32>
      %mul3A_327 = arith.mulf %bitcast3A_326, %bitcast3A_72 : vector<16xf32>
      %add3A_328 = arith.addf %add3A_316, %mul3A_327 : vector<16xf32>
      %mul3A_329 = arith.mulf %gather3A_290, %get3A_36 : vector<16xf32>
      %add3A_330 = arith.addf %mul3A_329, %get3A_44 : vector<16xf32>
      %bitcast3A_331 = vector.bitcast %add3A_330 : vector<16xf32> to vector<16xi32>
      %add3A_332 = arith.constant 32768 : i32
      %add3A_333 = vector.broadcast %add3A_332 : i32 to vector<16xi32>
      %add3A_334 = arith.addi %bitcast3A_331, %add3A_333 : vector<16xi32>
      %and3A_335 = arith.constant -65536 : i32
      %and3A_336 = vector.broadcast %and3A_335 : i32 to vector<16xi32>
      %and3A_337 = arith.andi %add3A_334, %and3A_336 : vector<16xi32>
      %bitcast3A_338 = vector.bitcast %and3A_337 : vector<16xi32> to vector<16xf32>
      %mul3A_339 = arith.mulf %bitcast3A_338, %bitcast3A_82 : vector<16xf32>
      %add3A_340 = arith.addf %add3A_328, %mul3A_339 : vector<16xf32>
      %xor3A = arith.constant 1 : i32
      %xor3A_341 = vector.broadcast %xor3A : i32 to vector<16xi32>
      %xor3A_342 = arith.xori %iota3A, %xor3A_341 : vector<16xi32>
      %broadcast_in_dim3A_343 = vector.shape_cast %xor3A_342 : vector<16xi32> to vector<16x1xi32>
      %gather3A_344 = vector.shape_cast %broadcast_in_dim3A_343 : vector<16x1xi32> to vector<16xi32>
      %gather3A_345 = tpu.dynamic_gather %add3A_340[%gather3A_344] in [0] : vector<16xf32>, vector<16xi32> -> vector<16xf32>
      %add3A_346 = arith.addf %add3A_340, %gather3A_345 : vector<16xf32>
      %xor3A_347 = arith.constant 2 : i32
      %xor3A_348 = vector.broadcast %xor3A_347 : i32 to vector<16xi32>
      %xor3A_349 = arith.xori %iota3A, %xor3A_348 : vector<16xi32>
      %broadcast_in_dim3A_350 = vector.shape_cast %xor3A_349 : vector<16xi32> to vector<16x1xi32>
      %gather3A_351 = vector.shape_cast %broadcast_in_dim3A_350 : vector<16x1xi32> to vector<16xi32>
      %gather3A_352 = tpu.dynamic_gather %add3A_346[%gather3A_351] in [0] : vector<16xf32>, vector<16xi32> -> vector<16xf32>
      %add3A_353 = arith.addf %add3A_346, %gather3A_352 : vector<16xf32>
      %xor3A_354 = arith.constant 4 : i32
      %xor3A_355 = vector.broadcast %xor3A_354 : i32 to vector<16xi32>
      %xor3A_356 = arith.xori %iota3A, %xor3A_355 : vector<16xi32>
      %broadcast_in_dim3A_357 = vector.shape_cast %xor3A_356 : vector<16xi32> to vector<16x1xi32>
      %gather3A_358 = vector.shape_cast %broadcast_in_dim3A_357 : vector<16x1xi32> to vector<16xi32>
      %gather3A_359 = tpu.dynamic_gather %add3A_353[%gather3A_358] in [0] : vector<16xf32>, vector<16xi32> -> vector<16xf32>
      %add3A_360 = arith.addf %add3A_353, %gather3A_359 : vector<16xf32>
      %xor3A_361 = arith.constant 8 : i32
      %xor3A_362 = vector.broadcast %xor3A_361 : i32 to vector<16xi32>
      %xor3A_363 = arith.xori %iota3A, %xor3A_362 : vector<16xi32>
      %broadcast_in_dim3A_364 = vector.shape_cast %xor3A_363 : vector<16xi32> to vector<16x1xi32>
      %gather3A_365 = vector.shape_cast %broadcast_in_dim3A_364 : vector<16x1xi32> to vector<16xi32>
      %gather3A_366 = tpu.dynamic_gather %add3A_360[%gather3A_365] in [0] : vector<16xf32>, vector<16xi32> -> vector<16xf32>
      %add3A_367 = arith.addf %add3A_360, %gather3A_366 : vector<16xf32>
      %eq3A = arith.constant 0 : i32
      %eq3A_368 = vector.broadcast %eq3A : i32 to vector<16xi32>
      %eq3A_369 = arith.cmpi eq, %iota3A, %eq3A_368 : vector<16xi32>
      %select_n3A_370 = arith.select %eq3A_369, %add3A_367, %broadcast_in_dim3A_285 : vector<16xi1>, vector<16xf32>
      %broadcast_in_dim3A_371 = arith.constant 1 : i32
      %broadcast_in_dim3A_372 = vector.broadcast %broadcast_in_dim3A_371 : i32 to vector<16xi32>
      %broadcast_in_dim3A_373 = vector.shape_cast %broadcast_in_dim3A_372 : vector<16xi32> to vector<16x1xi32>
      %gather3A_374 = vector.shape_cast %broadcast_in_dim3A_373 : vector<16x1xi32> to vector<16xi32>
      %gather3A_375 = tpu.dynamic_gather %get3A_283[%gather3A_374] in [0] : vector<16xf32>, vector<16xi32> -> vector<16xf32>
      %broadcast_in_dim3A_376 = arith.constant 0.000000e+00 : f32
      %broadcast_in_dim3A_377 = vector.broadcast %broadcast_in_dim3A_376 : f32 to vector<16xf32>
      %mul3A_378 = arith.mulf %gather3A_375, %get3A_30 : vector<16xf32>
      %add3A_379 = arith.addf %mul3A_378, %get3A_38 : vector<16xf32>
      %bitcast3A_380 = vector.bitcast %add3A_379 : vector<16xf32> to vector<16xi32>
      %add3A_381 = arith.constant 32768 : i32
      %add3A_382 = vector.broadcast %add3A_381 : i32 to vector<16xi32>
      %add3A_383 = arith.addi %bitcast3A_380, %add3A_382 : vector<16xi32>
      %and3A_384 = arith.constant -65536 : i32
      %and3A_385 = vector.broadcast %and3A_384 : i32 to vector<16xi32>
      %and3A_386 = arith.andi %add3A_383, %and3A_385 : vector<16xi32>
      %bitcast3A_387 = vector.bitcast %and3A_386 : vector<16xi32> to vector<16xf32>
      %mul3A_388 = arith.mulf %bitcast3A_387, %bitcast3A_52 : vector<16xf32>
      %add3A_389 = arith.addf %broadcast_in_dim3A_377, %mul3A_388 : vector<16xf32>
      %mul3A_390 = arith.mulf %gather3A_375, %get3A_32 : vector<16xf32>
      %add3A_391 = arith.addf %mul3A_390, %get3A_40 : vector<16xf32>
      %bitcast3A_392 = vector.bitcast %add3A_391 : vector<16xf32> to vector<16xi32>
      %add3A_393 = arith.constant 32768 : i32
      %add3A_394 = vector.broadcast %add3A_393 : i32 to vector<16xi32>
      %add3A_395 = arith.addi %bitcast3A_392, %add3A_394 : vector<16xi32>
      %and3A_396 = arith.constant -65536 : i32
      %and3A_397 = vector.broadcast %and3A_396 : i32 to vector<16xi32>
      %and3A_398 = arith.andi %add3A_395, %and3A_397 : vector<16xi32>
      %bitcast3A_399 = vector.bitcast %and3A_398 : vector<16xi32> to vector<16xf32>
      %mul3A_400 = arith.mulf %bitcast3A_399, %bitcast3A_62 : vector<16xf32>
      %add3A_401 = arith.addf %add3A_389, %mul3A_400 : vector<16xf32>
      %mul3A_402 = arith.mulf %gather3A_375, %get3A_34 : vector<16xf32>
      %add3A_403 = arith.addf %mul3A_402, %get3A_42 : vector<16xf32>
      %bitcast3A_404 = vector.bitcast %add3A_403 : vector<16xf32> to vector<16xi32>
      %add3A_405 = arith.constant 32768 : i32
      %add3A_406 = vector.broadcast %add3A_405 : i32 to vector<16xi32>
      %add3A_407 = arith.addi %bitcast3A_404, %add3A_406 : vector<16xi32>
      %and3A_408 = arith.constant -65536 : i32
      %and3A_409 = vector.broadcast %and3A_408 : i32 to vector<16xi32>
      %and3A_410 = arith.andi %add3A_407, %and3A_409 : vector<16xi32>
      %bitcast3A_411 = vector.bitcast %and3A_410 : vector<16xi32> to vector<16xf32>
      %mul3A_412 = arith.mulf %bitcast3A_411, %bitcast3A_72 : vector<16xf32>
      %add3A_413 = arith.addf %add3A_401, %mul3A_412 : vector<16xf32>
      %mul3A_414 = arith.mulf %gather3A_375, %get3A_36 : vector<16xf32>
      %add3A_415 = arith.addf %mul3A_414, %get3A_44 : vector<16xf32>
      %bitcast3A_416 = vector.bitcast %add3A_415 : vector<16xf32> to vector<16xi32>
      %add3A_417 = arith.constant 32768 : i32
      %add3A_418 = vector.broadcast %add3A_417 : i32 to vector<16xi32>
      %add3A_419 = arith.addi %bitcast3A_416, %add3A_418 : vector<16xi32>
      %and3A_420 = arith.constant -65536 : i32
      %and3A_421 = vector.broadcast %and3A_420 : i32 to vector<16xi32>
      %and3A_422 = arith.andi %add3A_419, %and3A_421 : vector<16xi32>
      %bitcast3A_423 = vector.bitcast %and3A_422 : vector<16xi32> to vector<16xf32>
      %mul3A_424 = arith.mulf %bitcast3A_423, %bitcast3A_82 : vector<16xf32>
      %add3A_425 = arith.addf %add3A_413, %mul3A_424 : vector<16xf32>
      %xor3A_426 = arith.constant 1 : i32
      %xor3A_427 = vector.broadcast %xor3A_426 : i32 to vector<16xi32>
      %xor3A_428 = arith.xori %iota3A, %xor3A_427 : vector<16xi32>
      %broadcast_in_dim3A_429 = vector.shape_cast %xor3A_428 : vector<16xi32> to vector<16x1xi32>
      %gather3A_430 = vector.shape_cast %broadcast_in_dim3A_429 : vector<16x1xi32> to vector<16xi32>
      %gather3A_431 = tpu.dynamic_gather %add3A_425[%gather3A_430] in [0] : vector<16xf32>, vector<16xi32> -> vector<16xf32>
      %add3A_432 = arith.addf %add3A_425, %gather3A_431 : vector<16xf32>
      %xor3A_433 = arith.constant 2 : i32
      %xor3A_434 = vector.broadcast %xor3A_433 : i32 to vector<16xi32>
      %xor3A_435 = arith.xori %iota3A, %xor3A_434 : vector<16xi32>
      %broadcast_in_dim3A_436 = vector.shape_cast %xor3A_435 : vector<16xi32> to vector<16x1xi32>
      %gather3A_437 = vector.shape_cast %broadcast_in_dim3A_436 : vector<16x1xi32> to vector<16xi32>
      %gather3A_438 = tpu.dynamic_gather %add3A_432[%gather3A_437] in [0] : vector<16xf32>, vector<16xi32> -> vector<16xf32>
      %add3A_439 = arith.addf %add3A_432, %gather3A_438 : vector<16xf32>
      %xor3A_440 = arith.constant 4 : i32
      %xor3A_441 = vector.broadcast %xor3A_440 : i32 to vector<16xi32>
      %xor3A_442 = arith.xori %iota3A, %xor3A_441 : vector<16xi32>
      %broadcast_in_dim3A_443 = vector.shape_cast %xor3A_442 : vector<16xi32> to vector<16x1xi32>
      %gather3A_444 = vector.shape_cast %broadcast_in_dim3A_443 : vector<16x1xi32> to vector<16xi32>
      %gather3A_445 = tpu.dynamic_gather %add3A_439[%gather3A_444] in [0] : vector<16xf32>, vector<16xi32> -> vector<16xf32>
      %add3A_446 = arith.addf %add3A_439, %gather3A_445 : vector<16xf32>
      %xor3A_447 = arith.constant 8 : i32
      %xor3A_448 = vector.broadcast %xor3A_447 : i32 to vector<16xi32>
      %xor3A_449 = arith.xori %iota3A, %xor3A_448 : vector<16xi32>
      %broadcast_in_dim3A_450 = vector.shape_cast %xor3A_449 : vector<16xi32> to vector<16x1xi32>
      %gather3A_451 = vector.shape_cast %broadcast_in_dim3A_450 : vector<16x1xi32> to vector<16xi32>
      %gather3A_452 = tpu.dynamic_gather %add3A_446[%gather3A_451] in [0] : vector<16xf32>, vector<16xi32> -> vector<16xf32>
      %add3A_453 = arith.addf %add3A_446, %gather3A_452 : vector<16xf32>
      %eq3A_454 = arith.constant 1 : i32
      %eq3A_455 = vector.broadcast %eq3A_454 : i32 to vector<16xi32>
      %eq3A_456 = arith.cmpi eq, %iota3A, %eq3A_455 : vector<16xi32>
      %select_n3A_457 = arith.select %eq3A_456, %add3A_453, %select_n3A_370 : vector<16xi1>, vector<16xf32>
      %broadcast_in_dim3A_458 = arith.constant 2 : i32
      %broadcast_in_dim3A_459 = vector.broadcast %broadcast_in_dim3A_458 : i32 to vector<16xi32>
      %broadcast_in_dim3A_460 = vector.shape_cast %broadcast_in_dim3A_459 : vector<16xi32> to vector<16x1xi32>
      %gather3A_461 = vector.shape_cast %broadcast_in_dim3A_460 : vector<16x1xi32> to vector<16xi32>
      %gather3A_462 = tpu.dynamic_gather %get3A_283[%gather3A_461] in [0] : vector<16xf32>, vector<16xi32> -> vector<16xf32>
      %broadcast_in_dim3A_463 = arith.constant 0.000000e+00 : f32
      %broadcast_in_dim3A_464 = vector.broadcast %broadcast_in_dim3A_463 : f32 to vector<16xf32>
      %mul3A_465 = arith.mulf %gather3A_462, %get3A_30 : vector<16xf32>
      %add3A_466 = arith.addf %mul3A_465, %get3A_38 : vector<16xf32>
      %bitcast3A_467 = vector.bitcast %add3A_466 : vector<16xf32> to vector<16xi32>
      %add3A_468 = arith.constant 32768 : i32
      %add3A_469 = vector.broadcast %add3A_468 : i32 to vector<16xi32>
      %add3A_470 = arith.addi %bitcast3A_467, %add3A_469 : vector<16xi32>
      %and3A_471 = arith.constant -65536 : i32
      %and3A_472 = vector.broadcast %and3A_471 : i32 to vector<16xi32>
      %and3A_473 = arith.andi %add3A_470, %and3A_472 : vector<16xi32>
      %bitcast3A_474 = vector.bitcast %and3A_473 : vector<16xi32> to vector<16xf32>
      %mul3A_475 = arith.mulf %bitcast3A_474, %bitcast3A_52 : vector<16xf32>
      %add3A_476 = arith.addf %broadcast_in_dim3A_464, %mul3A_475 : vector<16xf32>
      %mul3A_477 = arith.mulf %gather3A_462, %get3A_32 : vector<16xf32>
      %add3A_478 = arith.addf %mul3A_477, %get3A_40 : vector<16xf32>
      %bitcast3A_479 = vector.bitcast %add3A_478 : vector<16xf32> to vector<16xi32>
      %add3A_480 = arith.constant 32768 : i32
      %add3A_481 = vector.broadcast %add3A_480 : i32 to vector<16xi32>
      %add3A_482 = arith.addi %bitcast3A_479, %add3A_481 : vector<16xi32>
      %and3A_483 = arith.constant -65536 : i32
      %and3A_484 = vector.broadcast %and3A_483 : i32 to vector<16xi32>
      %and3A_485 = arith.andi %add3A_482, %and3A_484 : vector<16xi32>
      %bitcast3A_486 = vector.bitcast %and3A_485 : vector<16xi32> to vector<16xf32>
      %mul3A_487 = arith.mulf %bitcast3A_486, %bitcast3A_62 : vector<16xf32>
      %add3A_488 = arith.addf %add3A_476, %mul3A_487 : vector<16xf32>
      %mul3A_489 = arith.mulf %gather3A_462, %get3A_34 : vector<16xf32>
      %add3A_490 = arith.addf %mul3A_489, %get3A_42 : vector<16xf32>
      %bitcast3A_491 = vector.bitcast %add3A_490 : vector<16xf32> to vector<16xi32>
      %add3A_492 = arith.constant 32768 : i32
      %add3A_493 = vector.broadcast %add3A_492 : i32 to vector<16xi32>
      %add3A_494 = arith.addi %bitcast3A_491, %add3A_493 : vector<16xi32>
      %and3A_495 = arith.constant -65536 : i32
      %and3A_496 = vector.broadcast %and3A_495 : i32 to vector<16xi32>
      %and3A_497 = arith.andi %add3A_494, %and3A_496 : vector<16xi32>
      %bitcast3A_498 = vector.bitcast %and3A_497 : vector<16xi32> to vector<16xf32>
      %mul3A_499 = arith.mulf %bitcast3A_498, %bitcast3A_72 : vector<16xf32>
      %add3A_500 = arith.addf %add3A_488, %mul3A_499 : vector<16xf32>
      %mul3A_501 = arith.mulf %gather3A_462, %get3A_36 : vector<16xf32>
      %add3A_502 = arith.addf %mul3A_501, %get3A_44 : vector<16xf32>
      %bitcast3A_503 = vector.bitcast %add3A_502 : vector<16xf32> to vector<16xi32>
      %add3A_504 = arith.constant 32768 : i32
      %add3A_505 = vector.broadcast %add3A_504 : i32 to vector<16xi32>
      %add3A_506 = arith.addi %bitcast3A_503, %add3A_505 : vector<16xi32>
      %and3A_507 = arith.constant -65536 : i32
      %and3A_508 = vector.broadcast %and3A_507 : i32 to vector<16xi32>
      %and3A_509 = arith.andi %add3A_506, %and3A_508 : vector<16xi32>
      %bitcast3A_510 = vector.bitcast %and3A_509 : vector<16xi32> to vector<16xf32>
      %mul3A_511 = arith.mulf %bitcast3A_510, %bitcast3A_82 : vector<16xf32>
      %add3A_512 = arith.addf %add3A_500, %mul3A_511 : vector<16xf32>
      %xor3A_513 = arith.constant 1 : i32
      %xor3A_514 = vector.broadcast %xor3A_513 : i32 to vector<16xi32>
      %xor3A_515 = arith.xori %iota3A, %xor3A_514 : vector<16xi32>
      %broadcast_in_dim3A_516 = vector.shape_cast %xor3A_515 : vector<16xi32> to vector<16x1xi32>
      %gather3A_517 = vector.shape_cast %broadcast_in_dim3A_516 : vector<16x1xi32> to vector<16xi32>
      %gather3A_518 = tpu.dynamic_gather %add3A_512[%gather3A_517] in [0] : vector<16xf32>, vector<16xi32> -> vector<16xf32>
      %add3A_519 = arith.addf %add3A_512, %gather3A_518 : vector<16xf32>
      %xor3A_520 = arith.constant 2 : i32
      %xor3A_521 = vector.broadcast %xor3A_520 : i32 to vector<16xi32>
      %xor3A_522 = arith.xori %iota3A, %xor3A_521 : vector<16xi32>
      %broadcast_in_dim3A_523 = vector.shape_cast %xor3A_522 : vector<16xi32> to vector<16x1xi32>
      %gather3A_524 = vector.shape_cast %broadcast_in_dim3A_523 : vector<16x1xi32> to vector<16xi32>
      %gather3A_525 = tpu.dynamic_gather %add3A_519[%gather3A_524] in [0] : vector<16xf32>, vector<16xi32> -> vector<16xf32>
      %add3A_526 = arith.addf %add3A_519, %gather3A_525 : vector<16xf32>
      %xor3A_527 = arith.constant 4 : i32
      %xor3A_528 = vector.broadcast %xor3A_527 : i32 to vector<16xi32>
      %xor3A_529 = arith.xori %iota3A, %xor3A_528 : vector<16xi32>
      %broadcast_in_dim3A_530 = vector.shape_cast %xor3A_529 : vector<16xi32> to vector<16x1xi32>
      %gather3A_531 = vector.shape_cast %broadcast_in_dim3A_530 : vector<16x1xi32> to vector<16xi32>
      %gather3A_532 = tpu.dynamic_gather %add3A_526[%gather3A_531] in [0] : vector<16xf32>, vector<16xi32> -> vector<16xf32>
      %add3A_533 = arith.addf %add3A_526, %gather3A_532 : vector<16xf32>
      %xor3A_534 = arith.constant 8 : i32
      %xor3A_535 = vector.broadcast %xor3A_534 : i32 to vector<16xi32>
      %xor3A_536 = arith.xori %iota3A, %xor3A_535 : vector<16xi32>
      %broadcast_in_dim3A_537 = vector.shape_cast %xor3A_536 : vector<16xi32> to vector<16x1xi32>
      %gather3A_538 = vector.shape_cast %broadcast_in_dim3A_537 : vector<16x1xi32> to vector<16xi32>
      %gather3A_539 = tpu.dynamic_gather %add3A_533[%gather3A_538] in [0] : vector<16xf32>, vector<16xi32> -> vector<16xf32>
      %add3A_540 = arith.addf %add3A_533, %gather3A_539 : vector<16xf32>
      %eq3A_541 = arith.constant 2 : i32
      %eq3A_542 = vector.broadcast %eq3A_541 : i32 to vector<16xi32>
      %eq3A_543 = arith.cmpi eq, %iota3A, %eq3A_542 : vector<16xi32>
      %select_n3A_544 = arith.select %eq3A_543, %add3A_540, %select_n3A_457 : vector<16xi1>, vector<16xf32>
      %broadcast_in_dim3A_545 = arith.constant 3 : i32
      %broadcast_in_dim3A_546 = vector.broadcast %broadcast_in_dim3A_545 : i32 to vector<16xi32>
      %broadcast_in_dim3A_547 = vector.shape_cast %broadcast_in_dim3A_546 : vector<16xi32> to vector<16x1xi32>
      %gather3A_548 = vector.shape_cast %broadcast_in_dim3A_547 : vector<16x1xi32> to vector<16xi32>
      %gather3A_549 = tpu.dynamic_gather %get3A_283[%gather3A_548] in [0] : vector<16xf32>, vector<16xi32> -> vector<16xf32>
      %broadcast_in_dim3A_550 = arith.constant 0.000000e+00 : f32
      %broadcast_in_dim3A_551 = vector.broadcast %broadcast_in_dim3A_550 : f32 to vector<16xf32>
      %mul3A_552 = arith.mulf %gather3A_549, %get3A_30 : vector<16xf32>
      %add3A_553 = arith.addf %mul3A_552, %get3A_38 : vector<16xf32>
      %bitcast3A_554 = vector.bitcast %add3A_553 : vector<16xf32> to vector<16xi32>
      %add3A_555 = arith.constant 32768 : i32
      %add3A_556 = vector.broadcast %add3A_555 : i32 to vector<16xi32>
      %add3A_557 = arith.addi %bitcast3A_554, %add3A_556 : vector<16xi32>
      %and3A_558 = arith.constant -65536 : i32
      %and3A_559 = vector.broadcast %and3A_558 : i32 to vector<16xi32>
      %and3A_560 = arith.andi %add3A_557, %and3A_559 : vector<16xi32>
      %bitcast3A_561 = vector.bitcast %and3A_560 : vector<16xi32> to vector<16xf32>
      %mul3A_562 = arith.mulf %bitcast3A_561, %bitcast3A_52 : vector<16xf32>
      %add3A_563 = arith.addf %broadcast_in_dim3A_551, %mul3A_562 : vector<16xf32>
      %mul3A_564 = arith.mulf %gather3A_549, %get3A_32 : vector<16xf32>
      %add3A_565 = arith.addf %mul3A_564, %get3A_40 : vector<16xf32>
      %bitcast3A_566 = vector.bitcast %add3A_565 : vector<16xf32> to vector<16xi32>
      %add3A_567 = arith.constant 32768 : i32
      %add3A_568 = vector.broadcast %add3A_567 : i32 to vector<16xi32>
      %add3A_569 = arith.addi %bitcast3A_566, %add3A_568 : vector<16xi32>
      %and3A_570 = arith.constant -65536 : i32
      %and3A_571 = vector.broadcast %and3A_570 : i32 to vector<16xi32>
      %and3A_572 = arith.andi %add3A_569, %and3A_571 : vector<16xi32>
      %bitcast3A_573 = vector.bitcast %and3A_572 : vector<16xi32> to vector<16xf32>
      %mul3A_574 = arith.mulf %bitcast3A_573, %bitcast3A_62 : vector<16xf32>
      %add3A_575 = arith.addf %add3A_563, %mul3A_574 : vector<16xf32>
      %mul3A_576 = arith.mulf %gather3A_549, %get3A_34 : vector<16xf32>
      %add3A_577 = arith.addf %mul3A_576, %get3A_42 : vector<16xf32>
      %bitcast3A_578 = vector.bitcast %add3A_577 : vector<16xf32> to vector<16xi32>
      %add3A_579 = arith.constant 32768 : i32
      %add3A_580 = vector.broadcast %add3A_579 : i32 to vector<16xi32>
      %add3A_581 = arith.addi %bitcast3A_578, %add3A_580 : vector<16xi32>
      %and3A_582 = arith.constant -65536 : i32
      %and3A_583 = vector.broadcast %and3A_582 : i32 to vector<16xi32>
      %and3A_584 = arith.andi %add3A_581, %and3A_583 : vector<16xi32>
      %bitcast3A_585 = vector.bitcast %and3A_584 : vector<16xi32> to vector<16xf32>
      %mul3A_586 = arith.mulf %bitcast3A_585, %bitcast3A_72 : vector<16xf32>
      %add3A_587 = arith.addf %add3A_575, %mul3A_586 : vector<16xf32>
      %mul3A_588 = arith.mulf %gather3A_549, %get3A_36 : vector<16xf32>
      %add3A_589 = arith.addf %mul3A_588, %get3A_44 : vector<16xf32>
      %bitcast3A_590 = vector.bitcast %add3A_589 : vector<16xf32> to vector<16xi32>
      %add3A_591 = arith.constant 32768 : i32
      %add3A_592 = vector.broadcast %add3A_591 : i32 to vector<16xi32>
      %add3A_593 = arith.addi %bitcast3A_590, %add3A_592 : vector<16xi32>
      %and3A_594 = arith.constant -65536 : i32
      %and3A_595 = vector.broadcast %and3A_594 : i32 to vector<16xi32>
      %and3A_596 = arith.andi %add3A_593, %and3A_595 : vector<16xi32>
      %bitcast3A_597 = vector.bitcast %and3A_596 : vector<16xi32> to vector<16xf32>
      %mul3A_598 = arith.mulf %bitcast3A_597, %bitcast3A_82 : vector<16xf32>
      %add3A_599 = arith.addf %add3A_587, %mul3A_598 : vector<16xf32>
      %xor3A_600 = arith.constant 1 : i32
      %xor3A_601 = vector.broadcast %xor3A_600 : i32 to vector<16xi32>
      %xor3A_602 = arith.xori %iota3A, %xor3A_601 : vector<16xi32>
      %broadcast_in_dim3A_603 = vector.shape_cast %xor3A_602 : vector<16xi32> to vector<16x1xi32>
      %gather3A_604 = vector.shape_cast %broadcast_in_dim3A_603 : vector<16x1xi32> to vector<16xi32>
      %gather3A_605 = tpu.dynamic_gather %add3A_599[%gather3A_604] in [0] : vector<16xf32>, vector<16xi32> -> vector<16xf32>
      %add3A_606 = arith.addf %add3A_599, %gather3A_605 : vector<16xf32>
      %xor3A_607 = arith.constant 2 : i32
      %xor3A_608 = vector.broadcast %xor3A_607 : i32 to vector<16xi32>
      %xor3A_609 = arith.xori %iota3A, %xor3A_608 : vector<16xi32>
      %broadcast_in_dim3A_610 = vector.shape_cast %xor3A_609 : vector<16xi32> to vector<16x1xi32>
      %gather3A_611 = vector.shape_cast %broadcast_in_dim3A_610 : vector<16x1xi32> to vector<16xi32>
      %gather3A_612 = tpu.dynamic_gather %add3A_606[%gather3A_611] in [0] : vector<16xf32>, vector<16xi32> -> vector<16xf32>
      %add3A_613 = arith.addf %add3A_606, %gather3A_612 : vector<16xf32>
      %xor3A_614 = arith.constant 4 : i32
      %xor3A_615 = vector.broadcast %xor3A_614 : i32 to vector<16xi32>
      %xor3A_616 = arith.xori %iota3A, %xor3A_615 : vector<16xi32>
      %broadcast_in_dim3A_617 = vector.shape_cast %xor3A_616 : vector<16xi32> to vector<16x1xi32>
      %gather3A_618 = vector.shape_cast %broadcast_in_dim3A_617 : vector<16x1xi32> to vector<16xi32>
      %gather3A_619 = tpu.dynamic_gather %add3A_613[%gather3A_618] in [0] : vector<16xf32>, vector<16xi32> -> vector<16xf32>
      %add3A_620 = arith.addf %add3A_613, %gather3A_619 : vector<16xf32>
      %xor3A_621 = arith.constant 8 : i32
      %xor3A_622 = vector.broadcast %xor3A_621 : i32 to vector<16xi32>
      %xor3A_623 = arith.xori %iota3A, %xor3A_622 : vector<16xi32>
      %broadcast_in_dim3A_624 = vector.shape_cast %xor3A_623 : vector<16xi32> to vector<16x1xi32>
      %gather3A_625 = vector.shape_cast %broadcast_in_dim3A_624 : vector<16x1xi32> to vector<16xi32>
      %gather3A_626 = tpu.dynamic_gather %add3A_620[%gather3A_625] in [0] : vector<16xf32>, vector<16xi32> -> vector<16xf32>
      %add3A_627 = arith.addf %add3A_620, %gather3A_626 : vector<16xf32>
      %eq3A_628 = arith.constant 3 : i32
      %eq3A_629 = vector.broadcast %eq3A_628 : i32 to vector<16xi32>
      %eq3A_630 = arith.cmpi eq, %iota3A, %eq3A_629 : vector<16xi32>
      %select_n3A_631 = arith.select %eq3A_630, %add3A_627, %select_n3A_544 : vector<16xi1>, vector<16xf32>
      %broadcast_in_dim3A_632 = arith.constant 4 : i32
      %broadcast_in_dim3A_633 = vector.broadcast %broadcast_in_dim3A_632 : i32 to vector<16xi32>
      %broadcast_in_dim3A_634 = vector.shape_cast %broadcast_in_dim3A_633 : vector<16xi32> to vector<16x1xi32>
      %gather3A_635 = vector.shape_cast %broadcast_in_dim3A_634 : vector<16x1xi32> to vector<16xi32>
      %gather3A_636 = tpu.dynamic_gather %get3A_283[%gather3A_635] in [0] : vector<16xf32>, vector<16xi32> -> vector<16xf32>
      %broadcast_in_dim3A_637 = arith.constant 0.000000e+00 : f32
      %broadcast_in_dim3A_638 = vector.broadcast %broadcast_in_dim3A_637 : f32 to vector<16xf32>
      %mul3A_639 = arith.mulf %gather3A_636, %get3A_30 : vector<16xf32>
      %add3A_640 = arith.addf %mul3A_639, %get3A_38 : vector<16xf32>
      %bitcast3A_641 = vector.bitcast %add3A_640 : vector<16xf32> to vector<16xi32>
      %add3A_642 = arith.constant 32768 : i32
      %add3A_643 = vector.broadcast %add3A_642 : i32 to vector<16xi32>
      %add3A_644 = arith.addi %bitcast3A_641, %add3A_643 : vector<16xi32>
      %and3A_645 = arith.constant -65536 : i32
      %and3A_646 = vector.broadcast %and3A_645 : i32 to vector<16xi32>
      %and3A_647 = arith.andi %add3A_644, %and3A_646 : vector<16xi32>
      %bitcast3A_648 = vector.bitcast %and3A_647 : vector<16xi32> to vector<16xf32>
      %mul3A_649 = arith.mulf %bitcast3A_648, %bitcast3A_52 : vector<16xf32>
      %add3A_650 = arith.addf %broadcast_in_dim3A_638, %mul3A_649 : vector<16xf32>
      %mul3A_651 = arith.mulf %gather3A_636, %get3A_32 : vector<16xf32>
      %add3A_652 = arith.addf %mul3A_651, %get3A_40 : vector<16xf32>
      %bitcast3A_653 = vector.bitcast %add3A_652 : vector<16xf32> to vector<16xi32>
      %add3A_654 = arith.constant 32768 : i32
      %add3A_655 = vector.broadcast %add3A_654 : i32 to vector<16xi32>
      %add3A_656 = arith.addi %bitcast3A_653, %add3A_655 : vector<16xi32>
      %and3A_657 = arith.constant -65536 : i32
      %and3A_658 = vector.broadcast %and3A_657 : i32 to vector<16xi32>
      %and3A_659 = arith.andi %add3A_656, %and3A_658 : vector<16xi32>
      %bitcast3A_660 = vector.bitcast %and3A_659 : vector<16xi32> to vector<16xf32>
      %mul3A_661 = arith.mulf %bitcast3A_660, %bitcast3A_62 : vector<16xf32>
      %add3A_662 = arith.addf %add3A_650, %mul3A_661 : vector<16xf32>
      %mul3A_663 = arith.mulf %gather3A_636, %get3A_34 : vector<16xf32>
      %add3A_664 = arith.addf %mul3A_663, %get3A_42 : vector<16xf32>
      %bitcast3A_665 = vector.bitcast %add3A_664 : vector<16xf32> to vector<16xi32>
      %add3A_666 = arith.constant 32768 : i32
      %add3A_667 = vector.broadcast %add3A_666 : i32 to vector<16xi32>
      %add3A_668 = arith.addi %bitcast3A_665, %add3A_667 : vector<16xi32>
      %and3A_669 = arith.constant -65536 : i32
      %and3A_670 = vector.broadcast %and3A_669 : i32 to vector<16xi32>
      %and3A_671 = arith.andi %add3A_668, %and3A_670 : vector<16xi32>
      %bitcast3A_672 = vector.bitcast %and3A_671 : vector<16xi32> to vector<16xf32>
      %mul3A_673 = arith.mulf %bitcast3A_672, %bitcast3A_72 : vector<16xf32>
      %add3A_674 = arith.addf %add3A_662, %mul3A_673 : vector<16xf32>
      %mul3A_675 = arith.mulf %gather3A_636, %get3A_36 : vector<16xf32>
      %add3A_676 = arith.addf %mul3A_675, %get3A_44 : vector<16xf32>
      %bitcast3A_677 = vector.bitcast %add3A_676 : vector<16xf32> to vector<16xi32>
      %add3A_678 = arith.constant 32768 : i32
      %add3A_679 = vector.broadcast %add3A_678 : i32 to vector<16xi32>
      %add3A_680 = arith.addi %bitcast3A_677, %add3A_679 : vector<16xi32>
      %and3A_681 = arith.constant -65536 : i32
      %and3A_682 = vector.broadcast %and3A_681 : i32 to vector<16xi32>
      %and3A_683 = arith.andi %add3A_680, %and3A_682 : vector<16xi32>
      %bitcast3A_684 = vector.bitcast %and3A_683 : vector<16xi32> to vector<16xf32>
      %mul3A_685 = arith.mulf %bitcast3A_684, %bitcast3A_82 : vector<16xf32>
      %add3A_686 = arith.addf %add3A_674, %mul3A_685 : vector<16xf32>
      %xor3A_687 = arith.constant 1 : i32
      %xor3A_688 = vector.broadcast %xor3A_687 : i32 to vector<16xi32>
      %xor3A_689 = arith.xori %iota3A, %xor3A_688 : vector<16xi32>
      %broadcast_in_dim3A_690 = vector.shape_cast %xor3A_689 : vector<16xi32> to vector<16x1xi32>
      %gather3A_691 = vector.shape_cast %broadcast_in_dim3A_690 : vector<16x1xi32> to vector<16xi32>
      %gather3A_692 = tpu.dynamic_gather %add3A_686[%gather3A_691] in [0] : vector<16xf32>, vector<16xi32> -> vector<16xf32>
      %add3A_693 = arith.addf %add3A_686, %gather3A_692 : vector<16xf32>
      %xor3A_694 = arith.constant 2 : i32
      %xor3A_695 = vector.broadcast %xor3A_694 : i32 to vector<16xi32>
      %xor3A_696 = arith.xori %iota3A, %xor3A_695 : vector<16xi32>
      %broadcast_in_dim3A_697 = vector.shape_cast %xor3A_696 : vector<16xi32> to vector<16x1xi32>
      %gather3A_698 = vector.shape_cast %broadcast_in_dim3A_697 : vector<16x1xi32> to vector<16xi32>
      %gather3A_699 = tpu.dynamic_gather %add3A_693[%gather3A_698] in [0] : vector<16xf32>, vector<16xi32> -> vector<16xf32>
      %add3A_700 = arith.addf %add3A_693, %gather3A_699 : vector<16xf32>
      %xor3A_701 = arith.constant 4 : i32
      %xor3A_702 = vector.broadcast %xor3A_701 : i32 to vector<16xi32>
      %xor3A_703 = arith.xori %iota3A, %xor3A_702 : vector<16xi32>
      %broadcast_in_dim3A_704 = vector.shape_cast %xor3A_703 : vector<16xi32> to vector<16x1xi32>
      %gather3A_705 = vector.shape_cast %broadcast_in_dim3A_704 : vector<16x1xi32> to vector<16xi32>
      %gather3A_706 = tpu.dynamic_gather %add3A_700[%gather3A_705] in [0] : vector<16xf32>, vector<16xi32> -> vector<16xf32>
      %add3A_707 = arith.addf %add3A_700, %gather3A_706 : vector<16xf32>
      %xor3A_708 = arith.constant 8 : i32
      %xor3A_709 = vector.broadcast %xor3A_708 : i32 to vector<16xi32>
      %xor3A_710 = arith.xori %iota3A, %xor3A_709 : vector<16xi32>
      %broadcast_in_dim3A_711 = vector.shape_cast %xor3A_710 : vector<16xi32> to vector<16x1xi32>
      %gather3A_712 = vector.shape_cast %broadcast_in_dim3A_711 : vector<16x1xi32> to vector<16xi32>
      %gather3A_713 = tpu.dynamic_gather %add3A_707[%gather3A_712] in [0] : vector<16xf32>, vector<16xi32> -> vector<16xf32>
      %add3A_714 = arith.addf %add3A_707, %gather3A_713 : vector<16xf32>
      %eq3A_715 = arith.constant 4 : i32
      %eq3A_716 = vector.broadcast %eq3A_715 : i32 to vector<16xi32>
      %eq3A_717 = arith.cmpi eq, %iota3A, %eq3A_716 : vector<16xi32>
      %select_n3A_718 = arith.select %eq3A_717, %add3A_714, %select_n3A_631 : vector<16xi1>, vector<16xf32>
      %broadcast_in_dim3A_719 = arith.constant 5 : i32
      %broadcast_in_dim3A_720 = vector.broadcast %broadcast_in_dim3A_719 : i32 to vector<16xi32>
      %broadcast_in_dim3A_721 = vector.shape_cast %broadcast_in_dim3A_720 : vector<16xi32> to vector<16x1xi32>
      %gather3A_722 = vector.shape_cast %broadcast_in_dim3A_721 : vector<16x1xi32> to vector<16xi32>
      %gather3A_723 = tpu.dynamic_gather %get3A_283[%gather3A_722] in [0] : vector<16xf32>, vector<16xi32> -> vector<16xf32>
      %broadcast_in_dim3A_724 = arith.constant 0.000000e+00 : f32
      %broadcast_in_dim3A_725 = vector.broadcast %broadcast_in_dim3A_724 : f32 to vector<16xf32>
      %mul3A_726 = arith.mulf %gather3A_723, %get3A_30 : vector<16xf32>
      %add3A_727 = arith.addf %mul3A_726, %get3A_38 : vector<16xf32>
      %bitcast3A_728 = vector.bitcast %add3A_727 : vector<16xf32> to vector<16xi32>
      %add3A_729 = arith.constant 32768 : i32
      %add3A_730 = vector.broadcast %add3A_729 : i32 to vector<16xi32>
      %add3A_731 = arith.addi %bitcast3A_728, %add3A_730 : vector<16xi32>
      %and3A_732 = arith.constant -65536 : i32
      %and3A_733 = vector.broadcast %and3A_732 : i32 to vector<16xi32>
      %and3A_734 = arith.andi %add3A_731, %and3A_733 : vector<16xi32>
      %bitcast3A_735 = vector.bitcast %and3A_734 : vector<16xi32> to vector<16xf32>
      %mul3A_736 = arith.mulf %bitcast3A_735, %bitcast3A_52 : vector<16xf32>
      %add3A_737 = arith.addf %broadcast_in_dim3A_725, %mul3A_736 : vector<16xf32>
      %mul3A_738 = arith.mulf %gather3A_723, %get3A_32 : vector<16xf32>
      %add3A_739 = arith.addf %mul3A_738, %get3A_40 : vector<16xf32>
      %bitcast3A_740 = vector.bitcast %add3A_739 : vector<16xf32> to vector<16xi32>
      %add3A_741 = arith.constant 32768 : i32
      %add3A_742 = vector.broadcast %add3A_741 : i32 to vector<16xi32>
      %add3A_743 = arith.addi %bitcast3A_740, %add3A_742 : vector<16xi32>
      %and3A_744 = arith.constant -65536 : i32
      %and3A_745 = vector.broadcast %and3A_744 : i32 to vector<16xi32>
      %and3A_746 = arith.andi %add3A_743, %and3A_745 : vector<16xi32>
      %bitcast3A_747 = vector.bitcast %and3A_746 : vector<16xi32> to vector<16xf32>
      %mul3A_748 = arith.mulf %bitcast3A_747, %bitcast3A_62 : vector<16xf32>
      %add3A_749 = arith.addf %add3A_737, %mul3A_748 : vector<16xf32>
      %mul3A_750 = arith.mulf %gather3A_723, %get3A_34 : vector<16xf32>
      %add3A_751 = arith.addf %mul3A_750, %get3A_42 : vector<16xf32>
      %bitcast3A_752 = vector.bitcast %add3A_751 : vector<16xf32> to vector<16xi32>
      %add3A_753 = arith.constant 32768 : i32
      %add3A_754 = vector.broadcast %add3A_753 : i32 to vector<16xi32>
      %add3A_755 = arith.addi %bitcast3A_752, %add3A_754 : vector<16xi32>
      %and3A_756 = arith.constant -65536 : i32
      %and3A_757 = vector.broadcast %and3A_756 : i32 to vector<16xi32>
      %and3A_758 = arith.andi %add3A_755, %and3A_757 : vector<16xi32>
      %bitcast3A_759 = vector.bitcast %and3A_758 : vector<16xi32> to vector<16xf32>
      %mul3A_760 = arith.mulf %bitcast3A_759, %bitcast3A_72 : vector<16xf32>
      %add3A_761 = arith.addf %add3A_749, %mul3A_760 : vector<16xf32>
      %mul3A_762 = arith.mulf %gather3A_723, %get3A_36 : vector<16xf32>
      %add3A_763 = arith.addf %mul3A_762, %get3A_44 : vector<16xf32>
      %bitcast3A_764 = vector.bitcast %add3A_763 : vector<16xf32> to vector<16xi32>
      %add3A_765 = arith.constant 32768 : i32
      %add3A_766 = vector.broadcast %add3A_765 : i32 to vector<16xi32>
      %add3A_767 = arith.addi %bitcast3A_764, %add3A_766 : vector<16xi32>
      %and3A_768 = arith.constant -65536 : i32
      %and3A_769 = vector.broadcast %and3A_768 : i32 to vector<16xi32>
      %and3A_770 = arith.andi %add3A_767, %and3A_769 : vector<16xi32>
      %bitcast3A_771 = vector.bitcast %and3A_770 : vector<16xi32> to vector<16xf32>
      %mul3A_772 = arith.mulf %bitcast3A_771, %bitcast3A_82 : vector<16xf32>
      %add3A_773 = arith.addf %add3A_761, %mul3A_772 : vector<16xf32>
      %xor3A_774 = arith.constant 1 : i32
      %xor3A_775 = vector.broadcast %xor3A_774 : i32 to vector<16xi32>
      %xor3A_776 = arith.xori %iota3A, %xor3A_775 : vector<16xi32>
      %broadcast_in_dim3A_777 = vector.shape_cast %xor3A_776 : vector<16xi32> to vector<16x1xi32>
      %gather3A_778 = vector.shape_cast %broadcast_in_dim3A_777 : vector<16x1xi32> to vector<16xi32>
      %gather3A_779 = tpu.dynamic_gather %add3A_773[%gather3A_778] in [0] : vector<16xf32>, vector<16xi32> -> vector<16xf32>
      %add3A_780 = arith.addf %add3A_773, %gather3A_779 : vector<16xf32>
      %xor3A_781 = arith.constant 2 : i32
      %xor3A_782 = vector.broadcast %xor3A_781 : i32 to vector<16xi32>
      %xor3A_783 = arith.xori %iota3A, %xor3A_782 : vector<16xi32>
      %broadcast_in_dim3A_784 = vector.shape_cast %xor3A_783 : vector<16xi32> to vector<16x1xi32>
      %gather3A_785 = vector.shape_cast %broadcast_in_dim3A_784 : vector<16x1xi32> to vector<16xi32>
      %gather3A_786 = tpu.dynamic_gather %add3A_780[%gather3A_785] in [0] : vector<16xf32>, vector<16xi32> -> vector<16xf32>
      %add3A_787 = arith.addf %add3A_780, %gather3A_786 : vector<16xf32>
      %xor3A_788 = arith.constant 4 : i32
      %xor3A_789 = vector.broadcast %xor3A_788 : i32 to vector<16xi32>
      %xor3A_790 = arith.xori %iota3A, %xor3A_789 : vector<16xi32>
      %broadcast_in_dim3A_791 = vector.shape_cast %xor3A_790 : vector<16xi32> to vector<16x1xi32>
      %gather3A_792 = vector.shape_cast %broadcast_in_dim3A_791 : vector<16x1xi32> to vector<16xi32>
      %gather3A_793 = tpu.dynamic_gather %add3A_787[%gather3A_792] in [0] : vector<16xf32>, vector<16xi32> -> vector<16xf32>
      %add3A_794 = arith.addf %add3A_787, %gather3A_793 : vector<16xf32>
      %xor3A_795 = arith.constant 8 : i32
      %xor3A_796 = vector.broadcast %xor3A_795 : i32 to vector<16xi32>
      %xor3A_797 = arith.xori %iota3A, %xor3A_796 : vector<16xi32>
      %broadcast_in_dim3A_798 = vector.shape_cast %xor3A_797 : vector<16xi32> to vector<16x1xi32>
      %gather3A_799 = vector.shape_cast %broadcast_in_dim3A_798 : vector<16x1xi32> to vector<16xi32>
      %gather3A_800 = tpu.dynamic_gather %add3A_794[%gather3A_799] in [0] : vector<16xf32>, vector<16xi32> -> vector<16xf32>
      %add3A_801 = arith.addf %add3A_794, %gather3A_800 : vector<16xf32>
      %eq3A_802 = arith.constant 5 : i32
      %eq3A_803 = vector.broadcast %eq3A_802 : i32 to vector<16xi32>
      %eq3A_804 = arith.cmpi eq, %iota3A, %eq3A_803 : vector<16xi32>
      %select_n3A_805 = arith.select %eq3A_804, %add3A_801, %select_n3A_718 : vector<16xi1>, vector<16xf32>
      %broadcast_in_dim3A_806 = arith.constant 6 : i32
      %broadcast_in_dim3A_807 = vector.broadcast %broadcast_in_dim3A_806 : i32 to vector<16xi32>
      %broadcast_in_dim3A_808 = vector.shape_cast %broadcast_in_dim3A_807 : vector<16xi32> to vector<16x1xi32>
      %gather3A_809 = vector.shape_cast %broadcast_in_dim3A_808 : vector<16x1xi32> to vector<16xi32>
      %gather3A_810 = tpu.dynamic_gather %get3A_283[%gather3A_809] in [0] : vector<16xf32>, vector<16xi32> -> vector<16xf32>
      %broadcast_in_dim3A_811 = arith.constant 0.000000e+00 : f32
      %broadcast_in_dim3A_812 = vector.broadcast %broadcast_in_dim3A_811 : f32 to vector<16xf32>
      %mul3A_813 = arith.mulf %gather3A_810, %get3A_30 : vector<16xf32>
      %add3A_814 = arith.addf %mul3A_813, %get3A_38 : vector<16xf32>
      %bitcast3A_815 = vector.bitcast %add3A_814 : vector<16xf32> to vector<16xi32>
      %add3A_816 = arith.constant 32768 : i32
      %add3A_817 = vector.broadcast %add3A_816 : i32 to vector<16xi32>
      %add3A_818 = arith.addi %bitcast3A_815, %add3A_817 : vector<16xi32>
      %and3A_819 = arith.constant -65536 : i32
      %and3A_820 = vector.broadcast %and3A_819 : i32 to vector<16xi32>
      %and3A_821 = arith.andi %add3A_818, %and3A_820 : vector<16xi32>
      %bitcast3A_822 = vector.bitcast %and3A_821 : vector<16xi32> to vector<16xf32>
      %mul3A_823 = arith.mulf %bitcast3A_822, %bitcast3A_52 : vector<16xf32>
      %add3A_824 = arith.addf %broadcast_in_dim3A_812, %mul3A_823 : vector<16xf32>
      %mul3A_825 = arith.mulf %gather3A_810, %get3A_32 : vector<16xf32>
      %add3A_826 = arith.addf %mul3A_825, %get3A_40 : vector<16xf32>
      %bitcast3A_827 = vector.bitcast %add3A_826 : vector<16xf32> to vector<16xi32>
      %add3A_828 = arith.constant 32768 : i32
      %add3A_829 = vector.broadcast %add3A_828 : i32 to vector<16xi32>
      %add3A_830 = arith.addi %bitcast3A_827, %add3A_829 : vector<16xi32>
      %and3A_831 = arith.constant -65536 : i32
      %and3A_832 = vector.broadcast %and3A_831 : i32 to vector<16xi32>
      %and3A_833 = arith.andi %add3A_830, %and3A_832 : vector<16xi32>
      %bitcast3A_834 = vector.bitcast %and3A_833 : vector<16xi32> to vector<16xf32>
      %mul3A_835 = arith.mulf %bitcast3A_834, %bitcast3A_62 : vector<16xf32>
      %add3A_836 = arith.addf %add3A_824, %mul3A_835 : vector<16xf32>
      %mul3A_837 = arith.mulf %gather3A_810, %get3A_34 : vector<16xf32>
      %add3A_838 = arith.addf %mul3A_837, %get3A_42 : vector<16xf32>
      %bitcast3A_839 = vector.bitcast %add3A_838 : vector<16xf32> to vector<16xi32>
      %add3A_840 = arith.constant 32768 : i32
      %add3A_841 = vector.broadcast %add3A_840 : i32 to vector<16xi32>
      %add3A_842 = arith.addi %bitcast3A_839, %add3A_841 : vector<16xi32>
      %and3A_843 = arith.constant -65536 : i32
      %and3A_844 = vector.broadcast %and3A_843 : i32 to vector<16xi32>
      %and3A_845 = arith.andi %add3A_842, %and3A_844 : vector<16xi32>
      %bitcast3A_846 = vector.bitcast %and3A_845 : vector<16xi32> to vector<16xf32>
      %mul3A_847 = arith.mulf %bitcast3A_846, %bitcast3A_72 : vector<16xf32>
      %add3A_848 = arith.addf %add3A_836, %mul3A_847 : vector<16xf32>
      %mul3A_849 = arith.mulf %gather3A_810, %get3A_36 : vector<16xf32>
      %add3A_850 = arith.addf %mul3A_849, %get3A_44 : vector<16xf32>
      %bitcast3A_851 = vector.bitcast %add3A_850 : vector<16xf32> to vector<16xi32>
      %add3A_852 = arith.constant 32768 : i32
      %add3A_853 = vector.broadcast %add3A_852 : i32 to vector<16xi32>
      %add3A_854 = arith.addi %bitcast3A_851, %add3A_853 : vector<16xi32>
      %and3A_855 = arith.constant -65536 : i32
      %and3A_856 = vector.broadcast %and3A_855 : i32 to vector<16xi32>
      %and3A_857 = arith.andi %add3A_854, %and3A_856 : vector<16xi32>
      %bitcast3A_858 = vector.bitcast %and3A_857 : vector<16xi32> to vector<16xf32>
      %mul3A_859 = arith.mulf %bitcast3A_858, %bitcast3A_82 : vector<16xf32>
      %add3A_860 = arith.addf %add3A_848, %mul3A_859 : vector<16xf32>
      %xor3A_861 = arith.constant 1 : i32
      %xor3A_862 = vector.broadcast %xor3A_861 : i32 to vector<16xi32>
      %xor3A_863 = arith.xori %iota3A, %xor3A_862 : vector<16xi32>
      %broadcast_in_dim3A_864 = vector.shape_cast %xor3A_863 : vector<16xi32> to vector<16x1xi32>
      %gather3A_865 = vector.shape_cast %broadcast_in_dim3A_864 : vector<16x1xi32> to vector<16xi32>
      %gather3A_866 = tpu.dynamic_gather %add3A_860[%gather3A_865] in [0] : vector<16xf32>, vector<16xi32> -> vector<16xf32>
      %add3A_867 = arith.addf %add3A_860, %gather3A_866 : vector<16xf32>
      %xor3A_868 = arith.constant 2 : i32
      %xor3A_869 = vector.broadcast %xor3A_868 : i32 to vector<16xi32>
      %xor3A_870 = arith.xori %iota3A, %xor3A_869 : vector<16xi32>
      %broadcast_in_dim3A_871 = vector.shape_cast %xor3A_870 : vector<16xi32> to vector<16x1xi32>
      %gather3A_872 = vector.shape_cast %broadcast_in_dim3A_871 : vector<16x1xi32> to vector<16xi32>
      %gather3A_873 = tpu.dynamic_gather %add3A_867[%gather3A_872] in [0] : vector<16xf32>, vector<16xi32> -> vector<16xf32>
      %add3A_874 = arith.addf %add3A_867, %gather3A_873 : vector<16xf32>
      %xor3A_875 = arith.constant 4 : i32
      %xor3A_876 = vector.broadcast %xor3A_875 : i32 to vector<16xi32>
      %xor3A_877 = arith.xori %iota3A, %xor3A_876 : vector<16xi32>
      %broadcast_in_dim3A_878 = vector.shape_cast %xor3A_877 : vector<16xi32> to vector<16x1xi32>
      %gather3A_879 = vector.shape_cast %broadcast_in_dim3A_878 : vector<16x1xi32> to vector<16xi32>
      %gather3A_880 = tpu.dynamic_gather %add3A_874[%gather3A_879] in [0] : vector<16xf32>, vector<16xi32> -> vector<16xf32>
      %add3A_881 = arith.addf %add3A_874, %gather3A_880 : vector<16xf32>
      %xor3A_882 = arith.constant 8 : i32
      %xor3A_883 = vector.broadcast %xor3A_882 : i32 to vector<16xi32>
      %xor3A_884 = arith.xori %iota3A, %xor3A_883 : vector<16xi32>
      %broadcast_in_dim3A_885 = vector.shape_cast %xor3A_884 : vector<16xi32> to vector<16x1xi32>
      %gather3A_886 = vector.shape_cast %broadcast_in_dim3A_885 : vector<16x1xi32> to vector<16xi32>
      %gather3A_887 = tpu.dynamic_gather %add3A_881[%gather3A_886] in [0] : vector<16xf32>, vector<16xi32> -> vector<16xf32>
      %add3A_888 = arith.addf %add3A_881, %gather3A_887 : vector<16xf32>
      %eq3A_889 = arith.constant 6 : i32
      %eq3A_890 = vector.broadcast %eq3A_889 : i32 to vector<16xi32>
      %eq3A_891 = arith.cmpi eq, %iota3A, %eq3A_890 : vector<16xi32>
      %select_n3A_892 = arith.select %eq3A_891, %add3A_888, %select_n3A_805 : vector<16xi1>, vector<16xf32>
      %broadcast_in_dim3A_893 = arith.constant 7 : i32
      %broadcast_in_dim3A_894 = vector.broadcast %broadcast_in_dim3A_893 : i32 to vector<16xi32>
      %broadcast_in_dim3A_895 = vector.shape_cast %broadcast_in_dim3A_894 : vector<16xi32> to vector<16x1xi32>
      %gather3A_896 = vector.shape_cast %broadcast_in_dim3A_895 : vector<16x1xi32> to vector<16xi32>
      %gather3A_897 = tpu.dynamic_gather %get3A_283[%gather3A_896] in [0] : vector<16xf32>, vector<16xi32> -> vector<16xf32>
      %broadcast_in_dim3A_898 = arith.constant 0.000000e+00 : f32
      %broadcast_in_dim3A_899 = vector.broadcast %broadcast_in_dim3A_898 : f32 to vector<16xf32>
      %mul3A_900 = arith.mulf %gather3A_897, %get3A_30 : vector<16xf32>
      %add3A_901 = arith.addf %mul3A_900, %get3A_38 : vector<16xf32>
      %bitcast3A_902 = vector.bitcast %add3A_901 : vector<16xf32> to vector<16xi32>
      %add3A_903 = arith.constant 32768 : i32
      %add3A_904 = vector.broadcast %add3A_903 : i32 to vector<16xi32>
      %add3A_905 = arith.addi %bitcast3A_902, %add3A_904 : vector<16xi32>
      %and3A_906 = arith.constant -65536 : i32
      %and3A_907 = vector.broadcast %and3A_906 : i32 to vector<16xi32>
      %and3A_908 = arith.andi %add3A_905, %and3A_907 : vector<16xi32>
      %bitcast3A_909 = vector.bitcast %and3A_908 : vector<16xi32> to vector<16xf32>
      %mul3A_910 = arith.mulf %bitcast3A_909, %bitcast3A_52 : vector<16xf32>
      %add3A_911 = arith.addf %broadcast_in_dim3A_899, %mul3A_910 : vector<16xf32>
      %mul3A_912 = arith.mulf %gather3A_897, %get3A_32 : vector<16xf32>
      %add3A_913 = arith.addf %mul3A_912, %get3A_40 : vector<16xf32>
      %bitcast3A_914 = vector.bitcast %add3A_913 : vector<16xf32> to vector<16xi32>
      %add3A_915 = arith.constant 32768 : i32
      %add3A_916 = vector.broadcast %add3A_915 : i32 to vector<16xi32>
      %add3A_917 = arith.addi %bitcast3A_914, %add3A_916 : vector<16xi32>
      %and3A_918 = arith.constant -65536 : i32
      %and3A_919 = vector.broadcast %and3A_918 : i32 to vector<16xi32>
      %and3A_920 = arith.andi %add3A_917, %and3A_919 : vector<16xi32>
      %bitcast3A_921 = vector.bitcast %and3A_920 : vector<16xi32> to vector<16xf32>
      %mul3A_922 = arith.mulf %bitcast3A_921, %bitcast3A_62 : vector<16xf32>
      %add3A_923 = arith.addf %add3A_911, %mul3A_922 : vector<16xf32>
      %mul3A_924 = arith.mulf %gather3A_897, %get3A_34 : vector<16xf32>
      %add3A_925 = arith.addf %mul3A_924, %get3A_42 : vector<16xf32>
      %bitcast3A_926 = vector.bitcast %add3A_925 : vector<16xf32> to vector<16xi32>
      %add3A_927 = arith.constant 32768 : i32
      %add3A_928 = vector.broadcast %add3A_927 : i32 to vector<16xi32>
      %add3A_929 = arith.addi %bitcast3A_926, %add3A_928 : vector<16xi32>
      %and3A_930 = arith.constant -65536 : i32
      %and3A_931 = vector.broadcast %and3A_930 : i32 to vector<16xi32>
      %and3A_932 = arith.andi %add3A_929, %and3A_931 : vector<16xi32>
      %bitcast3A_933 = vector.bitcast %and3A_932 : vector<16xi32> to vector<16xf32>
      %mul3A_934 = arith.mulf %bitcast3A_933, %bitcast3A_72 : vector<16xf32>
      %add3A_935 = arith.addf %add3A_923, %mul3A_934 : vector<16xf32>
      %mul3A_936 = arith.mulf %gather3A_897, %get3A_36 : vector<16xf32>
      %add3A_937 = arith.addf %mul3A_936, %get3A_44 : vector<16xf32>
      %bitcast3A_938 = vector.bitcast %add3A_937 : vector<16xf32> to vector<16xi32>
      %add3A_939 = arith.constant 32768 : i32
      %add3A_940 = vector.broadcast %add3A_939 : i32 to vector<16xi32>
      %add3A_941 = arith.addi %bitcast3A_938, %add3A_940 : vector<16xi32>
      %and3A_942 = arith.constant -65536 : i32
      %and3A_943 = vector.broadcast %and3A_942 : i32 to vector<16xi32>
      %and3A_944 = arith.andi %add3A_941, %and3A_943 : vector<16xi32>
      %bitcast3A_945 = vector.bitcast %and3A_944 : vector<16xi32> to vector<16xf32>
      %mul3A_946 = arith.mulf %bitcast3A_945, %bitcast3A_82 : vector<16xf32>
      %add3A_947 = arith.addf %add3A_935, %mul3A_946 : vector<16xf32>
      %xor3A_948 = arith.constant 1 : i32
      %xor3A_949 = vector.broadcast %xor3A_948 : i32 to vector<16xi32>
      %xor3A_950 = arith.xori %iota3A, %xor3A_949 : vector<16xi32>
      %broadcast_in_dim3A_951 = vector.shape_cast %xor3A_950 : vector<16xi32> to vector<16x1xi32>
      %gather3A_952 = vector.shape_cast %broadcast_in_dim3A_951 : vector<16x1xi32> to vector<16xi32>
      %gather3A_953 = tpu.dynamic_gather %add3A_947[%gather3A_952] in [0] : vector<16xf32>, vector<16xi32> -> vector<16xf32>
      %add3A_954 = arith.addf %add3A_947, %gather3A_953 : vector<16xf32>
      %xor3A_955 = arith.constant 2 : i32
      %xor3A_956 = vector.broadcast %xor3A_955 : i32 to vector<16xi32>
      %xor3A_957 = arith.xori %iota3A, %xor3A_956 : vector<16xi32>
      %broadcast_in_dim3A_958 = vector.shape_cast %xor3A_957 : vector<16xi32> to vector<16x1xi32>
      %gather3A_959 = vector.shape_cast %broadcast_in_dim3A_958 : vector<16x1xi32> to vector<16xi32>
      %gather3A_960 = tpu.dynamic_gather %add3A_954[%gather3A_959] in [0] : vector<16xf32>, vector<16xi32> -> vector<16xf32>
      %add3A_961 = arith.addf %add3A_954, %gather3A_960 : vector<16xf32>
      %xor3A_962 = arith.constant 4 : i32
      %xor3A_963 = vector.broadcast %xor3A_962 : i32 to vector<16xi32>
      %xor3A_964 = arith.xori %iota3A, %xor3A_963 : vector<16xi32>
      %broadcast_in_dim3A_965 = vector.shape_cast %xor3A_964 : vector<16xi32> to vector<16x1xi32>
      %gather3A_966 = vector.shape_cast %broadcast_in_dim3A_965 : vector<16x1xi32> to vector<16xi32>
      %gather3A_967 = tpu.dynamic_gather %add3A_961[%gather3A_966] in [0] : vector<16xf32>, vector<16xi32> -> vector<16xf32>
      %add3A_968 = arith.addf %add3A_961, %gather3A_967 : vector<16xf32>
      %xor3A_969 = arith.constant 8 : i32
      %xor3A_970 = vector.broadcast %xor3A_969 : i32 to vector<16xi32>
      %xor3A_971 = arith.xori %iota3A, %xor3A_970 : vector<16xi32>
      %broadcast_in_dim3A_972 = vector.shape_cast %xor3A_971 : vector<16xi32> to vector<16x1xi32>
      %gather3A_973 = vector.shape_cast %broadcast_in_dim3A_972 : vector<16x1xi32> to vector<16xi32>
      %gather3A_974 = tpu.dynamic_gather %add3A_968[%gather3A_973] in [0] : vector<16xf32>, vector<16xi32> -> vector<16xf32>
      %add3A_975 = arith.addf %add3A_968, %gather3A_974 : vector<16xf32>
      %eq3A_976 = arith.constant 7 : i32
      %eq3A_977 = vector.broadcast %eq3A_976 : i32 to vector<16xi32>
      %eq3A_978 = arith.cmpi eq, %iota3A, %eq3A_977 : vector<16xi32>
      %select_n3A_979 = arith.select %eq3A_978, %add3A_975, %select_n3A_892 : vector<16xi1>, vector<16xf32>
      %broadcast_in_dim3A_980 = arith.constant 8 : i32
      %broadcast_in_dim3A_981 = vector.broadcast %broadcast_in_dim3A_980 : i32 to vector<16xi32>
      %broadcast_in_dim3A_982 = vector.shape_cast %broadcast_in_dim3A_981 : vector<16xi32> to vector<16x1xi32>
      %gather3A_983 = vector.shape_cast %broadcast_in_dim3A_982 : vector<16x1xi32> to vector<16xi32>
      %gather3A_984 = tpu.dynamic_gather %get3A_283[%gather3A_983] in [0] : vector<16xf32>, vector<16xi32> -> vector<16xf32>
      %broadcast_in_dim3A_985 = arith.constant 0.000000e+00 : f32
      %broadcast_in_dim3A_986 = vector.broadcast %broadcast_in_dim3A_985 : f32 to vector<16xf32>
      %mul3A_987 = arith.mulf %gather3A_984, %get3A_30 : vector<16xf32>
      %add3A_988 = arith.addf %mul3A_987, %get3A_38 : vector<16xf32>
      %bitcast3A_989 = vector.bitcast %add3A_988 : vector<16xf32> to vector<16xi32>
      %add3A_990 = arith.constant 32768 : i32
      %add3A_991 = vector.broadcast %add3A_990 : i32 to vector<16xi32>
      %add3A_992 = arith.addi %bitcast3A_989, %add3A_991 : vector<16xi32>
      %and3A_993 = arith.constant -65536 : i32
      %and3A_994 = vector.broadcast %and3A_993 : i32 to vector<16xi32>
      %and3A_995 = arith.andi %add3A_992, %and3A_994 : vector<16xi32>
      %bitcast3A_996 = vector.bitcast %and3A_995 : vector<16xi32> to vector<16xf32>
      %mul3A_997 = arith.mulf %bitcast3A_996, %bitcast3A_52 : vector<16xf32>
      %add3A_998 = arith.addf %broadcast_in_dim3A_986, %mul3A_997 : vector<16xf32>
      %mul3A_999 = arith.mulf %gather3A_984, %get3A_32 : vector<16xf32>
      %add3A_1000 = arith.addf %mul3A_999, %get3A_40 : vector<16xf32>
      %bitcast3A_1001 = vector.bitcast %add3A_1000 : vector<16xf32> to vector<16xi32>
      %add3A_1002 = arith.constant 32768 : i32
      %add3A_1003 = vector.broadcast %add3A_1002 : i32 to vector<16xi32>
      %add3A_1004 = arith.addi %bitcast3A_1001, %add3A_1003 : vector<16xi32>
      %and3A_1005 = arith.constant -65536 : i32
      %and3A_1006 = vector.broadcast %and3A_1005 : i32 to vector<16xi32>
      %and3A_1007 = arith.andi %add3A_1004, %and3A_1006 : vector<16xi32>
      %bitcast3A_1008 = vector.bitcast %and3A_1007 : vector<16xi32> to vector<16xf32>
      %mul3A_1009 = arith.mulf %bitcast3A_1008, %bitcast3A_62 : vector<16xf32>
      %add3A_1010 = arith.addf %add3A_998, %mul3A_1009 : vector<16xf32>
      %mul3A_1011 = arith.mulf %gather3A_984, %get3A_34 : vector<16xf32>
      %add3A_1012 = arith.addf %mul3A_1011, %get3A_42 : vector<16xf32>
      %bitcast3A_1013 = vector.bitcast %add3A_1012 : vector<16xf32> to vector<16xi32>
      %add3A_1014 = arith.constant 32768 : i32
      %add3A_1015 = vector.broadcast %add3A_1014 : i32 to vector<16xi32>
      %add3A_1016 = arith.addi %bitcast3A_1013, %add3A_1015 : vector<16xi32>
      %and3A_1017 = arith.constant -65536 : i32
      %and3A_1018 = vector.broadcast %and3A_1017 : i32 to vector<16xi32>
      %and3A_1019 = arith.andi %add3A_1016, %and3A_1018 : vector<16xi32>
      %bitcast3A_1020 = vector.bitcast %and3A_1019 : vector<16xi32> to vector<16xf32>
      %mul3A_1021 = arith.mulf %bitcast3A_1020, %bitcast3A_72 : vector<16xf32>
      %add3A_1022 = arith.addf %add3A_1010, %mul3A_1021 : vector<16xf32>
      %mul3A_1023 = arith.mulf %gather3A_984, %get3A_36 : vector<16xf32>
      %add3A_1024 = arith.addf %mul3A_1023, %get3A_44 : vector<16xf32>
      %bitcast3A_1025 = vector.bitcast %add3A_1024 : vector<16xf32> to vector<16xi32>
      %add3A_1026 = arith.constant 32768 : i32
      %add3A_1027 = vector.broadcast %add3A_1026 : i32 to vector<16xi32>
      %add3A_1028 = arith.addi %bitcast3A_1025, %add3A_1027 : vector<16xi32>
      %and3A_1029 = arith.constant -65536 : i32
      %and3A_1030 = vector.broadcast %and3A_1029 : i32 to vector<16xi32>
      %and3A_1031 = arith.andi %add3A_1028, %and3A_1030 : vector<16xi32>
      %bitcast3A_1032 = vector.bitcast %and3A_1031 : vector<16xi32> to vector<16xf32>
      %mul3A_1033 = arith.mulf %bitcast3A_1032, %bitcast3A_82 : vector<16xf32>
      %add3A_1034 = arith.addf %add3A_1022, %mul3A_1033 : vector<16xf32>
      %xor3A_1035 = arith.constant 1 : i32
      %xor3A_1036 = vector.broadcast %xor3A_1035 : i32 to vector<16xi32>
      %xor3A_1037 = arith.xori %iota3A, %xor3A_1036 : vector<16xi32>
      %broadcast_in_dim3A_1038 = vector.shape_cast %xor3A_1037 : vector<16xi32> to vector<16x1xi32>
      %gather3A_1039 = vector.shape_cast %broadcast_in_dim3A_1038 : vector<16x1xi32> to vector<16xi32>
      %gather3A_1040 = tpu.dynamic_gather %add3A_1034[%gather3A_1039] in [0] : vector<16xf32>, vector<16xi32> -> vector<16xf32>
      %add3A_1041 = arith.addf %add3A_1034, %gather3A_1040 : vector<16xf32>
      %xor3A_1042 = arith.constant 2 : i32
      %xor3A_1043 = vector.broadcast %xor3A_1042 : i32 to vector<16xi32>
      %xor3A_1044 = arith.xori %iota3A, %xor3A_1043 : vector<16xi32>
      %broadcast_in_dim3A_1045 = vector.shape_cast %xor3A_1044 : vector<16xi32> to vector<16x1xi32>
      %gather3A_1046 = vector.shape_cast %broadcast_in_dim3A_1045 : vector<16x1xi32> to vector<16xi32>
      %gather3A_1047 = tpu.dynamic_gather %add3A_1041[%gather3A_1046] in [0] : vector<16xf32>, vector<16xi32> -> vector<16xf32>
      %add3A_1048 = arith.addf %add3A_1041, %gather3A_1047 : vector<16xf32>
      %xor3A_1049 = arith.constant 4 : i32
      %xor3A_1050 = vector.broadcast %xor3A_1049 : i32 to vector<16xi32>
      %xor3A_1051 = arith.xori %iota3A, %xor3A_1050 : vector<16xi32>
      %broadcast_in_dim3A_1052 = vector.shape_cast %xor3A_1051 : vector<16xi32> to vector<16x1xi32>
      %gather3A_1053 = vector.shape_cast %broadcast_in_dim3A_1052 : vector<16x1xi32> to vector<16xi32>
      %gather3A_1054 = tpu.dynamic_gather %add3A_1048[%gather3A_1053] in [0] : vector<16xf32>, vector<16xi32> -> vector<16xf32>
      %add3A_1055 = arith.addf %add3A_1048, %gather3A_1054 : vector<16xf32>
      %xor3A_1056 = arith.constant 8 : i32
      %xor3A_1057 = vector.broadcast %xor3A_1056 : i32 to vector<16xi32>
      %xor3A_1058 = arith.xori %iota3A, %xor3A_1057 : vector<16xi32>
      %broadcast_in_dim3A_1059 = vector.shape_cast %xor3A_1058 : vector<16xi32> to vector<16x1xi32>
      %gather3A_1060 = vector.shape_cast %broadcast_in_dim3A_1059 : vector<16x1xi32> to vector<16xi32>
      %gather3A_1061 = tpu.dynamic_gather %add3A_1055[%gather3A_1060] in [0] : vector<16xf32>, vector<16xi32> -> vector<16xf32>
      %add3A_1062 = arith.addf %add3A_1055, %gather3A_1061 : vector<16xf32>
      %eq3A_1063 = arith.constant 8 : i32
      %eq3A_1064 = vector.broadcast %eq3A_1063 : i32 to vector<16xi32>
      %eq3A_1065 = arith.cmpi eq, %iota3A, %eq3A_1064 : vector<16xi32>
      %select_n3A_1066 = arith.select %eq3A_1065, %add3A_1062, %select_n3A_979 : vector<16xi1>, vector<16xf32>
      %broadcast_in_dim3A_1067 = arith.constant 9 : i32
      %broadcast_in_dim3A_1068 = vector.broadcast %broadcast_in_dim3A_1067 : i32 to vector<16xi32>
      %broadcast_in_dim3A_1069 = vector.shape_cast %broadcast_in_dim3A_1068 : vector<16xi32> to vector<16x1xi32>
      %gather3A_1070 = vector.shape_cast %broadcast_in_dim3A_1069 : vector<16x1xi32> to vector<16xi32>
      %gather3A_1071 = tpu.dynamic_gather %get3A_283[%gather3A_1070] in [0] : vector<16xf32>, vector<16xi32> -> vector<16xf32>
      %broadcast_in_dim3A_1072 = arith.constant 0.000000e+00 : f32
      %broadcast_in_dim3A_1073 = vector.broadcast %broadcast_in_dim3A_1072 : f32 to vector<16xf32>
      %mul3A_1074 = arith.mulf %gather3A_1071, %get3A_30 : vector<16xf32>
      %add3A_1075 = arith.addf %mul3A_1074, %get3A_38 : vector<16xf32>
      %bitcast3A_1076 = vector.bitcast %add3A_1075 : vector<16xf32> to vector<16xi32>
      %add3A_1077 = arith.constant 32768 : i32
      %add3A_1078 = vector.broadcast %add3A_1077 : i32 to vector<16xi32>
      %add3A_1079 = arith.addi %bitcast3A_1076, %add3A_1078 : vector<16xi32>
      %and3A_1080 = arith.constant -65536 : i32
      %and3A_1081 = vector.broadcast %and3A_1080 : i32 to vector<16xi32>
      %and3A_1082 = arith.andi %add3A_1079, %and3A_1081 : vector<16xi32>
      %bitcast3A_1083 = vector.bitcast %and3A_1082 : vector<16xi32> to vector<16xf32>
      %mul3A_1084 = arith.mulf %bitcast3A_1083, %bitcast3A_52 : vector<16xf32>
      %add3A_1085 = arith.addf %broadcast_in_dim3A_1073, %mul3A_1084 : vector<16xf32>
      %mul3A_1086 = arith.mulf %gather3A_1071, %get3A_32 : vector<16xf32>
      %add3A_1087 = arith.addf %mul3A_1086, %get3A_40 : vector<16xf32>
      %bitcast3A_1088 = vector.bitcast %add3A_1087 : vector<16xf32> to vector<16xi32>
      %add3A_1089 = arith.constant 32768 : i32
      %add3A_1090 = vector.broadcast %add3A_1089 : i32 to vector<16xi32>
      %add3A_1091 = arith.addi %bitcast3A_1088, %add3A_1090 : vector<16xi32>
      %and3A_1092 = arith.constant -65536 : i32
      %and3A_1093 = vector.broadcast %and3A_1092 : i32 to vector<16xi32>
      %and3A_1094 = arith.andi %add3A_1091, %and3A_1093 : vector<16xi32>
      %bitcast3A_1095 = vector.bitcast %and3A_1094 : vector<16xi32> to vector<16xf32>
      %mul3A_1096 = arith.mulf %bitcast3A_1095, %bitcast3A_62 : vector<16xf32>
      %add3A_1097 = arith.addf %add3A_1085, %mul3A_1096 : vector<16xf32>
      %mul3A_1098 = arith.mulf %gather3A_1071, %get3A_34 : vector<16xf32>
      %add3A_1099 = arith.addf %mul3A_1098, %get3A_42 : vector<16xf32>
      %bitcast3A_1100 = vector.bitcast %add3A_1099 : vector<16xf32> to vector<16xi32>
      %add3A_1101 = arith.constant 32768 : i32
      %add3A_1102 = vector.broadcast %add3A_1101 : i32 to vector<16xi32>
      %add3A_1103 = arith.addi %bitcast3A_1100, %add3A_1102 : vector<16xi32>
      %and3A_1104 = arith.constant -65536 : i32
      %and3A_1105 = vector.broadcast %and3A_1104 : i32 to vector<16xi32>
      %and3A_1106 = arith.andi %add3A_1103, %and3A_1105 : vector<16xi32>
      %bitcast3A_1107 = vector.bitcast %and3A_1106 : vector<16xi32> to vector<16xf32>
      %mul3A_1108 = arith.mulf %bitcast3A_1107, %bitcast3A_72 : vector<16xf32>
      %add3A_1109 = arith.addf %add3A_1097, %mul3A_1108 : vector<16xf32>
      %mul3A_1110 = arith.mulf %gather3A_1071, %get3A_36 : vector<16xf32>
      %add3A_1111 = arith.addf %mul3A_1110, %get3A_44 : vector<16xf32>
      %bitcast3A_1112 = vector.bitcast %add3A_1111 : vector<16xf32> to vector<16xi32>
      %add3A_1113 = arith.constant 32768 : i32
      %add3A_1114 = vector.broadcast %add3A_1113 : i32 to vector<16xi32>
      %add3A_1115 = arith.addi %bitcast3A_1112, %add3A_1114 : vector<16xi32>
      %and3A_1116 = arith.constant -65536 : i32
      %and3A_1117 = vector.broadcast %and3A_1116 : i32 to vector<16xi32>
      %and3A_1118 = arith.andi %add3A_1115, %and3A_1117 : vector<16xi32>
      %bitcast3A_1119 = vector.bitcast %and3A_1118 : vector<16xi32> to vector<16xf32>
      %mul3A_1120 = arith.mulf %bitcast3A_1119, %bitcast3A_82 : vector<16xf32>
      %add3A_1121 = arith.addf %add3A_1109, %mul3A_1120 : vector<16xf32>
      %xor3A_1122 = arith.constant 1 : i32
      %xor3A_1123 = vector.broadcast %xor3A_1122 : i32 to vector<16xi32>
      %xor3A_1124 = arith.xori %iota3A, %xor3A_1123 : vector<16xi32>
      %broadcast_in_dim3A_1125 = vector.shape_cast %xor3A_1124 : vector<16xi32> to vector<16x1xi32>
      %gather3A_1126 = vector.shape_cast %broadcast_in_dim3A_1125 : vector<16x1xi32> to vector<16xi32>
      %gather3A_1127 = tpu.dynamic_gather %add3A_1121[%gather3A_1126] in [0] : vector<16xf32>, vector<16xi32> -> vector<16xf32>
      %add3A_1128 = arith.addf %add3A_1121, %gather3A_1127 : vector<16xf32>
      %xor3A_1129 = arith.constant 2 : i32
      %xor3A_1130 = vector.broadcast %xor3A_1129 : i32 to vector<16xi32>
      %xor3A_1131 = arith.xori %iota3A, %xor3A_1130 : vector<16xi32>
      %broadcast_in_dim3A_1132 = vector.shape_cast %xor3A_1131 : vector<16xi32> to vector<16x1xi32>
      %gather3A_1133 = vector.shape_cast %broadcast_in_dim3A_1132 : vector<16x1xi32> to vector<16xi32>
      %gather3A_1134 = tpu.dynamic_gather %add3A_1128[%gather3A_1133] in [0] : vector<16xf32>, vector<16xi32> -> vector<16xf32>
      %add3A_1135 = arith.addf %add3A_1128, %gather3A_1134 : vector<16xf32>
      %xor3A_1136 = arith.constant 4 : i32
      %xor3A_1137 = vector.broadcast %xor3A_1136 : i32 to vector<16xi32>
      %xor3A_1138 = arith.xori %iota3A, %xor3A_1137 : vector<16xi32>
      %broadcast_in_dim3A_1139 = vector.shape_cast %xor3A_1138 : vector<16xi32> to vector<16x1xi32>
      %gather3A_1140 = vector.shape_cast %broadcast_in_dim3A_1139 : vector<16x1xi32> to vector<16xi32>
      %gather3A_1141 = tpu.dynamic_gather %add3A_1135[%gather3A_1140] in [0] : vector<16xf32>, vector<16xi32> -> vector<16xf32>
      %add3A_1142 = arith.addf %add3A_1135, %gather3A_1141 : vector<16xf32>
      %xor3A_1143 = arith.constant 8 : i32
      %xor3A_1144 = vector.broadcast %xor3A_1143 : i32 to vector<16xi32>
      %xor3A_1145 = arith.xori %iota3A, %xor3A_1144 : vector<16xi32>
      %broadcast_in_dim3A_1146 = vector.shape_cast %xor3A_1145 : vector<16xi32> to vector<16x1xi32>
      %gather3A_1147 = vector.shape_cast %broadcast_in_dim3A_1146 : vector<16x1xi32> to vector<16xi32>
      %gather3A_1148 = tpu.dynamic_gather %add3A_1142[%gather3A_1147] in [0] : vector<16xf32>, vector<16xi32> -> vector<16xf32>
      %add3A_1149 = arith.addf %add3A_1142, %gather3A_1148 : vector<16xf32>
      %eq3A_1150 = arith.constant 9 : i32
      %eq3A_1151 = vector.broadcast %eq3A_1150 : i32 to vector<16xi32>
      %eq3A_1152 = arith.cmpi eq, %iota3A, %eq3A_1151 : vector<16xi32>
      %select_n3A_1153 = arith.select %eq3A_1152, %add3A_1149, %select_n3A_1066 : vector<16xi1>, vector<16xf32>
      %broadcast_in_dim3A_1154 = arith.constant 10 : i32
      %broadcast_in_dim3A_1155 = vector.broadcast %broadcast_in_dim3A_1154 : i32 to vector<16xi32>
      %broadcast_in_dim3A_1156 = vector.shape_cast %broadcast_in_dim3A_1155 : vector<16xi32> to vector<16x1xi32>
      %gather3A_1157 = vector.shape_cast %broadcast_in_dim3A_1156 : vector<16x1xi32> to vector<16xi32>
      %gather3A_1158 = tpu.dynamic_gather %get3A_283[%gather3A_1157] in [0] : vector<16xf32>, vector<16xi32> -> vector<16xf32>
      %broadcast_in_dim3A_1159 = arith.constant 0.000000e+00 : f32
      %broadcast_in_dim3A_1160 = vector.broadcast %broadcast_in_dim3A_1159 : f32 to vector<16xf32>
      %mul3A_1161 = arith.mulf %gather3A_1158, %get3A_30 : vector<16xf32>
      %add3A_1162 = arith.addf %mul3A_1161, %get3A_38 : vector<16xf32>
      %bitcast3A_1163 = vector.bitcast %add3A_1162 : vector<16xf32> to vector<16xi32>
      %add3A_1164 = arith.constant 32768 : i32
      %add3A_1165 = vector.broadcast %add3A_1164 : i32 to vector<16xi32>
      %add3A_1166 = arith.addi %bitcast3A_1163, %add3A_1165 : vector<16xi32>
      %and3A_1167 = arith.constant -65536 : i32
      %and3A_1168 = vector.broadcast %and3A_1167 : i32 to vector<16xi32>
      %and3A_1169 = arith.andi %add3A_1166, %and3A_1168 : vector<16xi32>
      %bitcast3A_1170 = vector.bitcast %and3A_1169 : vector<16xi32> to vector<16xf32>
      %mul3A_1171 = arith.mulf %bitcast3A_1170, %bitcast3A_52 : vector<16xf32>
      %add3A_1172 = arith.addf %broadcast_in_dim3A_1160, %mul3A_1171 : vector<16xf32>
      %mul3A_1173 = arith.mulf %gather3A_1158, %get3A_32 : vector<16xf32>
      %add3A_1174 = arith.addf %mul3A_1173, %get3A_40 : vector<16xf32>
      %bitcast3A_1175 = vector.bitcast %add3A_1174 : vector<16xf32> to vector<16xi32>
      %add3A_1176 = arith.constant 32768 : i32
      %add3A_1177 = vector.broadcast %add3A_1176 : i32 to vector<16xi32>
      %add3A_1178 = arith.addi %bitcast3A_1175, %add3A_1177 : vector<16xi32>
      %and3A_1179 = arith.constant -65536 : i32
      %and3A_1180 = vector.broadcast %and3A_1179 : i32 to vector<16xi32>
      %and3A_1181 = arith.andi %add3A_1178, %and3A_1180 : vector<16xi32>
      %bitcast3A_1182 = vector.bitcast %and3A_1181 : vector<16xi32> to vector<16xf32>
      %mul3A_1183 = arith.mulf %bitcast3A_1182, %bitcast3A_62 : vector<16xf32>
      %add3A_1184 = arith.addf %add3A_1172, %mul3A_1183 : vector<16xf32>
      %mul3A_1185 = arith.mulf %gather3A_1158, %get3A_34 : vector<16xf32>
      %add3A_1186 = arith.addf %mul3A_1185, %get3A_42 : vector<16xf32>
      %bitcast3A_1187 = vector.bitcast %add3A_1186 : vector<16xf32> to vector<16xi32>
      %add3A_1188 = arith.constant 32768 : i32
      %add3A_1189 = vector.broadcast %add3A_1188 : i32 to vector<16xi32>
      %add3A_1190 = arith.addi %bitcast3A_1187, %add3A_1189 : vector<16xi32>
      %and3A_1191 = arith.constant -65536 : i32
      %and3A_1192 = vector.broadcast %and3A_1191 : i32 to vector<16xi32>
      %and3A_1193 = arith.andi %add3A_1190, %and3A_1192 : vector<16xi32>
      %bitcast3A_1194 = vector.bitcast %and3A_1193 : vector<16xi32> to vector<16xf32>
      %mul3A_1195 = arith.mulf %bitcast3A_1194, %bitcast3A_72 : vector<16xf32>
      %add3A_1196 = arith.addf %add3A_1184, %mul3A_1195 : vector<16xf32>
      %mul3A_1197 = arith.mulf %gather3A_1158, %get3A_36 : vector<16xf32>
      %add3A_1198 = arith.addf %mul3A_1197, %get3A_44 : vector<16xf32>
      %bitcast3A_1199 = vector.bitcast %add3A_1198 : vector<16xf32> to vector<16xi32>
      %add3A_1200 = arith.constant 32768 : i32
      %add3A_1201 = vector.broadcast %add3A_1200 : i32 to vector<16xi32>
      %add3A_1202 = arith.addi %bitcast3A_1199, %add3A_1201 : vector<16xi32>
      %and3A_1203 = arith.constant -65536 : i32
      %and3A_1204 = vector.broadcast %and3A_1203 : i32 to vector<16xi32>
      %and3A_1205 = arith.andi %add3A_1202, %and3A_1204 : vector<16xi32>
      %bitcast3A_1206 = vector.bitcast %and3A_1205 : vector<16xi32> to vector<16xf32>
      %mul3A_1207 = arith.mulf %bitcast3A_1206, %bitcast3A_82 : vector<16xf32>
      %add3A_1208 = arith.addf %add3A_1196, %mul3A_1207 : vector<16xf32>
      %xor3A_1209 = arith.constant 1 : i32
      %xor3A_1210 = vector.broadcast %xor3A_1209 : i32 to vector<16xi32>
      %xor3A_1211 = arith.xori %iota3A, %xor3A_1210 : vector<16xi32>
      %broadcast_in_dim3A_1212 = vector.shape_cast %xor3A_1211 : vector<16xi32> to vector<16x1xi32>
      %gather3A_1213 = vector.shape_cast %broadcast_in_dim3A_1212 : vector<16x1xi32> to vector<16xi32>
      %gather3A_1214 = tpu.dynamic_gather %add3A_1208[%gather3A_1213] in [0] : vector<16xf32>, vector<16xi32> -> vector<16xf32>
      %add3A_1215 = arith.addf %add3A_1208, %gather3A_1214 : vector<16xf32>
      %xor3A_1216 = arith.constant 2 : i32
      %xor3A_1217 = vector.broadcast %xor3A_1216 : i32 to vector<16xi32>
      %xor3A_1218 = arith.xori %iota3A, %xor3A_1217 : vector<16xi32>
      %broadcast_in_dim3A_1219 = vector.shape_cast %xor3A_1218 : vector<16xi32> to vector<16x1xi32>
      %gather3A_1220 = vector.shape_cast %broadcast_in_dim3A_1219 : vector<16x1xi32> to vector<16xi32>
      %gather3A_1221 = tpu.dynamic_gather %add3A_1215[%gather3A_1220] in [0] : vector<16xf32>, vector<16xi32> -> vector<16xf32>
      %add3A_1222 = arith.addf %add3A_1215, %gather3A_1221 : vector<16xf32>
      %xor3A_1223 = arith.constant 4 : i32
      %xor3A_1224 = vector.broadcast %xor3A_1223 : i32 to vector<16xi32>
      %xor3A_1225 = arith.xori %iota3A, %xor3A_1224 : vector<16xi32>
      %broadcast_in_dim3A_1226 = vector.shape_cast %xor3A_1225 : vector<16xi32> to vector<16x1xi32>
      %gather3A_1227 = vector.shape_cast %broadcast_in_dim3A_1226 : vector<16x1xi32> to vector<16xi32>
      %gather3A_1228 = tpu.dynamic_gather %add3A_1222[%gather3A_1227] in [0] : vector<16xf32>, vector<16xi32> -> vector<16xf32>
      %add3A_1229 = arith.addf %add3A_1222, %gather3A_1228 : vector<16xf32>
      %xor3A_1230 = arith.constant 8 : i32
      %xor3A_1231 = vector.broadcast %xor3A_1230 : i32 to vector<16xi32>
      %xor3A_1232 = arith.xori %iota3A, %xor3A_1231 : vector<16xi32>
      %broadcast_in_dim3A_1233 = vector.shape_cast %xor3A_1232 : vector<16xi32> to vector<16x1xi32>
      %gather3A_1234 = vector.shape_cast %broadcast_in_dim3A_1233 : vector<16x1xi32> to vector<16xi32>
      %gather3A_1235 = tpu.dynamic_gather %add3A_1229[%gather3A_1234] in [0] : vector<16xf32>, vector<16xi32> -> vector<16xf32>
      %add3A_1236 = arith.addf %add3A_1229, %gather3A_1235 : vector<16xf32>
      %eq3A_1237 = arith.constant 10 : i32
      %eq3A_1238 = vector.broadcast %eq3A_1237 : i32 to vector<16xi32>
      %eq3A_1239 = arith.cmpi eq, %iota3A, %eq3A_1238 : vector<16xi32>
      %select_n3A_1240 = arith.select %eq3A_1239, %add3A_1236, %select_n3A_1153 : vector<16xi1>, vector<16xf32>
      %broadcast_in_dim3A_1241 = arith.constant 11 : i32
      %broadcast_in_dim3A_1242 = vector.broadcast %broadcast_in_dim3A_1241 : i32 to vector<16xi32>
      %broadcast_in_dim3A_1243 = vector.shape_cast %broadcast_in_dim3A_1242 : vector<16xi32> to vector<16x1xi32>
      %gather3A_1244 = vector.shape_cast %broadcast_in_dim3A_1243 : vector<16x1xi32> to vector<16xi32>
      %gather3A_1245 = tpu.dynamic_gather %get3A_283[%gather3A_1244] in [0] : vector<16xf32>, vector<16xi32> -> vector<16xf32>
      %broadcast_in_dim3A_1246 = arith.constant 0.000000e+00 : f32
      %broadcast_in_dim3A_1247 = vector.broadcast %broadcast_in_dim3A_1246 : f32 to vector<16xf32>
      %mul3A_1248 = arith.mulf %gather3A_1245, %get3A_30 : vector<16xf32>
      %add3A_1249 = arith.addf %mul3A_1248, %get3A_38 : vector<16xf32>
      %bitcast3A_1250 = vector.bitcast %add3A_1249 : vector<16xf32> to vector<16xi32>
      %add3A_1251 = arith.constant 32768 : i32
      %add3A_1252 = vector.broadcast %add3A_1251 : i32 to vector<16xi32>
      %add3A_1253 = arith.addi %bitcast3A_1250, %add3A_1252 : vector<16xi32>
      %and3A_1254 = arith.constant -65536 : i32
      %and3A_1255 = vector.broadcast %and3A_1254 : i32 to vector<16xi32>
      %and3A_1256 = arith.andi %add3A_1253, %and3A_1255 : vector<16xi32>
      %bitcast3A_1257 = vector.bitcast %and3A_1256 : vector<16xi32> to vector<16xf32>
      %mul3A_1258 = arith.mulf %bitcast3A_1257, %bitcast3A_52 : vector<16xf32>
      %add3A_1259 = arith.addf %broadcast_in_dim3A_1247, %mul3A_1258 : vector<16xf32>
      %mul3A_1260 = arith.mulf %gather3A_1245, %get3A_32 : vector<16xf32>
      %add3A_1261 = arith.addf %mul3A_1260, %get3A_40 : vector<16xf32>
      %bitcast3A_1262 = vector.bitcast %add3A_1261 : vector<16xf32> to vector<16xi32>
      %add3A_1263 = arith.constant 32768 : i32
      %add3A_1264 = vector.broadcast %add3A_1263 : i32 to vector<16xi32>
      %add3A_1265 = arith.addi %bitcast3A_1262, %add3A_1264 : vector<16xi32>
      %and3A_1266 = arith.constant -65536 : i32
      %and3A_1267 = vector.broadcast %and3A_1266 : i32 to vector<16xi32>
      %and3A_1268 = arith.andi %add3A_1265, %and3A_1267 : vector<16xi32>
      %bitcast3A_1269 = vector.bitcast %and3A_1268 : vector<16xi32> to vector<16xf32>
      %mul3A_1270 = arith.mulf %bitcast3A_1269, %bitcast3A_62 : vector<16xf32>
      %add3A_1271 = arith.addf %add3A_1259, %mul3A_1270 : vector<16xf32>
      %mul3A_1272 = arith.mulf %gather3A_1245, %get3A_34 : vector<16xf32>
      %add3A_1273 = arith.addf %mul3A_1272, %get3A_42 : vector<16xf32>
      %bitcast3A_1274 = vector.bitcast %add3A_1273 : vector<16xf32> to vector<16xi32>
      %add3A_1275 = arith.constant 32768 : i32
      %add3A_1276 = vector.broadcast %add3A_1275 : i32 to vector<16xi32>
      %add3A_1277 = arith.addi %bitcast3A_1274, %add3A_1276 : vector<16xi32>
      %and3A_1278 = arith.constant -65536 : i32
      %and3A_1279 = vector.broadcast %and3A_1278 : i32 to vector<16xi32>
      %and3A_1280 = arith.andi %add3A_1277, %and3A_1279 : vector<16xi32>
      %bitcast3A_1281 = vector.bitcast %and3A_1280 : vector<16xi32> to vector<16xf32>
      %mul3A_1282 = arith.mulf %bitcast3A_1281, %bitcast3A_72 : vector<16xf32>
      %add3A_1283 = arith.addf %add3A_1271, %mul3A_1282 : vector<16xf32>
      %mul3A_1284 = arith.mulf %gather3A_1245, %get3A_36 : vector<16xf32>
      %add3A_1285 = arith.addf %mul3A_1284, %get3A_44 : vector<16xf32>
      %bitcast3A_1286 = vector.bitcast %add3A_1285 : vector<16xf32> to vector<16xi32>
      %add3A_1287 = arith.constant 32768 : i32
      %add3A_1288 = vector.broadcast %add3A_1287 : i32 to vector<16xi32>
      %add3A_1289 = arith.addi %bitcast3A_1286, %add3A_1288 : vector<16xi32>
      %and3A_1290 = arith.constant -65536 : i32
      %and3A_1291 = vector.broadcast %and3A_1290 : i32 to vector<16xi32>
      %and3A_1292 = arith.andi %add3A_1289, %and3A_1291 : vector<16xi32>
      %bitcast3A_1293 = vector.bitcast %and3A_1292 : vector<16xi32> to vector<16xf32>
      %mul3A_1294 = arith.mulf %bitcast3A_1293, %bitcast3A_82 : vector<16xf32>
      %add3A_1295 = arith.addf %add3A_1283, %mul3A_1294 : vector<16xf32>
      %xor3A_1296 = arith.constant 1 : i32
      %xor3A_1297 = vector.broadcast %xor3A_1296 : i32 to vector<16xi32>
      %xor3A_1298 = arith.xori %iota3A, %xor3A_1297 : vector<16xi32>
      %broadcast_in_dim3A_1299 = vector.shape_cast %xor3A_1298 : vector<16xi32> to vector<16x1xi32>
      %gather3A_1300 = vector.shape_cast %broadcast_in_dim3A_1299 : vector<16x1xi32> to vector<16xi32>
      %gather3A_1301 = tpu.dynamic_gather %add3A_1295[%gather3A_1300] in [0] : vector<16xf32>, vector<16xi32> -> vector<16xf32>
      %add3A_1302 = arith.addf %add3A_1295, %gather3A_1301 : vector<16xf32>
      %xor3A_1303 = arith.constant 2 : i32
      %xor3A_1304 = vector.broadcast %xor3A_1303 : i32 to vector<16xi32>
      %xor3A_1305 = arith.xori %iota3A, %xor3A_1304 : vector<16xi32>
      %broadcast_in_dim3A_1306 = vector.shape_cast %xor3A_1305 : vector<16xi32> to vector<16x1xi32>
      %gather3A_1307 = vector.shape_cast %broadcast_in_dim3A_1306 : vector<16x1xi32> to vector<16xi32>
      %gather3A_1308 = tpu.dynamic_gather %add3A_1302[%gather3A_1307] in [0] : vector<16xf32>, vector<16xi32> -> vector<16xf32>
      %add3A_1309 = arith.addf %add3A_1302, %gather3A_1308 : vector<16xf32>
      %xor3A_1310 = arith.constant 4 : i32
      %xor3A_1311 = vector.broadcast %xor3A_1310 : i32 to vector<16xi32>
      %xor3A_1312 = arith.xori %iota3A, %xor3A_1311 : vector<16xi32>
      %broadcast_in_dim3A_1313 = vector.shape_cast %xor3A_1312 : vector<16xi32> to vector<16x1xi32>
      %gather3A_1314 = vector.shape_cast %broadcast_in_dim3A_1313 : vector<16x1xi32> to vector<16xi32>
      %gather3A_1315 = tpu.dynamic_gather %add3A_1309[%gather3A_1314] in [0] : vector<16xf32>, vector<16xi32> -> vector<16xf32>
      %add3A_1316 = arith.addf %add3A_1309, %gather3A_1315 : vector<16xf32>
      %xor3A_1317 = arith.constant 8 : i32
      %xor3A_1318 = vector.broadcast %xor3A_1317 : i32 to vector<16xi32>
      %xor3A_1319 = arith.xori %iota3A, %xor3A_1318 : vector<16xi32>
      %broadcast_in_dim3A_1320 = vector.shape_cast %xor3A_1319 : vector<16xi32> to vector<16x1xi32>
      %gather3A_1321 = vector.shape_cast %broadcast_in_dim3A_1320 : vector<16x1xi32> to vector<16xi32>
      %gather3A_1322 = tpu.dynamic_gather %add3A_1316[%gather3A_1321] in [0] : vector<16xf32>, vector<16xi32> -> vector<16xf32>
      %add3A_1323 = arith.addf %add3A_1316, %gather3A_1322 : vector<16xf32>
      %eq3A_1324 = arith.constant 11 : i32
      %eq3A_1325 = vector.broadcast %eq3A_1324 : i32 to vector<16xi32>
      %eq3A_1326 = arith.cmpi eq, %iota3A, %eq3A_1325 : vector<16xi32>
      %select_n3A_1327 = arith.select %eq3A_1326, %add3A_1323, %select_n3A_1240 : vector<16xi1>, vector<16xf32>
      %broadcast_in_dim3A_1328 = arith.constant 12 : i32
      %broadcast_in_dim3A_1329 = vector.broadcast %broadcast_in_dim3A_1328 : i32 to vector<16xi32>
      %broadcast_in_dim3A_1330 = vector.shape_cast %broadcast_in_dim3A_1329 : vector<16xi32> to vector<16x1xi32>
      %gather3A_1331 = vector.shape_cast %broadcast_in_dim3A_1330 : vector<16x1xi32> to vector<16xi32>
      %gather3A_1332 = tpu.dynamic_gather %get3A_283[%gather3A_1331] in [0] : vector<16xf32>, vector<16xi32> -> vector<16xf32>
      %broadcast_in_dim3A_1333 = arith.constant 0.000000e+00 : f32
      %broadcast_in_dim3A_1334 = vector.broadcast %broadcast_in_dim3A_1333 : f32 to vector<16xf32>
      %mul3A_1335 = arith.mulf %gather3A_1332, %get3A_30 : vector<16xf32>
      %add3A_1336 = arith.addf %mul3A_1335, %get3A_38 : vector<16xf32>
      %bitcast3A_1337 = vector.bitcast %add3A_1336 : vector<16xf32> to vector<16xi32>
      %add3A_1338 = arith.constant 32768 : i32
      %add3A_1339 = vector.broadcast %add3A_1338 : i32 to vector<16xi32>
      %add3A_1340 = arith.addi %bitcast3A_1337, %add3A_1339 : vector<16xi32>
      %and3A_1341 = arith.constant -65536 : i32
      %and3A_1342 = vector.broadcast %and3A_1341 : i32 to vector<16xi32>
      %and3A_1343 = arith.andi %add3A_1340, %and3A_1342 : vector<16xi32>
      %bitcast3A_1344 = vector.bitcast %and3A_1343 : vector<16xi32> to vector<16xf32>
      %mul3A_1345 = arith.mulf %bitcast3A_1344, %bitcast3A_52 : vector<16xf32>
      %add3A_1346 = arith.addf %broadcast_in_dim3A_1334, %mul3A_1345 : vector<16xf32>
      %mul3A_1347 = arith.mulf %gather3A_1332, %get3A_32 : vector<16xf32>
      %add3A_1348 = arith.addf %mul3A_1347, %get3A_40 : vector<16xf32>
      %bitcast3A_1349 = vector.bitcast %add3A_1348 : vector<16xf32> to vector<16xi32>
      %add3A_1350 = arith.constant 32768 : i32
      %add3A_1351 = vector.broadcast %add3A_1350 : i32 to vector<16xi32>
      %add3A_1352 = arith.addi %bitcast3A_1349, %add3A_1351 : vector<16xi32>
      %and3A_1353 = arith.constant -65536 : i32
      %and3A_1354 = vector.broadcast %and3A_1353 : i32 to vector<16xi32>
      %and3A_1355 = arith.andi %add3A_1352, %and3A_1354 : vector<16xi32>
      %bitcast3A_1356 = vector.bitcast %and3A_1355 : vector<16xi32> to vector<16xf32>
      %mul3A_1357 = arith.mulf %bitcast3A_1356, %bitcast3A_62 : vector<16xf32>
      %add3A_1358 = arith.addf %add3A_1346, %mul3A_1357 : vector<16xf32>
      %mul3A_1359 = arith.mulf %gather3A_1332, %get3A_34 : vector<16xf32>
      %add3A_1360 = arith.addf %mul3A_1359, %get3A_42 : vector<16xf32>
      %bitcast3A_1361 = vector.bitcast %add3A_1360 : vector<16xf32> to vector<16xi32>
      %add3A_1362 = arith.constant 32768 : i32
      %add3A_1363 = vector.broadcast %add3A_1362 : i32 to vector<16xi32>
      %add3A_1364 = arith.addi %bitcast3A_1361, %add3A_1363 : vector<16xi32>
      %and3A_1365 = arith.constant -65536 : i32
      %and3A_1366 = vector.broadcast %and3A_1365 : i32 to vector<16xi32>
      %and3A_1367 = arith.andi %add3A_1364, %and3A_1366 : vector<16xi32>
      %bitcast3A_1368 = vector.bitcast %and3A_1367 : vector<16xi32> to vector<16xf32>
      %mul3A_1369 = arith.mulf %bitcast3A_1368, %bitcast3A_72 : vector<16xf32>
      %add3A_1370 = arith.addf %add3A_1358, %mul3A_1369 : vector<16xf32>
      %mul3A_1371 = arith.mulf %gather3A_1332, %get3A_36 : vector<16xf32>
      %add3A_1372 = arith.addf %mul3A_1371, %get3A_44 : vector<16xf32>
      %bitcast3A_1373 = vector.bitcast %add3A_1372 : vector<16xf32> to vector<16xi32>
      %add3A_1374 = arith.constant 32768 : i32
      %add3A_1375 = vector.broadcast %add3A_1374 : i32 to vector<16xi32>
      %add3A_1376 = arith.addi %bitcast3A_1373, %add3A_1375 : vector<16xi32>
      %and3A_1377 = arith.constant -65536 : i32
      %and3A_1378 = vector.broadcast %and3A_1377 : i32 to vector<16xi32>
      %and3A_1379 = arith.andi %add3A_1376, %and3A_1378 : vector<16xi32>
      %bitcast3A_1380 = vector.bitcast %and3A_1379 : vector<16xi32> to vector<16xf32>
      %mul3A_1381 = arith.mulf %bitcast3A_1380, %bitcast3A_82 : vector<16xf32>
      %add3A_1382 = arith.addf %add3A_1370, %mul3A_1381 : vector<16xf32>
      %xor3A_1383 = arith.constant 1 : i32
      %xor3A_1384 = vector.broadcast %xor3A_1383 : i32 to vector<16xi32>
      %xor3A_1385 = arith.xori %iota3A, %xor3A_1384 : vector<16xi32>
      %broadcast_in_dim3A_1386 = vector.shape_cast %xor3A_1385 : vector<16xi32> to vector<16x1xi32>
      %gather3A_1387 = vector.shape_cast %broadcast_in_dim3A_1386 : vector<16x1xi32> to vector<16xi32>
      %gather3A_1388 = tpu.dynamic_gather %add3A_1382[%gather3A_1387] in [0] : vector<16xf32>, vector<16xi32> -> vector<16xf32>
      %add3A_1389 = arith.addf %add3A_1382, %gather3A_1388 : vector<16xf32>
      %xor3A_1390 = arith.constant 2 : i32
      %xor3A_1391 = vector.broadcast %xor3A_1390 : i32 to vector<16xi32>
      %xor3A_1392 = arith.xori %iota3A, %xor3A_1391 : vector<16xi32>
      %broadcast_in_dim3A_1393 = vector.shape_cast %xor3A_1392 : vector<16xi32> to vector<16x1xi32>
      %gather3A_1394 = vector.shape_cast %broadcast_in_dim3A_1393 : vector<16x1xi32> to vector<16xi32>
      %gather3A_1395 = tpu.dynamic_gather %add3A_1389[%gather3A_1394] in [0] : vector<16xf32>, vector<16xi32> -> vector<16xf32>
      %add3A_1396 = arith.addf %add3A_1389, %gather3A_1395 : vector<16xf32>
      %xor3A_1397 = arith.constant 4 : i32
      %xor3A_1398 = vector.broadcast %xor3A_1397 : i32 to vector<16xi32>
      %xor3A_1399 = arith.xori %iota3A, %xor3A_1398 : vector<16xi32>
      %broadcast_in_dim3A_1400 = vector.shape_cast %xor3A_1399 : vector<16xi32> to vector<16x1xi32>
      %gather3A_1401 = vector.shape_cast %broadcast_in_dim3A_1400 : vector<16x1xi32> to vector<16xi32>
      %gather3A_1402 = tpu.dynamic_gather %add3A_1396[%gather3A_1401] in [0] : vector<16xf32>, vector<16xi32> -> vector<16xf32>
      %add3A_1403 = arith.addf %add3A_1396, %gather3A_1402 : vector<16xf32>
      %xor3A_1404 = arith.constant 8 : i32
      %xor3A_1405 = vector.broadcast %xor3A_1404 : i32 to vector<16xi32>
      %xor3A_1406 = arith.xori %iota3A, %xor3A_1405 : vector<16xi32>
      %broadcast_in_dim3A_1407 = vector.shape_cast %xor3A_1406 : vector<16xi32> to vector<16x1xi32>
      %gather3A_1408 = vector.shape_cast %broadcast_in_dim3A_1407 : vector<16x1xi32> to vector<16xi32>
      %gather3A_1409 = tpu.dynamic_gather %add3A_1403[%gather3A_1408] in [0] : vector<16xf32>, vector<16xi32> -> vector<16xf32>
      %add3A_1410 = arith.addf %add3A_1403, %gather3A_1409 : vector<16xf32>
      %eq3A_1411 = arith.constant 12 : i32
      %eq3A_1412 = vector.broadcast %eq3A_1411 : i32 to vector<16xi32>
      %eq3A_1413 = arith.cmpi eq, %iota3A, %eq3A_1412 : vector<16xi32>
      %select_n3A_1414 = arith.select %eq3A_1413, %add3A_1410, %select_n3A_1327 : vector<16xi1>, vector<16xf32>
      %broadcast_in_dim3A_1415 = arith.constant 13 : i32
      %broadcast_in_dim3A_1416 = vector.broadcast %broadcast_in_dim3A_1415 : i32 to vector<16xi32>
      %broadcast_in_dim3A_1417 = vector.shape_cast %broadcast_in_dim3A_1416 : vector<16xi32> to vector<16x1xi32>
      %gather3A_1418 = vector.shape_cast %broadcast_in_dim3A_1417 : vector<16x1xi32> to vector<16xi32>
      %gather3A_1419 = tpu.dynamic_gather %get3A_283[%gather3A_1418] in [0] : vector<16xf32>, vector<16xi32> -> vector<16xf32>
      %broadcast_in_dim3A_1420 = arith.constant 0.000000e+00 : f32
      %broadcast_in_dim3A_1421 = vector.broadcast %broadcast_in_dim3A_1420 : f32 to vector<16xf32>
      %mul3A_1422 = arith.mulf %gather3A_1419, %get3A_30 : vector<16xf32>
      %add3A_1423 = arith.addf %mul3A_1422, %get3A_38 : vector<16xf32>
      %bitcast3A_1424 = vector.bitcast %add3A_1423 : vector<16xf32> to vector<16xi32>
      %add3A_1425 = arith.constant 32768 : i32
      %add3A_1426 = vector.broadcast %add3A_1425 : i32 to vector<16xi32>
      %add3A_1427 = arith.addi %bitcast3A_1424, %add3A_1426 : vector<16xi32>
      %and3A_1428 = arith.constant -65536 : i32
      %and3A_1429 = vector.broadcast %and3A_1428 : i32 to vector<16xi32>
      %and3A_1430 = arith.andi %add3A_1427, %and3A_1429 : vector<16xi32>
      %bitcast3A_1431 = vector.bitcast %and3A_1430 : vector<16xi32> to vector<16xf32>
      %mul3A_1432 = arith.mulf %bitcast3A_1431, %bitcast3A_52 : vector<16xf32>
      %add3A_1433 = arith.addf %broadcast_in_dim3A_1421, %mul3A_1432 : vector<16xf32>
      %mul3A_1434 = arith.mulf %gather3A_1419, %get3A_32 : vector<16xf32>
      %add3A_1435 = arith.addf %mul3A_1434, %get3A_40 : vector<16xf32>
      %bitcast3A_1436 = vector.bitcast %add3A_1435 : vector<16xf32> to vector<16xi32>
      %add3A_1437 = arith.constant 32768 : i32
      %add3A_1438 = vector.broadcast %add3A_1437 : i32 to vector<16xi32>
      %add3A_1439 = arith.addi %bitcast3A_1436, %add3A_1438 : vector<16xi32>
      %and3A_1440 = arith.constant -65536 : i32
      %and3A_1441 = vector.broadcast %and3A_1440 : i32 to vector<16xi32>
      %and3A_1442 = arith.andi %add3A_1439, %and3A_1441 : vector<16xi32>
      %bitcast3A_1443 = vector.bitcast %and3A_1442 : vector<16xi32> to vector<16xf32>
      %mul3A_1444 = arith.mulf %bitcast3A_1443, %bitcast3A_62 : vector<16xf32>
      %add3A_1445 = arith.addf %add3A_1433, %mul3A_1444 : vector<16xf32>
      %mul3A_1446 = arith.mulf %gather3A_1419, %get3A_34 : vector<16xf32>
      %add3A_1447 = arith.addf %mul3A_1446, %get3A_42 : vector<16xf32>
      %bitcast3A_1448 = vector.bitcast %add3A_1447 : vector<16xf32> to vector<16xi32>
      %add3A_1449 = arith.constant 32768 : i32
      %add3A_1450 = vector.broadcast %add3A_1449 : i32 to vector<16xi32>
      %add3A_1451 = arith.addi %bitcast3A_1448, %add3A_1450 : vector<16xi32>
      %and3A_1452 = arith.constant -65536 : i32
      %and3A_1453 = vector.broadcast %and3A_1452 : i32 to vector<16xi32>
      %and3A_1454 = arith.andi %add3A_1451, %and3A_1453 : vector<16xi32>
      %bitcast3A_1455 = vector.bitcast %and3A_1454 : vector<16xi32> to vector<16xf32>
      %mul3A_1456 = arith.mulf %bitcast3A_1455, %bitcast3A_72 : vector<16xf32>
      %add3A_1457 = arith.addf %add3A_1445, %mul3A_1456 : vector<16xf32>
      %mul3A_1458 = arith.mulf %gather3A_1419, %get3A_36 : vector<16xf32>
      %add3A_1459 = arith.addf %mul3A_1458, %get3A_44 : vector<16xf32>
      %bitcast3A_1460 = vector.bitcast %add3A_1459 : vector<16xf32> to vector<16xi32>
      %add3A_1461 = arith.constant 32768 : i32
      %add3A_1462 = vector.broadcast %add3A_1461 : i32 to vector<16xi32>
      %add3A_1463 = arith.addi %bitcast3A_1460, %add3A_1462 : vector<16xi32>
      %and3A_1464 = arith.constant -65536 : i32
      %and3A_1465 = vector.broadcast %and3A_1464 : i32 to vector<16xi32>
      %and3A_1466 = arith.andi %add3A_1463, %and3A_1465 : vector<16xi32>
      %bitcast3A_1467 = vector.bitcast %and3A_1466 : vector<16xi32> to vector<16xf32>
      %mul3A_1468 = arith.mulf %bitcast3A_1467, %bitcast3A_82 : vector<16xf32>
      %add3A_1469 = arith.addf %add3A_1457, %mul3A_1468 : vector<16xf32>
      %xor3A_1470 = arith.constant 1 : i32
      %xor3A_1471 = vector.broadcast %xor3A_1470 : i32 to vector<16xi32>
      %xor3A_1472 = arith.xori %iota3A, %xor3A_1471 : vector<16xi32>
      %broadcast_in_dim3A_1473 = vector.shape_cast %xor3A_1472 : vector<16xi32> to vector<16x1xi32>
      %gather3A_1474 = vector.shape_cast %broadcast_in_dim3A_1473 : vector<16x1xi32> to vector<16xi32>
      %gather3A_1475 = tpu.dynamic_gather %add3A_1469[%gather3A_1474] in [0] : vector<16xf32>, vector<16xi32> -> vector<16xf32>
      %add3A_1476 = arith.addf %add3A_1469, %gather3A_1475 : vector<16xf32>
      %xor3A_1477 = arith.constant 2 : i32
      %xor3A_1478 = vector.broadcast %xor3A_1477 : i32 to vector<16xi32>
      %xor3A_1479 = arith.xori %iota3A, %xor3A_1478 : vector<16xi32>
      %broadcast_in_dim3A_1480 = vector.shape_cast %xor3A_1479 : vector<16xi32> to vector<16x1xi32>
      %gather3A_1481 = vector.shape_cast %broadcast_in_dim3A_1480 : vector<16x1xi32> to vector<16xi32>
      %gather3A_1482 = tpu.dynamic_gather %add3A_1476[%gather3A_1481] in [0] : vector<16xf32>, vector<16xi32> -> vector<16xf32>
      %add3A_1483 = arith.addf %add3A_1476, %gather3A_1482 : vector<16xf32>
      %xor3A_1484 = arith.constant 4 : i32
      %xor3A_1485 = vector.broadcast %xor3A_1484 : i32 to vector<16xi32>
      %xor3A_1486 = arith.xori %iota3A, %xor3A_1485 : vector<16xi32>
      %broadcast_in_dim3A_1487 = vector.shape_cast %xor3A_1486 : vector<16xi32> to vector<16x1xi32>
      %gather3A_1488 = vector.shape_cast %broadcast_in_dim3A_1487 : vector<16x1xi32> to vector<16xi32>
      %gather3A_1489 = tpu.dynamic_gather %add3A_1483[%gather3A_1488] in [0] : vector<16xf32>, vector<16xi32> -> vector<16xf32>
      %add3A_1490 = arith.addf %add3A_1483, %gather3A_1489 : vector<16xf32>
      %xor3A_1491 = arith.constant 8 : i32
      %xor3A_1492 = vector.broadcast %xor3A_1491 : i32 to vector<16xi32>
      %xor3A_1493 = arith.xori %iota3A, %xor3A_1492 : vector<16xi32>
      %broadcast_in_dim3A_1494 = vector.shape_cast %xor3A_1493 : vector<16xi32> to vector<16x1xi32>
      %gather3A_1495 = vector.shape_cast %broadcast_in_dim3A_1494 : vector<16x1xi32> to vector<16xi32>
      %gather3A_1496 = tpu.dynamic_gather %add3A_1490[%gather3A_1495] in [0] : vector<16xf32>, vector<16xi32> -> vector<16xf32>
      %add3A_1497 = arith.addf %add3A_1490, %gather3A_1496 : vector<16xf32>
      %eq3A_1498 = arith.constant 13 : i32
      %eq3A_1499 = vector.broadcast %eq3A_1498 : i32 to vector<16xi32>
      %eq3A_1500 = arith.cmpi eq, %iota3A, %eq3A_1499 : vector<16xi32>
      %select_n3A_1501 = arith.select %eq3A_1500, %add3A_1497, %select_n3A_1414 : vector<16xi1>, vector<16xf32>
      %broadcast_in_dim3A_1502 = arith.constant 14 : i32
      %broadcast_in_dim3A_1503 = vector.broadcast %broadcast_in_dim3A_1502 : i32 to vector<16xi32>
      %broadcast_in_dim3A_1504 = vector.shape_cast %broadcast_in_dim3A_1503 : vector<16xi32> to vector<16x1xi32>
      %gather3A_1505 = vector.shape_cast %broadcast_in_dim3A_1504 : vector<16x1xi32> to vector<16xi32>
      %gather3A_1506 = tpu.dynamic_gather %get3A_283[%gather3A_1505] in [0] : vector<16xf32>, vector<16xi32> -> vector<16xf32>
      %broadcast_in_dim3A_1507 = arith.constant 0.000000e+00 : f32
      %broadcast_in_dim3A_1508 = vector.broadcast %broadcast_in_dim3A_1507 : f32 to vector<16xf32>
      %mul3A_1509 = arith.mulf %gather3A_1506, %get3A_30 : vector<16xf32>
      %add3A_1510 = arith.addf %mul3A_1509, %get3A_38 : vector<16xf32>
      %bitcast3A_1511 = vector.bitcast %add3A_1510 : vector<16xf32> to vector<16xi32>
      %add3A_1512 = arith.constant 32768 : i32
      %add3A_1513 = vector.broadcast %add3A_1512 : i32 to vector<16xi32>
      %add3A_1514 = arith.addi %bitcast3A_1511, %add3A_1513 : vector<16xi32>
      %and3A_1515 = arith.constant -65536 : i32
      %and3A_1516 = vector.broadcast %and3A_1515 : i32 to vector<16xi32>
      %and3A_1517 = arith.andi %add3A_1514, %and3A_1516 : vector<16xi32>
      %bitcast3A_1518 = vector.bitcast %and3A_1517 : vector<16xi32> to vector<16xf32>
      %mul3A_1519 = arith.mulf %bitcast3A_1518, %bitcast3A_52 : vector<16xf32>
      %add3A_1520 = arith.addf %broadcast_in_dim3A_1508, %mul3A_1519 : vector<16xf32>
      %mul3A_1521 = arith.mulf %gather3A_1506, %get3A_32 : vector<16xf32>
      %add3A_1522 = arith.addf %mul3A_1521, %get3A_40 : vector<16xf32>
      %bitcast3A_1523 = vector.bitcast %add3A_1522 : vector<16xf32> to vector<16xi32>
      %add3A_1524 = arith.constant 32768 : i32
      %add3A_1525 = vector.broadcast %add3A_1524 : i32 to vector<16xi32>
      %add3A_1526 = arith.addi %bitcast3A_1523, %add3A_1525 : vector<16xi32>
      %and3A_1527 = arith.constant -65536 : i32
      %and3A_1528 = vector.broadcast %and3A_1527 : i32 to vector<16xi32>
      %and3A_1529 = arith.andi %add3A_1526, %and3A_1528 : vector<16xi32>
      %bitcast3A_1530 = vector.bitcast %and3A_1529 : vector<16xi32> to vector<16xf32>
      %mul3A_1531 = arith.mulf %bitcast3A_1530, %bitcast3A_62 : vector<16xf32>
      %add3A_1532 = arith.addf %add3A_1520, %mul3A_1531 : vector<16xf32>
      %mul3A_1533 = arith.mulf %gather3A_1506, %get3A_34 : vector<16xf32>
      %add3A_1534 = arith.addf %mul3A_1533, %get3A_42 : vector<16xf32>
      %bitcast3A_1535 = vector.bitcast %add3A_1534 : vector<16xf32> to vector<16xi32>
      %add3A_1536 = arith.constant 32768 : i32
      %add3A_1537 = vector.broadcast %add3A_1536 : i32 to vector<16xi32>
      %add3A_1538 = arith.addi %bitcast3A_1535, %add3A_1537 : vector<16xi32>
      %and3A_1539 = arith.constant -65536 : i32
      %and3A_1540 = vector.broadcast %and3A_1539 : i32 to vector<16xi32>
      %and3A_1541 = arith.andi %add3A_1538, %and3A_1540 : vector<16xi32>
      %bitcast3A_1542 = vector.bitcast %and3A_1541 : vector<16xi32> to vector<16xf32>
      %mul3A_1543 = arith.mulf %bitcast3A_1542, %bitcast3A_72 : vector<16xf32>
      %add3A_1544 = arith.addf %add3A_1532, %mul3A_1543 : vector<16xf32>
      %mul3A_1545 = arith.mulf %gather3A_1506, %get3A_36 : vector<16xf32>
      %add3A_1546 = arith.addf %mul3A_1545, %get3A_44 : vector<16xf32>
      %bitcast3A_1547 = vector.bitcast %add3A_1546 : vector<16xf32> to vector<16xi32>
      %add3A_1548 = arith.constant 32768 : i32
      %add3A_1549 = vector.broadcast %add3A_1548 : i32 to vector<16xi32>
      %add3A_1550 = arith.addi %bitcast3A_1547, %add3A_1549 : vector<16xi32>
      %and3A_1551 = arith.constant -65536 : i32
      %and3A_1552 = vector.broadcast %and3A_1551 : i32 to vector<16xi32>
      %and3A_1553 = arith.andi %add3A_1550, %and3A_1552 : vector<16xi32>
      %bitcast3A_1554 = vector.bitcast %and3A_1553 : vector<16xi32> to vector<16xf32>
      %mul3A_1555 = arith.mulf %bitcast3A_1554, %bitcast3A_82 : vector<16xf32>
      %add3A_1556 = arith.addf %add3A_1544, %mul3A_1555 : vector<16xf32>
      %xor3A_1557 = arith.constant 1 : i32
      %xor3A_1558 = vector.broadcast %xor3A_1557 : i32 to vector<16xi32>
      %xor3A_1559 = arith.xori %iota3A, %xor3A_1558 : vector<16xi32>
      %broadcast_in_dim3A_1560 = vector.shape_cast %xor3A_1559 : vector<16xi32> to vector<16x1xi32>
      %gather3A_1561 = vector.shape_cast %broadcast_in_dim3A_1560 : vector<16x1xi32> to vector<16xi32>
      %gather3A_1562 = tpu.dynamic_gather %add3A_1556[%gather3A_1561] in [0] : vector<16xf32>, vector<16xi32> -> vector<16xf32>
      %add3A_1563 = arith.addf %add3A_1556, %gather3A_1562 : vector<16xf32>
      %xor3A_1564 = arith.constant 2 : i32
      %xor3A_1565 = vector.broadcast %xor3A_1564 : i32 to vector<16xi32>
      %xor3A_1566 = arith.xori %iota3A, %xor3A_1565 : vector<16xi32>
      %broadcast_in_dim3A_1567 = vector.shape_cast %xor3A_1566 : vector<16xi32> to vector<16x1xi32>
      %gather3A_1568 = vector.shape_cast %broadcast_in_dim3A_1567 : vector<16x1xi32> to vector<16xi32>
      %gather3A_1569 = tpu.dynamic_gather %add3A_1563[%gather3A_1568] in [0] : vector<16xf32>, vector<16xi32> -> vector<16xf32>
      %add3A_1570 = arith.addf %add3A_1563, %gather3A_1569 : vector<16xf32>
      %xor3A_1571 = arith.constant 4 : i32
      %xor3A_1572 = vector.broadcast %xor3A_1571 : i32 to vector<16xi32>
      %xor3A_1573 = arith.xori %iota3A, %xor3A_1572 : vector<16xi32>
      %broadcast_in_dim3A_1574 = vector.shape_cast %xor3A_1573 : vector<16xi32> to vector<16x1xi32>
      %gather3A_1575 = vector.shape_cast %broadcast_in_dim3A_1574 : vector<16x1xi32> to vector<16xi32>
      %gather3A_1576 = tpu.dynamic_gather %add3A_1570[%gather3A_1575] in [0] : vector<16xf32>, vector<16xi32> -> vector<16xf32>
      %add3A_1577 = arith.addf %add3A_1570, %gather3A_1576 : vector<16xf32>
      %xor3A_1578 = arith.constant 8 : i32
      %xor3A_1579 = vector.broadcast %xor3A_1578 : i32 to vector<16xi32>
      %xor3A_1580 = arith.xori %iota3A, %xor3A_1579 : vector<16xi32>
      %broadcast_in_dim3A_1581 = vector.shape_cast %xor3A_1580 : vector<16xi32> to vector<16x1xi32>
      %gather3A_1582 = vector.shape_cast %broadcast_in_dim3A_1581 : vector<16x1xi32> to vector<16xi32>
      %gather3A_1583 = tpu.dynamic_gather %add3A_1577[%gather3A_1582] in [0] : vector<16xf32>, vector<16xi32> -> vector<16xf32>
      %add3A_1584 = arith.addf %add3A_1577, %gather3A_1583 : vector<16xf32>
      %eq3A_1585 = arith.constant 14 : i32
      %eq3A_1586 = vector.broadcast %eq3A_1585 : i32 to vector<16xi32>
      %eq3A_1587 = arith.cmpi eq, %iota3A, %eq3A_1586 : vector<16xi32>
      %select_n3A_1588 = arith.select %eq3A_1587, %add3A_1584, %select_n3A_1501 : vector<16xi1>, vector<16xf32>
      %broadcast_in_dim3A_1589 = arith.constant 15 : i32
      %broadcast_in_dim3A_1590 = vector.broadcast %broadcast_in_dim3A_1589 : i32 to vector<16xi32>
      %broadcast_in_dim3A_1591 = vector.shape_cast %broadcast_in_dim3A_1590 : vector<16xi32> to vector<16x1xi32>
      %gather3A_1592 = vector.shape_cast %broadcast_in_dim3A_1591 : vector<16x1xi32> to vector<16xi32>
      %gather3A_1593 = tpu.dynamic_gather %get3A_283[%gather3A_1592] in [0] : vector<16xf32>, vector<16xi32> -> vector<16xf32>
      %broadcast_in_dim3A_1594 = arith.constant 0.000000e+00 : f32
      %broadcast_in_dim3A_1595 = vector.broadcast %broadcast_in_dim3A_1594 : f32 to vector<16xf32>
      %mul3A_1596 = arith.mulf %gather3A_1593, %get3A_30 : vector<16xf32>
      %add3A_1597 = arith.addf %mul3A_1596, %get3A_38 : vector<16xf32>
      %bitcast3A_1598 = vector.bitcast %add3A_1597 : vector<16xf32> to vector<16xi32>
      %add3A_1599 = arith.constant 32768 : i32
      %add3A_1600 = vector.broadcast %add3A_1599 : i32 to vector<16xi32>
      %add3A_1601 = arith.addi %bitcast3A_1598, %add3A_1600 : vector<16xi32>
      %and3A_1602 = arith.constant -65536 : i32
      %and3A_1603 = vector.broadcast %and3A_1602 : i32 to vector<16xi32>
      %and3A_1604 = arith.andi %add3A_1601, %and3A_1603 : vector<16xi32>
      %bitcast3A_1605 = vector.bitcast %and3A_1604 : vector<16xi32> to vector<16xf32>
      %mul3A_1606 = arith.mulf %bitcast3A_1605, %bitcast3A_52 : vector<16xf32>
      %add3A_1607 = arith.addf %broadcast_in_dim3A_1595, %mul3A_1606 : vector<16xf32>
      %mul3A_1608 = arith.mulf %gather3A_1593, %get3A_32 : vector<16xf32>
      %add3A_1609 = arith.addf %mul3A_1608, %get3A_40 : vector<16xf32>
      %bitcast3A_1610 = vector.bitcast %add3A_1609 : vector<16xf32> to vector<16xi32>
      %add3A_1611 = arith.constant 32768 : i32
      %add3A_1612 = vector.broadcast %add3A_1611 : i32 to vector<16xi32>
      %add3A_1613 = arith.addi %bitcast3A_1610, %add3A_1612 : vector<16xi32>
      %and3A_1614 = arith.constant -65536 : i32
      %and3A_1615 = vector.broadcast %and3A_1614 : i32 to vector<16xi32>
      %and3A_1616 = arith.andi %add3A_1613, %and3A_1615 : vector<16xi32>
      %bitcast3A_1617 = vector.bitcast %and3A_1616 : vector<16xi32> to vector<16xf32>
      %mul3A_1618 = arith.mulf %bitcast3A_1617, %bitcast3A_62 : vector<16xf32>
      %add3A_1619 = arith.addf %add3A_1607, %mul3A_1618 : vector<16xf32>
      %mul3A_1620 = arith.mulf %gather3A_1593, %get3A_34 : vector<16xf32>
      %add3A_1621 = arith.addf %mul3A_1620, %get3A_42 : vector<16xf32>
      %bitcast3A_1622 = vector.bitcast %add3A_1621 : vector<16xf32> to vector<16xi32>
      %add3A_1623 = arith.constant 32768 : i32
      %add3A_1624 = vector.broadcast %add3A_1623 : i32 to vector<16xi32>
      %add3A_1625 = arith.addi %bitcast3A_1622, %add3A_1624 : vector<16xi32>
      %and3A_1626 = arith.constant -65536 : i32
      %and3A_1627 = vector.broadcast %and3A_1626 : i32 to vector<16xi32>
      %and3A_1628 = arith.andi %add3A_1625, %and3A_1627 : vector<16xi32>
      %bitcast3A_1629 = vector.bitcast %and3A_1628 : vector<16xi32> to vector<16xf32>
      %mul3A_1630 = arith.mulf %bitcast3A_1629, %bitcast3A_72 : vector<16xf32>
      %add3A_1631 = arith.addf %add3A_1619, %mul3A_1630 : vector<16xf32>
      %mul3A_1632 = arith.mulf %gather3A_1593, %get3A_36 : vector<16xf32>
      %add3A_1633 = arith.addf %mul3A_1632, %get3A_44 : vector<16xf32>
      %bitcast3A_1634 = vector.bitcast %add3A_1633 : vector<16xf32> to vector<16xi32>
      %add3A_1635 = arith.constant 32768 : i32
      %add3A_1636 = vector.broadcast %add3A_1635 : i32 to vector<16xi32>
      %add3A_1637 = arith.addi %bitcast3A_1634, %add3A_1636 : vector<16xi32>
      %and3A_1638 = arith.constant -65536 : i32
      %and3A_1639 = vector.broadcast %and3A_1638 : i32 to vector<16xi32>
      %and3A_1640 = arith.andi %add3A_1637, %and3A_1639 : vector<16xi32>
      %bitcast3A_1641 = vector.bitcast %and3A_1640 : vector<16xi32> to vector<16xf32>
      %mul3A_1642 = arith.mulf %bitcast3A_1641, %bitcast3A_82 : vector<16xf32>
      %add3A_1643 = arith.addf %add3A_1631, %mul3A_1642 : vector<16xf32>
      %xor3A_1644 = arith.constant 1 : i32
      %xor3A_1645 = vector.broadcast %xor3A_1644 : i32 to vector<16xi32>
      %xor3A_1646 = arith.xori %iota3A, %xor3A_1645 : vector<16xi32>
      %broadcast_in_dim3A_1647 = vector.shape_cast %xor3A_1646 : vector<16xi32> to vector<16x1xi32>
      %gather3A_1648 = vector.shape_cast %broadcast_in_dim3A_1647 : vector<16x1xi32> to vector<16xi32>
      %gather3A_1649 = tpu.dynamic_gather %add3A_1643[%gather3A_1648] in [0] : vector<16xf32>, vector<16xi32> -> vector<16xf32>
      %add3A_1650 = arith.addf %add3A_1643, %gather3A_1649 : vector<16xf32>
      %xor3A_1651 = arith.constant 2 : i32
      %xor3A_1652 = vector.broadcast %xor3A_1651 : i32 to vector<16xi32>
      %xor3A_1653 = arith.xori %iota3A, %xor3A_1652 : vector<16xi32>
      %broadcast_in_dim3A_1654 = vector.shape_cast %xor3A_1653 : vector<16xi32> to vector<16x1xi32>
      %gather3A_1655 = vector.shape_cast %broadcast_in_dim3A_1654 : vector<16x1xi32> to vector<16xi32>
      %gather3A_1656 = tpu.dynamic_gather %add3A_1650[%gather3A_1655] in [0] : vector<16xf32>, vector<16xi32> -> vector<16xf32>
      %add3A_1657 = arith.addf %add3A_1650, %gather3A_1656 : vector<16xf32>
      %xor3A_1658 = arith.constant 4 : i32
      %xor3A_1659 = vector.broadcast %xor3A_1658 : i32 to vector<16xi32>
      %xor3A_1660 = arith.xori %iota3A, %xor3A_1659 : vector<16xi32>
      %broadcast_in_dim3A_1661 = vector.shape_cast %xor3A_1660 : vector<16xi32> to vector<16x1xi32>
      %gather3A_1662 = vector.shape_cast %broadcast_in_dim3A_1661 : vector<16x1xi32> to vector<16xi32>
      %gather3A_1663 = tpu.dynamic_gather %add3A_1657[%gather3A_1662] in [0] : vector<16xf32>, vector<16xi32> -> vector<16xf32>
      %add3A_1664 = arith.addf %add3A_1657, %gather3A_1663 : vector<16xf32>
      %xor3A_1665 = arith.constant 8 : i32
      %xor3A_1666 = vector.broadcast %xor3A_1665 : i32 to vector<16xi32>
      %xor3A_1667 = arith.xori %iota3A, %xor3A_1666 : vector<16xi32>
      %broadcast_in_dim3A_1668 = vector.shape_cast %xor3A_1667 : vector<16xi32> to vector<16x1xi32>
      %gather3A_1669 = vector.shape_cast %broadcast_in_dim3A_1668 : vector<16x1xi32> to vector<16xi32>
      %gather3A_1670 = tpu.dynamic_gather %add3A_1664[%gather3A_1669] in [0] : vector<16xf32>, vector<16xi32> -> vector<16xf32>
      %add3A_1671 = arith.addf %add3A_1664, %gather3A_1670 : vector<16xf32>
      %eq3A_1672 = arith.constant 15 : i32
      %eq3A_1673 = vector.broadcast %eq3A_1672 : i32 to vector<16xi32>
      %eq3A_1674 = arith.cmpi eq, %iota3A, %eq3A_1673 : vector<16xi32>
      %select_n3A_1675 = arith.select %eq3A_1674, %add3A_1671, %select_n3A_1588 : vector<16xi1>, vector<16xf32>
      %get3A_1676 = arith.index_cast %multiple_of3A_281 : i32 to index
      %get3A_1677 = tpu.vector_load %arg17[%get3A_1676] {strides = array<i32>} : memref<528xi32, #tpu.memory_space<vmem>>, vector<16xi32>,
      %add3A_1678 = arith.addf %select_n3A_1675, %gather3A_88 : vector<16xf32>
      tpu.vector_store_idx %arg15[%get3A_1677], %add3A_1678 : memref<528xf32, #tpu.memory_space<vmem>>[vector<16xi32>], vector<16xf32>,
      %while3A_1679 = arith.constant 0 : i32
      scf.yield %while3A_1679 : i32
    }
    %while3A_275 = arith.constant 1 : i32
    %while3A_276 = scf.for %while3A_277 = %while3A_272 to %while3A_268 step %while3A_275 iter_args(%while3A_278 = %while3A_274) -> (i32)  : i32 {
      %mul3A_279 = arith.constant 16 : i32
      %mul3A_280 = arith.muli %while3A_277, %mul3A_279 : i32
      %multiple_of3A_281 = tpu.assume_multiple %mul3A_280, 16 : i32
      %get3A_282 = arith.index_cast %multiple_of3A_281 : i32 to index
      %get3A_283 = tpu.vector_load %arg16[%get3A_282] {strides = array<i32>} : memref<528xf32, #tpu.memory_space<vmem>>, vector<16xf32>,
      %broadcast_in_dim3A_284 = arith.constant 0.000000e+00 : f32
      %broadcast_in_dim3A_285 = vector.broadcast %broadcast_in_dim3A_284 : f32 to vector<16xf32>
      %broadcast_in_dim3A_286 = arith.constant 0 : i32
      %broadcast_in_dim3A_287 = vector.broadcast %broadcast_in_dim3A_286 : i32 to vector<16xi32>
      %broadcast_in_dim3A_288 = vector.shape_cast %broadcast_in_dim3A_287 : vector<16xi32> to vector<16x1xi32>
      %gather3A_289 = vector.shape_cast %broadcast_in_dim3A_288 : vector<16x1xi32> to vector<16xi32>
      %gather3A_290 = tpu.dynamic_gather %get3A_283[%gather3A_289] in [0] : vector<16xf32>, vector<16xi32> -> vector<16xf32>
      %broadcast_in_dim3A_291 = arith.constant 0.000000e+00 : f32
      %broadcast_in_dim3A_292 = vector.broadcast %broadcast_in_dim3A_291 : f32 to vector<16xf32>
      %mul3A_293 = arith.mulf %gather3A_290, %get3A_30 : vector<16xf32>
      %add3A_294 = arith.addf %mul3A_293, %get3A_38 : vector<16xf32>
      %bitcast3A_295 = vector.bitcast %add3A_294 : vector<16xf32> to vector<16xi32>
      %add3A_296 = arith.constant 32768 : i32
      %add3A_297 = vector.broadcast %add3A_296 : i32 to vector<16xi32>
      %add3A_298 = arith.addi %bitcast3A_295, %add3A_297 : vector<16xi32>
      %and3A_299 = arith.constant -65536 : i32
      %and3A_300 = vector.broadcast %and3A_299 : i32 to vector<16xi32>
      %and3A_301 = arith.andi %add3A_298, %and3A_300 : vector<16xi32>
      %bitcast3A_302 = vector.bitcast %and3A_301 : vector<16xi32> to vector<16xf32>
      %mul3A_303 = arith.mulf %bitcast3A_302, %bitcast3A_52 : vector<16xf32>
      %add3A_304 = arith.addf %broadcast_in_dim3A_292, %mul3A_303 : vector<16xf32>
      %mul3A_305 = arith.mulf %gather3A_290, %get3A_32 : vector<16xf32>
      %add3A_306 = arith.addf %mul3A_305, %get3A_40 : vector<16xf32>
      %bitcast3A_307 = vector.bitcast %add3A_306 : vector<16xf32> to vector<16xi32>
      %add3A_308 = arith.constant 32768 : i32
      %add3A_309 = vector.broadcast %add3A_308 : i32 to vector<16xi32>
      %add3A_310 = arith.addi %bitcast3A_307, %add3A_309 : vector<16xi32>
      %and3A_311 = arith.constant -65536 : i32
      %and3A_312 = vector.broadcast %and3A_311 : i32 to vector<16xi32>
      %and3A_313 = arith.andi %add3A_310, %and3A_312 : vector<16xi32>
      %bitcast3A_314 = vector.bitcast %and3A_313 : vector<16xi32> to vector<16xf32>
      %mul3A_315 = arith.mulf %bitcast3A_314, %bitcast3A_62 : vector<16xf32>
      %add3A_316 = arith.addf %add3A_304, %mul3A_315 : vector<16xf32>
      %mul3A_317 = arith.mulf %gather3A_290, %get3A_34 : vector<16xf32>
      %add3A_318 = arith.addf %mul3A_317, %get3A_42 : vector<16xf32>
      %bitcast3A_319 = vector.bitcast %add3A_318 : vector<16xf32> to vector<16xi32>
      %add3A_320 = arith.constant 32768 : i32
      %add3A_321 = vector.broadcast %add3A_320 : i32 to vector<16xi32>
      %add3A_322 = arith.addi %bitcast3A_319, %add3A_321 : vector<16xi32>
      %and3A_323 = arith.constant -65536 : i32
      %and3A_324 = vector.broadcast %and3A_323 : i32 to vector<16xi32>
      %and3A_325 = arith.andi %add3A_322, %and3A_324 : vector<16xi32>
      %bitcast3A_326 = vector.bitcast %and3A_325 : vector<16xi32> to vector<16xf32>
      %mul3A_327 = arith.mulf %bitcast3A_326, %bitcast3A_72 : vector<16xf32>
      %add3A_328 = arith.addf %add3A_316, %mul3A_327 : vector<16xf32>
      %mul3A_329 = arith.mulf %gather3A_290, %get3A_36 : vector<16xf32>
      %add3A_330 = arith.addf %mul3A_329, %get3A_44 : vector<16xf32>
      %bitcast3A_331 = vector.bitcast %add3A_330 : vector<16xf32> to vector<16xi32>
      %add3A_332 = arith.constant 32768 : i32
      %add3A_333 = vector.broadcast %add3A_332 : i32 to vector<16xi32>
      %add3A_334 = arith.addi %bitcast3A_331, %add3A_333 : vector<16xi32>
      %and3A_335 = arith.constant -65536 : i32
      %and3A_336 = vector.broadcast %and3A_335 : i32 to vector<16xi32>
      %and3A_337 = arith.andi %add3A_334, %and3A_336 : vector<16xi32>
      %bitcast3A_338 = vector.bitcast %and3A_337 : vector<16xi32> to vector<16xf32>
      %mul3A_339 = arith.mulf %bitcast3A_338, %bitcast3A_82 : vector<16xf32>
      %add3A_340 = arith.addf %add3A_328, %mul3A_339 : vector<16xf32>
      %xor3A = arith.constant 1 : i32
      %xor3A_341 = vector.broadcast %xor3A : i32 to vector<16xi32>
      %xor3A_342 = arith.xori %iota3A, %xor3A_341 : vector<16xi32>
      %broadcast_in_dim3A_343 = vector.shape_cast %xor3A_342 : vector<16xi32> to vector<16x1xi32>
      %gather3A_344 = vector.shape_cast %broadcast_in_dim3A_343 : vector<16x1xi32> to vector<16xi32>
      %gather3A_345 = tpu.dynamic_gather %add3A_340[%gather3A_344] in [0] : vector<16xf32>, vector<16xi32> -> vector<16xf32>
      %add3A_346 = arith.addf %add3A_340, %gather3A_345 : vector<16xf32>
      %xor3A_347 = arith.constant 2 : i32
      %xor3A_348 = vector.broadcast %xor3A_347 : i32 to vector<16xi32>
      %xor3A_349 = arith.xori %iota3A, %xor3A_348 : vector<16xi32>
      %broadcast_in_dim3A_350 = vector.shape_cast %xor3A_349 : vector<16xi32> to vector<16x1xi32>
      %gather3A_351 = vector.shape_cast %broadcast_in_dim3A_350 : vector<16x1xi32> to vector<16xi32>
      %gather3A_352 = tpu.dynamic_gather %add3A_346[%gather3A_351] in [0] : vector<16xf32>, vector<16xi32> -> vector<16xf32>
      %add3A_353 = arith.addf %add3A_346, %gather3A_352 : vector<16xf32>
      %xor3A_354 = arith.constant 4 : i32
      %xor3A_355 = vector.broadcast %xor3A_354 : i32 to vector<16xi32>
      %xor3A_356 = arith.xori %iota3A, %xor3A_355 : vector<16xi32>
      %broadcast_in_dim3A_357 = vector.shape_cast %xor3A_356 : vector<16xi32> to vector<16x1xi32>
      %gather3A_358 = vector.shape_cast %broadcast_in_dim3A_357 : vector<16x1xi32> to vector<16xi32>
      %gather3A_359 = tpu.dynamic_gather %add3A_353[%gather3A_358] in [0] : vector<16xf32>, vector<16xi32> -> vector<16xf32>
      %add3A_360 = arith.addf %add3A_353, %gather3A_359 : vector<16xf32>
      %xor3A_361 = arith.constant 8 : i32
      %xor3A_362 = vector.broadcast %xor3A_361 : i32 to vector<16xi32>
      %xor3A_363 = arith.xori %iota3A, %xor3A_362 : vector<16xi32>
      %broadcast_in_dim3A_364 = vector.shape_cast %xor3A_363 : vector<16xi32> to vector<16x1xi32>
      %gather3A_365 = vector.shape_cast %broadcast_in_dim3A_364 : vector<16x1xi32> to vector<16xi32>
      %gather3A_366 = tpu.dynamic_gather %add3A_360[%gather3A_365] in [0] : vector<16xf32>, vector<16xi32> -> vector<16xf32>
      %add3A_367 = arith.addf %add3A_360, %gather3A_366 : vector<16xf32>
      %eq3A = arith.constant 0 : i32
      %eq3A_368 = vector.broadcast %eq3A : i32 to vector<16xi32>
      %eq3A_369 = arith.cmpi eq, %iota3A, %eq3A_368 : vector<16xi32>
      %select_n3A_370 = arith.select %eq3A_369, %add3A_367, %broadcast_in_dim3A_285 : vector<16xi1>, vector<16xf32>
      %broadcast_in_dim3A_371 = arith.constant 1 : i32
      %broadcast_in_dim3A_372 = vector.broadcast %broadcast_in_dim3A_371 : i32 to vector<16xi32>
      %broadcast_in_dim3A_373 = vector.shape_cast %broadcast_in_dim3A_372 : vector<16xi32> to vector<16x1xi32>
      %gather3A_374 = vector.shape_cast %broadcast_in_dim3A_373 : vector<16x1xi32> to vector<16xi32>
      %gather3A_375 = tpu.dynamic_gather %get3A_283[%gather3A_374] in [0] : vector<16xf32>, vector<16xi32> -> vector<16xf32>
      %broadcast_in_dim3A_376 = arith.constant 0.000000e+00 : f32
      %broadcast_in_dim3A_377 = vector.broadcast %broadcast_in_dim3A_376 : f32 to vector<16xf32>
      %mul3A_378 = arith.mulf %gather3A_375, %get3A_30 : vector<16xf32>
      %add3A_379 = arith.addf %mul3A_378, %get3A_38 : vector<16xf32>
      %bitcast3A_380 = vector.bitcast %add3A_379 : vector<16xf32> to vector<16xi32>
      %add3A_381 = arith.constant 32768 : i32
      %add3A_382 = vector.broadcast %add3A_381 : i32 to vector<16xi32>
      %add3A_383 = arith.addi %bitcast3A_380, %add3A_382 : vector<16xi32>
      %and3A_384 = arith.constant -65536 : i32
      %and3A_385 = vector.broadcast %and3A_384 : i32 to vector<16xi32>
      %and3A_386 = arith.andi %add3A_383, %and3A_385 : vector<16xi32>
      %bitcast3A_387 = vector.bitcast %and3A_386 : vector<16xi32> to vector<16xf32>
      %mul3A_388 = arith.mulf %bitcast3A_387, %bitcast3A_52 : vector<16xf32>
      %add3A_389 = arith.addf %broadcast_in_dim3A_377, %mul3A_388 : vector<16xf32>
      %mul3A_390 = arith.mulf %gather3A_375, %get3A_32 : vector<16xf32>
      %add3A_391 = arith.addf %mul3A_390, %get3A_40 : vector<16xf32>
      %bitcast3A_392 = vector.bitcast %add3A_391 : vector<16xf32> to vector<16xi32>
      %add3A_393 = arith.constant 32768 : i32
      %add3A_394 = vector.broadcast %add3A_393 : i32 to vector<16xi32>
      %add3A_395 = arith.addi %bitcast3A_392, %add3A_394 : vector<16xi32>
      %and3A_396 = arith.constant -65536 : i32
      %and3A_397 = vector.broadcast %and3A_396 : i32 to vector<16xi32>
      %and3A_398 = arith.andi %add3A_395, %and3A_397 : vector<16xi32>
      %bitcast3A_399 = vector.bitcast %and3A_398 : vector<16xi32> to vector<16xf32>
      %mul3A_400 = arith.mulf %bitcast3A_399, %bitcast3A_62 : vector<16xf32>
      %add3A_401 = arith.addf %add3A_389, %mul3A_400 : vector<16xf32>
      %mul3A_402 = arith.mulf %gather3A_375, %get3A_34 : vector<16xf32>
      %add3A_403 = arith.addf %mul3A_402, %get3A_42 : vector<16xf32>
      %bitcast3A_404 = vector.bitcast %add3A_403 : vector<16xf32> to vector<16xi32>
      %add3A_405 = arith.constant 32768 : i32
      %add3A_406 = vector.broadcast %add3A_405 : i32 to vector<16xi32>
      %add3A_407 = arith.addi %bitcast3A_404, %add3A_406 : vector<16xi32>
      %and3A_408 = arith.constant -65536 : i32
      %and3A_409 = vector.broadcast %and3A_408 : i32 to vector<16xi32>
      %and3A_410 = arith.andi %add3A_407, %and3A_409 : vector<16xi32>
      %bitcast3A_411 = vector.bitcast %and3A_410 : vector<16xi32> to vector<16xf32>
      %mul3A_412 = arith.mulf %bitcast3A_411, %bitcast3A_72 : vector<16xf32>
      %add3A_413 = arith.addf %add3A_401, %mul3A_412 : vector<16xf32>
      %mul3A_414 = arith.mulf %gather3A_375, %get3A_36 : vector<16xf32>
      %add3A_415 = arith.addf %mul3A_414, %get3A_44 : vector<16xf32>
      %bitcast3A_416 = vector.bitcast %add3A_415 : vector<16xf32> to vector<16xi32>
      %add3A_417 = arith.constant 32768 : i32
      %add3A_418 = vector.broadcast %add3A_417 : i32 to vector<16xi32>
      %add3A_419 = arith.addi %bitcast3A_416, %add3A_418 : vector<16xi32>
      %and3A_420 = arith.constant -65536 : i32
      %and3A_421 = vector.broadcast %and3A_420 : i32 to vector<16xi32>
      %and3A_422 = arith.andi %add3A_419, %and3A_421 : vector<16xi32>
      %bitcast3A_423 = vector.bitcast %and3A_422 : vector<16xi32> to vector<16xf32>
      %mul3A_424 = arith.mulf %bitcast3A_423, %bitcast3A_82 : vector<16xf32>
      %add3A_425 = arith.addf %add3A_413, %mul3A_424 : vector<16xf32>
      %xor3A_426 = arith.constant 1 : i32
      %xor3A_427 = vector.broadcast %xor3A_426 : i32 to vector<16xi32>
      %xor3A_428 = arith.xori %iota3A, %xor3A_427 : vector<16xi32>
      %broadcast_in_dim3A_429 = vector.shape_cast %xor3A_428 : vector<16xi32> to vector<16x1xi32>
      %gather3A_430 = vector.shape_cast %broadcast_in_dim3A_429 : vector<16x1xi32> to vector<16xi32>
      %gather3A_431 = tpu.dynamic_gather %add3A_425[%gather3A_430] in [0] : vector<16xf32>, vector<16xi32> -> vector<16xf32>
      %add3A_432 = arith.addf %add3A_425, %gather3A_431 : vector<16xf32>
      %xor3A_433 = arith.constant 2 : i32
      %xor3A_434 = vector.broadcast %xor3A_433 : i32 to vector<16xi32>
      %xor3A_435 = arith.xori %iota3A, %xor3A_434 : vector<16xi32>
      %broadcast_in_dim3A_436 = vector.shape_cast %xor3A_435 : vector<16xi32> to vector<16x1xi32>
      %gather3A_437 = vector.shape_cast %broadcast_in_dim3A_436 : vector<16x1xi32> to vector<16xi32>
      %gather3A_438 = tpu.dynamic_gather %add3A_432[%gather3A_437] in [0] : vector<16xf32>, vector<16xi32> -> vector<16xf32>
      %add3A_439 = arith.addf %add3A_432, %gather3A_438 : vector<16xf32>
      %xor3A_440 = arith.constant 4 : i32
      %xor3A_441 = vector.broadcast %xor3A_440 : i32 to vector<16xi32>
      %xor3A_442 = arith.xori %iota3A, %xor3A_441 : vector<16xi32>
      %broadcast_in_dim3A_443 = vector.shape_cast %xor3A_442 : vector<16xi32> to vector<16x1xi32>
      %gather3A_444 = vector.shape_cast %broadcast_in_dim3A_443 : vector<16x1xi32> to vector<16xi32>
      %gather3A_445 = tpu.dynamic_gather %add3A_439[%gather3A_444] in [0] : vector<16xf32>, vector<16xi32> -> vector<16xf32>
      %add3A_446 = arith.addf %add3A_439, %gather3A_445 : vector<16xf32>
      %xor3A_447 = arith.constant 8 : i32
      %xor3A_448 = vector.broadcast %xor3A_447 : i32 to vector<16xi32>
      %xor3A_449 = arith.xori %iota3A, %xor3A_448 : vector<16xi32>
      %broadcast_in_dim3A_450 = vector.shape_cast %xor3A_449 : vector<16xi32> to vector<16x1xi32>
      %gather3A_451 = vector.shape_cast %broadcast_in_dim3A_450 : vector<16x1xi32> to vector<16xi32>
      %gather3A_452 = tpu.dynamic_gather %add3A_446[%gather3A_451] in [0] : vector<16xf32>, vector<16xi32> -> vector<16xf32>
      %add3A_453 = arith.addf %add3A_446, %gather3A_452 : vector<16xf32>
      %eq3A_454 = arith.constant 1 : i32
      %eq3A_455 = vector.broadcast %eq3A_454 : i32 to vector<16xi32>
      %eq3A_456 = arith.cmpi eq, %iota3A, %eq3A_455 : vector<16xi32>
      %select_n3A_457 = arith.select %eq3A_456, %add3A_453, %select_n3A_370 : vector<16xi1>, vector<16xf32>
      %broadcast_in_dim3A_458 = arith.constant 2 : i32
      %broadcast_in_dim3A_459 = vector.broadcast %broadcast_in_dim3A_458 : i32 to vector<16xi32>
      %broadcast_in_dim3A_460 = vector.shape_cast %broadcast_in_dim3A_459 : vector<16xi32> to vector<16x1xi32>
      %gather3A_461 = vector.shape_cast %broadcast_in_dim3A_460 : vector<16x1xi32> to vector<16xi32>
      %gather3A_462 = tpu.dynamic_gather %get3A_283[%gather3A_461] in [0] : vector<16xf32>, vector<16xi32> -> vector<16xf32>
      %broadcast_in_dim3A_463 = arith.constant 0.000000e+00 : f32
      %broadcast_in_dim3A_464 = vector.broadcast %broadcast_in_dim3A_463 : f32 to vector<16xf32>
      %mul3A_465 = arith.mulf %gather3A_462, %get3A_30 : vector<16xf32>
      %add3A_466 = arith.addf %mul3A_465, %get3A_38 : vector<16xf32>
      %bitcast3A_467 = vector.bitcast %add3A_466 : vector<16xf32> to vector<16xi32>
      %add3A_468 = arith.constant 32768 : i32
      %add3A_469 = vector.broadcast %add3A_468 : i32 to vector<16xi32>
      %add3A_470 = arith.addi %bitcast3A_467, %add3A_469 : vector<16xi32>
      %and3A_471 = arith.constant -65536 : i32
      %and3A_472 = vector.broadcast %and3A_471 : i32 to vector<16xi32>
      %and3A_473 = arith.andi %add3A_470, %and3A_472 : vector<16xi32>
      %bitcast3A_474 = vector.bitcast %and3A_473 : vector<16xi32> to vector<16xf32>
      %mul3A_475 = arith.mulf %bitcast3A_474, %bitcast3A_52 : vector<16xf32>
      %add3A_476 = arith.addf %broadcast_in_dim3A_464, %mul3A_475 : vector<16xf32>
      %mul3A_477 = arith.mulf %gather3A_462, %get3A_32 : vector<16xf32>
      %add3A_478 = arith.addf %mul3A_477, %get3A_40 : vector<16xf32>
      %bitcast3A_479 = vector.bitcast %add3A_478 : vector<16xf32> to vector<16xi32>
      %add3A_480 = arith.constant 32768 : i32
      %add3A_481 = vector.broadcast %add3A_480 : i32 to vector<16xi32>
      %add3A_482 = arith.addi %bitcast3A_479, %add3A_481 : vector<16xi32>
      %and3A_483 = arith.constant -65536 : i32
      %and3A_484 = vector.broadcast %and3A_483 : i32 to vector<16xi32>
      %and3A_485 = arith.andi %add3A_482, %and3A_484 : vector<16xi32>
      %bitcast3A_486 = vector.bitcast %and3A_485 : vector<16xi32> to vector<16xf32>
      %mul3A_487 = arith.mulf %bitcast3A_486, %bitcast3A_62 : vector<16xf32>
      %add3A_488 = arith.addf %add3A_476, %mul3A_487 : vector<16xf32>
      %mul3A_489 = arith.mulf %gather3A_462, %get3A_34 : vector<16xf32>
      %add3A_490 = arith.addf %mul3A_489, %get3A_42 : vector<16xf32>
      %bitcast3A_491 = vector.bitcast %add3A_490 : vector<16xf32> to vector<16xi32>
      %add3A_492 = arith.constant 32768 : i32
      %add3A_493 = vector.broadcast %add3A_492 : i32 to vector<16xi32>
      %add3A_494 = arith.addi %bitcast3A_491, %add3A_493 : vector<16xi32>
      %and3A_495 = arith.constant -65536 : i32
      %and3A_496 = vector.broadcast %and3A_495 : i32 to vector<16xi32>
      %and3A_497 = arith.andi %add3A_494, %and3A_496 : vector<16xi32>
      %bitcast3A_498 = vector.bitcast %and3A_497 : vector<16xi32> to vector<16xf32>
      %mul3A_499 = arith.mulf %bitcast3A_498, %bitcast3A_72 : vector<16xf32>
      %add3A_500 = arith.addf %add3A_488, %mul3A_499 : vector<16xf32>
      %mul3A_501 = arith.mulf %gather3A_462, %get3A_36 : vector<16xf32>
      %add3A_502 = arith.addf %mul3A_501, %get3A_44 : vector<16xf32>
      %bitcast3A_503 = vector.bitcast %add3A_502 : vector<16xf32> to vector<16xi32>
      %add3A_504 = arith.constant 32768 : i32
      %add3A_505 = vector.broadcast %add3A_504 : i32 to vector<16xi32>
      %add3A_506 = arith.addi %bitcast3A_503, %add3A_505 : vector<16xi32>
      %and3A_507 = arith.constant -65536 : i32
      %and3A_508 = vector.broadcast %and3A_507 : i32 to vector<16xi32>
      %and3A_509 = arith.andi %add3A_506, %and3A_508 : vector<16xi32>
      %bitcast3A_510 = vector.bitcast %and3A_509 : vector<16xi32> to vector<16xf32>
      %mul3A_511 = arith.mulf %bitcast3A_510, %bitcast3A_82 : vector<16xf32>
      %add3A_512 = arith.addf %add3A_500, %mul3A_511 : vector<16xf32>
      %xor3A_513 = arith.constant 1 : i32
      %xor3A_514 = vector.broadcast %xor3A_513 : i32 to vector<16xi32>
      %xor3A_515 = arith.xori %iota3A, %xor3A_514 : vector<16xi32>
      %broadcast_in_dim3A_516 = vector.shape_cast %xor3A_515 : vector<16xi32> to vector<16x1xi32>
      %gather3A_517 = vector.shape_cast %broadcast_in_dim3A_516 : vector<16x1xi32> to vector<16xi32>
      %gather3A_518 = tpu.dynamic_gather %add3A_512[%gather3A_517] in [0] : vector<16xf32>, vector<16xi32> -> vector<16xf32>
      %add3A_519 = arith.addf %add3A_512, %gather3A_518 : vector<16xf32>
      %xor3A_520 = arith.constant 2 : i32
      %xor3A_521 = vector.broadcast %xor3A_520 : i32 to vector<16xi32>
      %xor3A_522 = arith.xori %iota3A, %xor3A_521 : vector<16xi32>
      %broadcast_in_dim3A_523 = vector.shape_cast %xor3A_522 : vector<16xi32> to vector<16x1xi32>
      %gather3A_524 = vector.shape_cast %broadcast_in_dim3A_523 : vector<16x1xi32> to vector<16xi32>
      %gather3A_525 = tpu.dynamic_gather %add3A_519[%gather3A_524] in [0] : vector<16xf32>, vector<16xi32> -> vector<16xf32>
      %add3A_526 = arith.addf %add3A_519, %gather3A_525 : vector<16xf32>
      %xor3A_527 = arith.constant 4 : i32
      %xor3A_528 = vector.broadcast %xor3A_527 : i32 to vector<16xi32>
      %xor3A_529 = arith.xori %iota3A, %xor3A_528 : vector<16xi32>
      %broadcast_in_dim3A_530 = vector.shape_cast %xor3A_529 : vector<16xi32> to vector<16x1xi32>
      %gather3A_531 = vector.shape_cast %broadcast_in_dim3A_530 : vector<16x1xi32> to vector<16xi32>
      %gather3A_532 = tpu.dynamic_gather %add3A_526[%gather3A_531] in [0] : vector<16xf32>, vector<16xi32> -> vector<16xf32>
      %add3A_533 = arith.addf %add3A_526, %gather3A_532 : vector<16xf32>
      %xor3A_534 = arith.constant 8 : i32
      %xor3A_535 = vector.broadcast %xor3A_534 : i32 to vector<16xi32>
      %xor3A_536 = arith.xori %iota3A, %xor3A_535 : vector<16xi32>
      %broadcast_in_dim3A_537 = vector.shape_cast %xor3A_536 : vector<16xi32> to vector<16x1xi32>
      %gather3A_538 = vector.shape_cast %broadcast_in_dim3A_537 : vector<16x1xi32> to vector<16xi32>
      %gather3A_539 = tpu.dynamic_gather %add3A_533[%gather3A_538] in [0] : vector<16xf32>, vector<16xi32> -> vector<16xf32>
      %add3A_540 = arith.addf %add3A_533, %gather3A_539 : vector<16xf32>
      %eq3A_541 = arith.constant 2 : i32
      %eq3A_542 = vector.broadcast %eq3A_541 : i32 to vector<16xi32>
      %eq3A_543 = arith.cmpi eq, %iota3A, %eq3A_542 : vector<16xi32>
      %select_n3A_544 = arith.select %eq3A_543, %add3A_540, %select_n3A_457 : vector<16xi1>, vector<16xf32>
      %broadcast_in_dim3A_545 = arith.constant 3 : i32
      %broadcast_in_dim3A_546 = vector.broadcast %broadcast_in_dim3A_545 : i32 to vector<16xi32>
      %broadcast_in_dim3A_547 = vector.shape_cast %broadcast_in_dim3A_546 : vector<16xi32> to vector<16x1xi32>
      %gather3A_548 = vector.shape_cast %broadcast_in_dim3A_547 : vector<16x1xi32> to vector<16xi32>
      %gather3A_549 = tpu.dynamic_gather %get3A_283[%gather3A_548] in [0] : vector<16xf32>, vector<16xi32> -> vector<16xf32>
      %broadcast_in_dim3A_550 = arith.constant 0.000000e+00 : f32
      %broadcast_in_dim3A_551 = vector.broadcast %broadcast_in_dim3A_550 : f32 to vector<16xf32>
      %mul3A_552 = arith.mulf %gather3A_549, %get3A_30 : vector<16xf32>
      %add3A_553 = arith.addf %mul3A_552, %get3A_38 : vector<16xf32>
      %bitcast3A_554 = vector.bitcast %add3A_553 : vector<16xf32> to vector<16xi32>
      %add3A_555 = arith.constant 32768 : i32
      %add3A_556 = vector.broadcast %add3A_555 : i32 to vector<16xi32>
      %add3A_557 = arith.addi %bitcast3A_554, %add3A_556 : vector<16xi32>
      %and3A_558 = arith.constant -65536 : i32
      %and3A_559 = vector.broadcast %and3A_558 : i32 to vector<16xi32>
      %and3A_560 = arith.andi %add3A_557, %and3A_559 : vector<16xi32>
      %bitcast3A_561 = vector.bitcast %and3A_560 : vector<16xi32> to vector<16xf32>
      %mul3A_562 = arith.mulf %bitcast3A_561, %bitcast3A_52 : vector<16xf32>
      %add3A_563 = arith.addf %broadcast_in_dim3A_551, %mul3A_562 : vector<16xf32>
      %mul3A_564 = arith.mulf %gather3A_549, %get3A_32 : vector<16xf32>
      %add3A_565 = arith.addf %mul3A_564, %get3A_40 : vector<16xf32>
      %bitcast3A_566 = vector.bitcast %add3A_565 : vector<16xf32> to vector<16xi32>
      %add3A_567 = arith.constant 32768 : i32
      %add3A_568 = vector.broadcast %add3A_567 : i32 to vector<16xi32>
      %add3A_569 = arith.addi %bitcast3A_566, %add3A_568 : vector<16xi32>
      %and3A_570 = arith.constant -65536 : i32
      %and3A_571 = vector.broadcast %and3A_570 : i32 to vector<16xi32>
      %and3A_572 = arith.andi %add3A_569, %and3A_571 : vector<16xi32>
      %bitcast3A_573 = vector.bitcast %and3A_572 : vector<16xi32> to vector<16xf32>
      %mul3A_574 = arith.mulf %bitcast3A_573, %bitcast3A_62 : vector<16xf32>
      %add3A_575 = arith.addf %add3A_563, %mul3A_574 : vector<16xf32>
      %mul3A_576 = arith.mulf %gather3A_549, %get3A_34 : vector<16xf32>
      %add3A_577 = arith.addf %mul3A_576, %get3A_42 : vector<16xf32>
      %bitcast3A_578 = vector.bitcast %add3A_577 : vector<16xf32> to vector<16xi32>
      %add3A_579 = arith.constant 32768 : i32
      %add3A_580 = vector.broadcast %add3A_579 : i32 to vector<16xi32>
      %add3A_581 = arith.addi %bitcast3A_578, %add3A_580 : vector<16xi32>
      %and3A_582 = arith.constant -65536 : i32
      %and3A_583 = vector.broadcast %and3A_582 : i32 to vector<16xi32>
      %and3A_584 = arith.andi %add3A_581, %and3A_583 : vector<16xi32>
      %bitcast3A_585 = vector.bitcast %and3A_584 : vector<16xi32> to vector<16xf32>
      %mul3A_586 = arith.mulf %bitcast3A_585, %bitcast3A_72 : vector<16xf32>
      %add3A_587 = arith.addf %add3A_575, %mul3A_586 : vector<16xf32>
      %mul3A_588 = arith.mulf %gather3A_549, %get3A_36 : vector<16xf32>
      %add3A_589 = arith.addf %mul3A_588, %get3A_44 : vector<16xf32>
      %bitcast3A_590 = vector.bitcast %add3A_589 : vector<16xf32> to vector<16xi32>
      %add3A_591 = arith.constant 32768 : i32
      %add3A_592 = vector.broadcast %add3A_591 : i32 to vector<16xi32>
      %add3A_593 = arith.addi %bitcast3A_590, %add3A_592 : vector<16xi32>
      %and3A_594 = arith.constant -65536 : i32
      %and3A_595 = vector.broadcast %and3A_594 : i32 to vector<16xi32>
      %and3A_596 = arith.andi %add3A_593, %and3A_595 : vector<16xi32>
      %bitcast3A_597 = vector.bitcast %and3A_596 : vector<16xi32> to vector<16xf32>
      %mul3A_598 = arith.mulf %bitcast3A_597, %bitcast3A_82 : vector<16xf32>
      %add3A_599 = arith.addf %add3A_587, %mul3A_598 : vector<16xf32>
      %xor3A_600 = arith.constant 1 : i32
      %xor3A_601 = vector.broadcast %xor3A_600 : i32 to vector<16xi32>
      %xor3A_602 = arith.xori %iota3A, %xor3A_601 : vector<16xi32>
      %broadcast_in_dim3A_603 = vector.shape_cast %xor3A_602 : vector<16xi32> to vector<16x1xi32>
      %gather3A_604 = vector.shape_cast %broadcast_in_dim3A_603 : vector<16x1xi32> to vector<16xi32>
      %gather3A_605 = tpu.dynamic_gather %add3A_599[%gather3A_604] in [0] : vector<16xf32>, vector<16xi32> -> vector<16xf32>
      %add3A_606 = arith.addf %add3A_599, %gather3A_605 : vector<16xf32>
      %xor3A_607 = arith.constant 2 : i32
      %xor3A_608 = vector.broadcast %xor3A_607 : i32 to vector<16xi32>
      %xor3A_609 = arith.xori %iota3A, %xor3A_608 : vector<16xi32>
      %broadcast_in_dim3A_610 = vector.shape_cast %xor3A_609 : vector<16xi32> to vector<16x1xi32>
      %gather3A_611 = vector.shape_cast %broadcast_in_dim3A_610 : vector<16x1xi32> to vector<16xi32>
      %gather3A_612 = tpu.dynamic_gather %add3A_606[%gather3A_611] in [0] : vector<16xf32>, vector<16xi32> -> vector<16xf32>
      %add3A_613 = arith.addf %add3A_606, %gather3A_612 : vector<16xf32>
      %xor3A_614 = arith.constant 4 : i32
      %xor3A_615 = vector.broadcast %xor3A_614 : i32 to vector<16xi32>
      %xor3A_616 = arith.xori %iota3A, %xor3A_615 : vector<16xi32>
      %broadcast_in_dim3A_617 = vector.shape_cast %xor3A_616 : vector<16xi32> to vector<16x1xi32>
      %gather3A_618 = vector.shape_cast %broadcast_in_dim3A_617 : vector<16x1xi32> to vector<16xi32>
      %gather3A_619 = tpu.dynamic_gather %add3A_613[%gather3A_618] in [0] : vector<16xf32>, vector<16xi32> -> vector<16xf32>
      %add3A_620 = arith.addf %add3A_613, %gather3A_619 : vector<16xf32>
      %xor3A_621 = arith.constant 8 : i32
      %xor3A_622 = vector.broadcast %xor3A_621 : i32 to vector<16xi32>
      %xor3A_623 = arith.xori %iota3A, %xor3A_622 : vector<16xi32>
      %broadcast_in_dim3A_624 = vector.shape_cast %xor3A_623 : vector<16xi32> to vector<16x1xi32>
      %gather3A_625 = vector.shape_cast %broadcast_in_dim3A_624 : vector<16x1xi32> to vector<16xi32>
      %gather3A_626 = tpu.dynamic_gather %add3A_620[%gather3A_625] in [0] : vector<16xf32>, vector<16xi32> -> vector<16xf32>
      %add3A_627 = arith.addf %add3A_620, %gather3A_626 : vector<16xf32>
      %eq3A_628 = arith.constant 3 : i32
      %eq3A_629 = vector.broadcast %eq3A_628 : i32 to vector<16xi32>
      %eq3A_630 = arith.cmpi eq, %iota3A, %eq3A_629 : vector<16xi32>
      %select_n3A_631 = arith.select %eq3A_630, %add3A_627, %select_n3A_544 : vector<16xi1>, vector<16xf32>
      %broadcast_in_dim3A_632 = arith.constant 4 : i32
      %broadcast_in_dim3A_633 = vector.broadcast %broadcast_in_dim3A_632 : i32 to vector<16xi32>
      %broadcast_in_dim3A_634 = vector.shape_cast %broadcast_in_dim3A_633 : vector<16xi32> to vector<16x1xi32>
      %gather3A_635 = vector.shape_cast %broadcast_in_dim3A_634 : vector<16x1xi32> to vector<16xi32>
      %gather3A_636 = tpu.dynamic_gather %get3A_283[%gather3A_635] in [0] : vector<16xf32>, vector<16xi32> -> vector<16xf32>
      %broadcast_in_dim3A_637 = arith.constant 0.000000e+00 : f32
      %broadcast_in_dim3A_638 = vector.broadcast %broadcast_in_dim3A_637 : f32 to vector<16xf32>
      %mul3A_639 = arith.mulf %gather3A_636, %get3A_30 : vector<16xf32>
      %add3A_640 = arith.addf %mul3A_639, %get3A_38 : vector<16xf32>
      %bitcast3A_641 = vector.bitcast %add3A_640 : vector<16xf32> to vector<16xi32>
      %add3A_642 = arith.constant 32768 : i32
      %add3A_643 = vector.broadcast %add3A_642 : i32 to vector<16xi32>
      %add3A_644 = arith.addi %bitcast3A_641, %add3A_643 : vector<16xi32>
      %and3A_645 = arith.constant -65536 : i32
      %and3A_646 = vector.broadcast %and3A_645 : i32 to vector<16xi32>
      %and3A_647 = arith.andi %add3A_644, %and3A_646 : vector<16xi32>
      %bitcast3A_648 = vector.bitcast %and3A_647 : vector<16xi32> to vector<16xf32>
      %mul3A_649 = arith.mulf %bitcast3A_648, %bitcast3A_52 : vector<16xf32>
      %add3A_650 = arith.addf %broadcast_in_dim3A_638, %mul3A_649 : vector<16xf32>
      %mul3A_651 = arith.mulf %gather3A_636, %get3A_32 : vector<16xf32>
      %add3A_652 = arith.addf %mul3A_651, %get3A_40 : vector<16xf32>
      %bitcast3A_653 = vector.bitcast %add3A_652 : vector<16xf32> to vector<16xi32>
      %add3A_654 = arith.constant 32768 : i32
      %add3A_655 = vector.broadcast %add3A_654 : i32 to vector<16xi32>
      %add3A_656 = arith.addi %bitcast3A_653, %add3A_655 : vector<16xi32>
      %and3A_657 = arith.constant -65536 : i32
      %and3A_658 = vector.broadcast %and3A_657 : i32 to vector<16xi32>
      %and3A_659 = arith.andi %add3A_656, %and3A_658 : vector<16xi32>
      %bitcast3A_660 = vector.bitcast %and3A_659 : vector<16xi32> to vector<16xf32>
      %mul3A_661 = arith.mulf %bitcast3A_660, %bitcast3A_62 : vector<16xf32>
      %add3A_662 = arith.addf %add3A_650, %mul3A_661 : vector<16xf32>
      %mul3A_663 = arith.mulf %gather3A_636, %get3A_34 : vector<16xf32>
      %add3A_664 = arith.addf %mul3A_663, %get3A_42 : vector<16xf32>
      %bitcast3A_665 = vector.bitcast %add3A_664 : vector<16xf32> to vector<16xi32>
      %add3A_666 = arith.constant 32768 : i32
      %add3A_667 = vector.broadcast %add3A_666 : i32 to vector<16xi32>
      %add3A_668 = arith.addi %bitcast3A_665, %add3A_667 : vector<16xi32>
      %and3A_669 = arith.constant -65536 : i32
      %and3A_670 = vector.broadcast %and3A_669 : i32 to vector<16xi32>
      %and3A_671 = arith.andi %add3A_668, %and3A_670 : vector<16xi32>
      %bitcast3A_672 = vector.bitcast %and3A_671 : vector<16xi32> to vector<16xf32>
      %mul3A_673 = arith.mulf %bitcast3A_672, %bitcast3A_72 : vector<16xf32>
      %add3A_674 = arith.addf %add3A_662, %mul3A_673 : vector<16xf32>
      %mul3A_675 = arith.mulf %gather3A_636, %get3A_36 : vector<16xf32>
      %add3A_676 = arith.addf %mul3A_675, %get3A_44 : vector<16xf32>
      %bitcast3A_677 = vector.bitcast %add3A_676 : vector<16xf32> to vector<16xi32>
      %add3A_678 = arith.constant 32768 : i32
      %add3A_679 = vector.broadcast %add3A_678 : i32 to vector<16xi32>
      %add3A_680 = arith.addi %bitcast3A_677, %add3A_679 : vector<16xi32>
      %and3A_681 = arith.constant -65536 : i32
      %and3A_682 = vector.broadcast %and3A_681 : i32 to vector<16xi32>
      %and3A_683 = arith.andi %add3A_680, %and3A_682 : vector<16xi32>
      %bitcast3A_684 = vector.bitcast %and3A_683 : vector<16xi32> to vector<16xf32>
      %mul3A_685 = arith.mulf %bitcast3A_684, %bitcast3A_82 : vector<16xf32>
      %add3A_686 = arith.addf %add3A_674, %mul3A_685 : vector<16xf32>
      %xor3A_687 = arith.constant 1 : i32
      %xor3A_688 = vector.broadcast %xor3A_687 : i32 to vector<16xi32>
      %xor3A_689 = arith.xori %iota3A, %xor3A_688 : vector<16xi32>
      %broadcast_in_dim3A_690 = vector.shape_cast %xor3A_689 : vector<16xi32> to vector<16x1xi32>
      %gather3A_691 = vector.shape_cast %broadcast_in_dim3A_690 : vector<16x1xi32> to vector<16xi32>
      %gather3A_692 = tpu.dynamic_gather %add3A_686[%gather3A_691] in [0] : vector<16xf32>, vector<16xi32> -> vector<16xf32>
      %add3A_693 = arith.addf %add3A_686, %gather3A_692 : vector<16xf32>
      %xor3A_694 = arith.constant 2 : i32
      %xor3A_695 = vector.broadcast %xor3A_694 : i32 to vector<16xi32>
      %xor3A_696 = arith.xori %iota3A, %xor3A_695 : vector<16xi32>
      %broadcast_in_dim3A_697 = vector.shape_cast %xor3A_696 : vector<16xi32> to vector<16x1xi32>
      %gather3A_698 = vector.shape_cast %broadcast_in_dim3A_697 : vector<16x1xi32> to vector<16xi32>
      %gather3A_699 = tpu.dynamic_gather %add3A_693[%gather3A_698] in [0] : vector<16xf32>, vector<16xi32> -> vector<16xf32>
      %add3A_700 = arith.addf %add3A_693, %gather3A_699 : vector<16xf32>
      %xor3A_701 = arith.constant 4 : i32
      %xor3A_702 = vector.broadcast %xor3A_701 : i32 to vector<16xi32>
      %xor3A_703 = arith.xori %iota3A, %xor3A_702 : vector<16xi32>
      %broadcast_in_dim3A_704 = vector.shape_cast %xor3A_703 : vector<16xi32> to vector<16x1xi32>
      %gather3A_705 = vector.shape_cast %broadcast_in_dim3A_704 : vector<16x1xi32> to vector<16xi32>
      %gather3A_706 = tpu.dynamic_gather %add3A_700[%gather3A_705] in [0] : vector<16xf32>, vector<16xi32> -> vector<16xf32>
      %add3A_707 = arith.addf %add3A_700, %gather3A_706 : vector<16xf32>
      %xor3A_708 = arith.constant 8 : i32
      %xor3A_709 = vector.broadcast %xor3A_708 : i32 to vector<16xi32>
      %xor3A_710 = arith.xori %iota3A, %xor3A_709 : vector<16xi32>
      %broadcast_in_dim3A_711 = vector.shape_cast %xor3A_710 : vector<16xi32> to vector<16x1xi32>
      %gather3A_712 = vector.shape_cast %broadcast_in_dim3A_711 : vector<16x1xi32> to vector<16xi32>
      %gather3A_713 = tpu.dynamic_gather %add3A_707[%gather3A_712] in [0] : vector<16xf32>, vector<16xi32> -> vector<16xf32>
      %add3A_714 = arith.addf %add3A_707, %gather3A_713 : vector<16xf32>
      %eq3A_715 = arith.constant 4 : i32
      %eq3A_716 = vector.broadcast %eq3A_715 : i32 to vector<16xi32>
      %eq3A_717 = arith.cmpi eq, %iota3A, %eq3A_716 : vector<16xi32>
      %select_n3A_718 = arith.select %eq3A_717, %add3A_714, %select_n3A_631 : vector<16xi1>, vector<16xf32>
      %broadcast_in_dim3A_719 = arith.constant 5 : i32
      %broadcast_in_dim3A_720 = vector.broadcast %broadcast_in_dim3A_719 : i32 to vector<16xi32>
      %broadcast_in_dim3A_721 = vector.shape_cast %broadcast_in_dim3A_720 : vector<16xi32> to vector<16x1xi32>
      %gather3A_722 = vector.shape_cast %broadcast_in_dim3A_721 : vector<16x1xi32> to vector<16xi32>
      %gather3A_723 = tpu.dynamic_gather %get3A_283[%gather3A_722] in [0] : vector<16xf32>, vector<16xi32> -> vector<16xf32>
      %broadcast_in_dim3A_724 = arith.constant 0.000000e+00 : f32
      %broadcast_in_dim3A_725 = vector.broadcast %broadcast_in_dim3A_724 : f32 to vector<16xf32>
      %mul3A_726 = arith.mulf %gather3A_723, %get3A_30 : vector<16xf32>
      %add3A_727 = arith.addf %mul3A_726, %get3A_38 : vector<16xf32>
      %bitcast3A_728 = vector.bitcast %add3A_727 : vector<16xf32> to vector<16xi32>
      %add3A_729 = arith.constant 32768 : i32
      %add3A_730 = vector.broadcast %add3A_729 : i32 to vector<16xi32>
      %add3A_731 = arith.addi %bitcast3A_728, %add3A_730 : vector<16xi32>
      %and3A_732 = arith.constant -65536 : i32
      %and3A_733 = vector.broadcast %and3A_732 : i32 to vector<16xi32>
      %and3A_734 = arith.andi %add3A_731, %and3A_733 : vector<16xi32>
      %bitcast3A_735 = vector.bitcast %and3A_734 : vector<16xi32> to vector<16xf32>
      %mul3A_736 = arith.mulf %bitcast3A_735, %bitcast3A_52 : vector<16xf32>
      %add3A_737 = arith.addf %broadcast_in_dim3A_725, %mul3A_736 : vector<16xf32>
      %mul3A_738 = arith.mulf %gather3A_723, %get3A_32 : vector<16xf32>
      %add3A_739 = arith.addf %mul3A_738, %get3A_40 : vector<16xf32>
      %bitcast3A_740 = vector.bitcast %add3A_739 : vector<16xf32> to vector<16xi32>
      %add3A_741 = arith.constant 32768 : i32
      %add3A_742 = vector.broadcast %add3A_741 : i32 to vector<16xi32>
      %add3A_743 = arith.addi %bitcast3A_740, %add3A_742 : vector<16xi32>
      %and3A_744 = arith.constant -65536 : i32
      %and3A_745 = vector.broadcast %and3A_744 : i32 to vector<16xi32>
      %and3A_746 = arith.andi %add3A_743, %and3A_745 : vector<16xi32>
      %bitcast3A_747 = vector.bitcast %and3A_746 : vector<16xi32> to vector<16xf32>
      %mul3A_748 = arith.mulf %bitcast3A_747, %bitcast3A_62 : vector<16xf32>
      %add3A_749 = arith.addf %add3A_737, %mul3A_748 : vector<16xf32>
      %mul3A_750 = arith.mulf %gather3A_723, %get3A_34 : vector<16xf32>
      %add3A_751 = arith.addf %mul3A_750, %get3A_42 : vector<16xf32>
      %bitcast3A_752 = vector.bitcast %add3A_751 : vector<16xf32> to vector<16xi32>
      %add3A_753 = arith.constant 32768 : i32
      %add3A_754 = vector.broadcast %add3A_753 : i32 to vector<16xi32>
      %add3A_755 = arith.addi %bitcast3A_752, %add3A_754 : vector<16xi32>
      %and3A_756 = arith.constant -65536 : i32
      %and3A_757 = vector.broadcast %and3A_756 : i32 to vector<16xi32>
      %and3A_758 = arith.andi %add3A_755, %and3A_757 : vector<16xi32>
      %bitcast3A_759 = vector.bitcast %and3A_758 : vector<16xi32> to vector<16xf32>
      %mul3A_760 = arith.mulf %bitcast3A_759, %bitcast3A_72 : vector<16xf32>
      %add3A_761 = arith.addf %add3A_749, %mul3A_760 : vector<16xf32>
      %mul3A_762 = arith.mulf %gather3A_723, %get3A_36 : vector<16xf32>
      %add3A_763 = arith.addf %mul3A_762, %get3A_44 : vector<16xf32>
      %bitcast3A_764 = vector.bitcast %add3A_763 : vector<16xf32> to vector<16xi32>
      %add3A_765 = arith.constant 32768 : i32
      %add3A_766 = vector.broadcast %add3A_765 : i32 to vector<16xi32>
      %add3A_767 = arith.addi %bitcast3A_764, %add3A_766 : vector<16xi32>
      %and3A_768 = arith.constant -65536 : i32
      %and3A_769 = vector.broadcast %and3A_768 : i32 to vector<16xi32>
      %and3A_770 = arith.andi %add3A_767, %and3A_769 : vector<16xi32>
      %bitcast3A_771 = vector.bitcast %and3A_770 : vector<16xi32> to vector<16xf32>
      %mul3A_772 = arith.mulf %bitcast3A_771, %bitcast3A_82 : vector<16xf32>
      %add3A_773 = arith.addf %add3A_761, %mul3A_772 : vector<16xf32>
      %xor3A_774 = arith.constant 1 : i32
      %xor3A_775 = vector.broadcast %xor3A_774 : i32 to vector<16xi32>
      %xor3A_776 = arith.xori %iota3A, %xor3A_775 : vector<16xi32>
      %broadcast_in_dim3A_777 = vector.shape_cast %xor3A_776 : vector<16xi32> to vector<16x1xi32>
      %gather3A_778 = vector.shape_cast %broadcast_in_dim3A_777 : vector<16x1xi32> to vector<16xi32>
      %gather3A_779 = tpu.dynamic_gather %add3A_773[%gather3A_778] in [0] : vector<16xf32>, vector<16xi32> -> vector<16xf32>
      %add3A_780 = arith.addf %add3A_773, %gather3A_779 : vector<16xf32>
      %xor3A_781 = arith.constant 2 : i32
      %xor3A_782 = vector.broadcast %xor3A_781 : i32 to vector<16xi32>
      %xor3A_783 = arith.xori %iota3A, %xor3A_782 : vector<16xi32>
      %broadcast_in_dim3A_784 = vector.shape_cast %xor3A_783 : vector<16xi32> to vector<16x1xi32>
      %gather3A_785 = vector.shape_cast %broadcast_in_dim3A_784 : vector<16x1xi32> to vector<16xi32>
      %gather3A_786 = tpu.dynamic_gather %add3A_780[%gather3A_785] in [0] : vector<16xf32>, vector<16xi32> -> vector<16xf32>
      %add3A_787 = arith.addf %add3A_780, %gather3A_786 : vector<16xf32>
      %xor3A_788 = arith.constant 4 : i32
      %xor3A_789 = vector.broadcast %xor3A_788 : i32 to vector<16xi32>
      %xor3A_790 = arith.xori %iota3A, %xor3A_789 : vector<16xi32>
      %broadcast_in_dim3A_791 = vector.shape_cast %xor3A_790 : vector<16xi32> to vector<16x1xi32>
      %gather3A_792 = vector.shape_cast %broadcast_in_dim3A_791 : vector<16x1xi32> to vector<16xi32>
      %gather3A_793 = tpu.dynamic_gather %add3A_787[%gather3A_792] in [0] : vector<16xf32>, vector<16xi32> -> vector<16xf32>
      %add3A_794 = arith.addf %add3A_787, %gather3A_793 : vector<16xf32>
      %xor3A_795 = arith.constant 8 : i32
      %xor3A_796 = vector.broadcast %xor3A_795 : i32 to vector<16xi32>
      %xor3A_797 = arith.xori %iota3A, %xor3A_796 : vector<16xi32>
      %broadcast_in_dim3A_798 = vector.shape_cast %xor3A_797 : vector<16xi32> to vector<16x1xi32>
      %gather3A_799 = vector.shape_cast %broadcast_in_dim3A_798 : vector<16x1xi32> to vector<16xi32>
      %gather3A_800 = tpu.dynamic_gather %add3A_794[%gather3A_799] in [0] : vector<16xf32>, vector<16xi32> -> vector<16xf32>
      %add3A_801 = arith.addf %add3A_794, %gather3A_800 : vector<16xf32>
      %eq3A_802 = arith.constant 5 : i32
      %eq3A_803 = vector.broadcast %eq3A_802 : i32 to vector<16xi32>
      %eq3A_804 = arith.cmpi eq, %iota3A, %eq3A_803 : vector<16xi32>
      %select_n3A_805 = arith.select %eq3A_804, %add3A_801, %select_n3A_718 : vector<16xi1>, vector<16xf32>
      %broadcast_in_dim3A_806 = arith.constant 6 : i32
      %broadcast_in_dim3A_807 = vector.broadcast %broadcast_in_dim3A_806 : i32 to vector<16xi32>
      %broadcast_in_dim3A_808 = vector.shape_cast %broadcast_in_dim3A_807 : vector<16xi32> to vector<16x1xi32>
      %gather3A_809 = vector.shape_cast %broadcast_in_dim3A_808 : vector<16x1xi32> to vector<16xi32>
      %gather3A_810 = tpu.dynamic_gather %get3A_283[%gather3A_809] in [0] : vector<16xf32>, vector<16xi32> -> vector<16xf32>
      %broadcast_in_dim3A_811 = arith.constant 0.000000e+00 : f32
      %broadcast_in_dim3A_812 = vector.broadcast %broadcast_in_dim3A_811 : f32 to vector<16xf32>
      %mul3A_813 = arith.mulf %gather3A_810, %get3A_30 : vector<16xf32>
      %add3A_814 = arith.addf %mul3A_813, %get3A_38 : vector<16xf32>
      %bitcast3A_815 = vector.bitcast %add3A_814 : vector<16xf32> to vector<16xi32>
      %add3A_816 = arith.constant 32768 : i32
      %add3A_817 = vector.broadcast %add3A_816 : i32 to vector<16xi32>
      %add3A_818 = arith.addi %bitcast3A_815, %add3A_817 : vector<16xi32>
      %and3A_819 = arith.constant -65536 : i32
      %and3A_820 = vector.broadcast %and3A_819 : i32 to vector<16xi32>
      %and3A_821 = arith.andi %add3A_818, %and3A_820 : vector<16xi32>
      %bitcast3A_822 = vector.bitcast %and3A_821 : vector<16xi32> to vector<16xf32>
      %mul3A_823 = arith.mulf %bitcast3A_822, %bitcast3A_52 : vector<16xf32>
      %add3A_824 = arith.addf %broadcast_in_dim3A_812, %mul3A_823 : vector<16xf32>
      %mul3A_825 = arith.mulf %gather3A_810, %get3A_32 : vector<16xf32>
      %add3A_826 = arith.addf %mul3A_825, %get3A_40 : vector<16xf32>
      %bitcast3A_827 = vector.bitcast %add3A_826 : vector<16xf32> to vector<16xi32>
      %add3A_828 = arith.constant 32768 : i32
      %add3A_829 = vector.broadcast %add3A_828 : i32 to vector<16xi32>
      %add3A_830 = arith.addi %bitcast3A_827, %add3A_829 : vector<16xi32>
      %and3A_831 = arith.constant -65536 : i32
      %and3A_832 = vector.broadcast %and3A_831 : i32 to vector<16xi32>
      %and3A_833 = arith.andi %add3A_830, %and3A_832 : vector<16xi32>
      %bitcast3A_834 = vector.bitcast %and3A_833 : vector<16xi32> to vector<16xf32>
      %mul3A_835 = arith.mulf %bitcast3A_834, %bitcast3A_62 : vector<16xf32>
      %add3A_836 = arith.addf %add3A_824, %mul3A_835 : vector<16xf32>
      %mul3A_837 = arith.mulf %gather3A_810, %get3A_34 : vector<16xf32>
      %add3A_838 = arith.addf %mul3A_837, %get3A_42 : vector<16xf32>
      %bitcast3A_839 = vector.bitcast %add3A_838 : vector<16xf32> to vector<16xi32>
      %add3A_840 = arith.constant 32768 : i32
      %add3A_841 = vector.broadcast %add3A_840 : i32 to vector<16xi32>
      %add3A_842 = arith.addi %bitcast3A_839, %add3A_841 : vector<16xi32>
      %and3A_843 = arith.constant -65536 : i32
      %and3A_844 = vector.broadcast %and3A_843 : i32 to vector<16xi32>
      %and3A_845 = arith.andi %add3A_842, %and3A_844 : vector<16xi32>
      %bitcast3A_846 = vector.bitcast %and3A_845 : vector<16xi32> to vector<16xf32>
      %mul3A_847 = arith.mulf %bitcast3A_846, %bitcast3A_72 : vector<16xf32>
      %add3A_848 = arith.addf %add3A_836, %mul3A_847 : vector<16xf32>
      %mul3A_849 = arith.mulf %gather3A_810, %get3A_36 : vector<16xf32>
      %add3A_850 = arith.addf %mul3A_849, %get3A_44 : vector<16xf32>
      %bitcast3A_851 = vector.bitcast %add3A_850 : vector<16xf32> to vector<16xi32>
      %add3A_852 = arith.constant 32768 : i32
      %add3A_853 = vector.broadcast %add3A_852 : i32 to vector<16xi32>
      %add3A_854 = arith.addi %bitcast3A_851, %add3A_853 : vector<16xi32>
      %and3A_855 = arith.constant -65536 : i32
      %and3A_856 = vector.broadcast %and3A_855 : i32 to vector<16xi32>
      %and3A_857 = arith.andi %add3A_854, %and3A_856 : vector<16xi32>
      %bitcast3A_858 = vector.bitcast %and3A_857 : vector<16xi32> to vector<16xf32>
      %mul3A_859 = arith.mulf %bitcast3A_858, %bitcast3A_82 : vector<16xf32>
      %add3A_860 = arith.addf %add3A_848, %mul3A_859 : vector<16xf32>
      %xor3A_861 = arith.constant 1 : i32
      %xor3A_862 = vector.broadcast %xor3A_861 : i32 to vector<16xi32>
      %xor3A_863 = arith.xori %iota3A, %xor3A_862 : vector<16xi32>
      %broadcast_in_dim3A_864 = vector.shape_cast %xor3A_863 : vector<16xi32> to vector<16x1xi32>
      %gather3A_865 = vector.shape_cast %broadcast_in_dim3A_864 : vector<16x1xi32> to vector<16xi32>
      %gather3A_866 = tpu.dynamic_gather %add3A_860[%gather3A_865] in [0] : vector<16xf32>, vector<16xi32> -> vector<16xf32>
      %add3A_867 = arith.addf %add3A_860, %gather3A_866 : vector<16xf32>
      %xor3A_868 = arith.constant 2 : i32
      %xor3A_869 = vector.broadcast %xor3A_868 : i32 to vector<16xi32>
      %xor3A_870 = arith.xori %iota3A, %xor3A_869 : vector<16xi32>
      %broadcast_in_dim3A_871 = vector.shape_cast %xor3A_870 : vector<16xi32> to vector<16x1xi32>
      %gather3A_872 = vector.shape_cast %broadcast_in_dim3A_871 : vector<16x1xi32> to vector<16xi32>
      %gather3A_873 = tpu.dynamic_gather %add3A_867[%gather3A_872] in [0] : vector<16xf32>, vector<16xi32> -> vector<16xf32>
      %add3A_874 = arith.addf %add3A_867, %gather3A_873 : vector<16xf32>
      %xor3A_875 = arith.constant 4 : i32
      %xor3A_876 = vector.broadcast %xor3A_875 : i32 to vector<16xi32>
      %xor3A_877 = arith.xori %iota3A, %xor3A_876 : vector<16xi32>
      %broadcast_in_dim3A_878 = vector.shape_cast %xor3A_877 : vector<16xi32> to vector<16x1xi32>
      %gather3A_879 = vector.shape_cast %broadcast_in_dim3A_878 : vector<16x1xi32> to vector<16xi32>
      %gather3A_880 = tpu.dynamic_gather %add3A_874[%gather3A_879] in [0] : vector<16xf32>, vector<16xi32> -> vector<16xf32>
      %add3A_881 = arith.addf %add3A_874, %gather3A_880 : vector<16xf32>
      %xor3A_882 = arith.constant 8 : i32
      %xor3A_883 = vector.broadcast %xor3A_882 : i32 to vector<16xi32>
      %xor3A_884 = arith.xori %iota3A, %xor3A_883 : vector<16xi32>
      %broadcast_in_dim3A_885 = vector.shape_cast %xor3A_884 : vector<16xi32> to vector<16x1xi32>
      %gather3A_886 = vector.shape_cast %broadcast_in_dim3A_885 : vector<16x1xi32> to vector<16xi32>
      %gather3A_887 = tpu.dynamic_gather %add3A_881[%gather3A_886] in [0] : vector<16xf32>, vector<16xi32> -> vector<16xf32>
      %add3A_888 = arith.addf %add3A_881, %gather3A_887 : vector<16xf32>
      %eq3A_889 = arith.constant 6 : i32
      %eq3A_890 = vector.broadcast %eq3A_889 : i32 to vector<16xi32>
      %eq3A_891 = arith.cmpi eq, %iota3A, %eq3A_890 : vector<16xi32>
      %select_n3A_892 = arith.select %eq3A_891, %add3A_888, %select_n3A_805 : vector<16xi1>, vector<16xf32>
      %broadcast_in_dim3A_893 = arith.constant 7 : i32
      %broadcast_in_dim3A_894 = vector.broadcast %broadcast_in_dim3A_893 : i32 to vector<16xi32>
      %broadcast_in_dim3A_895 = vector.shape_cast %broadcast_in_dim3A_894 : vector<16xi32> to vector<16x1xi32>
      %gather3A_896 = vector.shape_cast %broadcast_in_dim3A_895 : vector<16x1xi32> to vector<16xi32>
      %gather3A_897 = tpu.dynamic_gather %get3A_283[%gather3A_896] in [0] : vector<16xf32>, vector<16xi32> -> vector<16xf32>
      %broadcast_in_dim3A_898 = arith.constant 0.000000e+00 : f32
      %broadcast_in_dim3A_899 = vector.broadcast %broadcast_in_dim3A_898 : f32 to vector<16xf32>
      %mul3A_900 = arith.mulf %gather3A_897, %get3A_30 : vector<16xf32>
      %add3A_901 = arith.addf %mul3A_900, %get3A_38 : vector<16xf32>
      %bitcast3A_902 = vector.bitcast %add3A_901 : vector<16xf32> to vector<16xi32>
      %add3A_903 = arith.constant 32768 : i32
      %add3A_904 = vector.broadcast %add3A_903 : i32 to vector<16xi32>
      %add3A_905 = arith.addi %bitcast3A_902, %add3A_904 : vector<16xi32>
      %and3A_906 = arith.constant -65536 : i32
      %and3A_907 = vector.broadcast %and3A_906 : i32 to vector<16xi32>
      %and3A_908 = arith.andi %add3A_905, %and3A_907 : vector<16xi32>
      %bitcast3A_909 = vector.bitcast %and3A_908 : vector<16xi32> to vector<16xf32>
      %mul3A_910 = arith.mulf %bitcast3A_909, %bitcast3A_52 : vector<16xf32>
      %add3A_911 = arith.addf %broadcast_in_dim3A_899, %mul3A_910 : vector<16xf32>
      %mul3A_912 = arith.mulf %gather3A_897, %get3A_32 : vector<16xf32>
      %add3A_913 = arith.addf %mul3A_912, %get3A_40 : vector<16xf32>
      %bitcast3A_914 = vector.bitcast %add3A_913 : vector<16xf32> to vector<16xi32>
      %add3A_915 = arith.constant 32768 : i32
      %add3A_916 = vector.broadcast %add3A_915 : i32 to vector<16xi32>
      %add3A_917 = arith.addi %bitcast3A_914, %add3A_916 : vector<16xi32>
      %and3A_918 = arith.constant -65536 : i32
      %and3A_919 = vector.broadcast %and3A_918 : i32 to vector<16xi32>
      %and3A_920 = arith.andi %add3A_917, %and3A_919 : vector<16xi32>
      %bitcast3A_921 = vector.bitcast %and3A_920 : vector<16xi32> to vector<16xf32>
      %mul3A_922 = arith.mulf %bitcast3A_921, %bitcast3A_62 : vector<16xf32>
      %add3A_923 = arith.addf %add3A_911, %mul3A_922 : vector<16xf32>
      %mul3A_924 = arith.mulf %gather3A_897, %get3A_34 : vector<16xf32>
      %add3A_925 = arith.addf %mul3A_924, %get3A_42 : vector<16xf32>
      %bitcast3A_926 = vector.bitcast %add3A_925 : vector<16xf32> to vector<16xi32>
      %add3A_927 = arith.constant 32768 : i32
      %add3A_928 = vector.broadcast %add3A_927 : i32 to vector<16xi32>
      %add3A_929 = arith.addi %bitcast3A_926, %add3A_928 : vector<16xi32>
      %and3A_930 = arith.constant -65536 : i32
      %and3A_931 = vector.broadcast %and3A_930 : i32 to vector<16xi32>
      %and3A_932 = arith.andi %add3A_929, %and3A_931 : vector<16xi32>
      %bitcast3A_933 = vector.bitcast %and3A_932 : vector<16xi32> to vector<16xf32>
      %mul3A_934 = arith.mulf %bitcast3A_933, %bitcast3A_72 : vector<16xf32>
      %add3A_935 = arith.addf %add3A_923, %mul3A_934 : vector<16xf32>
      %mul3A_936 = arith.mulf %gather3A_897, %get3A_36 : vector<16xf32>
      %add3A_937 = arith.addf %mul3A_936, %get3A_44 : vector<16xf32>
      %bitcast3A_938 = vector.bitcast %add3A_937 : vector<16xf32> to vector<16xi32>
      %add3A_939 = arith.constant 32768 : i32
      %add3A_940 = vector.broadcast %add3A_939 : i32 to vector<16xi32>
      %add3A_941 = arith.addi %bitcast3A_938, %add3A_940 : vector<16xi32>
      %and3A_942 = arith.constant -65536 : i32
      %and3A_943 = vector.broadcast %and3A_942 : i32 to vector<16xi32>
      %and3A_944 = arith.andi %add3A_941, %and3A_943 : vector<16xi32>
      %bitcast3A_945 = vector.bitcast %and3A_944 : vector<16xi32> to vector<16xf32>
      %mul3A_946 = arith.mulf %bitcast3A_945, %bitcast3A_82 : vector<16xf32>
      %add3A_947 = arith.addf %add3A_935, %mul3A_946 : vector<16xf32>
      %xor3A_948 = arith.constant 1 : i32
      %xor3A_949 = vector.broadcast %xor3A_948 : i32 to vector<16xi32>
      %xor3A_950 = arith.xori %iota3A, %xor3A_949 : vector<16xi32>
      %broadcast_in_dim3A_951 = vector.shape_cast %xor3A_950 : vector<16xi32> to vector<16x1xi32>
      %gather3A_952 = vector.shape_cast %broadcast_in_dim3A_951 : vector<16x1xi32> to vector<16xi32>
      %gather3A_953 = tpu.dynamic_gather %add3A_947[%gather3A_952] in [0] : vector<16xf32>, vector<16xi32> -> vector<16xf32>
      %add3A_954 = arith.addf %add3A_947, %gather3A_953 : vector<16xf32>
      %xor3A_955 = arith.constant 2 : i32
      %xor3A_956 = vector.broadcast %xor3A_955 : i32 to vector<16xi32>
      %xor3A_957 = arith.xori %iota3A, %xor3A_956 : vector<16xi32>
      %broadcast_in_dim3A_958 = vector.shape_cast %xor3A_957 : vector<16xi32> to vector<16x1xi32>
      %gather3A_959 = vector.shape_cast %broadcast_in_dim3A_958 : vector<16x1xi32> to vector<16xi32>
      %gather3A_960 = tpu.dynamic_gather %add3A_954[%gather3A_959] in [0] : vector<16xf32>, vector<16xi32> -> vector<16xf32>
      %add3A_961 = arith.addf %add3A_954, %gather3A_960 : vector<16xf32>
      %xor3A_962 = arith.constant 4 : i32
      %xor3A_963 = vector.broadcast %xor3A_962 : i32 to vector<16xi32>
      %xor3A_964 = arith.xori %iota3A, %xor3A_963 : vector<16xi32>
      %broadcast_in_dim3A_965 = vector.shape_cast %xor3A_964 : vector<16xi32> to vector<16x1xi32>
      %gather3A_966 = vector.shape_cast %broadcast_in_dim3A_965 : vector<16x1xi32> to vector<16xi32>
      %gather3A_967 = tpu.dynamic_gather %add3A_961[%gather3A_966] in [0] : vector<16xf32>, vector<16xi32> -> vector<16xf32>
      %add3A_968 = arith.addf %add3A_961, %gather3A_967 : vector<16xf32>
      %xor3A_969 = arith.constant 8 : i32
      %xor3A_970 = vector.broadcast %xor3A_969 : i32 to vector<16xi32>
      %xor3A_971 = arith.xori %iota3A, %xor3A_970 : vector<16xi32>
      %broadcast_in_dim3A_972 = vector.shape_cast %xor3A_971 : vector<16xi32> to vector<16x1xi32>
      %gather3A_973 = vector.shape_cast %broadcast_in_dim3A_972 : vector<16x1xi32> to vector<16xi32>
      %gather3A_974 = tpu.dynamic_gather %add3A_968[%gather3A_973] in [0] : vector<16xf32>, vector<16xi32> -> vector<16xf32>
      %add3A_975 = arith.addf %add3A_968, %gather3A_974 : vector<16xf32>
      %eq3A_976 = arith.constant 7 : i32
      %eq3A_977 = vector.broadcast %eq3A_976 : i32 to vector<16xi32>
      %eq3A_978 = arith.cmpi eq, %iota3A, %eq3A_977 : vector<16xi32>
      %select_n3A_979 = arith.select %eq3A_978, %add3A_975, %select_n3A_892 : vector<16xi1>, vector<16xf32>
      %broadcast_in_dim3A_980 = arith.constant 8 : i32
      %broadcast_in_dim3A_981 = vector.broadcast %broadcast_in_dim3A_980 : i32 to vector<16xi32>
      %broadcast_in_dim3A_982 = vector.shape_cast %broadcast_in_dim3A_981 : vector<16xi32> to vector<16x1xi32>
      %gather3A_983 = vector.shape_cast %broadcast_in_dim3A_982 : vector<16x1xi32> to vector<16xi32>
      %gather3A_984 = tpu.dynamic_gather %get3A_283[%gather3A_983] in [0] : vector<16xf32>, vector<16xi32> -> vector<16xf32>
      %broadcast_in_dim3A_985 = arith.constant 0.000000e+00 : f32
      %broadcast_in_dim3A_986 = vector.broadcast %broadcast_in_dim3A_985 : f32 to vector<16xf32>
      %mul3A_987 = arith.mulf %gather3A_984, %get3A_30 : vector<16xf32>
      %add3A_988 = arith.addf %mul3A_987, %get3A_38 : vector<16xf32>
      %bitcast3A_989 = vector.bitcast %add3A_988 : vector<16xf32> to vector<16xi32>
      %add3A_990 = arith.constant 32768 : i32
      %add3A_991 = vector.broadcast %add3A_990 : i32 to vector<16xi32>
      %add3A_992 = arith.addi %bitcast3A_989, %add3A_991 : vector<16xi32>
      %and3A_993 = arith.constant -65536 : i32
      %and3A_994 = vector.broadcast %and3A_993 : i32 to vector<16xi32>
      %and3A_995 = arith.andi %add3A_992, %and3A_994 : vector<16xi32>
      %bitcast3A_996 = vector.bitcast %and3A_995 : vector<16xi32> to vector<16xf32>
      %mul3A_997 = arith.mulf %bitcast3A_996, %bitcast3A_52 : vector<16xf32>
      %add3A_998 = arith.addf %broadcast_in_dim3A_986, %mul3A_997 : vector<16xf32>
      %mul3A_999 = arith.mulf %gather3A_984, %get3A_32 : vector<16xf32>
      %add3A_1000 = arith.addf %mul3A_999, %get3A_40 : vector<16xf32>
      %bitcast3A_1001 = vector.bitcast %add3A_1000 : vector<16xf32> to vector<16xi32>
      %add3A_1002 = arith.constant 32768 : i32
      %add3A_1003 = vector.broadcast %add3A_1002 : i32 to vector<16xi32>
      %add3A_1004 = arith.addi %bitcast3A_1001, %add3A_1003 : vector<16xi32>
      %and3A_1005 = arith.constant -65536 : i32
      %and3A_1006 = vector.broadcast %and3A_1005 : i32 to vector<16xi32>
      %and3A_1007 = arith.andi %add3A_1004, %and3A_1006 : vector<16xi32>
      %bitcast3A_1008 = vector.bitcast %and3A_1007 : vector<16xi32> to vector<16xf32>
      %mul3A_1009 = arith.mulf %bitcast3A_1008, %bitcast3A_62 : vector<16xf32>
      %add3A_1010 = arith.addf %add3A_998, %mul3A_1009 : vector<16xf32>
      %mul3A_1011 = arith.mulf %gather3A_984, %get3A_34 : vector<16xf32>
      %add3A_1012 = arith.addf %mul3A_1011, %get3A_42 : vector<16xf32>
      %bitcast3A_1013 = vector.bitcast %add3A_1012 : vector<16xf32> to vector<16xi32>
      %add3A_1014 = arith.constant 32768 : i32
      %add3A_1015 = vector.broadcast %add3A_1014 : i32 to vector<16xi32>
      %add3A_1016 = arith.addi %bitcast3A_1013, %add3A_1015 : vector<16xi32>
      %and3A_1017 = arith.constant -65536 : i32
      %and3A_1018 = vector.broadcast %and3A_1017 : i32 to vector<16xi32>
      %and3A_1019 = arith.andi %add3A_1016, %and3A_1018 : vector<16xi32>
      %bitcast3A_1020 = vector.bitcast %and3A_1019 : vector<16xi32> to vector<16xf32>
      %mul3A_1021 = arith.mulf %bitcast3A_1020, %bitcast3A_72 : vector<16xf32>
      %add3A_1022 = arith.addf %add3A_1010, %mul3A_1021 : vector<16xf32>
      %mul3A_1023 = arith.mulf %gather3A_984, %get3A_36 : vector<16xf32>
      %add3A_1024 = arith.addf %mul3A_1023, %get3A_44 : vector<16xf32>
      %bitcast3A_1025 = vector.bitcast %add3A_1024 : vector<16xf32> to vector<16xi32>
      %add3A_1026 = arith.constant 32768 : i32
      %add3A_1027 = vector.broadcast %add3A_1026 : i32 to vector<16xi32>
      %add3A_1028 = arith.addi %bitcast3A_1025, %add3A_1027 : vector<16xi32>
      %and3A_1029 = arith.constant -65536 : i32
      %and3A_1030 = vector.broadcast %and3A_1029 : i32 to vector<16xi32>
      %and3A_1031 = arith.andi %add3A_1028, %and3A_1030 : vector<16xi32>
      %bitcast3A_1032 = vector.bitcast %and3A_1031 : vector<16xi32> to vector<16xf32>
      %mul3A_1033 = arith.mulf %bitcast3A_1032, %bitcast3A_82 : vector<16xf32>
      %add3A_1034 = arith.addf %add3A_1022, %mul3A_1033 : vector<16xf32>
      %xor3A_1035 = arith.constant 1 : i32
      %xor3A_1036 = vector.broadcast %xor3A_1035 : i32 to vector<16xi32>
      %xor3A_1037 = arith.xori %iota3A, %xor3A_1036 : vector<16xi32>
      %broadcast_in_dim3A_1038 = vector.shape_cast %xor3A_1037 : vector<16xi32> to vector<16x1xi32>
      %gather3A_1039 = vector.shape_cast %broadcast_in_dim3A_1038 : vector<16x1xi32> to vector<16xi32>
      %gather3A_1040 = tpu.dynamic_gather %add3A_1034[%gather3A_1039] in [0] : vector<16xf32>, vector<16xi32> -> vector<16xf32>
      %add3A_1041 = arith.addf %add3A_1034, %gather3A_1040 : vector<16xf32>
      %xor3A_1042 = arith.constant 2 : i32
      %xor3A_1043 = vector.broadcast %xor3A_1042 : i32 to vector<16xi32>
      %xor3A_1044 = arith.xori %iota3A, %xor3A_1043 : vector<16xi32>
      %broadcast_in_dim3A_1045 = vector.shape_cast %xor3A_1044 : vector<16xi32> to vector<16x1xi32>
      %gather3A_1046 = vector.shape_cast %broadcast_in_dim3A_1045 : vector<16x1xi32> to vector<16xi32>
      %gather3A_1047 = tpu.dynamic_gather %add3A_1041[%gather3A_1046] in [0] : vector<16xf32>, vector<16xi32> -> vector<16xf32>
      %add3A_1048 = arith.addf %add3A_1041, %gather3A_1047 : vector<16xf32>
      %xor3A_1049 = arith.constant 4 : i32
      %xor3A_1050 = vector.broadcast %xor3A_1049 : i32 to vector<16xi32>
      %xor3A_1051 = arith.xori %iota3A, %xor3A_1050 : vector<16xi32>
      %broadcast_in_dim3A_1052 = vector.shape_cast %xor3A_1051 : vector<16xi32> to vector<16x1xi32>
      %gather3A_1053 = vector.shape_cast %broadcast_in_dim3A_1052 : vector<16x1xi32> to vector<16xi32>
      %gather3A_1054 = tpu.dynamic_gather %add3A_1048[%gather3A_1053] in [0] : vector<16xf32>, vector<16xi32> -> vector<16xf32>
      %add3A_1055 = arith.addf %add3A_1048, %gather3A_1054 : vector<16xf32>
      %xor3A_1056 = arith.constant 8 : i32
      %xor3A_1057 = vector.broadcast %xor3A_1056 : i32 to vector<16xi32>
      %xor3A_1058 = arith.xori %iota3A, %xor3A_1057 : vector<16xi32>
      %broadcast_in_dim3A_1059 = vector.shape_cast %xor3A_1058 : vector<16xi32> to vector<16x1xi32>
      %gather3A_1060 = vector.shape_cast %broadcast_in_dim3A_1059 : vector<16x1xi32> to vector<16xi32>
      %gather3A_1061 = tpu.dynamic_gather %add3A_1055[%gather3A_1060] in [0] : vector<16xf32>, vector<16xi32> -> vector<16xf32>
      %add3A_1062 = arith.addf %add3A_1055, %gather3A_1061 : vector<16xf32>
      %eq3A_1063 = arith.constant 8 : i32
      %eq3A_1064 = vector.broadcast %eq3A_1063 : i32 to vector<16xi32>
      %eq3A_1065 = arith.cmpi eq, %iota3A, %eq3A_1064 : vector<16xi32>
      %select_n3A_1066 = arith.select %eq3A_1065, %add3A_1062, %select_n3A_979 : vector<16xi1>, vector<16xf32>
      %broadcast_in_dim3A_1067 = arith.constant 9 : i32
      %broadcast_in_dim3A_1068 = vector.broadcast %broadcast_in_dim3A_1067 : i32 to vector<16xi32>
      %broadcast_in_dim3A_1069 = vector.shape_cast %broadcast_in_dim3A_1068 : vector<16xi32> to vector<16x1xi32>
      %gather3A_1070 = vector.shape_cast %broadcast_in_dim3A_1069 : vector<16x1xi32> to vector<16xi32>
      %gather3A_1071 = tpu.dynamic_gather %get3A_283[%gather3A_1070] in [0] : vector<16xf32>, vector<16xi32> -> vector<16xf32>
      %broadcast_in_dim3A_1072 = arith.constant 0.000000e+00 : f32
      %broadcast_in_dim3A_1073 = vector.broadcast %broadcast_in_dim3A_1072 : f32 to vector<16xf32>
      %mul3A_1074 = arith.mulf %gather3A_1071, %get3A_30 : vector<16xf32>
      %add3A_1075 = arith.addf %mul3A_1074, %get3A_38 : vector<16xf32>
      %bitcast3A_1076 = vector.bitcast %add3A_1075 : vector<16xf32> to vector<16xi32>
      %add3A_1077 = arith.constant 32768 : i32
      %add3A_1078 = vector.broadcast %add3A_1077 : i32 to vector<16xi32>
      %add3A_1079 = arith.addi %bitcast3A_1076, %add3A_1078 : vector<16xi32>
      %and3A_1080 = arith.constant -65536 : i32
      %and3A_1081 = vector.broadcast %and3A_1080 : i32 to vector<16xi32>
      %and3A_1082 = arith.andi %add3A_1079, %and3A_1081 : vector<16xi32>
      %bitcast3A_1083 = vector.bitcast %and3A_1082 : vector<16xi32> to vector<16xf32>
      %mul3A_1084 = arith.mulf %bitcast3A_1083, %bitcast3A_52 : vector<16xf32>
      %add3A_1085 = arith.addf %broadcast_in_dim3A_1073, %mul3A_1084 : vector<16xf32>
      %mul3A_1086 = arith.mulf %gather3A_1071, %get3A_32 : vector<16xf32>
      %add3A_1087 = arith.addf %mul3A_1086, %get3A_40 : vector<16xf32>
      %bitcast3A_1088 = vector.bitcast %add3A_1087 : vector<16xf32> to vector<16xi32>
      %add3A_1089 = arith.constant 32768 : i32
      %add3A_1090 = vector.broadcast %add3A_1089 : i32 to vector<16xi32>
      %add3A_1091 = arith.addi %bitcast3A_1088, %add3A_1090 : vector<16xi32>
      %and3A_1092 = arith.constant -65536 : i32
      %and3A_1093 = vector.broadcast %and3A_1092 : i32 to vector<16xi32>
      %and3A_1094 = arith.andi %add3A_1091, %and3A_1093 : vector<16xi32>
      %bitcast3A_1095 = vector.bitcast %and3A_1094 : vector<16xi32> to vector<16xf32>
      %mul3A_1096 = arith.mulf %bitcast3A_1095, %bitcast3A_62 : vector<16xf32>
      %add3A_1097 = arith.addf %add3A_1085, %mul3A_1096 : vector<16xf32>
      %mul3A_1098 = arith.mulf %gather3A_1071, %get3A_34 : vector<16xf32>
      %add3A_1099 = arith.addf %mul3A_1098, %get3A_42 : vector<16xf32>
      %bitcast3A_1100 = vector.bitcast %add3A_1099 : vector<16xf32> to vector<16xi32>
      %add3A_1101 = arith.constant 32768 : i32
      %add3A_1102 = vector.broadcast %add3A_1101 : i32 to vector<16xi32>
      %add3A_1103 = arith.addi %bitcast3A_1100, %add3A_1102 : vector<16xi32>
      %and3A_1104 = arith.constant -65536 : i32
      %and3A_1105 = vector.broadcast %and3A_1104 : i32 to vector<16xi32>
      %and3A_1106 = arith.andi %add3A_1103, %and3A_1105 : vector<16xi32>
      %bitcast3A_1107 = vector.bitcast %and3A_1106 : vector<16xi32> to vector<16xf32>
      %mul3A_1108 = arith.mulf %bitcast3A_1107, %bitcast3A_72 : vector<16xf32>
      %add3A_1109 = arith.addf %add3A_1097, %mul3A_1108 : vector<16xf32>
      %mul3A_1110 = arith.mulf %gather3A_1071, %get3A_36 : vector<16xf32>
      %add3A_1111 = arith.addf %mul3A_1110, %get3A_44 : vector<16xf32>
      %bitcast3A_1112 = vector.bitcast %add3A_1111 : vector<16xf32> to vector<16xi32>
      %add3A_1113 = arith.constant 32768 : i32
      %add3A_1114 = vector.broadcast %add3A_1113 : i32 to vector<16xi32>
      %add3A_1115 = arith.addi %bitcast3A_1112, %add3A_1114 : vector<16xi32>
      %and3A_1116 = arith.constant -65536 : i32
      %and3A_1117 = vector.broadcast %and3A_1116 : i32 to vector<16xi32>
      %and3A_1118 = arith.andi %add3A_1115, %and3A_1117 : vector<16xi32>
      %bitcast3A_1119 = vector.bitcast %and3A_1118 : vector<16xi32> to vector<16xf32>
      %mul3A_1120 = arith.mulf %bitcast3A_1119, %bitcast3A_82 : vector<16xf32>
      %add3A_1121 = arith.addf %add3A_1109, %mul3A_1120 : vector<16xf32>
      %xor3A_1122 = arith.constant 1 : i32
      %xor3A_1123 = vector.broadcast %xor3A_1122 : i32 to vector<16xi32>
      %xor3A_1124 = arith.xori %iota3A, %xor3A_1123 : vector<16xi32>
      %broadcast_in_dim3A_1125 = vector.shape_cast %xor3A_1124 : vector<16xi32> to vector<16x1xi32>
      %gather3A_1126 = vector.shape_cast %broadcast_in_dim3A_1125 : vector<16x1xi32> to vector<16xi32>
      %gather3A_1127 = tpu.dynamic_gather %add3A_1121[%gather3A_1126] in [0] : vector<16xf32>, vector<16xi32> -> vector<16xf32>
      %add3A_1128 = arith.addf %add3A_1121, %gather3A_1127 : vector<16xf32>
      %xor3A_1129 = arith.constant 2 : i32
      %xor3A_1130 = vector.broadcast %xor3A_1129 : i32 to vector<16xi32>
      %xor3A_1131 = arith.xori %iota3A, %xor3A_1130 : vector<16xi32>
      %broadcast_in_dim3A_1132 = vector.shape_cast %xor3A_1131 : vector<16xi32> to vector<16x1xi32>
      %gather3A_1133 = vector.shape_cast %broadcast_in_dim3A_1132 : vector<16x1xi32> to vector<16xi32>
      %gather3A_1134 = tpu.dynamic_gather %add3A_1128[%gather3A_1133] in [0] : vector<16xf32>, vector<16xi32> -> vector<16xf32>
      %add3A_1135 = arith.addf %add3A_1128, %gather3A_1134 : vector<16xf32>
      %xor3A_1136 = arith.constant 4 : i32
      %xor3A_1137 = vector.broadcast %xor3A_1136 : i32 to vector<16xi32>
      %xor3A_1138 = arith.xori %iota3A, %xor3A_1137 : vector<16xi32>
      %broadcast_in_dim3A_1139 = vector.shape_cast %xor3A_1138 : vector<16xi32> to vector<16x1xi32>
      %gather3A_1140 = vector.shape_cast %broadcast_in_dim3A_1139 : vector<16x1xi32> to vector<16xi32>
      %gather3A_1141 = tpu.dynamic_gather %add3A_1135[%gather3A_1140] in [0] : vector<16xf32>, vector<16xi32> -> vector<16xf32>
      %add3A_1142 = arith.addf %add3A_1135, %gather3A_1141 : vector<16xf32>
      %xor3A_1143 = arith.constant 8 : i32
      %xor3A_1144 = vector.broadcast %xor3A_1143 : i32 to vector<16xi32>
      %xor3A_1145 = arith.xori %iota3A, %xor3A_1144 : vector<16xi32>
      %broadcast_in_dim3A_1146 = vector.shape_cast %xor3A_1145 : vector<16xi32> to vector<16x1xi32>
      %gather3A_1147 = vector.shape_cast %broadcast_in_dim3A_1146 : vector<16x1xi32> to vector<16xi32>
      %gather3A_1148 = tpu.dynamic_gather %add3A_1142[%gather3A_1147] in [0] : vector<16xf32>, vector<16xi32> -> vector<16xf32>
      %add3A_1149 = arith.addf %add3A_1142, %gather3A_1148 : vector<16xf32>
      %eq3A_1150 = arith.constant 9 : i32
      %eq3A_1151 = vector.broadcast %eq3A_1150 : i32 to vector<16xi32>
      %eq3A_1152 = arith.cmpi eq, %iota3A, %eq3A_1151 : vector<16xi32>
      %select_n3A_1153 = arith.select %eq3A_1152, %add3A_1149, %select_n3A_1066 : vector<16xi1>, vector<16xf32>
      %broadcast_in_dim3A_1154 = arith.constant 10 : i32
      %broadcast_in_dim3A_1155 = vector.broadcast %broadcast_in_dim3A_1154 : i32 to vector<16xi32>
      %broadcast_in_dim3A_1156 = vector.shape_cast %broadcast_in_dim3A_1155 : vector<16xi32> to vector<16x1xi32>
      %gather3A_1157 = vector.shape_cast %broadcast_in_dim3A_1156 : vector<16x1xi32> to vector<16xi32>
      %gather3A_1158 = tpu.dynamic_gather %get3A_283[%gather3A_1157] in [0] : vector<16xf32>, vector<16xi32> -> vector<16xf32>
      %broadcast_in_dim3A_1159 = arith.constant 0.000000e+00 : f32
      %broadcast_in_dim3A_1160 = vector.broadcast %broadcast_in_dim3A_1159 : f32 to vector<16xf32>
      %mul3A_1161 = arith.mulf %gather3A_1158, %get3A_30 : vector<16xf32>
      %add3A_1162 = arith.addf %mul3A_1161, %get3A_38 : vector<16xf32>
      %bitcast3A_1163 = vector.bitcast %add3A_1162 : vector<16xf32> to vector<16xi32>
      %add3A_1164 = arith.constant 32768 : i32
      %add3A_1165 = vector.broadcast %add3A_1164 : i32 to vector<16xi32>
      %add3A_1166 = arith.addi %bitcast3A_1163, %add3A_1165 : vector<16xi32>
      %and3A_1167 = arith.constant -65536 : i32
      %and3A_1168 = vector.broadcast %and3A_1167 : i32 to vector<16xi32>
      %and3A_1169 = arith.andi %add3A_1166, %and3A_1168 : vector<16xi32>
      %bitcast3A_1170 = vector.bitcast %and3A_1169 : vector<16xi32> to vector<16xf32>
      %mul3A_1171 = arith.mulf %bitcast3A_1170, %bitcast3A_52 : vector<16xf32>
      %add3A_1172 = arith.addf %broadcast_in_dim3A_1160, %mul3A_1171 : vector<16xf32>
      %mul3A_1173 = arith.mulf %gather3A_1158, %get3A_32 : vector<16xf32>
      %add3A_1174 = arith.addf %mul3A_1173, %get3A_40 : vector<16xf32>
      %bitcast3A_1175 = vector.bitcast %add3A_1174 : vector<16xf32> to vector<16xi32>
      %add3A_1176 = arith.constant 32768 : i32
      %add3A_1177 = vector.broadcast %add3A_1176 : i32 to vector<16xi32>
      %add3A_1178 = arith.addi %bitcast3A_1175, %add3A_1177 : vector<16xi32>
      %and3A_1179 = arith.constant -65536 : i32
      %and3A_1180 = vector.broadcast %and3A_1179 : i32 to vector<16xi32>
      %and3A_1181 = arith.andi %add3A_1178, %and3A_1180 : vector<16xi32>
      %bitcast3A_1182 = vector.bitcast %and3A_1181 : vector<16xi32> to vector<16xf32>
      %mul3A_1183 = arith.mulf %bitcast3A_1182, %bitcast3A_62 : vector<16xf32>
      %add3A_1184 = arith.addf %add3A_1172, %mul3A_1183 : vector<16xf32>
      %mul3A_1185 = arith.mulf %gather3A_1158, %get3A_34 : vector<16xf32>
      %add3A_1186 = arith.addf %mul3A_1185, %get3A_42 : vector<16xf32>
      %bitcast3A_1187 = vector.bitcast %add3A_1186 : vector<16xf32> to vector<16xi32>
      %add3A_1188 = arith.constant 32768 : i32
      %add3A_1189 = vector.broadcast %add3A_1188 : i32 to vector<16xi32>
      %add3A_1190 = arith.addi %bitcast3A_1187, %add3A_1189 : vector<16xi32>
      %and3A_1191 = arith.constant -65536 : i32
      %and3A_1192 = vector.broadcast %and3A_1191 : i32 to vector<16xi32>
      %and3A_1193 = arith.andi %add3A_1190, %and3A_1192 : vector<16xi32>
      %bitcast3A_1194 = vector.bitcast %and3A_1193 : vector<16xi32> to vector<16xf32>
      %mul3A_1195 = arith.mulf %bitcast3A_1194, %bitcast3A_72 : vector<16xf32>
      %add3A_1196 = arith.addf %add3A_1184, %mul3A_1195 : vector<16xf32>
      %mul3A_1197 = arith.mulf %gather3A_1158, %get3A_36 : vector<16xf32>
      %add3A_1198 = arith.addf %mul3A_1197, %get3A_44 : vector<16xf32>
      %bitcast3A_1199 = vector.bitcast %add3A_1198 : vector<16xf32> to vector<16xi32>
      %add3A_1200 = arith.constant 32768 : i32
      %add3A_1201 = vector.broadcast %add3A_1200 : i32 to vector<16xi32>
      %add3A_1202 = arith.addi %bitcast3A_1199, %add3A_1201 : vector<16xi32>
      %and3A_1203 = arith.constant -65536 : i32
      %and3A_1204 = vector.broadcast %and3A_1203 : i32 to vector<16xi32>
      %and3A_1205 = arith.andi %add3A_1202, %and3A_1204 : vector<16xi32>
      %bitcast3A_1206 = vector.bitcast %and3A_1205 : vector<16xi32> to vector<16xf32>
      %mul3A_1207 = arith.mulf %bitcast3A_1206, %bitcast3A_82 : vector<16xf32>
      %add3A_1208 = arith.addf %add3A_1196, %mul3A_1207 : vector<16xf32>
      %xor3A_1209 = arith.constant 1 : i32
      %xor3A_1210 = vector.broadcast %xor3A_1209 : i32 to vector<16xi32>
      %xor3A_1211 = arith.xori %iota3A, %xor3A_1210 : vector<16xi32>
      %broadcast_in_dim3A_1212 = vector.shape_cast %xor3A_1211 : vector<16xi32> to vector<16x1xi32>
      %gather3A_1213 = vector.shape_cast %broadcast_in_dim3A_1212 : vector<16x1xi32> to vector<16xi32>
      %gather3A_1214 = tpu.dynamic_gather %add3A_1208[%gather3A_1213] in [0] : vector<16xf32>, vector<16xi32> -> vector<16xf32>
      %add3A_1215 = arith.addf %add3A_1208, %gather3A_1214 : vector<16xf32>
      %xor3A_1216 = arith.constant 2 : i32
      %xor3A_1217 = vector.broadcast %xor3A_1216 : i32 to vector<16xi32>
      %xor3A_1218 = arith.xori %iota3A, %xor3A_1217 : vector<16xi32>
      %broadcast_in_dim3A_1219 = vector.shape_cast %xor3A_1218 : vector<16xi32> to vector<16x1xi32>
      %gather3A_1220 = vector.shape_cast %broadcast_in_dim3A_1219 : vector<16x1xi32> to vector<16xi32>
      %gather3A_1221 = tpu.dynamic_gather %add3A_1215[%gather3A_1220] in [0] : vector<16xf32>, vector<16xi32> -> vector<16xf32>
      %add3A_1222 = arith.addf %add3A_1215, %gather3A_1221 : vector<16xf32>
      %xor3A_1223 = arith.constant 4 : i32
      %xor3A_1224 = vector.broadcast %xor3A_1223 : i32 to vector<16xi32>
      %xor3A_1225 = arith.xori %iota3A, %xor3A_1224 : vector<16xi32>
      %broadcast_in_dim3A_1226 = vector.shape_cast %xor3A_1225 : vector<16xi32> to vector<16x1xi32>
      %gather3A_1227 = vector.shape_cast %broadcast_in_dim3A_1226 : vector<16x1xi32> to vector<16xi32>
      %gather3A_1228 = tpu.dynamic_gather %add3A_1222[%gather3A_1227] in [0] : vector<16xf32>, vector<16xi32> -> vector<16xf32>
      %add3A_1229 = arith.addf %add3A_1222, %gather3A_1228 : vector<16xf32>
      %xor3A_1230 = arith.constant 8 : i32
      %xor3A_1231 = vector.broadcast %xor3A_1230 : i32 to vector<16xi32>
      %xor3A_1232 = arith.xori %iota3A, %xor3A_1231 : vector<16xi32>
      %broadcast_in_dim3A_1233 = vector.shape_cast %xor3A_1232 : vector<16xi32> to vector<16x1xi32>
      %gather3A_1234 = vector.shape_cast %broadcast_in_dim3A_1233 : vector<16x1xi32> to vector<16xi32>
      %gather3A_1235 = tpu.dynamic_gather %add3A_1229[%gather3A_1234] in [0] : vector<16xf32>, vector<16xi32> -> vector<16xf32>
      %add3A_1236 = arith.addf %add3A_1229, %gather3A_1235 : vector<16xf32>
      %eq3A_1237 = arith.constant 10 : i32
      %eq3A_1238 = vector.broadcast %eq3A_1237 : i32 to vector<16xi32>
      %eq3A_1239 = arith.cmpi eq, %iota3A, %eq3A_1238 : vector<16xi32>
      %select_n3A_1240 = arith.select %eq3A_1239, %add3A_1236, %select_n3A_1153 : vector<16xi1>, vector<16xf32>
      %broadcast_in_dim3A_1241 = arith.constant 11 : i32
      %broadcast_in_dim3A_1242 = vector.broadcast %broadcast_in_dim3A_1241 : i32 to vector<16xi32>
      %broadcast_in_dim3A_1243 = vector.shape_cast %broadcast_in_dim3A_1242 : vector<16xi32> to vector<16x1xi32>
      %gather3A_1244 = vector.shape_cast %broadcast_in_dim3A_1243 : vector<16x1xi32> to vector<16xi32>
      %gather3A_1245 = tpu.dynamic_gather %get3A_283[%gather3A_1244] in [0] : vector<16xf32>, vector<16xi32> -> vector<16xf32>
      %broadcast_in_dim3A_1246 = arith.constant 0.000000e+00 : f32
      %broadcast_in_dim3A_1247 = vector.broadcast %broadcast_in_dim3A_1246 : f32 to vector<16xf32>
      %mul3A_1248 = arith.mulf %gather3A_1245, %get3A_30 : vector<16xf32>
      %add3A_1249 = arith.addf %mul3A_1248, %get3A_38 : vector<16xf32>
      %bitcast3A_1250 = vector.bitcast %add3A_1249 : vector<16xf32> to vector<16xi32>
      %add3A_1251 = arith.constant 32768 : i32
      %add3A_1252 = vector.broadcast %add3A_1251 : i32 to vector<16xi32>
      %add3A_1253 = arith.addi %bitcast3A_1250, %add3A_1252 : vector<16xi32>
      %and3A_1254 = arith.constant -65536 : i32
      %and3A_1255 = vector.broadcast %and3A_1254 : i32 to vector<16xi32>
      %and3A_1256 = arith.andi %add3A_1253, %and3A_1255 : vector<16xi32>
      %bitcast3A_1257 = vector.bitcast %and3A_1256 : vector<16xi32> to vector<16xf32>
      %mul3A_1258 = arith.mulf %bitcast3A_1257, %bitcast3A_52 : vector<16xf32>
      %add3A_1259 = arith.addf %broadcast_in_dim3A_1247, %mul3A_1258 : vector<16xf32>
      %mul3A_1260 = arith.mulf %gather3A_1245, %get3A_32 : vector<16xf32>
      %add3A_1261 = arith.addf %mul3A_1260, %get3A_40 : vector<16xf32>
      %bitcast3A_1262 = vector.bitcast %add3A_1261 : vector<16xf32> to vector<16xi32>
      %add3A_1263 = arith.constant 32768 : i32
      %add3A_1264 = vector.broadcast %add3A_1263 : i32 to vector<16xi32>
      %add3A_1265 = arith.addi %bitcast3A_1262, %add3A_1264 : vector<16xi32>
      %and3A_1266 = arith.constant -65536 : i32
      %and3A_1267 = vector.broadcast %and3A_1266 : i32 to vector<16xi32>
      %and3A_1268 = arith.andi %add3A_1265, %and3A_1267 : vector<16xi32>
      %bitcast3A_1269 = vector.bitcast %and3A_1268 : vector<16xi32> to vector<16xf32>
      %mul3A_1270 = arith.mulf %bitcast3A_1269, %bitcast3A_62 : vector<16xf32>
      %add3A_1271 = arith.addf %add3A_1259, %mul3A_1270 : vector<16xf32>
      %mul3A_1272 = arith.mulf %gather3A_1245, %get3A_34 : vector<16xf32>
      %add3A_1273 = arith.addf %mul3A_1272, %get3A_42 : vector<16xf32>
      %bitcast3A_1274 = vector.bitcast %add3A_1273 : vector<16xf32> to vector<16xi32>
      %add3A_1275 = arith.constant 32768 : i32
      %add3A_1276 = vector.broadcast %add3A_1275 : i32 to vector<16xi32>
      %add3A_1277 = arith.addi %bitcast3A_1274, %add3A_1276 : vector<16xi32>
      %and3A_1278 = arith.constant -65536 : i32
      %and3A_1279 = vector.broadcast %and3A_1278 : i32 to vector<16xi32>
      %and3A_1280 = arith.andi %add3A_1277, %and3A_1279 : vector<16xi32>
      %bitcast3A_1281 = vector.bitcast %and3A_1280 : vector<16xi32> to vector<16xf32>
      %mul3A_1282 = arith.mulf %bitcast3A_1281, %bitcast3A_72 : vector<16xf32>
      %add3A_1283 = arith.addf %add3A_1271, %mul3A_1282 : vector<16xf32>
      %mul3A_1284 = arith.mulf %gather3A_1245, %get3A_36 : vector<16xf32>
      %add3A_1285 = arith.addf %mul3A_1284, %get3A_44 : vector<16xf32>
      %bitcast3A_1286 = vector.bitcast %add3A_1285 : vector<16xf32> to vector<16xi32>
      %add3A_1287 = arith.constant 32768 : i32
      %add3A_1288 = vector.broadcast %add3A_1287 : i32 to vector<16xi32>
      %add3A_1289 = arith.addi %bitcast3A_1286, %add3A_1288 : vector<16xi32>
      %and3A_1290 = arith.constant -65536 : i32
      %and3A_1291 = vector.broadcast %and3A_1290 : i32 to vector<16xi32>
      %and3A_1292 = arith.andi %add3A_1289, %and3A_1291 : vector<16xi32>
      %bitcast3A_1293 = vector.bitcast %and3A_1292 : vector<16xi32> to vector<16xf32>
      %mul3A_1294 = arith.mulf %bitcast3A_1293, %bitcast3A_82 : vector<16xf32>
      %add3A_1295 = arith.addf %add3A_1283, %mul3A_1294 : vector<16xf32>
      %xor3A_1296 = arith.constant 1 : i32
      %xor3A_1297 = vector.broadcast %xor3A_1296 : i32 to vector<16xi32>
      %xor3A_1298 = arith.xori %iota3A, %xor3A_1297 : vector<16xi32>
      %broadcast_in_dim3A_1299 = vector.shape_cast %xor3A_1298 : vector<16xi32> to vector<16x1xi32>
      %gather3A_1300 = vector.shape_cast %broadcast_in_dim3A_1299 : vector<16x1xi32> to vector<16xi32>
      %gather3A_1301 = tpu.dynamic_gather %add3A_1295[%gather3A_1300] in [0] : vector<16xf32>, vector<16xi32> -> vector<16xf32>
      %add3A_1302 = arith.addf %add3A_1295, %gather3A_1301 : vector<16xf32>
      %xor3A_1303 = arith.constant 2 : i32
      %xor3A_1304 = vector.broadcast %xor3A_1303 : i32 to vector<16xi32>
      %xor3A_1305 = arith.xori %iota3A, %xor3A_1304 : vector<16xi32>
      %broadcast_in_dim3A_1306 = vector.shape_cast %xor3A_1305 : vector<16xi32> to vector<16x1xi32>
      %gather3A_1307 = vector.shape_cast %broadcast_in_dim3A_1306 : vector<16x1xi32> to vector<16xi32>
      %gather3A_1308 = tpu.dynamic_gather %add3A_1302[%gather3A_1307] in [0] : vector<16xf32>, vector<16xi32> -> vector<16xf32>
      %add3A_1309 = arith.addf %add3A_1302, %gather3A_1308 : vector<16xf32>
      %xor3A_1310 = arith.constant 4 : i32
      %xor3A_1311 = vector.broadcast %xor3A_1310 : i32 to vector<16xi32>
      %xor3A_1312 = arith.xori %iota3A, %xor3A_1311 : vector<16xi32>
      %broadcast_in_dim3A_1313 = vector.shape_cast %xor3A_1312 : vector<16xi32> to vector<16x1xi32>
      %gather3A_1314 = vector.shape_cast %broadcast_in_dim3A_1313 : vector<16x1xi32> to vector<16xi32>
      %gather3A_1315 = tpu.dynamic_gather %add3A_1309[%gather3A_1314] in [0] : vector<16xf32>, vector<16xi32> -> vector<16xf32>
      %add3A_1316 = arith.addf %add3A_1309, %gather3A_1315 : vector<16xf32>
      %xor3A_1317 = arith.constant 8 : i32
      %xor3A_1318 = vector.broadcast %xor3A_1317 : i32 to vector<16xi32>
      %xor3A_1319 = arith.xori %iota3A, %xor3A_1318 : vector<16xi32>
      %broadcast_in_dim3A_1320 = vector.shape_cast %xor3A_1319 : vector<16xi32> to vector<16x1xi32>
      %gather3A_1321 = vector.shape_cast %broadcast_in_dim3A_1320 : vector<16x1xi32> to vector<16xi32>
      %gather3A_1322 = tpu.dynamic_gather %add3A_1316[%gather3A_1321] in [0] : vector<16xf32>, vector<16xi32> -> vector<16xf32>
      %add3A_1323 = arith.addf %add3A_1316, %gather3A_1322 : vector<16xf32>
      %eq3A_1324 = arith.constant 11 : i32
      %eq3A_1325 = vector.broadcast %eq3A_1324 : i32 to vector<16xi32>
      %eq3A_1326 = arith.cmpi eq, %iota3A, %eq3A_1325 : vector<16xi32>
      %select_n3A_1327 = arith.select %eq3A_1326, %add3A_1323, %select_n3A_1240 : vector<16xi1>, vector<16xf32>
      %broadcast_in_dim3A_1328 = arith.constant 12 : i32
      %broadcast_in_dim3A_1329 = vector.broadcast %broadcast_in_dim3A_1328 : i32 to vector<16xi32>
      %broadcast_in_dim3A_1330 = vector.shape_cast %broadcast_in_dim3A_1329 : vector<16xi32> to vector<16x1xi32>
      %gather3A_1331 = vector.shape_cast %broadcast_in_dim3A_1330 : vector<16x1xi32> to vector<16xi32>
      %gather3A_1332 = tpu.dynamic_gather %get3A_283[%gather3A_1331] in [0] : vector<16xf32>, vector<16xi32> -> vector<16xf32>
      %broadcast_in_dim3A_1333 = arith.constant 0.000000e+00 : f32
      %broadcast_in_dim3A_1334 = vector.broadcast %broadcast_in_dim3A_1333 : f32 to vector<16xf32>
      %mul3A_1335 = arith.mulf %gather3A_1332, %get3A_30 : vector<16xf32>
      %add3A_1336 = arith.addf %mul3A_1335, %get3A_38 : vector<16xf32>
      %bitcast3A_1337 = vector.bitcast %add3A_1336 : vector<16xf32> to vector<16xi32>
      %add3A_1338 = arith.constant 32768 : i32
      %add3A_1339 = vector.broadcast %add3A_1338 : i32 to vector<16xi32>
      %add3A_1340 = arith.addi %bitcast3A_1337, %add3A_1339 : vector<16xi32>
      %and3A_1341 = arith.constant -65536 : i32
      %and3A_1342 = vector.broadcast %and3A_1341 : i32 to vector<16xi32>
      %and3A_1343 = arith.andi %add3A_1340, %and3A_1342 : vector<16xi32>
      %bitcast3A_1344 = vector.bitcast %and3A_1343 : vector<16xi32> to vector<16xf32>
      %mul3A_1345 = arith.mulf %bitcast3A_1344, %bitcast3A_52 : vector<16xf32>
      %add3A_1346 = arith.addf %broadcast_in_dim3A_1334, %mul3A_1345 : vector<16xf32>
      %mul3A_1347 = arith.mulf %gather3A_1332, %get3A_32 : vector<16xf32>
      %add3A_1348 = arith.addf %mul3A_1347, %get3A_40 : vector<16xf32>
      %bitcast3A_1349 = vector.bitcast %add3A_1348 : vector<16xf32> to vector<16xi32>
      %add3A_1350 = arith.constant 32768 : i32
      %add3A_1351 = vector.broadcast %add3A_1350 : i32 to vector<16xi32>
      %add3A_1352 = arith.addi %bitcast3A_1349, %add3A_1351 : vector<16xi32>
      %and3A_1353 = arith.constant -65536 : i32
      %and3A_1354 = vector.broadcast %and3A_1353 : i32 to vector<16xi32>
      %and3A_1355 = arith.andi %add3A_1352, %and3A_1354 : vector<16xi32>
      %bitcast3A_1356 = vector.bitcast %and3A_1355 : vector<16xi32> to vector<16xf32>
      %mul3A_1357 = arith.mulf %bitcast3A_1356, %bitcast3A_62 : vector<16xf32>
      %add3A_1358 = arith.addf %add3A_1346, %mul3A_1357 : vector<16xf32>
      %mul3A_1359 = arith.mulf %gather3A_1332, %get3A_34 : vector<16xf32>
      %add3A_1360 = arith.addf %mul3A_1359, %get3A_42 : vector<16xf32>
      %bitcast3A_1361 = vector.bitcast %add3A_1360 : vector<16xf32> to vector<16xi32>
      %add3A_1362 = arith.constant 32768 : i32
      %add3A_1363 = vector.broadcast %add3A_1362 : i32 to vector<16xi32>
      %add3A_1364 = arith.addi %bitcast3A_1361, %add3A_1363 : vector<16xi32>
      %and3A_1365 = arith.constant -65536 : i32
      %and3A_1366 = vector.broadcast %and3A_1365 : i32 to vector<16xi32>
      %and3A_1367 = arith.andi %add3A_1364, %and3A_1366 : vector<16xi32>
      %bitcast3A_1368 = vector.bitcast %and3A_1367 : vector<16xi32> to vector<16xf32>
      %mul3A_1369 = arith.mulf %bitcast3A_1368, %bitcast3A_72 : vector<16xf32>
      %add3A_1370 = arith.addf %add3A_1358, %mul3A_1369 : vector<16xf32>
      %mul3A_1371 = arith.mulf %gather3A_1332, %get3A_36 : vector<16xf32>
      %add3A_1372 = arith.addf %mul3A_1371, %get3A_44 : vector<16xf32>
      %bitcast3A_1373 = vector.bitcast %add3A_1372 : vector<16xf32> to vector<16xi32>
      %add3A_1374 = arith.constant 32768 : i32
      %add3A_1375 = vector.broadcast %add3A_1374 : i32 to vector<16xi32>
      %add3A_1376 = arith.addi %bitcast3A_1373, %add3A_1375 : vector<16xi32>
      %and3A_1377 = arith.constant -65536 : i32
      %and3A_1378 = vector.broadcast %and3A_1377 : i32 to vector<16xi32>
      %and3A_1379 = arith.andi %add3A_1376, %and3A_1378 : vector<16xi32>
      %bitcast3A_1380 = vector.bitcast %and3A_1379 : vector<16xi32> to vector<16xf32>
      %mul3A_1381 = arith.mulf %bitcast3A_1380, %bitcast3A_82 : vector<16xf32>
      %add3A_1382 = arith.addf %add3A_1370, %mul3A_1381 : vector<16xf32>
      %xor3A_1383 = arith.constant 1 : i32
      %xor3A_1384 = vector.broadcast %xor3A_1383 : i32 to vector<16xi32>
      %xor3A_1385 = arith.xori %iota3A, %xor3A_1384 : vector<16xi32>
      %broadcast_in_dim3A_1386 = vector.shape_cast %xor3A_1385 : vector<16xi32> to vector<16x1xi32>
      %gather3A_1387 = vector.shape_cast %broadcast_in_dim3A_1386 : vector<16x1xi32> to vector<16xi32>
      %gather3A_1388 = tpu.dynamic_gather %add3A_1382[%gather3A_1387] in [0] : vector<16xf32>, vector<16xi32> -> vector<16xf32>
      %add3A_1389 = arith.addf %add3A_1382, %gather3A_1388 : vector<16xf32>
      %xor3A_1390 = arith.constant 2 : i32
      %xor3A_1391 = vector.broadcast %xor3A_1390 : i32 to vector<16xi32>
      %xor3A_1392 = arith.xori %iota3A, %xor3A_1391 : vector<16xi32>
      %broadcast_in_dim3A_1393 = vector.shape_cast %xor3A_1392 : vector<16xi32> to vector<16x1xi32>
      %gather3A_1394 = vector.shape_cast %broadcast_in_dim3A_1393 : vector<16x1xi32> to vector<16xi32>
      %gather3A_1395 = tpu.dynamic_gather %add3A_1389[%gather3A_1394] in [0] : vector<16xf32>, vector<16xi32> -> vector<16xf32>
      %add3A_1396 = arith.addf %add3A_1389, %gather3A_1395 : vector<16xf32>
      %xor3A_1397 = arith.constant 4 : i32
      %xor3A_1398 = vector.broadcast %xor3A_1397 : i32 to vector<16xi32>
      %xor3A_1399 = arith.xori %iota3A, %xor3A_1398 : vector<16xi32>
      %broadcast_in_dim3A_1400 = vector.shape_cast %xor3A_1399 : vector<16xi32> to vector<16x1xi32>
      %gather3A_1401 = vector.shape_cast %broadcast_in_dim3A_1400 : vector<16x1xi32> to vector<16xi32>
      %gather3A_1402 = tpu.dynamic_gather %add3A_1396[%gather3A_1401] in [0] : vector<16xf32>, vector<16xi32> -> vector<16xf32>
      %add3A_1403 = arith.addf %add3A_1396, %gather3A_1402 : vector<16xf32>
      %xor3A_1404 = arith.constant 8 : i32
      %xor3A_1405 = vector.broadcast %xor3A_1404 : i32 to vector<16xi32>
      %xor3A_1406 = arith.xori %iota3A, %xor3A_1405 : vector<16xi32>
      %broadcast_in_dim3A_1407 = vector.shape_cast %xor3A_1406 : vector<16xi32> to vector<16x1xi32>
      %gather3A_1408 = vector.shape_cast %broadcast_in_dim3A_1407 : vector<16x1xi32> to vector<16xi32>
      %gather3A_1409 = tpu.dynamic_gather %add3A_1403[%gather3A_1408] in [0] : vector<16xf32>, vector<16xi32> -> vector<16xf32>
      %add3A_1410 = arith.addf %add3A_1403, %gather3A_1409 : vector<16xf32>
      %eq3A_1411 = arith.constant 12 : i32
      %eq3A_1412 = vector.broadcast %eq3A_1411 : i32 to vector<16xi32>
      %eq3A_1413 = arith.cmpi eq, %iota3A, %eq3A_1412 : vector<16xi32>
      %select_n3A_1414 = arith.select %eq3A_1413, %add3A_1410, %select_n3A_1327 : vector<16xi1>, vector<16xf32>
      %broadcast_in_dim3A_1415 = arith.constant 13 : i32
      %broadcast_in_dim3A_1416 = vector.broadcast %broadcast_in_dim3A_1415 : i32 to vector<16xi32>
      %broadcast_in_dim3A_1417 = vector.shape_cast %broadcast_in_dim3A_1416 : vector<16xi32> to vector<16x1xi32>
      %gather3A_1418 = vector.shape_cast %broadcast_in_dim3A_1417 : vector<16x1xi32> to vector<16xi32>
      %gather3A_1419 = tpu.dynamic_gather %get3A_283[%gather3A_1418] in [0] : vector<16xf32>, vector<16xi32> -> vector<16xf32>
      %broadcast_in_dim3A_1420 = arith.constant 0.000000e+00 : f32
      %broadcast_in_dim3A_1421 = vector.broadcast %broadcast_in_dim3A_1420 : f32 to vector<16xf32>
      %mul3A_1422 = arith.mulf %gather3A_1419, %get3A_30 : vector<16xf32>
      %add3A_1423 = arith.addf %mul3A_1422, %get3A_38 : vector<16xf32>
      %bitcast3A_1424 = vector.bitcast %add3A_1423 : vector<16xf32> to vector<16xi32>
      %add3A_1425 = arith.constant 32768 : i32
      %add3A_1426 = vector.broadcast %add3A_1425 : i32 to vector<16xi32>
      %add3A_1427 = arith.addi %bitcast3A_1424, %add3A_1426 : vector<16xi32>
      %and3A_1428 = arith.constant -65536 : i32
      %and3A_1429 = vector.broadcast %and3A_1428 : i32 to vector<16xi32>
      %and3A_1430 = arith.andi %add3A_1427, %and3A_1429 : vector<16xi32>
      %bitcast3A_1431 = vector.bitcast %and3A_1430 : vector<16xi32> to vector<16xf32>
      %mul3A_1432 = arith.mulf %bitcast3A_1431, %bitcast3A_52 : vector<16xf32>
      %add3A_1433 = arith.addf %broadcast_in_dim3A_1421, %mul3A_1432 : vector<16xf32>
      %mul3A_1434 = arith.mulf %gather3A_1419, %get3A_32 : vector<16xf32>
      %add3A_1435 = arith.addf %mul3A_1434, %get3A_40 : vector<16xf32>
      %bitcast3A_1436 = vector.bitcast %add3A_1435 : vector<16xf32> to vector<16xi32>
      %add3A_1437 = arith.constant 32768 : i32
      %add3A_1438 = vector.broadcast %add3A_1437 : i32 to vector<16xi32>
      %add3A_1439 = arith.addi %bitcast3A_1436, %add3A_1438 : vector<16xi32>
      %and3A_1440 = arith.constant -65536 : i32
      %and3A_1441 = vector.broadcast %and3A_1440 : i32 to vector<16xi32>
      %and3A_1442 = arith.andi %add3A_1439, %and3A_1441 : vector<16xi32>
      %bitcast3A_1443 = vector.bitcast %and3A_1442 : vector<16xi32> to vector<16xf32>
      %mul3A_1444 = arith.mulf %bitcast3A_1443, %bitcast3A_62 : vector<16xf32>
      %add3A_1445 = arith.addf %add3A_1433, %mul3A_1444 : vector<16xf32>
      %mul3A_1446 = arith.mulf %gather3A_1419, %get3A_34 : vector<16xf32>
      %add3A_1447 = arith.addf %mul3A_1446, %get3A_42 : vector<16xf32>
      %bitcast3A_1448 = vector.bitcast %add3A_1447 : vector<16xf32> to vector<16xi32>
      %add3A_1449 = arith.constant 32768 : i32
      %add3A_1450 = vector.broadcast %add3A_1449 : i32 to vector<16xi32>
      %add3A_1451 = arith.addi %bitcast3A_1448, %add3A_1450 : vector<16xi32>
      %and3A_1452 = arith.constant -65536 : i32
      %and3A_1453 = vector.broadcast %and3A_1452 : i32 to vector<16xi32>
      %and3A_1454 = arith.andi %add3A_1451, %and3A_1453 : vector<16xi32>
      %bitcast3A_1455 = vector.bitcast %and3A_1454 : vector<16xi32> to vector<16xf32>
      %mul3A_1456 = arith.mulf %bitcast3A_1455, %bitcast3A_72 : vector<16xf32>
      %add3A_1457 = arith.addf %add3A_1445, %mul3A_1456 : vector<16xf32>
      %mul3A_1458 = arith.mulf %gather3A_1419, %get3A_36 : vector<16xf32>
      %add3A_1459 = arith.addf %mul3A_1458, %get3A_44 : vector<16xf32>
      %bitcast3A_1460 = vector.bitcast %add3A_1459 : vector<16xf32> to vector<16xi32>
      %add3A_1461 = arith.constant 32768 : i32
      %add3A_1462 = vector.broadcast %add3A_1461 : i32 to vector<16xi32>
      %add3A_1463 = arith.addi %bitcast3A_1460, %add3A_1462 : vector<16xi32>
      %and3A_1464 = arith.constant -65536 : i32
      %and3A_1465 = vector.broadcast %and3A_1464 : i32 to vector<16xi32>
      %and3A_1466 = arith.andi %add3A_1463, %and3A_1465 : vector<16xi32>
      %bitcast3A_1467 = vector.bitcast %and3A_1466 : vector<16xi32> to vector<16xf32>
      %mul3A_1468 = arith.mulf %bitcast3A_1467, %bitcast3A_82 : vector<16xf32>
      %add3A_1469 = arith.addf %add3A_1457, %mul3A_1468 : vector<16xf32>
      %xor3A_1470 = arith.constant 1 : i32
      %xor3A_1471 = vector.broadcast %xor3A_1470 : i32 to vector<16xi32>
      %xor3A_1472 = arith.xori %iota3A, %xor3A_1471 : vector<16xi32>
      %broadcast_in_dim3A_1473 = vector.shape_cast %xor3A_1472 : vector<16xi32> to vector<16x1xi32>
      %gather3A_1474 = vector.shape_cast %broadcast_in_dim3A_1473 : vector<16x1xi32> to vector<16xi32>
      %gather3A_1475 = tpu.dynamic_gather %add3A_1469[%gather3A_1474] in [0] : vector<16xf32>, vector<16xi32> -> vector<16xf32>
      %add3A_1476 = arith.addf %add3A_1469, %gather3A_1475 : vector<16xf32>
      %xor3A_1477 = arith.constant 2 : i32
      %xor3A_1478 = vector.broadcast %xor3A_1477 : i32 to vector<16xi32>
      %xor3A_1479 = arith.xori %iota3A, %xor3A_1478 : vector<16xi32>
      %broadcast_in_dim3A_1480 = vector.shape_cast %xor3A_1479 : vector<16xi32> to vector<16x1xi32>
      %gather3A_1481 = vector.shape_cast %broadcast_in_dim3A_1480 : vector<16x1xi32> to vector<16xi32>
      %gather3A_1482 = tpu.dynamic_gather %add3A_1476[%gather3A_1481] in [0] : vector<16xf32>, vector<16xi32> -> vector<16xf32>
      %add3A_1483 = arith.addf %add3A_1476, %gather3A_1482 : vector<16xf32>
      %xor3A_1484 = arith.constant 4 : i32
      %xor3A_1485 = vector.broadcast %xor3A_1484 : i32 to vector<16xi32>
      %xor3A_1486 = arith.xori %iota3A, %xor3A_1485 : vector<16xi32>
      %broadcast_in_dim3A_1487 = vector.shape_cast %xor3A_1486 : vector<16xi32> to vector<16x1xi32>
      %gather3A_1488 = vector.shape_cast %broadcast_in_dim3A_1487 : vector<16x1xi32> to vector<16xi32>
      %gather3A_1489 = tpu.dynamic_gather %add3A_1483[%gather3A_1488] in [0] : vector<16xf32>, vector<16xi32> -> vector<16xf32>
      %add3A_1490 = arith.addf %add3A_1483, %gather3A_1489 : vector<16xf32>
      %xor3A_1491 = arith.constant 8 : i32
      %xor3A_1492 = vector.broadcast %xor3A_1491 : i32 to vector<16xi32>
      %xor3A_1493 = arith.xori %iota3A, %xor3A_1492 : vector<16xi32>
      %broadcast_in_dim3A_1494 = vector.shape_cast %xor3A_1493 : vector<16xi32> to vector<16x1xi32>
      %gather3A_1495 = vector.shape_cast %broadcast_in_dim3A_1494 : vector<16x1xi32> to vector<16xi32>
      %gather3A_1496 = tpu.dynamic_gather %add3A_1490[%gather3A_1495] in [0] : vector<16xf32>, vector<16xi32> -> vector<16xf32>
      %add3A_1497 = arith.addf %add3A_1490, %gather3A_1496 : vector<16xf32>
      %eq3A_1498 = arith.constant 13 : i32
      %eq3A_1499 = vector.broadcast %eq3A_1498 : i32 to vector<16xi32>
      %eq3A_1500 = arith.cmpi eq, %iota3A, %eq3A_1499 : vector<16xi32>
      %select_n3A_1501 = arith.select %eq3A_1500, %add3A_1497, %select_n3A_1414 : vector<16xi1>, vector<16xf32>
      %broadcast_in_dim3A_1502 = arith.constant 14 : i32
      %broadcast_in_dim3A_1503 = vector.broadcast %broadcast_in_dim3A_1502 : i32 to vector<16xi32>
      %broadcast_in_dim3A_1504 = vector.shape_cast %broadcast_in_dim3A_1503 : vector<16xi32> to vector<16x1xi32>
      %gather3A_1505 = vector.shape_cast %broadcast_in_dim3A_1504 : vector<16x1xi32> to vector<16xi32>
      %gather3A_1506 = tpu.dynamic_gather %get3A_283[%gather3A_1505] in [0] : vector<16xf32>, vector<16xi32> -> vector<16xf32>
      %broadcast_in_dim3A_1507 = arith.constant 0.000000e+00 : f32
      %broadcast_in_dim3A_1508 = vector.broadcast %broadcast_in_dim3A_1507 : f32 to vector<16xf32>
      %mul3A_1509 = arith.mulf %gather3A_1506, %get3A_30 : vector<16xf32>
      %add3A_1510 = arith.addf %mul3A_1509, %get3A_38 : vector<16xf32>
      %bitcast3A_1511 = vector.bitcast %add3A_1510 : vector<16xf32> to vector<16xi32>
      %add3A_1512 = arith.constant 32768 : i32
      %add3A_1513 = vector.broadcast %add3A_1512 : i32 to vector<16xi32>
      %add3A_1514 = arith.addi %bitcast3A_1511, %add3A_1513 : vector<16xi32>
      %and3A_1515 = arith.constant -65536 : i32
      %and3A_1516 = vector.broadcast %and3A_1515 : i32 to vector<16xi32>
      %and3A_1517 = arith.andi %add3A_1514, %and3A_1516 : vector<16xi32>
      %bitcast3A_1518 = vector.bitcast %and3A_1517 : vector<16xi32> to vector<16xf32>
      %mul3A_1519 = arith.mulf %bitcast3A_1518, %bitcast3A_52 : vector<16xf32>
      %add3A_1520 = arith.addf %broadcast_in_dim3A_1508, %mul3A_1519 : vector<16xf32>
      %mul3A_1521 = arith.mulf %gather3A_1506, %get3A_32 : vector<16xf32>
      %add3A_1522 = arith.addf %mul3A_1521, %get3A_40 : vector<16xf32>
      %bitcast3A_1523 = vector.bitcast %add3A_1522 : vector<16xf32> to vector<16xi32>
      %add3A_1524 = arith.constant 32768 : i32
      %add3A_1525 = vector.broadcast %add3A_1524 : i32 to vector<16xi32>
      %add3A_1526 = arith.addi %bitcast3A_1523, %add3A_1525 : vector<16xi32>
      %and3A_1527 = arith.constant -65536 : i32
      %and3A_1528 = vector.broadcast %and3A_1527 : i32 to vector<16xi32>
      %and3A_1529 = arith.andi %add3A_1526, %and3A_1528 : vector<16xi32>
      %bitcast3A_1530 = vector.bitcast %and3A_1529 : vector<16xi32> to vector<16xf32>
      %mul3A_1531 = arith.mulf %bitcast3A_1530, %bitcast3A_62 : vector<16xf32>
      %add3A_1532 = arith.addf %add3A_1520, %mul3A_1531 : vector<16xf32>
      %mul3A_1533 = arith.mulf %gather3A_1506, %get3A_34 : vector<16xf32>
      %add3A_1534 = arith.addf %mul3A_1533, %get3A_42 : vector<16xf32>
      %bitcast3A_1535 = vector.bitcast %add3A_1534 : vector<16xf32> to vector<16xi32>
      %add3A_1536 = arith.constant 32768 : i32
      %add3A_1537 = vector.broadcast %add3A_1536 : i32 to vector<16xi32>
      %add3A_1538 = arith.addi %bitcast3A_1535, %add3A_1537 : vector<16xi32>
      %and3A_1539 = arith.constant -65536 : i32
      %and3A_1540 = vector.broadcast %and3A_1539 : i32 to vector<16xi32>
      %and3A_1541 = arith.andi %add3A_1538, %and3A_1540 : vector<16xi32>
      %bitcast3A_1542 = vector.bitcast %and3A_1541 : vector<16xi32> to vector<16xf32>
      %mul3A_1543 = arith.mulf %bitcast3A_1542, %bitcast3A_72 : vector<16xf32>
      %add3A_1544 = arith.addf %add3A_1532, %mul3A_1543 : vector<16xf32>
      %mul3A_1545 = arith.mulf %gather3A_1506, %get3A_36 : vector<16xf32>
      %add3A_1546 = arith.addf %mul3A_1545, %get3A_44 : vector<16xf32>
      %bitcast3A_1547 = vector.bitcast %add3A_1546 : vector<16xf32> to vector<16xi32>
      %add3A_1548 = arith.constant 32768 : i32
      %add3A_1549 = vector.broadcast %add3A_1548 : i32 to vector<16xi32>
      %add3A_1550 = arith.addi %bitcast3A_1547, %add3A_1549 : vector<16xi32>
      %and3A_1551 = arith.constant -65536 : i32
      %and3A_1552 = vector.broadcast %and3A_1551 : i32 to vector<16xi32>
      %and3A_1553 = arith.andi %add3A_1550, %and3A_1552 : vector<16xi32>
      %bitcast3A_1554 = vector.bitcast %and3A_1553 : vector<16xi32> to vector<16xf32>
      %mul3A_1555 = arith.mulf %bitcast3A_1554, %bitcast3A_82 : vector<16xf32>
      %add3A_1556 = arith.addf %add3A_1544, %mul3A_1555 : vector<16xf32>
      %xor3A_1557 = arith.constant 1 : i32
      %xor3A_1558 = vector.broadcast %xor3A_1557 : i32 to vector<16xi32>
      %xor3A_1559 = arith.xori %iota3A, %xor3A_1558 : vector<16xi32>
      %broadcast_in_dim3A_1560 = vector.shape_cast %xor3A_1559 : vector<16xi32> to vector<16x1xi32>
      %gather3A_1561 = vector.shape_cast %broadcast_in_dim3A_1560 : vector<16x1xi32> to vector<16xi32>
      %gather3A_1562 = tpu.dynamic_gather %add3A_1556[%gather3A_1561] in [0] : vector<16xf32>, vector<16xi32> -> vector<16xf32>
      %add3A_1563 = arith.addf %add3A_1556, %gather3A_1562 : vector<16xf32>
      %xor3A_1564 = arith.constant 2 : i32
      %xor3A_1565 = vector.broadcast %xor3A_1564 : i32 to vector<16xi32>
      %xor3A_1566 = arith.xori %iota3A, %xor3A_1565 : vector<16xi32>
      %broadcast_in_dim3A_1567 = vector.shape_cast %xor3A_1566 : vector<16xi32> to vector<16x1xi32>
      %gather3A_1568 = vector.shape_cast %broadcast_in_dim3A_1567 : vector<16x1xi32> to vector<16xi32>
      %gather3A_1569 = tpu.dynamic_gather %add3A_1563[%gather3A_1568] in [0] : vector<16xf32>, vector<16xi32> -> vector<16xf32>
      %add3A_1570 = arith.addf %add3A_1563, %gather3A_1569 : vector<16xf32>
      %xor3A_1571 = arith.constant 4 : i32
      %xor3A_1572 = vector.broadcast %xor3A_1571 : i32 to vector<16xi32>
      %xor3A_1573 = arith.xori %iota3A, %xor3A_1572 : vector<16xi32>
      %broadcast_in_dim3A_1574 = vector.shape_cast %xor3A_1573 : vector<16xi32> to vector<16x1xi32>
      %gather3A_1575 = vector.shape_cast %broadcast_in_dim3A_1574 : vector<16x1xi32> to vector<16xi32>
      %gather3A_1576 = tpu.dynamic_gather %add3A_1570[%gather3A_1575] in [0] : vector<16xf32>, vector<16xi32> -> vector<16xf32>
      %add3A_1577 = arith.addf %add3A_1570, %gather3A_1576 : vector<16xf32>
      %xor3A_1578 = arith.constant 8 : i32
      %xor3A_1579 = vector.broadcast %xor3A_1578 : i32 to vector<16xi32>
      %xor3A_1580 = arith.xori %iota3A, %xor3A_1579 : vector<16xi32>
      %broadcast_in_dim3A_1581 = vector.shape_cast %xor3A_1580 : vector<16xi32> to vector<16x1xi32>
      %gather3A_1582 = vector.shape_cast %broadcast_in_dim3A_1581 : vector<16x1xi32> to vector<16xi32>
      %gather3A_1583 = tpu.dynamic_gather %add3A_1577[%gather3A_1582] in [0] : vector<16xf32>, vector<16xi32> -> vector<16xf32>
      %add3A_1584 = arith.addf %add3A_1577, %gather3A_1583 : vector<16xf32>
      %eq3A_1585 = arith.constant 14 : i32
      %eq3A_1586 = vector.broadcast %eq3A_1585 : i32 to vector<16xi32>
      %eq3A_1587 = arith.cmpi eq, %iota3A, %eq3A_1586 : vector<16xi32>
      %select_n3A_1588 = arith.select %eq3A_1587, %add3A_1584, %select_n3A_1501 : vector<16xi1>, vector<16xf32>
      %broadcast_in_dim3A_1589 = arith.constant 15 : i32
      %broadcast_in_dim3A_1590 = vector.broadcast %broadcast_in_dim3A_1589 : i32 to vector<16xi32>
      %broadcast_in_dim3A_1591 = vector.shape_cast %broadcast_in_dim3A_1590 : vector<16xi32> to vector<16x1xi32>
      %gather3A_1592 = vector.shape_cast %broadcast_in_dim3A_1591 : vector<16x1xi32> to vector<16xi32>
      %gather3A_1593 = tpu.dynamic_gather %get3A_283[%gather3A_1592] in [0] : vector<16xf32>, vector<16xi32> -> vector<16xf32>
      %broadcast_in_dim3A_1594 = arith.constant 0.000000e+00 : f32
      %broadcast_in_dim3A_1595 = vector.broadcast %broadcast_in_dim3A_1594 : f32 to vector<16xf32>
      %mul3A_1596 = arith.mulf %gather3A_1593, %get3A_30 : vector<16xf32>
      %add3A_1597 = arith.addf %mul3A_1596, %get3A_38 : vector<16xf32>
      %bitcast3A_1598 = vector.bitcast %add3A_1597 : vector<16xf32> to vector<16xi32>
      %add3A_1599 = arith.constant 32768 : i32
      %add3A_1600 = vector.broadcast %add3A_1599 : i32 to vector<16xi32>
      %add3A_1601 = arith.addi %bitcast3A_1598, %add3A_1600 : vector<16xi32>
      %and3A_1602 = arith.constant -65536 : i32
      %and3A_1603 = vector.broadcast %and3A_1602 : i32 to vector<16xi32>
      %and3A_1604 = arith.andi %add3A_1601, %and3A_1603 : vector<16xi32>
      %bitcast3A_1605 = vector.bitcast %and3A_1604 : vector<16xi32> to vector<16xf32>
      %mul3A_1606 = arith.mulf %bitcast3A_1605, %bitcast3A_52 : vector<16xf32>
      %add3A_1607 = arith.addf %broadcast_in_dim3A_1595, %mul3A_1606 : vector<16xf32>
      %mul3A_1608 = arith.mulf %gather3A_1593, %get3A_32 : vector<16xf32>
      %add3A_1609 = arith.addf %mul3A_1608, %get3A_40 : vector<16xf32>
      %bitcast3A_1610 = vector.bitcast %add3A_1609 : vector<16xf32> to vector<16xi32>
      %add3A_1611 = arith.constant 32768 : i32
      %add3A_1612 = vector.broadcast %add3A_1611 : i32 to vector<16xi32>
      %add3A_1613 = arith.addi %bitcast3A_1610, %add3A_1612 : vector<16xi32>
      %and3A_1614 = arith.constant -65536 : i32
      %and3A_1615 = vector.broadcast %and3A_1614 : i32 to vector<16xi32>
      %and3A_1616 = arith.andi %add3A_1613, %and3A_1615 : vector<16xi32>
      %bitcast3A_1617 = vector.bitcast %and3A_1616 : vector<16xi32> to vector<16xf32>
      %mul3A_1618 = arith.mulf %bitcast3A_1617, %bitcast3A_62 : vector<16xf32>
      %add3A_1619 = arith.addf %add3A_1607, %mul3A_1618 : vector<16xf32>
      %mul3A_1620 = arith.mulf %gather3A_1593, %get3A_34 : vector<16xf32>
      %add3A_1621 = arith.addf %mul3A_1620, %get3A_42 : vector<16xf32>
      %bitcast3A_1622 = vector.bitcast %add3A_1621 : vector<16xf32> to vector<16xi32>
      %add3A_1623 = arith.constant 32768 : i32
      %add3A_1624 = vector.broadcast %add3A_1623 : i32 to vector<16xi32>
      %add3A_1625 = arith.addi %bitcast3A_1622, %add3A_1624 : vector<16xi32>
      %and3A_1626 = arith.constant -65536 : i32
      %and3A_1627 = vector.broadcast %and3A_1626 : i32 to vector<16xi32>
      %and3A_1628 = arith.andi %add3A_1625, %and3A_1627 : vector<16xi32>
      %bitcast3A_1629 = vector.bitcast %and3A_1628 : vector<16xi32> to vector<16xf32>
      %mul3A_1630 = arith.mulf %bitcast3A_1629, %bitcast3A_72 : vector<16xf32>
      %add3A_1631 = arith.addf %add3A_1619, %mul3A_1630 : vector<16xf32>
      %mul3A_1632 = arith.mulf %gather3A_1593, %get3A_36 : vector<16xf32>
      %add3A_1633 = arith.addf %mul3A_1632, %get3A_44 : vector<16xf32>
      %bitcast3A_1634 = vector.bitcast %add3A_1633 : vector<16xf32> to vector<16xi32>
      %add3A_1635 = arith.constant 32768 : i32
      %add3A_1636 = vector.broadcast %add3A_1635 : i32 to vector<16xi32>
      %add3A_1637 = arith.addi %bitcast3A_1634, %add3A_1636 : vector<16xi32>
      %and3A_1638 = arith.constant -65536 : i32
      %and3A_1639 = vector.broadcast %and3A_1638 : i32 to vector<16xi32>
      %and3A_1640 = arith.andi %add3A_1637, %and3A_1639 : vector<16xi32>
      %bitcast3A_1641 = vector.bitcast %and3A_1640 : vector<16xi32> to vector<16xf32>
      %mul3A_1642 = arith.mulf %bitcast3A_1641, %bitcast3A_82 : vector<16xf32>
      %add3A_1643 = arith.addf %add3A_1631, %mul3A_1642 : vector<16xf32>
      %xor3A_1644 = arith.constant 1 : i32
      %xor3A_1645 = vector.broadcast %xor3A_1644 : i32 to vector<16xi32>
      %xor3A_1646 = arith.xori %iota3A, %xor3A_1645 : vector<16xi32>
      %broadcast_in_dim3A_1647 = vector.shape_cast %xor3A_1646 : vector<16xi32> to vector<16x1xi32>
      %gather3A_1648 = vector.shape_cast %broadcast_in_dim3A_1647 : vector<16x1xi32> to vector<16xi32>
      %gather3A_1649 = tpu.dynamic_gather %add3A_1643[%gather3A_1648] in [0] : vector<16xf32>, vector<16xi32> -> vector<16xf32>
      %add3A_1650 = arith.addf %add3A_1643, %gather3A_1649 : vector<16xf32>
      %xor3A_1651 = arith.constant 2 : i32
      %xor3A_1652 = vector.broadcast %xor3A_1651 : i32 to vector<16xi32>
      %xor3A_1653 = arith.xori %iota3A, %xor3A_1652 : vector<16xi32>
      %broadcast_in_dim3A_1654 = vector.shape_cast %xor3A_1653 : vector<16xi32> to vector<16x1xi32>
      %gather3A_1655 = vector.shape_cast %broadcast_in_dim3A_1654 : vector<16x1xi32> to vector<16xi32>
      %gather3A_1656 = tpu.dynamic_gather %add3A_1650[%gather3A_1655] in [0] : vector<16xf32>, vector<16xi32> -> vector<16xf32>
      %add3A_1657 = arith.addf %add3A_1650, %gather3A_1656 : vector<16xf32>
      %xor3A_1658 = arith.constant 4 : i32
      %xor3A_1659 = vector.broadcast %xor3A_1658 : i32 to vector<16xi32>
      %xor3A_1660 = arith.xori %iota3A, %xor3A_1659 : vector<16xi32>
      %broadcast_in_dim3A_1661 = vector.shape_cast %xor3A_1660 : vector<16xi32> to vector<16x1xi32>
      %gather3A_1662 = vector.shape_cast %broadcast_in_dim3A_1661 : vector<16x1xi32> to vector<16xi32>
      %gather3A_1663 = tpu.dynamic_gather %add3A_1657[%gather3A_1662] in [0] : vector<16xf32>, vector<16xi32> -> vector<16xf32>
      %add3A_1664 = arith.addf %add3A_1657, %gather3A_1663 : vector<16xf32>
      %xor3A_1665 = arith.constant 8 : i32
      %xor3A_1666 = vector.broadcast %xor3A_1665 : i32 to vector<16xi32>
      %xor3A_1667 = arith.xori %iota3A, %xor3A_1666 : vector<16xi32>
      %broadcast_in_dim3A_1668 = vector.shape_cast %xor3A_1667 : vector<16xi32> to vector<16x1xi32>
      %gather3A_1669 = vector.shape_cast %broadcast_in_dim3A_1668 : vector<16x1xi32> to vector<16xi32>
      %gather3A_1670 = tpu.dynamic_gather %add3A_1664[%gather3A_1669] in [0] : vector<16xf32>, vector<16xi32> -> vector<16xf32>
      %add3A_1671 = arith.addf %add3A_1664, %gather3A_1670 : vector<16xf32>
      %eq3A_1672 = arith.constant 15 : i32
      %eq3A_1673 = vector.broadcast %eq3A_1672 : i32 to vector<16xi32>
      %eq3A_1674 = arith.cmpi eq, %iota3A, %eq3A_1673 : vector<16xi32>
      %select_n3A_1675 = arith.select %eq3A_1674, %add3A_1671, %select_n3A_1588 : vector<16xi1>, vector<16xf32>
      %get3A_1676 = arith.index_cast %multiple_of3A_281 : i32 to index
      %get3A_1677 = tpu.vector_load %arg17[%get3A_1676] {strides = array<i32>} : memref<528xi32, #tpu.memory_space<vmem>>, vector<16xi32>,
      %add3A_1678 = arith.addf %select_n3A_1675, %gather3A_88 : vector<16xf32>
      tpu.vector_store_idx %arg15[%get3A_1677], %add3A_1678 : memref<528xf32, #tpu.memory_space<vmem>>[vector<16xi32>], vector<16xf32>,
      %while3A_1679 = arith.constant 0 : i32
      scf.yield %while3A_1679 : i32
    }
    "tpu.region"() ({
      %run_scoped3A = tpu.sem_alloc : memref<!tpu.dma_semaphore, #tpu.memory_space<semaphore_mem>>
      %dma_start3A_277 = arith.constant 0 : i32
      %dma_start3A_278 = tpu.memref_slice %arg15[%dma_start3A_277] : memref<528xf32, #tpu.memory_space<vmem>> -> memref<512xf32, #tpu.memory_space<vmem>>
      %dma_start3A_279 = tpu.memref_slice %arg9[%multiple_of3A] : memref<16384xf32, #tpu.memory_space<hbm>> -> memref<512xf32, #tpu.memory_space<hbm>>
      %dma_start3A_280 = tpu.memref_slice %arg9[%multiple_of3A] : memref<16384xf32, #tpu.memory_space<hbm>> -> memref<512xf32, #tpu.memory_space<hbm>>
      %dma_start3A_281 = arith.constant 0 : i32
      %dma_start3A_282 = tpu.memref_slice %arg15[%dma_start3A_281] : memref<528xf32, #tpu.memory_space<vmem>> -> memref<512xf32, #tpu.memory_space<vmem>>
      tpu.enqueue_dma source(%dma_start3A_282 : memref<512xf32, #tpu.memory_space<vmem>>) target(%dma_start3A_280 : memref<512xf32, #tpu.memory_space<hbm>>) target_semaphore(%run_scoped3A : memref<!tpu.dma_semaphore, #tpu.memory_space<semaphore_mem>>)
      %dma_wait3A_283 = arith.constant 0 : i32
      %dma_wait3A_284 = tpu.memref_slice %arg15[%dma_wait3A_283] : memref<528xf32, #tpu.memory_space<vmem>> -> memref<512xf32, #tpu.memory_space<vmem>>
      %dma_wait3A_285 = tpu.memref_slice %arg9[%multiple_of3A] : memref<16384xf32, #tpu.memory_space<hbm>> -> memref<512xf32, #tpu.memory_space<hbm>>
      %dma_wait3A_286 = tpu.memref_slice %arg9[%multiple_of3A] : memref<16384xf32, #tpu.memory_space<hbm>> -> memref<512xf32, #tpu.memory_space<hbm>>
      %dma_wait3A_287 = arith.constant 0 : i32
      %dma_wait3A_288 = tpu.memref_slice %arg15[%dma_wait3A_287] : memref<528xf32, #tpu.memory_space<vmem>> -> memref<512xf32, #tpu.memory_space<vmem>>
      tpu.wait_dma2 semaphore(%run_scoped3A : memref<!tpu.dma_semaphore, #tpu.memory_space<semaphore_mem>>) src(%dma_wait3A_288 : memref<512xf32, #tpu.memory_space<vmem>>) dst(%dma_wait3A_286 : memref<512xf32, #tpu.memory_space<hbm>>)
      tpu.yield
    }) : () -> ()
    return
  }
}

</mosaic_0001>

<sc_bundles>
// kernel: kernel.3.cloned.1.call-start
scs
__scs_entry_jumppad:
0x0: {  	(pc) =	sbr.rel $0x88, $3  }
0x1: {  	(tag) =	ssettag $0x0;
	lr =	simm.s32 $0x1  }
0x2: {  	[smem:$0x3F9A] =	sst lr;
	_ =	strace $0xD0000000  }
0x3: {  	_ = 	snop  }
0x4: {  	_ = 	snop  }
0x5: {  	_ = 	snop  }
0x6: {  	_ = 	snop  }
0x7: {  	_ = 	snop  }
__scs_overlays_trampoline_lowered:
0x8: {  	[smem:$0x3FA9] =	sst s0  }
0x9: {  	[smem:$0x3FAA] =	sst s1  }
0xa: {  	[smem:$0x3FAB] =	sst s2  }
0xb: {  	[smem:$0x3FAC] =	sst s3  }
0xc: {  	[smem:$0x3FAD] =	sst s4  }
0xd: {  	[smem:$0x3FAE] =	sst s5  }
0xe: {  	[smem:$0x3FAF] =	sst s6  }
0xf: {  	[smem:$0x3FB0] =	sst s7  }
0x10: {  	[smem:$0x3FB1] =	sst s8  }
0x11: {  	[smem:$0x3FB2] =	sst s9;
	s0 =	simm.s32 @!p0 $0x0  }
0x12: {  	s1 =	sld [smem:$0x3F98];
	s0 =	simm.s32 @p0 $0x1  }
0x13: {  	[smem:$0x3FB3] =	sst s0;
	s0 =	simm.s32 @!p1 $0x0  }
0x14: {  	s2 =	sld [smem:$0x3F97];
	s0 =	simm.s32 @p1 $0x1  }
0x15: {  	[smem:$0x3FB4] =	sst s0;
	s0 =	simm.s32 @!p2 $0x0  }
0x16: {  	s3 =	sld [smem:$0x3FDB];
	s0 =	simm.s32 @p2 $0x1  }
0x17: {  	s4 =	simm.s32 $0x1BF5;
	[smem:$0x3FB6] =	sst s0  }
0x18: {  	s0 =	sld [smem:$0x3F99];
	_ =	swait.ge [sflag:s4], $0x0  }
0x19: {  	s7 =	sld [smem:$0x3F9A]  }
0x1a: {  	s8 =	sadd.s32 $0xFFFFE003, lr  }
0x1b: {  	s9 =	sadd.s32 $0xFFFFFEF7, lr;
	s5 =	simm.s32 $0xFFFFFFFF;
	p2 =	slt.u32 s8, $0xFFFFF086  }
0x1c: {  	p1 =	slt.u32 s9, $0xF7A;
	s5 =	simm.s32 @!p2 $0x0  }
0x1d: {  	s5 =	simm.s32 @p1 $0x1;
	p0 =	seq.s32 s7, s2  }
0x1e: {  	s7 =	smul.u32 @!p0 $0xF7A, s2;
	p2 =	seq.s32 @!p0 s5, $0x0  }
0x1f: {  	s9 =	smul.u32 $0xF7A, s1;
	s8 =	simm.s32 @!p0 $0x1BF5;
	p2 =	por !p2, p0  }
0x20: {  	[sflag:s8] =	ssyncset.s32 @!p0 $0xFFFFF086;
	s6 =	sadd.s32 @!p0 s3, s7;
	s7 =	simm.s32 @!p0 $0x108  }
0x21: {  	s3 =	sadd.s32 s3, s9;
	s6 =	sadd.s32 @!p0 $0x88, s6;
	s7 =	simm.s32 @p2 $0x1082  }
0x22: {  	[simem:s7], [sflag:s8] =	dma.local @!p0 [hbm:s6], $0xF7A  }
0x23: {  	s9 =	sor.u32 $0xD0000000, s2;
	s6 =	simm.s32 $0x108;
	_ =	swait.ge @!p0 [sflag:s8], $0x0  }
0x24: {  	s3 =	sadd.s32 $0x88, s3;
	s6 =	simm.s32 @!p1 $0x1082;
	[sflag:s4] =	ssyncset.s32 $0xFFFFF086  }
0x25: {  	[simem:s6], [sflag:s4] =	dma.local [hbm:s3], $0xF7A  }
0x26: {  	[smem:$0x3F9A] =	sst s1;
	(tag) =	ssettag s2;
	_ =	strace s9  }
0x27: {  	s1 =	sld [smem:$0x3FAA]  }
0x28: {  	s2 =	sld [smem:$0x3FAB]  }
0x29: {  	s4 =	sld [smem:$0x3FAD]  }
0x2a: {  	p0 =	seq.s32 s5, $0x0;
	s5 =	sld [smem:$0x3FAE]  }
0x2b: {  	s6 =	sld [smem:$0x3FAF]  }
0x2c: {  	s7 =	sld [smem:$0x3FB0]  }
0x2d: {  	s3 =	simm.s32 $0x108;
	s8 =	sld [smem:$0x3FB1]  }
0x2e: {  	s3 =	simm.s32 @!p0 $0x1082;
	s9 =	sld [smem:$0x3FB2]  }
0x2f: {  	lr =	sadd.s32 s0, s3;
	s0 =	sld [smem:$0x3FA9]  }
0x30: {  	s3 =	sld [smem:$0x3FAC]  }
0x31: {  	[smem:$0x3FB5] =	sst s10  }
0x32: {  	s10 =	sld [smem:$0x3FB3];
	_ =	sdelay $0x3  }
0x33: {  	p0 =	seq.s32 s10, $0x1;
	s10 =	sld [smem:$0x3FB5];
	_ =	sdelay $0x3  }
0x34: {  	[smem:$0x3FB5] =	sst s10  }
0x35: {  	s10 =	sld [smem:$0x3FB4];
	_ =	sdelay $0x3  }
0x36: {  	p1 =	seq.s32 s10, $0x1;
	s10 =	sld [smem:$0x3FB5];
	_ =	sdelay $0x3  }
0x37: {  	[smem:$0x3FB5] =	sst s10  }
0x38: {  	s10 =	sld [smem:$0x3FB6]  }
0x39: {  	_ = 	snop;
	(pc) =	sbr.ind lr, $3  }
0x3a: {  	_ = 	snop  }
0x3b: {  	_ = 	snop  }
0x3c: {  	p2 =	seq.s32 s10, $0x1;
	s10 =	sld [smem:$0x3FB5]  }
0x3d: {  	_ =	shalt  }
0x3e: {  	_ =	shalt  }
0x3f: {  	_ =	shalt  }
0x40: {  	_ =	shalt  }
0x41: {  	_ =	shalt  }
0x42: {  	_ =	shalt  }
0x43: {  	_ =	shalt  }
0x44: {  	_ =	shalt  }
0x45: {  	_ =	shalt  }
0x46: {  	_ =	shalt  }
0x47: {  	_ =	shalt  }
0x48: {  	_ =	shalt  }
0x49: {  	_ =	shalt  }
0x4a: {  	_ =	shalt  }
0x4b: {  	_ =	shalt  }
0x4c: {  	_ =	shalt  }
0x4d: {  	_ =	shalt  }
0x4e: {  	_ =	shalt  }
0x4f: {  	_ =	shalt  }
0x50: {  	_ =	shalt  }
0x51: {  	_ =	shalt  }
0x52: {  	_ =	shalt  }
0x53: {  	_ =	shalt  }
0x54: {  	_ =	shalt  }
0x55: {  	_ =	shalt  }
0x56: {  	_ =	shalt  }
0x57: {  	_ =	shalt  }
0x58: {  	_ =	shalt  }
0x59: {  	_ =	shalt  }
0x5a: {  	_ =	shalt  }
0x5b: {  	_ =	shalt  }
0x5c: {  	_ =	shalt  }
0x5d: {  	_ =	shalt  }
0x5e: {  	_ =	shalt  }
0x5f: {  	_ =	shalt  }
0x60: {  	_ =	shalt  }
0x61: {  	_ =	shalt  }
0x62: {  	_ =	shalt  }
0x63: {  	_ =	shalt  }
0x64: {  	_ =	shalt  }
0x65: {  	_ =	shalt  }
0x66: {  	_ =	shalt  }
0x67: {  	_ =	shalt  }
0x68: {  	_ =	shalt  }
0x69: {  	_ =	shalt  }
0x6a: {  	_ =	shalt  }
0x6b: {  	_ =	shalt  }
0x6c: {  	_ =	shalt  }
0x6d: {  	_ =	shalt  }
0x6e: {  	_ =	shalt  }
0x6f: {  	_ =	shalt  }
0x70: {  	_ =	shalt  }
0x71: {  	_ =	shalt  }
0x72: {  	_ =	shalt  }
0x73: {  	_ =	shalt  }
0x74: {  	_ =	shalt  }
0x75: {  	_ =	shalt  }
0x76: {  	_ =	shalt  }
0x77: {  	_ =	shalt  }
0x78: {  	_ =	shalt  }
0x79: {  	_ =	shalt  }
0x7a: {  	_ =	shalt  }
0x7b: {  	_ =	shalt  }
0x7c: {  	_ =	shalt  }
0x7d: {  	_ =	shalt  }
0x7e: {  	_ =	shalt  }
0x7f: {  	_ =	shalt  }
0x80: {  	_ =	shalt  }
0x81: {  	_ =	shalt  }
0x82: {  	_ =	shalt  }
0x83: {  	_ =	shalt  }
0x84: {  	_ =	shalt  }
0x85: {  	_ =	shalt  }
0x86: {  	_ =	shalt  }
0x87: {  	_ =	shalt  }
.Lfunc_end0:
.L_simem_size_0:
called_computation_lowered:
.L_overlay_start_0:
0x88: {  	s2 =	sld [smem:$0x3FD9]  }
0x89: {  	s3 =	sld [smem:$0x3FFE];
	_ =	sdelay $0x1  }
0x8a: {  	s1 =	srdreg.scid  }
0x8b: {  	s0 =	sand.u32 $0x1, s1  }
0x8c: {  	s18 =	sshll.u32 s0, $0xA;
	s2 =	sadd.s32 s3, s2  }
0x8d: {  	s2 =	sadd.s32 s2, s18  }
0x8e: {  	[smem:$0x3FC1] =	sst s2  }
0x8f: {  	_ = 	snop  }
0x90: {  	s2 =	sld [smem:$0x3FC9]  }
0x91: {  	s19 =	sld [smem:$0x3FC8]  }
0x92: {  	s4 =	sld [smem:$0x3FC7]  }
0x93: {  	s5 =	sld [smem:$0x3FC6]  }
0x94: {  	s6 =	sld [smem:$0x3FC5]  }
0x95: {  	s7 =	sld [smem:$0x3FC4]  }
0x96: {  	s8 =	sld [smem:$0x3FC3]  }
0x97: {  	s9 =	sld [smem:$0x3FD0];
	(tm) =	ssettm $0x1  }
0x98: {  	s10 =	sld [smem:$0x3FFB];
	_ =	sdelay $0x3  }
0x99: {  	_ =	strace s10  }
0x9a: {  	s10 =	sld [smem:$0x3FFC];
	_ =	sdelay $0x3  }
0x9b: {  	_ =	strace s10  }
0x9c: {  	s10 =	sld [smem:$0x3FFD];
	_ =	sdelay $0x3  }
0x9d: {  	_ =	strace s10  }
0x9e: {  	_ =	strace $0x8FFFFFFF  }
0x9f: {  	s20 =	sld [smem:$0x3FDB];
	_ =	sdelay $0x1  }
0xa0: {  	s11 =	simm.s32 $_scs_section_size  }
0xa1: {  	s12 =	simm.s32 $_size__tile_overlayer_lowered;
	s13 =	simm.s32 $_tile_overlayer_lowered  }
0xa2: {  	s23 =	simm.s32 $0x1BFF;
	s22 =	sshll.u32 s13, $0x1;
	s10 =	sadd.s32 s11, s20  }
0xa3: {  	s14 =	simm.s32 $0x0;
	s21 =	sshll.u32 s12, $0x1;
	s12 =	sadd.s32 s22, s10  }
0xa4: {  	[timem:s14], [sflag:s23] =	dma.local [hbm:s12], s21  }
0xa5: {  	_ =	swait.ge [sflag:s23], s21  }
0xa6: {  	s11 =	ssub.s32 $0x0, s21;
	[sflag:s23] =	ssyncset.done $0x0  }
0xa7: {  	[sflag:s23] =	ssyncadd.s32 s11;
	_ =	sdelay $0x1  }
0xa8: {  	s24 =	simm.s32 $0x1B8B  }
0xa9: {  	_ =	swait.ge [sflag:s24], $0x1  }
0xaa: {  	[sflag:s24] =	ssyncset.done $0x0  }
0xab: {  	s25 =	simm.s32 $0x1B8E;
	[sflag:s24] =	ssyncadd.s32 $0xFFFFFFFF  }
0xac: {  	s26 =	simm.s32 $execute0_lowered;
	[smem:$0x3FD2] =	sst s25  }
0xad: {  	s11 =	sshll.u32 s26, $0x1;
	_ =	strace $0x80000046;
	[dreg:$0x1] =	wrdreg $0xFFFFFFFF  }
0xae: {  	s28 =	simm.s32 $_size_execute0_lowered;
	s10 =	sadd.s32 s10, s11;
	[dreg:$0x0] =	wrdreg $0x0  }
0xaf: {  	s11 =	sshll.u32 s28, $0x1;
	[dreg:$0x2] =	wrdreg s10  }
0xb0: {  	[dreg:$0x3] =	wrdreg s11  }
0xb1: {  	[dreg:$0x4] =	wrdreg $0xC0  }
0xb2: {  	_ =	task [dreg:s14], $0x5FFFF  }
0xb3: {  	[dreg:$0x1] =	wrdreg $0xFFFFFFFF  }
0xb4: {  	[dreg:$0x0] =	wrdreg $0x60  }
0xb5: {  	[dreg:$0x2] =	wrdreg s2  }
0xb6: {  	[dreg:$0x3] =	wrdreg s19  }
0xb7: {  	[dreg:$0x4] =	wrdreg s4  }
0xb8: {  	[dreg:$0x5] =	wrdreg s5  }
0xb9: {  	[dreg:$0x6] =	wrdreg s6  }
0xba: {  	[dreg:$0x7] =	wrdreg s7  }
0xbb: {  	[dreg:$0x8] =	wrdreg s8  }
0xbc: {  	[dreg:$0x9] =	wrdreg s9  }
0xbd: {  	[dreg:$0xa] =	wrdreg $0x9  }
0xbe: {  	_ =	task.clear_ibuf [dreg:s14], $0xBFFFF;
	_ =	strace $0x90000046  }
0xbf: {  	s29 =	simm.s32 $0x9;
	_ =	strace $0x80000048  }
0xc0: {  	_ =	swait.ge [sflag:s29], $0x1  }
0xc1: {  	[sflag:s29] =	ssyncadd.s32 $0xFFFFFFFF  }
0xc2: {  	_ =	strace $0x90000048  }
0xc3: {  	_ =	sfence  }
0xc4: {  	s30 =	sld [smem:$0x0];
	_ =	sdelay $0x2  }
0xc5: {  	s31 =	sshll.u32 s1, $0xD;
	s1 =	sshrl.u32 s1, $0x2  }
0xc6: {  	s3 =	sand.u32 $0x4000, s31;
	s1 =	sadd.s32 s1, s30  }
0xc7: {  	s0 =	sor.u32 s3, s0;
	s1 =	sshll.u32 s1, $0x11  }
0xc8: {  	s0 =	sor.u32 s1, s0  }
0xc9: {  	s0 =	sadd.s32 $0x8F2B, s0  }
0xca: {  	[sflag:s0] =	ssyncadd.remote.s32 $0x1  }
0xcb: {  	_ =	sfence.sel $0xFFFF  }
0xcc: {  	[dreg:$0x0] =	wrdreg $0xFFFFFFFF;
	(pc) =	sbr.abs _section_cstart, $3  }
0xcd: {  	[dreg:$0x1] =	wrdreg $0xFFFFFFFF  }
0xce: {  	_ =	task.clear_ibuf [dreg:s14], $0x2FFFF;
	_ =	strace $0x9FFFFFFF  }
0xcf: {  	(tm) =	ssettm $0x7FFFFFFF  }
tec
execute0_lowered:
.L_overlay_start_1:
0x0: {  	(tag) =	ssettag $0x1  }
0x1: {  	v0 =	vimm.s32 $0xEFCDAB89  }
0x2: {  	v2 =	vimm.s32 $0x67452301;
	v3 =	vimm.s32 $0xDCFE98BA;
	v27 =	vimm.s32 $0x0  }
0x3: {  	v5 =	vimm.s32 $0x54761032;
	v6 =	vimm.s32 $0xBA98FEDC;
	v7 =	vimm.s32 $0x32107654  }
0x4: {  	v8 =	vimm.s32 $0xFEDCBA98;
	v9 =	vimm.s32 $0x76543210;
	vm0 =	vmmov $0xffff  }
0x5: {  	v28 =	vlaneseq.u32;
	vm1 =	vmmov $0x1;
	vm2 =	vmmov $0x3  }
0x6: {  	vm3 =	vmmov $0x7;
	v22 =	vimm.s32 $0x4;
	vm4 =	vmmov $0xf  }
0x7: {  	vm5 =	vmmov $0x1f;
	vm6 =	vmmov $0x3f;
	v10 =	vimm.s32 $0x7  }
0x8: {  	vm7 =	vmmov $0x7f;
	v11 =	vimm.s32 $0x8;
	vm8 =	vmmov $0xff  }
0x9: {  	s4 =	rddreg [dreg:$0x4];
	v12 =	vimm.s32 $0x9;
	vm9 =	vmmov $0x1ff;
	v13 =	vimm.s32 $0xA  }
0xa: {  	s5 =	rddreg [dreg:$0x5];
	vm10 =	vmmov $0x3ff;
	v14 =	vimm.s32 $0xB;
	vm11 =	vmmov $0x7ff  }
0xb: {  	s0 =	rddreg [dreg:$0x6];
	v15 =	vimm.s32 $0xC;
	vm12 =	vmmov $0xfff;
	vm13 =	vmmov $0x1fff  }
0xc: {  	s1 =	rddreg [dreg:$0x7];
	s2 =	srdreg.scid;
	s7 =	simm.s32 $0x0;
	v17 =	vimm.s32 $0xE;
	vm14 =	vmmov $0x3fff;
	v1 =	vunpack.c.l.s4.s8 v0  }
0xd: {  	s8 =	stileid.u32;
	s20 =	simm.s32 $0x180;
	s21 =	simm.s32 $0x200;
	v4 =	vunpack.c.l.s4.s8 v2;
	v3 =	vunpack.c.l.s4.s8 v3;
	v5 =	vunpack.c.l.s4.s8 v5  }
0xe: {  	s22 =	simm.s32 $0xB80;
	s23 =	simm.s32 $0x1B80;
	s24 =	simm.s32 $0x2B80;
	v6 =	vunpack.c.l.s4.s8 v6;
	v7 =	vunpack.c.l.s4.s8 v7;
	v8 =	vunpack.c.l.s4.s8 v8  }
0xf: {  	s25 =	simm.s32 $0x3B80;
	s26 =	simm.s32 $0x3;
	s28 =	simm.s32 $0x4B80;
	v9 =	vunpack.c.l.s4.s8 v9;
	v1 =	vunpack.c.0.s8.s32 v1;
	v4 =	vunpack.c.0.s8.s32 v4  }
0x10: {  	s29 =	simm.s32 $0x1;
	s30 =	simm.s32 $0x2;
	s31 =	simm.s32 $0x400;
	v0 =	vimm.s32 $0x0;
	v3 =	vunpack.c.0.s8.s32 v3;
	v5 =	vunpack.c.0.s8.s32 v5  }
0x11: {  	s2 =	sand.u32 $0x1, s2;
	[smem:$0x7FF] =	sst s7;
	s8 =	sshll.u32 s8, $0x7;
	v6 =	vunpack.c.0.s8.s32 v6;
	v7 =	vunpack.c.0.s8.s32 v7;
	v1 =	vcombine.low v4, v1  }
0x12: {  	s10 =	sadd.s32 $0x200, s4;
	s11 =	sadd.s32 $0x200, s5;
	s12 =	sadd.s32 $0x400, s4;
	v0 =	vsel vm1, $0xFFFFFFFF, v0;
	v8 =	vunpack.c.0.s8.s32 v8;
	v5 =	vcombine.low v5, v3  }
.Ltmp0:
0x13: {  	s13 =	sadd.s32 $0x400, s5;
	_ =	strace $0x80000047;
	[tilespmem:$0x1FFF0] =	vst v0;
	v6 =	vcombine.low v7, v6;
	v7 =	vunpack.c.0.s8.s32 v9;
	v29 =	vand.u32 $0xF, v1;
	(pc) =	sbr.rel .LBB2_1-.Ltmp0, $4  }
0x14: {  	v18 =	vimm.s32 $0xF;
	s14 =	sadd.s32 $0x600, s4;
	s3 =	ssub.s32 $0x2, s2;
	s2 =	sshll.u32 s2, $0x6;
	v1 =	vand.u32 $0xF, v8;
	v30 =	vand.u32 $0xF, v5;
	[tilespmem:$0x1FFC0] =	vst v29  }
0x15: {  	vm15 =	vmmov $0x7fff;
	s15 =	sadd.s32 $0x600, s5;
	s6 =	sshrl.u32 s3, $0x1;
	s2 =	sor.u32 s2, s8;
	v31 =	vand.u32 $0xF, v6;
	v21 =	vcombine.low v1, v7;
	[tilespmem:$0x1FFD0] =	vst v30  }
0x16: {  	s8 =	simm.s32 $0x0;
	s3 =	ssub.s32 s3, s6;
	s9 =	sadd.s32 s0, s2;
	v3 =	vimm.s32 $0x1;
	v4 =	vimm.s32 $0x2;
	v9 =	vimm.s32 $0x6;
	[tilespmem:$0x1FFE0] =	vst v31  }
0x17: {  	s16 =	sadd.s32 s1, s2;
	s6 =	simm.s32 $0x4;
	s17 =	smax.u32 s3, $0x1;
	v6 =	vimm.s32 $0x3;
	v8 =	vimm.s32 $0x5;
	v5 =	vimm.s32 $0xD;
	[tilespmem:$0x1FFB0] =	vst v21  }
.LBB2_13:
0x18: {  	s2 =	simm.s32 $0x900  }
.LBB2_18:
0x19: {  	_ =	sdelay $0x1  }
0x1a: {  	v0 =	vmul.f32 v7, v35;
	v2 =	vadd.f32 v51, v41;
	v3 =	vadd.f32 v52, v37  }
0x1b: {  	v1 =	vadd.f32 v54, v1;
	v4 =	vadd.f32 v55, v49;
	v5 =	vperm.xlane v48, v29  }
0x1c: {  	v6 =	vadd.f32 v57, v63;
	v7 =	vperm.xlane v45, v29;
	v8 =	vperm.xlane v47, v29  }
0x1d: {  	v9 =	vadd.f32 v56, v42;
	v10 =	vperm.xlane v46, v29;
	v11 =	vperm.xlane v44, v29  }
0x1e: {  	v12 =	vadd.f32 v58, v39;
	v13 =	vperm.xlane v43, v29;
	v14 =	vperm.xlane v40, v29  }
0x1f: {  	v15 =	vadd.f32 v53, v38;
	v16 =	vperm.xlane v2, v29;
	v17 =	vperm.xlane v3, v29  }
0x20: {  	v0 =	vadd.f32 v50, v0;
	v18 =	vperm.xlane v1, v29;
	v19 =	vperm.xlane v4, v29  }
0x21: {  	v20 =	vperm.xlane v6, v29;
	v8 =	vadd.f32 v47, v8;
	v5 =	vadd.f32 v48, v5  }
0x22: {  	v21 =	vperm.xlane v9, v29;
	v11 =	vadd.f32 v44, v11;
	v7 =	vadd.f32 v45, v7  }
0x23: {  	v22 =	vperm.xlane v12, v29;
	v14 =	vadd.f32 v40, v14;
	v10 =	vadd.f32 v46, v10  }
0x24: {  	v23 =	vperm.xlane v15, v29;
	v3 =	vadd.f32 v3, v17;
	v13 =	vadd.f32 v43, v13  }
0x25: {  	v17 =	vperm.xlane v0, v29;
	v4 =	vadd.f32 v4, v19;
	v2 =	vadd.f32 v2, v16  }
0x26: {  	v6 =	vadd.f32 v6, v20;
	v1 =	vadd.f32 v1, v18;
	v16 =	vperm.xlane v5, v30  }
0x27: {  	v9 =	vadd.f32 v9, v21;
	v18 =	vperm.xlane v7, v30;
	v19 =	vperm.xlane v8, v30  }
0x28: {  	v12 =	vadd.f32 v12, v22;
	v20 =	vperm.xlane v10, v30;
	v21 =	vperm.xlane v11, v30  }
0x29: {  	v15 =	vadd.f32 v15, v23;
	v22 =	vperm.xlane v13, v30;
	v23 =	vperm.xlane v14, v30  }
0x2a: {  	v0 =	vadd.f32 v0, v17;
	v17 =	vperm.xlane v2, v30;
	v24 =	vperm.xlane v3, v30  }
0x2b: {  	v25 =	vperm.xlane v1, v30;
	v26 =	vperm.xlane v4, v30;
	v5 =	vadd.f32 v5, v16  }
0x2c: {  	v16 =	vperm.xlane v6, v30;
	v7 =	vadd.f32 v7, v18;
	v8 =	vadd.f32 v8, v19  }
0x2d: {  	v18 =	vperm.xlane v9, v30;
	v10 =	vadd.f32 v10, v20;
	v11 =	vadd.f32 v11, v21  }
0x2e: {  	v19 =	vperm.xlane v12, v30;
	v13 =	vadd.f32 v13, v22;
	v14 =	vadd.f32 v14, v23  }
0x2f: {  	v20 =	vperm.xlane v15, v30;
	v2 =	vadd.f32 v2, v17;
	v3 =	vadd.f32 v3, v24  }
0x30: {  	v17 =	vperm.xlane v0, v30;
	v1 =	vadd.f32 v1, v25;
	v4 =	vadd.f32 v4, v26  }
0x31: {  	v6 =	vadd.f32 v6, v16;
	v16 =	vperm.xlane v8, v31;
	v21 =	vperm.xlane v5, v31  }
0x32: {  	v9 =	vadd.f32 v9, v18;
	v18 =	vperm.xlane v11, v31;
	v22 =	vperm.xlane v7, v31  }
0x33: {  	v12 =	vadd.f32 v12, v19;
	v19 =	vperm.xlane v14, v31;
	v23 =	vperm.xlane v10, v31  }
0x34: {  	v15 =	vadd.f32 v15, v20;
	v20 =	vperm.xlane v3, v31;
	v24 =	vperm.xlane v13, v31  }
0x35: {  	v0 =	vadd.f32 v0, v17;
	v17 =	vperm.xlane v4, v31;
	v25 =	vperm.xlane v2, v31  }
0x36: {  	v26 =	vperm.xlane v1, v31;
	v8 =	vadd.f32 v8, v16;
	v5 =	vadd.f32 v5, v21  }
0x37: {  	v16 =	vperm.xlane v15, v31;
	v11 =	vadd.f32 v11, v18;
	v7 =	vadd.f32 v7, v22;
	v21 =	vld [tilespmem:$0x1FFB0]  }
0x38: {  	v18 =	vperm.xlane v0, v31;
	v14 =	vadd.f32 v14, v19;
	v10 =	vadd.f32 v10, v23  }
0x39: {  	v19 =	vperm.xlane v12, v31;
	v3 =	vadd.f32 v3, v20;
	v13 =	vadd.f32 v13, v24  }
0x3a: {  	v15 =	vadd.f32 v15, v16;
	v0 =	vadd.f32 v0, v18;
	v16 =	vperm.xlane v9, v31  }
0x3b: {  	v2 =	vadd.f32 v2, v25;
	v12 =	vadd.f32 v12, v19;
	v18 =	vperm.xlane v6, v31  }
0x3c: {  	v9 =	vadd.f32 v9, v16;
	v19 =	vperm.xlane v15, v21;
	v20 =	vperm.xlane v0, v21  }
0x3d: {  	v1 =	vadd.f32 v1, v26;
	v6 =	vadd.f32 v6, v18;
	v16 =	vperm.xlane v12, v21  }
0x3e: {  	v18 =	vperm.xlane v9, v21;
	v15 =	vadd.f32 v15, v19;
	v0 =	vadd.f32 v0, v20  }
0x3f: {  	v4 =	vadd.f32 v4, v17;
	v12 =	vadd.f32 v12, v16;
	v16 =	vperm.xlane v6, v21  }
0x40: {  	v9 =	vadd.f32 v9, v18;
	v0 =	vsel vm1, v15, v0;
	v15 =	vperm.xlane v1, v21  }
0x41: {  	v6 =	vadd.f32 v6, v16;
	v0 =	vsel vm2, v0, v12;
	v12 =	vperm.xlane v4, v21  }
0x42: {  	v0 =	vsel vm3, v0, v9;
	v1 =	vadd.f32 v1, v15;
	v9 =	vperm.xlane v2, v21  }
0x43: {  	v0 =	vsel vm4, v0, v6;
	v4 =	vadd.f32 v4, v12;
	v6 =	vperm.xlane v3, v21  }
0x44: {  	v0 =	vsel vm5, v0, v1;
	v1 =	vadd.f32 v2, v9;
	v2 =	vperm.xlane v13, v21  }
0x45: {  	v0 =	vsel vm6, v0, v4;
	v3 =	vadd.f32 v3, v6;
	v4 =	vperm.xlane v14, v21  }
0x46: {  	v0 =	vsel vm7, v0, v1;
	v1 =	vadd.f32 v13, v2;
	v2 =	vperm.xlane v10, v21  }
0x47: {  	v0 =	vsel vm8, v0, v3;
	v3 =	vadd.f32 v14, v4;
	v4 =	vperm.xlane v11, v21  }
0x48: {  	v0 =	vsel vm9, v0, v1;
	v1 =	vadd.f32 v10, v2;
	v2 =	vperm.xlane v7, v21  }
0x49: {  	v0 =	vsel vm10, v0, v3;
	v3 =	vadd.f32 v11, v4;
	v4 =	vperm.xlane v8, v21  }
0x4a: {  	v0 =	vsel vm11, v0, v1;
	v1 =	vadd.f32 v7, v2;
	v2 =	vperm.xlane v5, v21  }
0x4b: {  	s1 =	sadd.s32 @p0 $0x10, s2;
	v0 =	vsel vm12, v0, v3;
	v3 =	vadd.f32 v8, v4  }
0x4c: {  	s0 =	smov.u32 @p0 s1;
	v0 =	vsel vm13, v0, v1;
	v1 =	vadd.f32 v5, v2  }
0x4d: {  	v6 =	vld [tilespmem:s0+$0x0];
	v0 =	vsel vm14, v0, v3  }
0x4e: {  	v0 =	vsel vm15, v0, v1;
	v1 =	vld [tilespmem:$0x1FF70];
	_ =	sdelay $0x1  }
0x4f: {  	v22 =	vimm.s32 $0x4  }
0x50: {  	v17 =	vimm.s32 $0xE;
	v18 =	vimm.s32 $0xF;
	v15 =	vimm.s32 $0xC  }
0x51: {  	v12 =	vimm.s32 $0x9;
	v9 =	vimm.s32 $0x6;
	v13 =	vimm.s32 $0xA  }
0x52: {  	v14 =	vimm.s32 $0xB;
	v10 =	vimm.s32 $0x7;
	v0 =	vadd.f32 v0, v1  }
0x53: {  	v11 =	vimm.s32 $0x8;
	v4 =	vimm.s32 $0x2;
	v8 =	vimm.s32 $0x5  }
0x54: {  	v5 =	vimm.s32 $0xD;
	v3 =	vimm.s32 $0x1;
	[tilespmem:v6+s31+$0x0] =	vst.idx.msk $0xffff, v0;
	v6 =	vimm.s32 $0x3  }
.LBB2_19:
0x55: {  	s8 =	sadd.s32 $0x1, s8  }
0x56: {  	p0 =	sne.s32 s8, s17  }
.Ltmp1:
0x57: {  	_ = 	snop;
	(pc) =	sbr.rel @!p0 .LBB2_20-.Ltmp1, $4  }
0x58: {  	[hbm4b:s16+s7] =	stream.linear.scatter [tilespmem:s31], [sflag:$0x4], $0x200, $0x38;
	[tilespmem:$0x1D280] =	vst v63  }
0x59: {  	_ =	swait.ge [sflag:s6], $0x200  }
0x5a: {  	[sflag:s6] =	ssyncset.done $0x0  }
0x5b: {  	[sflag:s6] =	ssyncadd.s32 $0xFFFFFE00  }
.LBB2_1:
0x5c: {  	s0 =	rddreg [dreg:$0x0]  }
0x5d: {  	[tilespmem:s7], [sflag:$0x3] =	stream.linear.gather [hbm4b:s0+s7], $0x80, $0x38;
	[tilespmem:$0x1D280] =	vst v63  }
0x5e: {  	s2 =	rddreg [dreg:$0x1];
	s1 =	simm.s32 $0x80  }
0x5f: {  	[tilespmem:s1], [sflag:$0x3] =	stream.linear.gather [hbm4b:s2+s7], $0x80, $0x38;
	[tilespmem:$0x1D280] =	vst v63  }
0x60: {  	s3 =	rddreg [dreg:$0x2];
	s18 =	simm.s32 $0x100  }
0x61: {  	[tilespmem:s18], [sflag:$0x3] =	stream.linear.gather [hbm4b:s3+s7], $0x80, $0x38;
	[tilespmem:$0x1D280] =	vst v63  }
0x62: {  	s19 =	rddreg [dreg:$0x3]  }
0x63: {  	[tilespmem:s20], [sflag:$0x3] =	stream.linear.gather [hbm4b:s19+s7], $0x1, $0x38;
	[tilespmem:$0x1D280] =	vst v63  }
0x64: {  	_ = 	snop  }
0x65: {  	[tilespmem:s21], [sflag:$0x3] =	stream.linear.gather [hbm4b:s9+s7], $0x200, $0x38;
	[tilespmem:$0x1D280] =	vst v63  }
0x66: {  	_ = 	snop  }
0x67: {  	[tilespmem:s22], [sflag:$0x1] =	stream.linear.gather [hbm4b:s4+s7], $0x1000, $0x38;
	[tilespmem:$0x1D280] =	vst v63  }
0x68: {  	_ = 	snop  }
0x69: {  	[tilespmem:s23], [sflag:$0x1] =	stream.linear.gather [hbm4b:s5+s7], $0x1000, $0x38;
	[tilespmem:$0x1D280] =	vst v63  }
0x6a: {  	_ = 	snop  }
0x6b: {  	[tilespmem:s24], [sflag:$0x2] =	stream.linear.gather [hbm4b:s10+s7], $0x1000, $0x38;
	[tilespmem:$0x1D280] =	vst v63  }
0x6c: {  	_ = 	snop  }
0x6d: {  	[tilespmem:s25], [sflag:$0x2] =	stream.linear.gather [hbm4b:s11+s7], $0x1000, $0x38;
	[tilespmem:$0x1D280] =	vst v63  }
0x6e: {  	_ =	swait.ge [sflag:s26], $0x80  }
0x6f: {  	[sflag:s26] =	ssyncset.done $0x0  }
0x70: {  	[sflag:s26] =	ssyncadd.s32 $0xFFFFFF80  }
0x71: {  	_ =	swait.ge [sflag:s26], $0x80  }
0x72: {  	[sflag:s26] =	ssyncset.done $0x0  }
0x73: {  	[sflag:s26] =	ssyncadd.s32 $0xFFFFFF80  }
0x74: {  	_ =	swait.ge [sflag:s26], $0x80  }
0x75: {  	[sflag:s26] =	ssyncset.done $0x0  }
0x76: {  	[sflag:s26] =	ssyncadd.s32 $0xFFFFFF80  }
0x77: {  	_ =	swait.ge [sflag:s26], $0x1  }
0x78: {  	[sflag:s26] =	ssyncset.done $0x0  }
0x79: {  	[sflag:s26] =	ssyncadd.s32 $0xFFFFFFFF  }
0x7a: {  	_ =	swait.ge [sflag:s26], $0x200  }
0x7b: {  	[sflag:s26] =	ssyncset.done $0x0  }
0x7c: {  	[sflag:s26] =	ssyncadd.s32 $0xFFFFFE00  }
0x7d: {  	v0 =	vld [tilespmem:$0x90];
	_ =	sdelay $0x3  }
0x7e: {  	v57 =	vld [tilespmem:$0x0]  }
0x7f: {  	[tilespmem:$0x1FF80] =	vst v0;
	v0 =	vld [tilespmem:$0xA0]  }
0x80: {  	v2 =	vld [tilespmem:$0x10]  }
0x81: {  	v54 =	vld [tilespmem:$0x20]  }
0x82: {  	v1 =	vld [tilespmem:$0x200]  }
0x83: {  	v25 =	vld [tilespmem:$0x30]  }
0x84: {  	[tilespmem:$0x1FF90] =	vst v0;
	v0 =	vld [tilespmem:$0xB0]  }
0x85: {  	v7 =	vld [tilespmem:$0x80]  }
0x86: {  	v32 =	vld [tilespmem:$0x100]  }
0x87: {  	v33 =	vld [tilespmem:$0x110]  }
0x88: {  	v34 =	vld [tilespmem:$0x120]  }
0x89: {  	v35 =	vld [tilespmem:$0x130];
	[tilespmem:$0x1FFA0] =	vst v0;
	v0 =	vimm.f32 $NaN  }
0x8a: {  	v23 =	vld [tilespmem:$0x180];
	[tilespmem:v1+s28+$0x0] =	vst.idx.msk $0xffff, v0  }
0x8b: {  	v1 =	vld [tilespmem:$0x210];
	_ =	sdelay $0x7  }
0x8c: {  	[tilespmem:v1+s28+$0x0] =	vst.idx.msk $0xffff, v0  }
0x8d: {  	v1 =	vld [tilespmem:$0x220];
	_ =	sdelay $0x7  }
0x8e: {  	[tilespmem:v1+s28+$0x0] =	vst.idx.msk $0xffff, v0  }
0x8f: {  	v1 =	vld [tilespmem:$0x230];
	_ =	sdelay $0x7  }
0x90: {  	[tilespmem:v1+s28+$0x0] =	vst.idx.msk $0xffff, v0  }
0x91: {  	v1 =	vld [tilespmem:$0x240];
	_ =	sdelay $0x7  }
0x92: {  	[tilespmem:v1+s28+$0x0] =	vst.idx.msk $0xffff, v0  }
0x93: {  	v1 =	vld [tilespmem:$0x250];
	_ =	sdelay $0x7  }
0x94: {  	[tilespmem:v1+s28+$0x0] =	vst.idx.msk $0xffff, v0  }
0x95: {  	v1 =	vld [tilespmem:$0x260];
	_ =	sdelay $0x7  }
0x96: {  	[tilespmem:v1+s28+$0x0] =	vst.idx.msk $0xffff, v0  }
0x97: {  	v1 =	vld [tilespmem:$0x270];
	_ =	sdelay $0x7  }
0x98: {  	[tilespmem:v1+s28+$0x0] =	vst.idx.msk $0xffff, v0  }
0x99: {  	v1 =	vld [tilespmem:$0x280];
	_ =	sdelay $0x7  }
0x9a: {  	[tilespmem:v1+s28+$0x0] =	vst.idx.msk $0xffff, v0  }
0x9b: {  	v1 =	vld [tilespmem:$0x290];
	_ =	sdelay $0x7  }
0x9c: {  	[tilespmem:v1+s28+$0x0] =	vst.idx.msk $0xffff, v0  }
0x9d: {  	v1 =	vld [tilespmem:$0x2A0];
	_ =	sdelay $0x7  }
0x9e: {  	[tilespmem:v1+s28+$0x0] =	vst.idx.msk $0xffff, v0  }
0x9f: {  	v1 =	vld [tilespmem:$0x2B0];
	_ =	sdelay $0x7  }
0xa0: {  	[tilespmem:v1+s28+$0x0] =	vst.idx.msk $0xffff, v0  }
0xa1: {  	v1 =	vld [tilespmem:$0x2C0];
	_ =	sdelay $0x7  }
0xa2: {  	[tilespmem:v1+s28+$0x0] =	vst.idx.msk $0xffff, v0  }
0xa3: {  	v1 =	vld [tilespmem:$0x2D0];
	_ =	sdelay $0x7  }
0xa4: {  	[tilespmem:v1+s28+$0x0] =	vst.idx.msk $0xffff, v0  }
0xa5: {  	v1 =	vld [tilespmem:$0x2E0];
	_ =	sdelay $0x7  }
0xa6: {  	[tilespmem:v1+s28+$0x0] =	vst.idx.msk $0xffff, v0  }
0xa7: {  	v1 =	vld [tilespmem:$0x2F0];
	_ =	sdelay $0x7  }
0xa8: {  	[tilespmem:v1+s28+$0x0] =	vst.idx.msk $0xffff, v0  }
0xa9: {  	v1 =	vld [tilespmem:$0x300];
	_ =	sdelay $0x7  }
0xaa: {  	[tilespmem:v1+s28+$0x0] =	vst.idx.msk $0xffff, v0  }
0xab: {  	v1 =	vld [tilespmem:$0x310];
	_ =	sdelay $0x7  }
0xac: {  	[tilespmem:v1+s28+$0x0] =	vst.idx.msk $0xffff, v0  }
0xad: {  	v1 =	vld [tilespmem:$0x320];
	_ =	sdelay $0x7  }
0xae: {  	[tilespmem:v1+s28+$0x0] =	vst.idx.msk $0xffff, v0  }
0xaf: {  	v1 =	vld [tilespmem:$0x330];
	_ =	sdelay $0x7  }
0xb0: {  	[tilespmem:v1+s28+$0x0] =	vst.idx.msk $0xffff, v0  }
0xb1: {  	v1 =	vld [tilespmem:$0x340];
	_ =	sdelay $0x7  }
0xb2: {  	[tilespmem:v1+s28+$0x0] =	vst.idx.msk $0xffff, v0  }
0xb3: {  	v1 =	vld [tilespmem:$0x350];
	_ =	sdelay $0x7  }
0xb4: {  	[tilespmem:v1+s28+$0x0] =	vst.idx.msk $0xffff, v0  }
0xb5: {  	v1 =	vld [tilespmem:$0x360];
	_ =	sdelay $0x7  }
0xb6: {  	[tilespmem:v1+s28+$0x0] =	vst.idx.msk $0xffff, v0  }
0xb7: {  	v1 =	vld [tilespmem:$0x370];
	_ =	sdelay $0x7  }
0xb8: {  	[tilespmem:v1+s28+$0x0] =	vst.idx.msk $0xffff, v0  }
0xb9: {  	v1 =	vld [tilespmem:$0x380];
	_ =	sdelay $0x7  }
0xba: {  	[tilespmem:v1+s28+$0x0] =	vst.idx.msk $0xffff, v0  }
0xbb: {  	v1 =	vld [tilespmem:$0x390];
	_ =	sdelay $0x7  }
0xbc: {  	[tilespmem:v1+s28+$0x0] =	vst.idx.msk $0xffff, v0  }
0xbd: {  	v1 =	vld [tilespmem:$0x3A0];
	_ =	sdelay $0x7  }
0xbe: {  	[tilespmem:v1+s28+$0x0] =	vst.idx.msk $0xffff, v0  }
0xbf: {  	v1 =	vld [tilespmem:$0x3B0];
	_ =	sdelay $0x7  }
0xc0: {  	[tilespmem:v1+s28+$0x0] =	vst.idx.msk $0xffff, v0  }
0xc1: {  	v1 =	vld [tilespmem:$0x3C0];
	_ =	sdelay $0x7  }
0xc2: {  	[tilespmem:v1+s28+$0x0] =	vst.idx.msk $0xffff, v0  }
0xc3: {  	v1 =	vld [tilespmem:$0x3D0];
	_ =	sdelay $0x7  }
0xc4: {  	[tilespmem:v1+s28+$0x0] =	vst.idx.msk $0xffff, v0  }
0xc5: {  	v1 =	vld [tilespmem:$0x3E0];
	_ =	sdelay $0x7  }
0xc6: {  	[tilespmem:v1+s28+$0x0] =	vst.idx.msk $0xffff, v0  }
0xc7: {  	v1 =	vld [tilespmem:$0x3F0];
	_ =	sdelay $0x7  }
0xc8: {  	[tilespmem:v1+s28+$0x0] =	vst.idx.msk $0xffff, v0  }
0xc9: {  	_ =	swait.ge [sflag:s29], $0x1000  }
0xca: {  	[sflag:s29] =	ssyncset.done $0x0  }
0xcb: {  	[sflag:s29] =	ssyncadd.s32 $0xFFFFF000  }
0xcc: {  	_ =	swait.ge [sflag:s29], $0x1000  }
0xcd: {  	[sflag:s29] =	ssyncset.done $0x0  }
0xce: {  	s1 =	simm.s32 $0x0;
	[sflag:s29] =	ssyncadd.s32 $0xFFFFF000  }
0xcf: {  	v37 =	vld [tilespmem:s1+$0x1B90]  }
0xd0: {  	v38 =	vld [tilespmem:s1+$0x1BA0]  }
0xd1: {  	v1 =	vld [tilespmem:s1+$0xBC0]  }
0xd2: {  	v36 =	vld [tilespmem:s1+$0xBD0]  }
0xd3: {  	v42 =	vld [tilespmem:s1+$0x1B80]  }
0xd4: {  	v39 =	vld [tilespmem:s1+$0xBA0]  }
0xd5: {  	v40 =	vld [tilespmem:s1+$0xBB0]  }
0xd6: {  	v44 =	vld [tilespmem:s1+$0xB90]  }
0xd7: {  	v48 =	vld [tilespmem:s1+$0xB80]  }
0xd8: {  	v41 =	vld [tilespmem:s1+$0xBE0]  }
0xd9: {  	v45 =	vld [tilespmem:s1+$0x1BB0]  }
0xda: {  	v46 =	vld [tilespmem:s1+$0x1BC0]  }
0xdb: {  	v43 =	vld [tilespmem:s1+$0xBF0]  }
0xdc: {  	v47 =	vld [tilespmem:s1+$0x1BE0]  }
0xdd: {  	s0 =	simm.s32 $0x200;
	v19 =	vperm.xlane v23, v27;
	v49 =	vld [tilespmem:s1+$0x1BD0]  }
.LBB2_2:
0xde: {  	p0 =	sne.s32 s0, $0x3E00;
	v50 =	vld [tilespmem:s1+$0x1BF0];
	s1 =	smov.u32 s0;
	s0 =	sadd.s32 $0x200, s0  }
0xdf: {  	[tilespmem:v48+s28+$0x0] =	vst.idx.msk $0xffff, v42  }
0xe0: {  	[tilespmem:v44+s28+$0x0] =	vst.idx.msk $0xffff, v37  }
0xe1: {  	[tilespmem:v39+s28+$0x0] =	vst.idx.msk $0xffff, v38  }
0xe2: {  	[tilespmem:v40+s28+$0x0] =	vst.idx.msk $0xffff, v45  }
0xe3: {  	[tilespmem:v1+s28+$0x0] =	vst.idx.msk $0xffff, v46  }
0xe4: {  	[tilespmem:v36+s28+$0x0] =	vst.idx.msk $0xffff, v49  }
0xe5: {  	[tilespmem:v41+s28+$0x0] =	vst.idx.msk $0xffff, v47  }
0xe6: {  	s1 =	sshra.s32 s1, $0x2;
	[tilespmem:v43+s28+$0x0] =	vst.idx.msk $0xffff, v50  }
0xe7: {  	v37 =	vld [tilespmem:s1+$0x1B90]  }
0xe8: {  	v38 =	vld [tilespmem:s1+$0x1BA0]  }
0xe9: {  	v1 =	vld [tilespmem:s1+$0xBC0]  }
0xea: {  	v36 =	vld [tilespmem:s1+$0xBD0]  }
0xeb: {  	v42 =	vld [tilespmem:s1+$0x1B80]  }
0xec: {  	v39 =	vld [tilespmem:s1+$0xBA0]  }
0xed: {  	v40 =	vld [tilespmem:s1+$0xBB0]  }
0xee: {  	v44 =	vld [tilespmem:s1+$0xB90]  }
0xef: {  	v48 =	vld [tilespmem:s1+$0xB80]  }
0xf0: {  	v41 =	vld [tilespmem:s1+$0xBE0]  }
.Ltmp2:
0xf1: {  	v45 =	vld [tilespmem:s1+$0x1BB0];
	(pc) =	sbr.rel @p0 .LBB2_2-.Ltmp2, $4  }
0xf2: {  	v46 =	vld [tilespmem:s1+$0x1BC0]  }
0xf3: {  	v43 =	vld [tilespmem:s1+$0xBF0]  }
0xf4: {  	v47 =	vld [tilespmem:s1+$0x1BE0]  }
0xf5: {  	v49 =	vld [tilespmem:s1+$0x1BD0]  }
0xf6: {  	_ =	sdelay $0x3  }
0xf7: {  	v50 =	vld [tilespmem:s1+$0x1BF0];
	[tilespmem:v48+s28+$0x0] =	vst.idx.msk $0xffff, v42  }
0xf8: {  	[tilespmem:v44+s28+$0x0] =	vst.idx.msk $0xffff, v37  }
0xf9: {  	[tilespmem:v39+s28+$0x0] =	vst.idx.msk $0xffff, v38  }
0xfa: {  	[tilespmem:v40+s28+$0x0] =	vst.idx.msk $0xffff, v45  }
0xfb: {  	[tilespmem:v1+s28+$0x0] =	vst.idx.msk $0xffff, v46  }
0xfc: {  	[tilespmem:v36+s28+$0x0] =	vst.idx.msk $0xffff, v49  }
0xfd: {  	[tilespmem:v41+s28+$0x0] =	vst.idx.msk $0xffff, v47  }
0xfe: {  	s0 =	simm.s32 $0x0;
	[tilespmem:v43+s28+$0x0] =	vst.idx.msk $0xffff, v50  }
0xff: {  	[tilespmem:s22], [sflag:$0x1] =	stream.linear.gather [hbm4b:s12+s0], $0x1000, $0x38;
	[tilespmem:$0x1D280] =	vst v63  }
0x100: {  	_ = 	snop  }
0x101: {  	[tilespmem:s23], [sflag:$0x1] =	stream.linear.gather [hbm4b:s13+s0], $0x1000, $0x38;
	[tilespmem:$0x1D280] =	vst v63  }
0x102: {  	_ =	swait.ge [sflag:s30], $0x1000  }
0x103: {  	[sflag:s30] =	ssyncset.done $0x0  }
0x104: {  	[sflag:s30] =	ssyncadd.s32 $0xFFFFF000  }
0x105: {  	_ =	swait.ge [sflag:s30], $0x1000  }
0x106: {  	[sflag:s30] =	ssyncset.done $0x0  }
0x107: {  	s1 =	simm.s32 $0x0;
	[sflag:s30] =	ssyncadd.s32 $0xFFFFF000  }
0x108: {  	v37 =	vld [tilespmem:s1+$0x3B90]  }
0x109: {  	v38 =	vld [tilespmem:s1+$0x3BA0]  }
0x10a: {  	v1 =	vld [tilespmem:s1+$0x2BC0]  }
0x10b: {  	v36 =	vld [tilespmem:s1+$0x2BD0]  }
0x10c: {  	v42 =	vld [tilespmem:s1+$0x3B80]  }
0x10d: {  	v39 =	vld [tilespmem:s1+$0x2BA0]  }
0x10e: {  	v40 =	vld [tilespmem:s1+$0x2BB0]  }
0x10f: {  	v44 =	vld [tilespmem:s1+$0x2B90]  }
0x110: {  	v48 =	vld [tilespmem:s1+$0x2B80]  }
0x111: {  	v41 =	vld [tilespmem:s1+$0x2BE0]  }
0x112: {  	v45 =	vld [tilespmem:s1+$0x3BB0]  }
0x113: {  	v46 =	vld [tilespmem:s1+$0x3BC0]  }
0x114: {  	v43 =	vld [tilespmem:s1+$0x2BF0]  }
0x115: {  	v47 =	vld [tilespmem:s1+$0x3BE0]  }
0x116: {  	s0 =	simm.s32 $0x200;
	v49 =	vld [tilespmem:s1+$0x3BD0]  }
.LBB2_4:
0x117: {  	p0 =	sne.s32 s0, $0x3E00;
	v50 =	vld [tilespmem:s1+$0x3BF0];
	s1 =	smov.u32 s0;
	s0 =	sadd.s32 $0x200, s0  }
0x118: {  	[tilespmem:v48+s28+$0x0] =	vst.idx.msk $0xffff, v42  }
0x119: {  	[tilespmem:v44+s28+$0x0] =	vst.idx.msk $0xffff, v37  }
0x11a: {  	[tilespmem:v39+s28+$0x0] =	vst.idx.msk $0xffff, v38  }
0x11b: {  	[tilespmem:v40+s28+$0x0] =	vst.idx.msk $0xffff, v45  }
0x11c: {  	[tilespmem:v1+s28+$0x0] =	vst.idx.msk $0xffff, v46  }
0x11d: {  	[tilespmem:v36+s28+$0x0] =	vst.idx.msk $0xffff, v49  }
0x11e: {  	[tilespmem:v41+s28+$0x0] =	vst.idx.msk $0xffff, v47  }
0x11f: {  	s1 =	sshra.s32 s1, $0x2;
	[tilespmem:v43+s28+$0x0] =	vst.idx.msk $0xffff, v50  }
0x120: {  	v37 =	vld [tilespmem:s1+$0x3B90]  }
0x121: {  	v38 =	vld [tilespmem:s1+$0x3BA0]  }
0x122: {  	v1 =	vld [tilespmem:s1+$0x2BC0]  }
0x123: {  	v36 =	vld [tilespmem:s1+$0x2BD0]  }
0x124: {  	v42 =	vld [tilespmem:s1+$0x3B80]  }
0x125: {  	v39 =	vld [tilespmem:s1+$0x2BA0]  }
0x126: {  	v40 =	vld [tilespmem:s1+$0x2BB0]  }
0x127: {  	v44 =	vld [tilespmem:s1+$0x2B90]  }
0x128: {  	v48 =	vld [tilespmem:s1+$0x2B80]  }
0x129: {  	v41 =	vld [tilespmem:s1+$0x2BE0]  }
.Ltmp3:
0x12a: {  	v45 =	vld [tilespmem:s1+$0x3BB0];
	(pc) =	sbr.rel @p0 .LBB2_4-.Ltmp3, $4  }
0x12b: {  	v46 =	vld [tilespmem:s1+$0x3BC0]  }
0x12c: {  	v43 =	vld [tilespmem:s1+$0x2BF0]  }
0x12d: {  	v47 =	vld [tilespmem:s1+$0x3BE0]  }
0x12e: {  	v49 =	vld [tilespmem:s1+$0x3BD0]  }
0x12f: {  	_ =	sdelay $0x3  }
0x130: {  	v50 =	vld [tilespmem:s1+$0x3BF0];
	[tilespmem:v48+s28+$0x0] =	vst.idx.msk $0xffff, v42  }
0x131: {  	[tilespmem:v44+s28+$0x0] =	vst.idx.msk $0xffff, v37  }
0x132: {  	[tilespmem:v39+s28+$0x0] =	vst.idx.msk $0xffff, v38  }
0x133: {  	[tilespmem:v40+s28+$0x0] =	vst.idx.msk $0xffff, v45  }
0x134: {  	[tilespmem:v1+s28+$0x0] =	vst.idx.msk $0xffff, v46  }
0x135: {  	[tilespmem:v36+s28+$0x0] =	vst.idx.msk $0xffff, v49  }
0x136: {  	[tilespmem:v41+s28+$0x0] =	vst.idx.msk $0xffff, v47  }
0x137: {  	s0 =	simm.s32 $0x0;
	[tilespmem:v43+s28+$0x0] =	vst.idx.msk $0xffff, v50  }
0x138: {  	[tilespmem:s24], [sflag:$0x2] =	stream.linear.gather [hbm4b:s14+s0], $0x1000, $0x38;
	[tilespmem:$0x1D280] =	vst v63  }
0x139: {  	_ = 	snop  }
0x13a: {  	[tilespmem:s25], [sflag:$0x2] =	stream.linear.gather [hbm4b:s15+s0], $0x1000, $0x38;
	[tilespmem:$0x1D280] =	vst v63  }
0x13b: {  	_ =	swait.ge [sflag:s29], $0x1000  }
0x13c: {  	[sflag:s29] =	ssyncset.done $0x0  }
0x13d: {  	[sflag:s29] =	ssyncadd.s32 $0xFFFFF000  }
0x13e: {  	_ =	swait.ge [sflag:s29], $0x1000  }
0x13f: {  	[sflag:s29] =	ssyncset.done $0x0  }
0x140: {  	s1 =	simm.s32 $0x0;
	[sflag:s29] =	ssyncadd.s32 $0xFFFFF000  }
0x141: {  	v37 =	vld [tilespmem:s1+$0x1B90]  }
0x142: {  	v38 =	vld [tilespmem:s1+$0x1BA0]  }
0x143: {  	v1 =	vld [tilespmem:s1+$0xBC0]  }
0x144: {  	v36 =	vld [tilespmem:s1+$0xBD0]  }
0x145: {  	v42 =	vld [tilespmem:s1+$0x1B80]  }
0x146: {  	v39 =	vld [tilespmem:s1+$0xBA0]  }
0x147: {  	v40 =	vld [tilespmem:s1+$0xBB0]  }
0x148: {  	v44 =	vld [tilespmem:s1+$0xB90]  }
0x149: {  	v48 =	vld [tilespmem:s1+$0xB80]  }
0x14a: {  	v41 =	vld [tilespmem:s1+$0xBE0]  }
0x14b: {  	v45 =	vld [tilespmem:s1+$0x1BB0]  }
0x14c: {  	v46 =	vld [tilespmem:s1+$0x1BC0]  }
0x14d: {  	v43 =	vld [tilespmem:s1+$0xBF0]  }
0x14e: {  	v47 =	vld [tilespmem:s1+$0x1BE0]  }
0x14f: {  	s0 =	simm.s32 $0x200;
	v49 =	vld [tilespmem:s1+$0x1BD0]  }
.LBB2_6:
0x150: {  	p0 =	sne.s32 s0, $0x3E00;
	v50 =	vld [tilespmem:s1+$0x1BF0];
	s1 =	smov.u32 s0;
	s0 =	sadd.s32 $0x200, s0  }
0x151: {  	[tilespmem:v48+s28+$0x0] =	vst.idx.msk $0xffff, v42  }
0x152: {  	[tilespmem:v44+s28+$0x0] =	vst.idx.msk $0xffff, v37  }
0x153: {  	[tilespmem:v39+s28+$0x0] =	vst.idx.msk $0xffff, v38  }
0x154: {  	[tilespmem:v40+s28+$0x0] =	vst.idx.msk $0xffff, v45  }
0x155: {  	[tilespmem:v1+s28+$0x0] =	vst.idx.msk $0xffff, v46  }
0x156: {  	[tilespmem:v36+s28+$0x0] =	vst.idx.msk $0xffff, v49  }
0x157: {  	[tilespmem:v41+s28+$0x0] =	vst.idx.msk $0xffff, v47  }
0x158: {  	s1 =	sshra.s32 s1, $0x2;
	[tilespmem:v43+s28+$0x0] =	vst.idx.msk $0xffff, v50  }
0x159: {  	v37 =	vld [tilespmem:s1+$0x1B90]  }
0x15a: {  	v38 =	vld [tilespmem:s1+$0x1BA0]  }
0x15b: {  	v1 =	vld [tilespmem:s1+$0xBC0]  }
0x15c: {  	v36 =	vld [tilespmem:s1+$0xBD0]  }
0x15d: {  	v42 =	vld [tilespmem:s1+$0x1B80]  }
0x15e: {  	v39 =	vld [tilespmem:s1+$0xBA0]  }
0x15f: {  	v40 =	vld [tilespmem:s1+$0xBB0]  }
0x160: {  	v44 =	vld [tilespmem:s1+$0xB90]  }
0x161: {  	v48 =	vld [tilespmem:s1+$0xB80]  }
0x162: {  	v41 =	vld [tilespmem:s1+$0xBE0]  }
.Ltmp4:
0x163: {  	v45 =	vld [tilespmem:s1+$0x1BB0];
	(pc) =	sbr.rel @p0 .LBB2_6-.Ltmp4, $4  }
0x164: {  	v46 =	vld [tilespmem:s1+$0x1BC0]  }
0x165: {  	v43 =	vld [tilespmem:s1+$0xBF0]  }
0x166: {  	v47 =	vld [tilespmem:s1+$0x1BE0]  }
0x167: {  	v49 =	vld [tilespmem:s1+$0x1BD0]  }
0x168: {  	_ =	sdelay $0x3  }
0x169: {  	v50 =	vld [tilespmem:s1+$0x1BF0];
	[tilespmem:v48+s28+$0x0] =	vst.idx.msk $0xffff, v42  }
0x16a: {  	[tilespmem:v44+s28+$0x0] =	vst.idx.msk $0xffff, v37  }
0x16b: {  	[tilespmem:v39+s28+$0x0] =	vst.idx.msk $0xffff, v38  }
0x16c: {  	[tilespmem:v40+s28+$0x0] =	vst.idx.msk $0xffff, v45  }
0x16d: {  	[tilespmem:v1+s28+$0x0] =	vst.idx.msk $0xffff, v46  }
0x16e: {  	[tilespmem:v36+s28+$0x0] =	vst.idx.msk $0xffff, v49  }
0x16f: {  	[tilespmem:v41+s28+$0x0] =	vst.idx.msk $0xffff, v47  }
0x170: {  	[tilespmem:v43+s28+$0x0] =	vst.idx.msk $0xffff, v50  }
0x171: {  	_ =	swait.ge [sflag:s30], $0x1000  }
0x172: {  	[sflag:s30] =	ssyncset.done $0x0  }
0x173: {  	[sflag:s30] =	ssyncadd.s32 $0xFFFFF000  }
0x174: {  	_ =	swait.ge [sflag:s30], $0x1000  }
0x175: {  	[sflag:s30] =	ssyncset.done $0x0  }
0x176: {  	s1 =	simm.s32 $0x0;
	[sflag:s30] =	ssyncadd.s32 $0xFFFFF000  }
0x177: {  	v37 =	vld [tilespmem:s1+$0x3B90]  }
0x178: {  	v38 =	vld [tilespmem:s1+$0x3BA0]  }
0x179: {  	v1 =	vld [tilespmem:s1+$0x2BC0]  }
0x17a: {  	v36 =	vld [tilespmem:s1+$0x2BD0]  }
0x17b: {  	v42 =	vld [tilespmem:s1+$0x3B80]  }
0x17c: {  	v39 =	vld [tilespmem:s1+$0x2BA0]  }
0x17d: {  	v40 =	vld [tilespmem:s1+$0x2BB0]  }
0x17e: {  	v44 =	vld [tilespmem:s1+$0x2B90]  }
0x17f: {  	v48 =	vld [tilespmem:s1+$0x2B80]  }
0x180: {  	v41 =	vld [tilespmem:s1+$0x2BE0]  }
0x181: {  	v45 =	vld [tilespmem:s1+$0x3BB0]  }
0x182: {  	v46 =	vld [tilespmem:s1+$0x3BC0]  }
0x183: {  	v43 =	vld [tilespmem:s1+$0x2BF0]  }
0x184: {  	v47 =	vld [tilespmem:s1+$0x3BE0]  }
0x185: {  	s0 =	simm.s32 $0x200;
	v49 =	vld [tilespmem:s1+$0x3BD0]  }
.LBB2_8:
0x186: {  	p0 =	sne.s32 s0, $0x3E00;
	v50 =	vld [tilespmem:s1+$0x3BF0];
	s1 =	smov.u32 s0;
	s0 =	sadd.s32 $0x200, s0  }
0x187: {  	[tilespmem:v48+s28+$0x0] =	vst.idx.msk $0xffff, v42  }
0x188: {  	[tilespmem:v44+s28+$0x0] =	vst.idx.msk $0xffff, v37  }
0x189: {  	[tilespmem:v39+s28+$0x0] =	vst.idx.msk $0xffff, v38  }
0x18a: {  	[tilespmem:v40+s28+$0x0] =	vst.idx.msk $0xffff, v45  }
0x18b: {  	[tilespmem:v1+s28+$0x0] =	vst.idx.msk $0xffff, v46  }
0x18c: {  	[tilespmem:v36+s28+$0x0] =	vst.idx.msk $0xffff, v49  }
0x18d: {  	[tilespmem:v41+s28+$0x0] =	vst.idx.msk $0xffff, v47  }
0x18e: {  	s1 =	sshra.s32 s1, $0x2;
	[tilespmem:v43+s28+$0x0] =	vst.idx.msk $0xffff, v50  }
0x18f: {  	v37 =	vld [tilespmem:s1+$0x3B90]  }
0x190: {  	v38 =	vld [tilespmem:s1+$0x3BA0]  }
0x191: {  	v1 =	vld [tilespmem:s1+$0x2BC0]  }
0x192: {  	v36 =	vld [tilespmem:s1+$0x2BD0]  }
0x193: {  	v42 =	vld [tilespmem:s1+$0x3B80]  }
0x194: {  	v39 =	vld [tilespmem:s1+$0x2BA0]  }
0x195: {  	v40 =	vld [tilespmem:s1+$0x2BB0]  }
0x196: {  	v44 =	vld [tilespmem:s1+$0x2B90]  }
0x197: {  	v48 =	vld [tilespmem:s1+$0x2B80]  }
0x198: {  	v41 =	vld [tilespmem:s1+$0x2BE0]  }
.Ltmp5:
0x199: {  	v45 =	vld [tilespmem:s1+$0x3BB0];
	(pc) =	sbr.rel @p0 .LBB2_8-.Ltmp5, $4  }
0x19a: {  	v46 =	vld [tilespmem:s1+$0x3BC0]  }
0x19b: {  	v43 =	vld [tilespmem:s1+$0x2BF0]  }
0x19c: {  	v47 =	vld [tilespmem:s1+$0x3BE0]  }
0x19d: {  	v49 =	vld [tilespmem:s1+$0x3BD0]  }
0x19e: {  	_ =	sdelay $0x3  }
0x19f: {  	v50 =	vld [tilespmem:s1+$0x3BF0];
	[tilespmem:v48+s28+$0x0] =	vst.idx.msk $0xffff, v42  }
0x1a0: {  	[tilespmem:v44+s28+$0x0] =	vst.idx.msk $0xffff, v37  }
0x1a1: {  	[tilespmem:v39+s28+$0x0] =	vst.idx.msk $0xffff, v38  }
0x1a2: {  	[tilespmem:v40+s28+$0x0] =	vst.idx.msk $0xffff, v45  }
0x1a3: {  	[tilespmem:v1+s28+$0x0] =	vst.idx.msk $0xffff, v46  }
0x1a4: {  	[tilespmem:v36+s28+$0x0] =	vst.idx.msk $0xffff, v49  }
0x1a5: {  	[tilespmem:v41+s28+$0x0] =	vst.idx.msk $0xffff, v47  }
0x1a6: {  	v0 =	vimm.s32 $0x200;
	[tilespmem:v43+s28+$0x0] =	vst.idx.msk $0xffff, v50  }
0x1a7: {  	[tilespmem:$0x900] =	vst v0  }
0x1a8: {  	[tilespmem:$0x910] =	vst v0  }
0x1a9: {  	[tilespmem:$0x920] =	vst v0  }
0x1aa: {  	[tilespmem:$0x930] =	vst v0  }
0x1ab: {  	[tilespmem:$0x940] =	vst v0  }
0x1ac: {  	[tilespmem:$0x950] =	vst v0  }
0x1ad: {  	[tilespmem:$0x960] =	vst v0  }
0x1ae: {  	[tilespmem:$0x970] =	vst v0  }
0x1af: {  	[tilespmem:$0x980] =	vst v0  }
0x1b0: {  	[tilespmem:$0x990] =	vst v0  }
0x1b1: {  	[tilespmem:$0x9A0] =	vst v0  }
0x1b2: {  	[tilespmem:$0x9B0] =	vst v0  }
0x1b3: {  	[tilespmem:$0x9C0] =	vst v0  }
0x1b4: {  	[tilespmem:$0x9D0] =	vst v0  }
0x1b5: {  	[tilespmem:$0x9E0] =	vst v0  }
0x1b6: {  	[tilespmem:$0x9F0] =	vst v0  }
0x1b7: {  	[tilespmem:$0xA00] =	vst v0  }
0x1b8: {  	[tilespmem:$0xA10] =	vst v0  }
0x1b9: {  	[tilespmem:$0xA20] =	vst v0  }
0x1ba: {  	[tilespmem:$0xA30] =	vst v0  }
0x1bb: {  	[tilespmem:$0xA40] =	vst v0  }
0x1bc: {  	[tilespmem:$0xA50] =	vst v0  }
0x1bd: {  	[tilespmem:$0xA60] =	vst v0  }
0x1be: {  	[tilespmem:$0xA70] =	vst v0  }
0x1bf: {  	[tilespmem:$0xA80] =	vst v0  }
0x1c0: {  	[tilespmem:$0xA90] =	vst v0  }
0x1c1: {  	[tilespmem:$0xAA0] =	vst v0  }
0x1c2: {  	[tilespmem:$0xAB0] =	vst v0  }
0x1c3: {  	[tilespmem:$0xAC0] =	vst v0  }
0x1c4: {  	[tilespmem:$0xAD0] =	vst v0  }
0x1c5: {  	[tilespmem:$0xAE0] =	vst v0  }
0x1c6: {  	[tilespmem:$0xAF0] =	vst v0  }
0x1c7: {  	s0 =	simm.s32 $0x200;
	[tilespmem:$0xB00] =	vst v0  }
0x1c8: {  	v1 =	vld [tilespmem:s0+$0x0];
	_ =	sdelay $0x7  }
0x1c9: {  	v1 =	vld.idx.msk [tilespmem:v1+s28+$0x0], $0xffff;
	_ =	sdelay $0x4  }
0x1ca: {  	vm1 =	veq.f32 v1, v1  }
0x1cb: {  	vm1 =	vmand vm1, vm0  }
0x1cc: {  	v63 =	vsel vm1, $0x1, v27  }
0x1cd: {  	(xrf0) =	vadd.scan.msk.s32 $0xffff, v63  }
0x1ce: {  	s0 =	simm.s32 $0x400  }
0x1cf: {  	s1 =	simm.s32 $0x0;
	[tilespmem:s0+$0x0] =	vst v19  }
0x1d0: {  	[tilespmem:s1+$0x680] =	vst.msk vm1, v1;
	v1 =	vor.u32 s1, v28  }
0x1d1: {  	s3 =	simm.s32 $0x210;
	[tilespmem:s1+$0x900] =	vst.msk vm1, v1  }
0x1d2: {  	s2 =	simm.s32 $0x10;
	s18 =	simm.s32 $0x20;
	v1 =	vld [tilespmem:s3+$0x0]  }
.LBB2_10:
0x1d3: {  	p0 =	sne.s32 s18, $0x1F0;
	v36, _, _ =	vpop (xrf0)  }
0x1d4: {  	(v2sf) =	vpush v36, $0xF;
	_ =	sdelay $0x4  }
0x1d5: {  	s0 =	sadd.s32 $0x10, s0  }
0x1d6: {  	v1 =	vld.idx.msk [tilespmem:v1+s28+$0x0], $0xffff;
	[tilespmem:s0+$0x0] =	vst v19;
	_ =	sdelay $0x5  }
0x1d7: {  	vm1 =	veq.f32 v1, v1  }
0x1d8: {  	vm1 =	vmand vm1, vm0  }
0x1d9: {  	v36 =	vsel vm1, $0x1, v27  }
0x1da: {  	(xrf0) =	vadd.scan.msk.s32 $0xffff, v36;
	s19 =	spop (v2sf)  }
.Ltmp6:
0x1db: {  	s1 =	sadd.s32 s1, s19;
	(pc) =	sbr.rel @p0 .LBB2_10-.Ltmp6, $4  }
0x1dc: {  	[tilespmem:s1+$0x680] =	vst.msk vm1, v1;
	v1 =	vor.u32 s2, v28;
	s2 =	smov.u32 s18  }
0x1dd: {  	[tilespmem:s1+$0x900] =	vst.msk vm1, v1  }
0x1de: {  	s3 =	sadd.s32 $0x10, s3  }
0x1df: {  	s18 =	sadd.s32 $0x10, s18;
	v1 =	vld [tilespmem:s3+$0x0]  }
0x1e0: {  	_ =	sdelay $0x7  }
0x1e1: {  	v1 =	vld.idx.msk [tilespmem:v1+s28+$0x0], $0xffff;
	_ =	sdelay $0x4  }
0x1e2: {  	vm1 =	veq.f32 v1, v1  }
0x1e3: {  	vm1 =	vmand vm1, vm0  }
0x1e4: {  	v36 =	vsel vm1, $0x1, v27  }
0x1e5: {  	(xrf0) =	vadd.scan.msk.s32 $0xffff, v36;
	_ =	sdelay $0x4  }
0x1e6: {  	v62, _, _ =	vpop (xrf0)  }
0x1e7: {  	(v2sf) =	vpush v62, $0xF;
	v63, _, _ =	vpop (xrf0)  }
0x1e8: {  	(v2sf) =	vpush v63, $0xF;
	_ =	sdelay $0xd  }
0x1e9: {  	s3 =	spop (v2sf)  }
0x1ea: {  	s3 =	sadd.s32 s1, s3;
	s18 =	spop (v2sf)  }
0x1eb: {  	s1 =	sadd.s32 s3, s18  }
0x1ec: {  	s1 =	sadd.s32 $0xF, s1  }
0x1ed: {  	s18 =	sand.u32 $0xF, s1  }
0x1ee: {  	s19 =	sshra.s32 s1, $0x1F;
	p1 =	slt.s32 s1, $0x1;
	p0 =	sne.s32 s18, $0x0  }
0x1ef: {  	s18 =	sshrl.u32 s19, $0x1C;
	p0 =	por !p1, !p0  }
0x1f0: {  	s1 =	sadd.s32 s18, s1;
	s18 =	simm.s32 $0x1;
	p0 =	por !p0, !p0  }
0x1f1: {  	s1 =	sshra.s32 s1, $0x4;
	s18 =	simm.s32 @!p0 $0x0  }
0x1f2: {  	s1 =	ssub.s32 s1, s18  }
0x1f3: {  	v0 =	vld [tilespmem:$0x1FFF0];
	p0 =	slt.s32 s1, $0x1  }
.Ltmp7:
0x1f4: {  	_ = 	snop;
	(pc) =	sbr.rel @p0 .LBB2_19-.Ltmp7, $4  }
0x1f5: {  	s0 =	sadd.s32 $0x10, s0  }
0x1f6: {  	[tilespmem:s0+$0x0] =	vst v19  }
0x1f7: {  	[tilespmem:s3+$0x680] =	vst.msk vm1, v1;
	v1 =	vor.u32 s2, v28  }
0x1f8: {  	[tilespmem:s3+$0x900] =	vst.msk vm1, v1;
	vm1 =	vnez.u8 v0  }
0x1f9: {  	s0 =	simm.s32 $0x680  }
0x1fa: {  	v1 =	vld [tilespmem:s0+$0x0];
	_ =	sdelay $0x4  }
0x1fb: {  	v37 =	vperm.xlane v1, v17;
	v53 =	vperm.xlane v1, v18  }
0x1fc: {  	v44 =	vperm.xlane v1, v15;
	v41 =	vperm.xlane v1, v5  }
0x1fd: {  	v26 =	vperm.xlane v1, v13;
	v45 =	vperm.xlane v1, v14  }
0x1fe: {  	v24 =	vperm.xlane v1, v11;
	v46 =	vperm.xlane v1, v12  }
0x1ff: {  	v38 =	vperm.xlane v1, v9;
	v39 =	vperm.xlane v1, v10  }
0x200: {  	v51 =	vperm.xlane v1, v22;
	v16 =	vperm.xlane v1, v8  }
0x201: {  	v52 =	vperm.xlane v1, v4;
	v0 =	vperm.xlane v1, v3  }
0x202: {  	v33 =	vadd.s32 $0x8000, v33;
	v20 =	vld [tilespmem:$0x1FF80];
	v42 =	vperm.xlane v1, v6;
	v49 =	vperm.xlane v1, v27  }
0x203: {  	v34 =	vadd.s32 $0x8000, v34;
	[tilespmem:$0x1FDE0] =	vst v0;
	v0 =	vmul.f32 v53, v54;
	v47 =	vmul.f32 v41, v54  }
0x204: {  	v1 =	vadd.s32 $0x8000, v32;
	v55 =	vmul.f32 v53, v2;
	v56 =	vmul.f32 v37, v2  }
0x205: {  	v32 =	vand.u32 $0xFFFF0000, v1;
	v1 =	vmul.f32 v41, v2;
	v58 =	vmul.f32 v44, v2  }
0x206: {  	v23 =	vmovc v2;
	v33 =	vand.u32 $0xFFFF0000, v33;
	v60 =	vmul.f32 v45, v2;
	v62 =	vmul.f32 v26, v2  }
0x207: {  	[tilespmem:$0x1FEE0] =	vst v35;
	v35 =	vmul.f32 v46, v2;
	v36 =	vmul.f32 v24, v23;
	v55 =	vadd.f32 v55, v20  }
0x208: {  	v50 =	vmul.f32 v39, v23;
	v56 =	vadd.f32 v56, v20;
	v1 =	vadd.f32 v1, v20  }
0x209: {  	v40 =	vmul.f32 v38, v23;
	v58 =	vadd.f32 v58, v20;
	v60 =	vadd.f32 v60, v20  }
0x20a: {  	[tilespmem:$0x1FE00] =	vst v0;
	v0 =	vmul.f32 v37, v54;
	v35 =	vadd.f32 v35, v20;
	v36 =	vadd.f32 v36, v20  }
0x20b: {  	v40 =	vadd.f32 v40, v20;
	v55 =	vadd.s32 $0x8000, v55;
	v1 =	vadd.s32 $0x8000, v1  }
0x20c: {  	v56 =	vadd.s32 $0x8000, v56;
	v60 =	vadd.s32 $0x8000, v60;
	v35 =	vadd.s32 $0x8000, v35  }
0x20d: {  	v36 =	vadd.s32 $0x8000, v36;
	v40 =	vadd.s32 $0x8000, v40;
	v55 =	vand.u32 $0xFFFF0000, v55  }
0x20e: {  	[tilespmem:$0x1FE30] =	vst v0;
	v1 =	vand.u32 $0xFFFF0000, v1;
	v56 =	vand.u32 $0xFFFF0000, v56;
	v60 =	vand.u32 $0xFFFF0000, v60  }
0x20f: {  	v35 =	vand.u32 $0xFFFF0000, v35;
	v0 =	vmovc v7;
	v7 =	vmovc v57;
	v57 =	vmul.f32 v53, v57;
	v55 =	vmul.f32 v55, v33  }
0x210: {  	v36 =	vand.u32 $0xFFFF0000, v36;
	v1 =	vmul.f32 v1, v33;
	v56 =	vmul.f32 v56, v33  }
0x211: {  	v40 =	vand.u32 $0xFFFF0000, v40;
	v60 =	vmul.f32 v60, v33;
	v35 =	vmul.f32 v35, v33  }
0x212: {  	v62 =	vadd.f32 v62, v20;
	v36 =	vmul.f32 v36, v33;
	v40 =	vmul.f32 v40, v33  }
0x213: {  	v58 =	vadd.s32 $0x8000, v58;
	v59 =	vmul.f32 v37, v7;
	v61 =	vmul.f32 v41, v7  }
0x214: {  	[tilespmem:$0x1FF10] =	vst v37;
	v58 =	vand.u32 $0xFFFF0000, v58;
	v63 =	vmul.f32 v44, v7;
	v2 =	vmul.f32 v45, v7  }
0x215: {  	[tilespmem:$0x1FEF0] =	vst v41;
	v48 =	vmul.f32 v26, v7;
	v41 =	vadd.f32 v50, v20;
	v57 =	vadd.f32 v57, v0  }
0x216: {  	[tilespmem:$0x1FE60] =	vst v26;
	v26 =	vmul.f32 v46, v7;
	v61 =	vadd.f32 v61, v0;
	v59 =	vadd.f32 v59, v0  }
0x217: {  	[tilespmem:$0x1FE80] =	vst v24;
	v24 =	vmul.f32 v24, v7;
	v2 =	vadd.f32 v2, v0;
	v37 =	vadd.f32 v48, v0  }
0x218: {  	v48 =	vmul.f32 v58, v33;
	v50 =	vadd.f32 v26, v0;
	v41 =	vadd.s32 $0x8000, v41  }
0x219: {  	v57 =	vadd.s32 $0x8000, v57;
	v41 =	vand.u32 $0xFFFF0000, v41;
	v61 =	vadd.s32 $0x8000, v61  }
0x21a: {  	v57 =	vand.u32 $0xFFFF0000, v57;
	v59 =	vadd.s32 $0x8000, v59;
	v2 =	vadd.s32 $0x8000, v2  }
0x21b: {  	v37 =	vadd.s32 $0x8000, v37;
	v61 =	vand.u32 $0xFFFF0000, v61;
	v57 =	vmul.f32 v57, v32  }
0x21c: {  	v59 =	vand.u32 $0xFFFF0000, v59;
	v2 =	vand.u32 $0xFFFF0000, v2;
	v61 =	vmul.f32 v61, v32  }
0x21d: {  	v37 =	vand.u32 $0xFFFF0000, v37;
	v59 =	vmul.f32 v59, v32;
	v2 =	vmul.f32 v2, v32  }
0x21e: {  	v37 =	vmul.f32 v37, v32;
	v57 =	vadd.f32 $0.0e+00, v57;
	v61 =	vadd.f32 $0.0e+00, v61  }
0x21f: {  	v41 =	vmul.f32 v41, v33;
	v59 =	vadd.f32 $0.0e+00, v59;
	v2 =	vadd.f32 $0.0e+00, v2  }
0x220: {  	v37 =	vadd.f32 $0.0e+00, v37;
	v43 =	vadd.f32 v57, v55;
	v55 =	vmul.f32 v16, v23  }
0x221: {  	[tilespmem:$0x1FE70] =	vst v39;
	v1 =	vadd.f32 v61, v1;
	v61 =	vmul.f32 v39, v7;
	v58 =	vadd.f32 v59, v56  }
0x222: {  	v56 =	vmul.f32 v51, v23;
	v39 =	vadd.s32 $0x8000, v50;
	[tilespmem:$0x1FE40] =	vst v43;
	v43 =	vadd.f32 v63, v0  }
0x223: {  	v50 =	vmul.f32 v16, v7;
	v63 =	vmul.f32 v42, v23;
	v39 =	vand.u32 $0xFFFF0000, v39  }
0x224: {  	v59 =	vadd.f32 v61, v0;
	v39 =	vmul.f32 v39, v32;
	v57 =	vadd.s32 $0x8000, v43  }
0x225: {  	v43 =	vadd.f32 v2, v60;
	v2 =	vmul.f32 v38, v7;
	v57 =	vand.u32 $0xFFFF0000, v57  }
0x226: {  	[tilespmem:$0x1FEA0] =	vst v38;
	v55 =	vadd.f32 v55, v20;
	v38 =	vadd.f32 v24, v0;
	v57 =	vmul.f32 v57, v32  }
0x227: {  	v60 =	vadd.s32 $0x8000, v59;
	v39 =	vadd.f32 $0.0e+00, v39;
	v2 =	vadd.f32 v2, v0  }
0x228: {  	v60 =	vand.u32 $0xFFFF0000, v60;
	v38 =	vadd.s32 $0x8000, v38;
	v57 =	vadd.f32 $0.0e+00, v57  }
0x229: {  	v60 =	vmul.f32 v60, v32;
	v38 =	vand.u32 $0xFFFF0000, v38;
	v2 =	vadd.s32 $0x8000, v2  }
0x22a: {  	[tilespmem:$0x1FE50] =	vst v1;
	v38 =	vmul.f32 v38, v32;
	v2 =	vand.u32 $0xFFFF0000, v2;
	v1 =	vadd.f32 v57, v48  }
0x22b: {  	v48 =	vadd.s32 $0x8000, v62;
	v62 =	vadd.f32 v39, v35;
	v39 =	vadd.f32 v56, v20  }
0x22c: {  	v35 =	vadd.f32 v50, v0;
	v2 =	vmul.f32 v2, v32;
	v38 =	vadd.f32 $0.0e+00, v38  }
0x22d: {  	v50 =	vmul.f32 v49, v23;
	v56 =	vmul.f32 v49, v7;
	v61 =	vand.u32 $0xFFFF0000, v48  }
0x22e: {  	v48 =	vadd.s32 $0x8000, v55;
	[tilespmem:$0x1FE90] =	vst v1;
	v61 =	vmul.f32 v61, v33;
	v1 =	vadd.f32 $0.0e+00, v60  }
0x22f: {  	v35 =	vadd.s32 $0x8000, v35;
	v2 =	vadd.f32 $0.0e+00, v2;
	v39 =	vadd.s32 $0x8000, v39  }
0x230: {  	v24 =	vld [tilespmem:$0x1FDE0];
	v60 =	vmul.f32 v52, v7;
	v35 =	vand.u32 $0xFFFF0000, v35;
	v39 =	vand.u32 $0xFFFF0000, v39  }
0x231: {  	v59 =	vadd.f32 v37, v61;
	v37 =	vmul.f32 v51, v7;
	v1 =	vadd.f32 v1, v41  }
0x232: {  	v41 =	vand.u32 $0xFFFF0000, v48;
	v35 =	vmul.f32 v35, v32;
	v2 =	vadd.f32 v2, v40  }
0x233: {  	[tilespmem:$0x1FEC0] =	vst v42;
	v39 =	vmul.f32 v39, v33;
	v40 =	vadd.f32 v60, v0;
	v41 =	vmul.f32 v41, v33  }
0x234: {  	[tilespmem:$0x1FEB0] =	vst v1;
	v1 =	vmul.f32 v42, v7;
	v35 =	vadd.f32 $0.0e+00, v35;
	v42 =	vadd.f32 v38, v36  }
0x235: {  	v60 =	vmul.f32 v24, v23;
	v61 =	vmovc v51;
	v51 =	vadd.f32 v63, v20;
	v37 =	vadd.f32 v37, v0  }
0x236: {  	v38 =	vadd.f32 v50, v20;
	v63 =	vmul.f32 v24, v7;
	v57 =	vadd.f32 v35, v41  }
0x237: {  	v40 =	vadd.s32 $0x8000, v40;
	v1 =	vadd.f32 v1, v0;
	v41 =	vadd.f32 v56, v0  }
0x238: {  	v55 =	vadd.s32 $0x8000, v51;
	v37 =	vadd.s32 $0x8000, v37;
	v51 =	vmul.f32 v52, v23  }
0x239: {  	v37 =	vand.u32 $0xFFFF0000, v37;
	v1 =	vadd.s32 $0x8000, v1;
	v41 =	vadd.s32 $0x8000, v41  }
0x23a: {  	v37 =	vmul.f32 v37, v32;
	v1 =	vand.u32 $0xFFFF0000, v1;
	v41 =	vand.u32 $0xFFFF0000, v41  }
0x23b: {  	v38 =	vadd.s32 $0x8000, v38;
	v1 =	vmul.f32 v1, v32;
	v41 =	vmul.f32 v41, v32  }
0x23c: {  	v55 =	vand.u32 $0xFFFF0000, v55;
	v38 =	vand.u32 $0xFFFF0000, v38;
	v37 =	vadd.f32 $0.0e+00, v37  }
0x23d: {  	v55 =	vmul.f32 v55, v33;
	v1 =	vadd.f32 $0.0e+00, v1;
	v41 =	vadd.f32 $0.0e+00, v41  }
0x23e: {  	v26 =	vld [tilespmem:$0x1FF90];
	v38 =	vmul.f32 v38, v33;
	v48 =	vadd.f32 v37, v39;
	v39 =	vadd.f32 v51, v20  }
0x23f: {  	v40 =	vand.u32 $0xFFFF0000, v40;
	v50 =	vadd.f32 v1, v55;
	v55 =	vadd.f32 v63, v0  }
0x240: {  	v38 =	vadd.f32 v41, v38;
	v1 =	vld [tilespmem:$0x1FE00];
	v41 =	vadd.f32 v60, v20;
	v39 =	vadd.s32 $0x8000, v39  }
0x241: {  	[tilespmem:$0x1FDF0] =	vst v23;
	v40 =	vmul.f32 v40, v32;
	v39 =	vand.u32 $0xFFFF0000, v39;
	v55 =	vadd.s32 $0x8000, v55  }
0x242: {  	[tilespmem:$0x1FE20] =	vst v33;
	v41 =	vadd.s32 $0x8000, v41;
	v39 =	vmul.f32 v39, v33;
	v55 =	vand.u32 $0xFFFF0000, v55  }
0x243: {  	[tilespmem:$0x1FE10] =	vst v32;
	v23 =	vmovc v54;
	v41 =	vand.u32 $0xFFFF0000, v41;
	v55 =	vmul.f32 v55, v32;
	v32 =	vadd.f32 v47, v26  }
0x244: {  	[tilespmem:$0x1FED0] =	vst v2;
	v2 =	vld [tilespmem:$0x1FE50];
	v40 =	vadd.f32 $0.0e+00, v40;
	v41 =	vmul.f32 v41, v33;
	v33 =	vmul.f32 v45, v23  }
0x245: {  	v34 =	vand.u32 $0xFFFF0000, v34;
	v63 =	vadd.f32 v1, v26;
	v1 =	vld [tilespmem:$0x1FE30];
	v56 =	vadd.s32 $0x8000, v32  }
0x246: {  	v39 =	vadd.f32 v40, v39;
	v40 =	vadd.f32 v33, v26;
	v56 =	vand.u32 $0xFFFF0000, v56  }
0x247: {  	v56 =	vmul.f32 v56, v34  }
0x248: {  	v40 =	vadd.s32 $0x8000, v40  }
0x249: {  	v55 =	vadd.f32 $0.0e+00, v55;
	v40 =	vand.u32 $0xFFFF0000, v40;
	v2 =	vadd.f32 v2, v56  }
0x24a: {  	v36 =	vadd.f32 v1, v26;
	v1 =	vld [tilespmem:$0x1FE40];
	v40 =	vmul.f32 v40, v34  }
0x24b: {  	v41 =	vadd.f32 v55, v41;
	v55 =	vmul.f32 v44, v23;
	[tilespmem:$0x1FF30] =	vst v2;
	v2 =	vld [tilespmem:$0x1FE60]  }
0x24c: {  	[tilespmem:$0x1FF20] =	vst v44;
	v54 =	vadd.s32 $0x8000, v63;
	v44 =	vadd.f32 v43, v40;
	v43 =	vld [tilespmem:$0x1FE80]  }
0x24d: {  	v54 =	vand.u32 $0xFFFF0000, v54;
	v55 =	vadd.f32 v55, v26  }
0x24e: {  	v60 =	vld [tilespmem:$0x1FE70];
	v54 =	vmul.f32 v54, v34  }
0x24f: {  	v37 =	vmov v24;
	v24 =	vld [tilespmem:$0x1FE90];
	v32 =	vmul.f32 v46, v23;
	v55 =	vadd.s32 $0x8000, v55  }
0x250: {  	v33 =	vadd.s32 $0x8000, v36;
	v55 =	vand.u32 $0xFFFF0000, v55;
	v1 =	vadd.f32 v1, v54  }
0x251: {  	v54 =	vand.u32 $0xFFFF0000, v33;
	v36 =	vmul.f32 v2, v23;
	v33 =	vmul.f32 v43, v23  }
0x252: {  	v35 =	vmovc v52;
	v52 =	vadd.f32 v32, v26;
	v55 =	vmul.f32 v55, v34;
	v54 =	vmul.f32 v54, v34  }
0x253: {  	v32 =	vmul.f32 v60, v23;
	v56 =	vadd.f32 v36, v26;
	v33 =	vadd.f32 v33, v26  }
0x254: {  	v47 =	vmovc v46;
	v52 =	vadd.s32 $0x8000, v52;
	v24 =	vadd.f32 v24, v55;
	v46 =	vadd.f32 v58, v54  }
0x255: {  	v40 =	vld [tilespmem:$0x1FEA0];
	v54 =	vadd.f32 v32, v26;
	v32 =	vadd.s32 $0x8000, v56;
	v56 =	vadd.s32 $0x8000, v33  }
0x256: {  	[tilespmem:$0x1FF50] =	vst v16;
	v36 =	vmul.f32 v16, v23;
	v16 =	vld [tilespmem:$0x1FEB0];
	v55 =	vand.u32 $0xFFFF0000, v32;
	v32 =	vand.u32 $0xFFFF0000, v56  }
0x257: {  	v52 =	vand.u32 $0xFFFF0000, v52;
	v56 =	vmul.f32 v32, v34;
	v32 =	vld [tilespmem:$0x1FEC0]  }
0x258: {  	v52 =	vmul.f32 v52, v34;
	v54 =	vadd.s32 $0x8000, v54  }
0x259: {  	v54 =	vand.u32 $0xFFFF0000, v54;
	v36 =	vadd.f32 v36, v26  }
0x25a: {  	v63 =	vadd.f32 v62, v52;
	v54 =	vmul.f32 v54, v34;
	v55 =	vmul.f32 v55, v34  }
0x25b: {  	v52 =	vmul.f32 v40, v23;
	v58 =	vadd.s32 $0x8000, v36;
	v36 =	vmul.f32 v49, v23  }
0x25c: {  	v51 =	vadd.f32 v16, v54;
	v62 =	vadd.f32 v59, v55;
	v54 =	vmul.f32 v32, v23  }
0x25d: {  	v59 =	vmovc v61;
	v55 =	vmul.f32 v61, v23;
	v61 =	vadd.f32 v52, v26;
	v52 =	vadd.f32 v42, v56  }
0x25e: {  	v33 =	vand.u32 $0xFFFF0000, v58;
	v16 =	vld [tilespmem:$0x1FED0];
	v36 =	vadd.f32 v36, v26;
	v42 =	vadd.f32 v54, v26  }
0x25f: {  	v56 =	vmul.f32 v33, v34;
	v61 =	vadd.s32 $0x8000, v61;
	v55 =	vadd.f32 v55, v26  }
0x260: {  	v36 =	vadd.s32 $0x8000, v36;
	v61 =	vand.u32 $0xFFFF0000, v61;
	v33 =	vadd.s32 $0x8000, v42  }
0x261: {  	v61 =	vmul.f32 v61, v34;
	v55 =	vadd.s32 $0x8000, v55;
	v42 =	vand.u32 $0xFFFF0000, v33  }
0x262: {  	v54 =	vadd.f32 v57, v56;
	v33 =	vand.u32 $0xFFFF0000, v55;
	v42 =	vmul.f32 v42, v34  }
0x263: {  	v58 =	vld [tilespmem:$0x1FEE0];
	v55 =	vadd.f32 v16, v61;
	v61 =	vmul.f32 v35, v23;
	v57 =	vmul.f32 v33, v34  }
0x264: {  	v36 =	vand.u32 $0xFFFF0000, v36;
	v33 =	vld [tilespmem:$0x1FFA0];
	v56 =	vadd.f32 v50, v42  }
0x265: {  	v50 =	vmul.f32 v37, v23;
	v57 =	vadd.f32 v48, v57;
	v48 =	vadd.f32 v61, v26  }
0x266: {  	v36 =	vmul.f32 v36, v34  }
0x267: {  	[tilespmem:$0x1FF40] =	vst v24;
	v24 =	vmovc v37;
	v37 =	vmul.f32 v53, v25;
	v50 =	vadd.f32 v50, v26;
	v42 =	vadd.s32 $0x8000, v48;
	v48 =	vld [tilespmem:$0x1FEF0]  }
0x268: {  	v53 =	vadd.f32 v38, v36  }
0x269: {  	v61 =	vadd.s32 $0x8000, v58;
	v37 =	vadd.f32 v37, v33;
	v36 =	vadd.s32 $0x8000, v50;
	v50 =	vld [tilespmem:$0x1FF10]  }
0x26a: {  	v16 =	vmovc v35;
	v35 =	vand.u32 $0xFFFF0000, v61;
	v38 =	vand.u32 $0xFFFF0000, v42;
	v36 =	vand.u32 $0xFFFF0000, v36  }
0x26b: {  	v38 =	vmul.f32 v38, v34;
	v37 =	vadd.s32 $0x8000, v37;
	v36 =	vmul.f32 v36, v34  }
0x26c: {  	[tilespmem:$0x1FF00] =	vst v34;
	v37 =	vand.u32 $0xFFFF0000, v37;
	v34 =	vmul.f32 v45, v25;
	v42 =	vmul.f32 v48, v25  }
0x26d: {  	v58 =	vadd.f32 v39, v38;
	v38 =	vmul.f32 v2, v25;
	v37 =	vmul.f32 v37, v35  }
0x26e: {  	v2 =	vld [tilespmem:$0x1FF30];
	v61 =	vmul.f32 v50, v25;
	v50 =	vadd.f32 v41, v36;
	v45 =	vadd.f32 v42, v33  }
0x26f: {  	v48 =	vadd.f32 v1, v37;
	v1 =	vld [tilespmem:$0x1FF20];
	v36 =	vadd.f32 v34, v33  }
0x270: {  	v61 =	vadd.f32 v61, v33;
	v39 =	vadd.s32 $0x8000, v45  }
0x271: {  	v34 =	vmul.f32 v47, v25;
	v36 =	vadd.s32 $0x8000, v36;
	v39 =	vand.u32 $0xFFFF0000, v39  }
0x272: {  	v36 =	vand.u32 $0xFFFF0000, v36;
	v37 =	vadd.s32 $0x8000, v61;
	v39 =	vmul.f32 v39, v35  }
0x273: {  	v61 =	vadd.f32 v34, v33;
	v36 =	vmul.f32 v36, v35;
	v37 =	vand.u32 $0xFFFF0000, v37  }
0x274: {  	v1 =	vmul.f32 v1, v25;
	v37 =	vmul.f32 v37, v35;
	v45 =	vadd.f32 v2, v39  }
0x275: {  	v2 =	vadd.f32 v38, v33;
	v34 =	vadd.s32 $0x8000, v61;
	v61 =	vmul.f32 v32, v25  }
0x276: {  	v32 =	vmul.f32 v24, v25;
	v1 =	vadd.f32 v1, v33;
	v47 =	vadd.f32 v46, v37  }
0x277: {  	v46 =	vadd.f32 v44, v36;
	v2 =	vadd.s32 $0x8000, v2;
	v36 =	vand.u32 $0xFFFF0000, v34  }
0x278: {  	v37 =	vmul.f32 v43, v25;
	v39 =	vadd.f32 v61, v33;
	v1 =	vadd.s32 $0x8000, v1  }
0x279: {  	v41 =	vld [tilespmem:$0x1FF40];
	v2 =	vand.u32 $0xFFFF0000, v2;
	v36 =	vmul.f32 v36, v35;
	v1 =	vand.u32 $0xFFFF0000, v1  }
0x27a: {  	v42 =	vld [tilespmem:$0x1FF50];
	v2 =	vmul.f32 v2, v35;
	v37 =	vadd.f32 v37, v33;
	v39 =	vadd.s32 $0x8000, v39  }
0x27b: {  	v1 =	vmul.f32 v1, v35;
	v43 =	vadd.f32 v63, v36;
	v36 =	vmul.f32 v40, v25  }
0x27c: {  	v63 =	vmul.f32 v49, v25;
	v49 =	vadd.f32 v32, v33;
	v39 =	vand.u32 $0xFFFF0000, v39  }
0x27d: {  	v40 =	vadd.f32 v62, v2;
	v2 =	vmul.f32 v59, v25;
	v62 =	vmul.f32 v16, v25  }
0x27e: {  	v37 =	vadd.s32 $0x8000, v37;
	v44 =	vadd.f32 v41, v1;
	v1 =	vmul.f32 v60, v25  }
0x27f: {  	v60 =	vmul.f32 v42, v25;
	v36 =	vadd.f32 v36, v33;
	v42 =	vadd.f32 v63, v33  }
0x280: {  	v32 =	vadd.s32 $0x8000, v49;
	v37 =	vand.u32 $0xFFFF0000, v37;
	v2 =	vadd.f32 v2, v33  }
0x281: {  	v41 =	vadd.f32 v62, v33;
	v37 =	vmul.f32 v37, v35;
	v1 =	vadd.f32 v1, v33  }
0x282: {  	v38 =	vadd.f32 v60, v33;
	v36 =	vadd.s32 $0x8000, v36;
	v42 =	vadd.s32 $0x8000, v42  }
0x283: {  	p1 =	sne.s32 s1, $0x1;
	v2 =	vadd.s32 $0x8000, v2;
	v34 =	vadd.s32 $0x8000, v41;
	v36 =	vand.u32 $0xFFFF0000, v36  }
.Ltmp8:
0x284: {  	v1 =	vadd.s32 $0x8000, v1;
	v38 =	vadd.s32 $0x8000, v38;
	v2 =	vand.u32 $0xFFFF0000, v2;
	(pc) =	sbr.rel @!p1 .LBB2_13-.Ltmp8, $4  }
0x285: {  	v59 =	vand.u32 $0xFFFF0000, v34;
	v49 =	vmul.f32 v36, v35;
	v34 =	vand.u32 $0xFFFF0000, v42  }
0x286: {  	v42 =	vmul.f32 v39, v35;
	v1 =	vand.u32 $0xFFFF0000, v1;
	v63 =	vmul.f32 v2, v35  }
0x287: {  	[tilespmem:$0x1FF70] =	vst v19;
	v38 =	vand.u32 $0xFFFF0000, v38;
	v39 =	vmul.f32 v59, v35;
	v41 =	vmul.f32 v1, v35  }
0x288: {  	s2 =	sadd.s32 $0xFFFFFFFF, s1;
	p0 =	por $0x0, $0x0;
	s0 =	simm.s32 $0x900;
	[tilespmem:$0x1FF60] =	vst v7;
	v7 =	vand.u32 $0xFFFF0000, v32;
	v1 =	vmul.f32 v38, v35;
	v38 =	vmul.f32 v34, v35  }
0x289: {  	v2 =	vmul.f32 v7, v35;
	v36 =	vadd.f32 v51, v41;
	v37 =	vadd.f32 v52, v37  }
0x28a: {  	v41 =	vadd.f32 v55, v49;
	v49 =	vperm.xlane v48, v29;
	v51 =	vadd.f32 v57, v63  }
0x28b: {  	v52 =	vperm.xlane v45, v29;
	v42 =	vadd.f32 v56, v42;
	v55 =	vperm.xlane v46, v29  }
0x28c: {  	v56 =	vperm.xlane v44, v29;
	v39 =	vadd.f32 v58, v39;
	v57 =	vperm.xlane v43, v29  }
0x28d: {  	v58 =	vperm.xlane v40, v29;
	v1 =	vadd.f32 v54, v1;
	v54 =	vperm.xlane v47, v29  }
0x28e: {  	v38 =	vadd.f32 v53, v38;
	v53 =	vperm.xlane v36, v29;
	v59 =	vperm.xlane v37, v29  }
0x28f: {  	v2 =	vadd.f32 v50, v2;
	v60 =	vperm.xlane v41, v29;
	v61 =	vperm.xlane v51, v29  }
0x290: {  	v48 =	vadd.f32 v48, v49;
	v49 =	vperm.xlane v42, v29;
	v44 =	vadd.f32 v44, v56  }
0x291: {  	v45 =	vadd.f32 v45, v52;
	v52 =	vperm.xlane v39, v29;
	v40 =	vadd.f32 v40, v58  }
0x292: {  	v46 =	vadd.f32 v46, v55;
	v43 =	vadd.f32 v43, v57;
	v34 =	vperm.xlane v1, v29  }
0x293: {  	v47 =	vadd.f32 v47, v54;
	v62 =	vperm.xlane v38, v29;
	v37 =	vadd.f32 v37, v59  }
0x294: {  	v63 =	vperm.xlane v2, v29;
	v41 =	vadd.f32 v41, v60;
	v36 =	vadd.f32 v36, v53  }
0x295: {  	v51 =	vadd.f32 v51, v61;
	v42 =	vadd.f32 v42, v49;
	v49 =	vperm.xlane v45, v30  }
0x296: {  	v39 =	vadd.f32 v39, v52;
	v52 =	vperm.xlane v46, v30;
	v56 =	vperm.xlane v44, v30  }
0x297: {  	v54 =	vperm.xlane v43, v30;
	v57 =	vperm.xlane v40, v30;
	v1 =	vadd.f32 v1, v34  }
0x298: {  	v34 =	vperm.xlane v48, v30;
	v53 =	vperm.xlane v47, v30;
	v38 =	vadd.f32 v38, v62  }
0x299: {  	v2 =	vadd.f32 v2, v63;
	v55 =	vperm.xlane v36, v30;
	v58 =	vperm.xlane v37, v30  }
0x29a: {  	v60 =	vperm.xlane v41, v30;
	v45 =	vadd.f32 v45, v49;
	v49 =	vperm.xlane v42, v30  }
0x29b: {  	v46 =	vadd.f32 v46, v52;
	v44 =	vadd.f32 v44, v56;
	v61 =	vperm.xlane v39, v30  }
0x29c: {  	v43 =	vadd.f32 v43, v54;
	v40 =	vadd.f32 v40, v57;
	v59 =	vperm.xlane v1, v30  }
0x29d: {  	v48 =	vadd.f32 v48, v34;
	v34 =	vperm.xlane v51, v30;
	v47 =	vadd.f32 v47, v53  }
0x29e: {  	v62 =	vperm.xlane v38, v30;
	v36 =	vadd.f32 v36, v55;
	v37 =	vadd.f32 v37, v58  }
0x29f: {  	v63 =	vperm.xlane v2, v30;
	v42 =	vadd.f32 v42, v49;
	v49 =	vperm.xlane v44, v31  }
0x2a0: {  	v41 =	vadd.f32 v41, v60;
	v56 =	vperm.xlane v45, v31;
	v52 =	vperm.xlane v40, v31  }
0x2a1: {  	v39 =	vadd.f32 v39, v61;
	v57 =	vperm.xlane v46, v31;
	v58 =	vperm.xlane v43, v31  }
0x2a2: {  	v1 =	vadd.f32 v1, v59;
	v50 =	vadd.f32 v51, v34;
	v51 =	vperm.xlane v47, v31  }
0x2a3: {  	v34 =	vperm.xlane v48, v31;
	v38 =	vadd.f32 v38, v62;
	v53 =	vperm.xlane v37, v31  }
0x2a4: {  	v2 =	vadd.f32 v2, v63;
	v54 =	vperm.xlane v41, v31;
	v44 =	vadd.f32 v44, v49  }
0x2a5: {  	v59 =	vperm.xlane v36, v31;
	v45 =	vadd.f32 v45, v56;
	v40 =	vadd.f32 v40, v52  }
0x2a6: {  	v46 =	vadd.f32 v46, v57;
	v62 =	vperm.xlane v39, v31;
	v43 =	vadd.f32 v43, v58  }
0x2a7: {  	v48 =	vadd.f32 v48, v34;
	v34 =	vperm.xlane v38, v31;
	v61 =	vperm.xlane v2, v31  }
0x2a8: {  	v63 =	vperm.xlane v42, v31;
	v47 =	vadd.f32 v47, v51;
	v37 =	vadd.f32 v37, v53  }
0x2a9: {  	v60 =	vperm.xlane v1, v31;
	v38 =	vadd.f32 v38, v34;
	v2 =	vadd.f32 v2, v61  }
0x2aa: {  	v39 =	vadd.f32 v39, v62;
	v36 =	vadd.f32 v36, v59;
	v34 =	vperm.xlane v50, v31  }
0x2ab: {  	v42 =	vadd.f32 v42, v63;
	v56 =	vperm.xlane v38, v21;
	v57 =	vperm.xlane v2, v21  }
0x2ac: {  	v1 =	vadd.f32 v1, v60;
	v58 =	vperm.xlane v39, v21;
	v50 =	vadd.f32 v50, v34  }
0x2ad: {  	v59 =	vperm.xlane v42, v21;
	v38 =	vadd.f32 v38, v56;
	v2 =	vadd.f32 v2, v57  }
0x2ae: {  	v41 =	vadd.f32 v41, v54;
	v39 =	vadd.f32 v39, v58;
	v60 =	vperm.xlane v50, v21  }
0x2af: {  	v62 =	vperm.xlane v1, v21;
	v61 =	vadd.f32 v42, v59;
	v2 =	vsel vm1, v38, v2  }
0x2b0: {  	v34 =	vperm.xlane v41, v21;
	v63 =	vadd.f32 v50, v60;
	v2 =	vsel vm2, v2, v39  }
0x2b1: {  	v51 =	vperm.xlane v36, v21;
	v1 =	vadd.f32 v1, v62;
	v2 =	vsel vm3, v2, v61  }
0x2b2: {  	v53 =	vperm.xlane v37, v21;
	v52 =	vadd.f32 v41, v34;
	v2 =	vsel vm4, v2, v63  }
0x2b3: {  	v54 =	vperm.xlane v43, v21;
	v1 =	vsel vm5, v2, v1;
	v2 =	vadd.f32 v36, v51  }
0x2b4: {  	v55 =	vperm.xlane v40, v21;
	v37 =	vadd.f32 v37, v53;
	v1 =	vsel vm6, v1, v52  }
0x2b5: {  	v56 =	vperm.xlane v46, v21;
	v1 =	vsel vm7, v1, v2;
	v2 =	vadd.f32 v43, v54  }
0x2b6: {  	v58 =	vperm.xlane v44, v21;
	v57 =	vadd.f32 v40, v55;
	v1 =	vsel vm8, v1, v37  }
0x2b7: {  	v59 =	vperm.xlane v45, v21;
	v1 =	vsel vm9, v1, v2;
	v2 =	vadd.f32 v46, v56  }
0x2b8: {  	v62 =	vld [tilespmem:s0+$0x0];
	v60 =	vadd.f32 v44, v58;
	v61 =	vperm.xlane v47, v21;
	v1 =	vsel vm10, v1, v57  }
0x2b9: {  	v63 =	vperm.xlane v48, v21;
	v1 =	vsel vm11, v1, v2;
	v2 =	vadd.f32 v45, v59  }
0x2ba: {  	v34 =	vadd.f32 v47, v61;
	v1 =	vsel vm12, v1, v60  }
0x2bb: {  	v1 =	vsel vm13, v1, v2;
	v2 =	vadd.f32 v48, v63  }
0x2bc: {  	v1 =	vsel vm14, v1, v34  }
0x2bd: {  	v1 =	vsel vm15, v1, v2  }
0x2be: {  	v1 =	vadd.f32 v1, v19;
	_ =	sdelay $0x1  }
0x2bf: {  	s1 =	simm.s32 $0x690;
	[tilespmem:v62+s31+$0x0] =	vst.idx.msk $0xffff, v1  }
0x2c0: {  	v1 =	vld [tilespmem:s1+$0x0];
	_ =	sdelay $0x4  }
0x2c1: {  	v7 =	vperm.xlane v1, v17;
	v2 =	vperm.xlane v1, v18  }
0x2c2: {  	v47 =	vperm.xlane v1, v15;
	v50 =	vperm.xlane v1, v5  }
0x2c3: {  	v46 =	vperm.xlane v1, v13;
	v49 =	vperm.xlane v1, v14  }
0x2c4: {  	v41 =	vperm.xlane v1, v11;
	v45 =	vperm.xlane v1, v12  }
0x2c5: {  	v34 =	vld [tilespmem:$0x1FDF0];
	v24 =	vperm.xlane v1, v9;
	v39 =	vperm.xlane v1, v10  }
0x2c6: {  	v43 =	vperm.xlane v1, v22;
	v51 =	vperm.xlane v1, v8  }
0x2c7: {  	v32 =	vmov v0;
	v52 =	vperm.xlane v1, v4;
	v0 =	vperm.xlane v1, v3  }
0x2c8: {  	v44 =	vperm.xlane v1, v6;
	v53 =	vperm.xlane v1, v27  }
0x2c9: {  	[tilespmem:$0x1FC80] =	vst v0;
	v0 =	vmul.f32 v2, v25;
	v48 =	vmul.f32 v2, v23  }
0x2ca: {  	v1 =	vmul.f32 v7, v23;
	v40 =	vmul.f32 v7, v34  }
0x2cb: {  	v42 =	vmul.f32 v50, v34;
	v56 =	vmul.f32 v47, v34  }
0x2cc: {  	v58 =	vmul.f32 v49, v34;
	v60 =	vmul.f32 v46, v34  }
0x2cd: {  	v62 =	vmul.f32 v45, v34;
	v36 =	vmul.f32 v41, v34;
	v54 =	vadd.f32 v40, v20  }
0x2ce: {  	v38 =	vmul.f32 v39, v34;
	v55 =	vadd.f32 v42, v20;
	v56 =	vadd.f32 v56, v20  }
0x2cf: {  	[tilespmem:$0x1FC90] =	vst v1;
	v1 =	vmul.f32 v2, v34;
	v58 =	vadd.f32 v58, v20;
	v60 =	vadd.f32 v60, v20  }
0x2d0: {  	v40 =	vmul.f32 v24, v34;
	v62 =	vadd.f32 v62, v20;
	v36 =	vadd.f32 v36, v20  }
0x2d1: {  	v42 =	vmul.f32 v51, v34;
	v38 =	vadd.f32 v38, v20;
	v48 =	vadd.f32 v48, v26  }
0x2d2: {  	v1 =	vadd.f32 v1, v20;
	v54 =	vadd.s32 $0x8000, v54;
	v55 =	vadd.s32 $0x8000, v55  }
0x2d3: {  	[tilespmem:$0x1FD50] =	vst v7;
	v58 =	vadd.s32 $0x8000, v58;
	v56 =	vadd.s32 $0x8000, v56;
	v40 =	vadd.f32 v40, v20  }
0x2d4: {  	[tilespmem:$0x1FD30] =	vst v0;
	v0 =	vmovc v7;
	v7 =	vld [tilespmem:$0x1FF60];
	v60 =	vadd.s32 $0x8000, v60;
	v38 =	vadd.s32 $0x8000, v38;
	v42 =	vadd.f32 v42, v20  }
0x2d5: {  	v36 =	vadd.s32 $0x8000, v36;
	v54 =	vand.u32 $0xFFFF0000, v54;
	v55 =	vand.u32 $0xFFFF0000, v55  }
0x2d6: {  	v58 =	vand.u32 $0xFFFF0000, v58;
	v56 =	vand.u32 $0xFFFF0000, v56;
	v60 =	vand.u32 $0xFFFF0000, v60  }
0x2d7: {  	v38 =	vand.u32 $0xFFFF0000, v38;
	v36 =	vand.u32 $0xFFFF0000, v36;
	v1 =	vadd.s32 $0x8000, v1  }
0x2d8: {  	v40 =	vadd.s32 $0x8000, v40;
	v42 =	vadd.s32 $0x8000, v42;
	v1 =	vand.u32 $0xFFFF0000, v1  }
0x2d9: {  	v40 =	vand.u32 $0xFFFF0000, v40;
	v2 =	vmul.f32 v2, v7;
	v57 =	vmul.f32 v0, v7  }
0x2da: {  	[tilespmem:$0x1FCD0] =	vst v41;
	v42 =	vand.u32 $0xFFFF0000, v42;
	v59 =	vmul.f32 v50, v7;
	v61 =	vmul.f32 v47, v7  }
0x2db: {  	[tilespmem:$0x1FD00] =	vst v24;
	v63 =	vmul.f32 v49, v7;
	v37 =	vmul.f32 v46, v7;
	v2 =	vadd.f32 v2, v32  }
0x2dc: {  	v0 =	vmovc v24;
	v41 =	vmul.f32 v41, v7;
	v24 =	vld [tilespmem:$0x1FE20];
	v57 =	vadd.f32 v57, v32;
	v59 =	vadd.f32 v59, v32  }
0x2dd: {  	v16 =	vld [tilespmem:$0x1FE10];
	v28 =	vmul.f32 v45, v7;
	v61 =	vadd.f32 v61, v32;
	v63 =	vadd.f32 v63, v32  }
0x2de: {  	[tilespmem:$0x1FCF0] =	vst v51;
	v51 =	vmul.f32 v51, v7;
	v37 =	vadd.f32 v37, v32;
	v41 =	vadd.f32 v41, v32  }
0x2df: {  	v2 =	vadd.s32 $0x8000, v2;
	v57 =	vadd.s32 $0x8000, v57;
	v59 =	vadd.s32 $0x8000, v59  }
0x2e0: {  	v61 =	vadd.s32 $0x8000, v61;
	v37 =	vadd.s32 $0x8000, v37;
	v41 =	vadd.s32 $0x8000, v41  }
0x2e1: {  	v2 =	vand.u32 $0xFFFF0000, v2;
	v59 =	vand.u32 $0xFFFF0000, v59;
	v1 =	vmul.f32 v1, v24  }
0x2e2: {  	v57 =	vand.u32 $0xFFFF0000, v57;
	v54 =	vmul.f32 v54, v24;
	v2 =	vmul.f32 v2, v16  }
0x2e3: {  	v55 =	vmul.f32 v55, v24;
	v61 =	vand.u32 $0xFFFF0000, v61;
	v58 =	vmul.f32 v58, v24  }
0x2e4: {  	v56 =	vmul.f32 v56, v24;
	v57 =	vmul.f32 v57, v16;
	v2 =	vadd.f32 $0.0e+00, v2  }
0x2e5: {  	v37 =	vand.u32 $0xFFFF0000, v37;
	v60 =	vmul.f32 v60, v24;
	v38 =	vmul.f32 v38, v24  }
0x2e6: {  	v57 =	vadd.f32 $0.0e+00, v57;
	v1 =	vadd.f32 v2, v1;
	v2 =	vmul.f32 v39, v7  }
0x2e7: {  	v41 =	vand.u32 $0xFFFF0000, v41;
	v36 =	vmul.f32 v36, v24;
	v59 =	vmul.f32 v59, v16  }
0x2e8: {  	[tilespmem:$0x1FCA0] =	vst v1;
	v1 =	vadd.f32 v57, v54;
	v54 =	vadd.s32 $0x8000, v63;
	v2 =	vadd.f32 v2, v32  }
0x2e9: {  	v61 =	vmul.f32 v61, v16;
	v37 =	vmul.f32 v37, v16;
	v57 =	vand.u32 $0xFFFF0000, v54  }
0x2ea: {  	v41 =	vmul.f32 v41, v16;
	v57 =	vmul.f32 v57, v16;
	v2 =	vadd.s32 $0x8000, v2  }
0x2eb: {  	v59 =	vadd.f32 $0.0e+00, v59;
	v61 =	vadd.f32 $0.0e+00, v61;
	v2 =	vand.u32 $0xFFFF0000, v2  }
0x2ec: {  	v37 =	vadd.f32 $0.0e+00, v37;
	v57 =	vadd.f32 $0.0e+00, v57;
	v2 =	vmul.f32 v2, v16  }
0x2ed: {  	v41 =	vadd.f32 $0.0e+00, v41;
	v55 =	vadd.f32 v59, v55;
	v59 =	vmul.f32 v43, v34  }
0x2ee: {  	v40 =	vmul.f32 v40, v24;
	v54 =	vadd.f32 v57, v58;
	v2 =	vadd.f32 $0.0e+00, v2  }
0x2ef: {  	v58 =	vadd.s32 $0x8000, v62;
	v62 =	vadd.f32 v59, v20;
	v59 =	vadd.f32 v51, v32  }
0x2f0: {  	[tilespmem:$0x1FCC0] =	vst v39;
	v42 =	vmul.f32 v42, v24;
	v39 =	vadd.f32 v28, v32;
	v60 =	vadd.f32 v37, v60  }
0x2f1: {  	v37 =	vmul.f32 v43, v7;
	v2 =	vadd.f32 v2, v38;
	v38 =	vadd.s32 $0x8000, v59  }
0x2f2: {  	v63 =	vmul.f32 v44, v34;
	[tilespmem:$0x1FCB0] =	vst v1;
	v1 =	vmul.f32 v0, v7;
	v38 =	vand.u32 $0xFFFF0000, v38  }
0x2f3: {  	v39 =	vadd.s32 $0x8000, v39;
	v37 =	vadd.f32 v37, v32;
	v38 =	vmul.f32 v38, v16  }
0x2f4: {  	v39 =	vand.u32 $0xFFFF0000, v39;
	v0 =	vadd.f32 v61, v56;
	v1 =	vadd.f32 v1, v32  }
0x2f5: {  	v56 =	vadd.f32 v63, v20;
	v63 =	vmul.f32 v53, v7;
	v38 =	vadd.f32 $0.0e+00, v38  }
0x2f6: {  	v39 =	vmul.f32 v39, v16;
	v37 =	vadd.s32 $0x8000, v37;
	v1 =	vadd.s32 $0x8000, v1  }
0x2f7: {  	[tilespmem:$0x1FD10] =	vst v2;
	v2 =	vmul.f32 v53, v34;
	v57 =	vadd.f32 v38, v42;
	v42 =	vadd.f32 v63, v32  }
0x2f8: {  	v37 =	vand.u32 $0xFFFF0000, v37;
	v39 =	vadd.f32 $0.0e+00, v39;
	v1 =	vand.u32 $0xFFFF0000, v1  }
0x2f9: {  	v1 =	vmul.f32 v1, v16;
	v2 =	vadd.f32 v2, v20;
	v42 =	vadd.s32 $0x8000, v42  }
0x2fa: {  	v37 =	vmul.f32 v37, v16;
	v61 =	vand.u32 $0xFFFF0000, v58;
	v42 =	vand.u32 $0xFFFF0000, v42  }
0x2fb: {  	v1 =	vadd.f32 $0.0e+00, v1;
	v2 =	vadd.s32 $0x8000, v2;
	v42 =	vmul.f32 v42, v16  }
0x2fc: {  	v51 =	vmul.f32 v52, v7;
	v61 =	vmul.f32 v61, v24;
	v2 =	vand.u32 $0xFFFF0000, v2  }
0x2fd: {  	v1 =	vadd.f32 v1, v40;
	v2 =	vmul.f32 v2, v24;
	v42 =	vadd.f32 $0.0e+00, v42  }
0x2fe: {  	[tilespmem:$0x1FCE0] =	vst v0;
	v61 =	vadd.f32 v39, v61;
	v39 =	vmul.f32 v52, v34;
	v40 =	vadd.f32 v51, v32  }
0x2ff: {  	v37 =	vadd.f32 $0.0e+00, v37;
	v62 =	vadd.s32 $0x8000, v62;
	[tilespmem:$0x1FD20] =	vst v1;
	v1 =	vld [tilespmem:$0x1FC80];
	v0 =	vadd.f32 v42, v2  }
0x300: {  	v62 =	vand.u32 $0xFFFF0000, v62;
	v39 =	vadd.f32 v39, v20;
	v40 =	vadd.s32 $0x8000, v40  }
0x301: {  	v58 =	vmovc v43;
	v43 =	vadd.f32 v41, v36;
	v62 =	vmul.f32 v62, v24;
	v40 =	vand.u32 $0xFFFF0000, v40;
	[tilespmem:$0x1FD40] =	vst v0;
	v0 =	vld [tilespmem:$0x1FC90]  }
0x302: {  	v41 =	vmul.f32 v44, v7;
	v39 =	vadd.s32 $0x8000, v39;
	v40 =	vmul.f32 v40, v16  }
0x303: {  	v37 =	vadd.f32 v37, v62;
	v62 =	vmul.f32 v50, v23;
	v39 =	vand.u32 $0xFFFF0000, v39  }
0x304: {  	v36 =	vmovc v53;
	v39 =	vmul.f32 v39, v24;
	v40 =	vadd.f32 $0.0e+00, v40;
	v53 =	vmul.f32 v1, v7;
	v7 =	vld [tilespmem:$0x1FF00]  }
0x305: {  	v41 =	vadd.f32 v41, v32;
	v62 =	vadd.f32 v62, v26;
	v38 =	vmovc v52;
	v52 =	vadd.s32 $0x8000, v48  }
0x306: {  	v48 =	vmovc v49;
	v39 =	vadd.f32 v40, v39;
	v40 =	vmul.f32 v49, v23;
	v49 =	vadd.f32 v0, v26;
	v0 =	vld [tilespmem:$0x1FCA0]  }
0x307: {  	v41 =	vadd.s32 $0x8000, v41;
	v62 =	vadd.s32 $0x8000, v62  }
0x308: {  	v52 =	vand.u32 $0xFFFF0000, v52;
	v62 =	vand.u32 $0xFFFF0000, v62;
	v63 =	vmul.f32 v1, v34  }
0x309: {  	v41 =	vand.u32 $0xFFFF0000, v41;
	v52 =	vmul.f32 v52, v7;
	v62 =	vmul.f32 v62, v7  }
0x30a: {  	v56 =	vadd.s32 $0x8000, v56;
	v41 =	vmul.f32 v41, v16;
	v42 =	vadd.f32 v63, v20  }
0x30b: {  	v56 =	vand.u32 $0xFFFF0000, v56;
	v63 =	vadd.f32 v0, v52;
	v0 =	vadd.f32 v55, v62  }
0x30c: {  	v56 =	vmul.f32 v56, v24;
	v41 =	vadd.f32 $0.0e+00, v41  }
0x30d: {  	v51 =	vmul.f32 v45, v23;
	[tilespmem:$0x1FD60] =	vst v0;
	v0 =	vld [tilespmem:$0x1FCB0]  }
0x30e: {  	v41 =	vadd.f32 v41, v56;
	v56 =	vadd.f32 v53, v32;
	v53 =	vadd.s32 $0x8000, v49  }
0x30f: {  	v53 =	vand.u32 $0xFFFF0000, v53  }
0x310: {  	v51 =	vadd.f32 v51, v26;
	v53 =	vmul.f32 v53, v7  }
0x311: {  	v59 =	vmov v44;
	v44 =	vmul.f32 v47, v23  }
0x312: {  	v51 =	vadd.s32 $0x8000, v51;
	v40 =	vadd.f32 v40, v26;
	v2 =	vld [tilespmem:$0x1FCD0];
	v0 =	vadd.f32 v0, v53  }
0x313: {  	v51 =	vand.u32 $0xFFFF0000, v51;
	v56 =	vadd.s32 $0x8000, v56;
	v49 =	vld [tilespmem:$0x1FCC0];
	v52 =	vadd.f32 v44, v26  }
0x314: {  	v56 =	vand.u32 $0xFFFF0000, v56;
	v40 =	vadd.s32 $0x8000, v40;
	v51 =	vmul.f32 v51, v7;
	[tilespmem:$0x1FD70] =	vst v0;
	v0 =	vld [tilespmem:$0x1FCE0]  }
0x315: {  	v56 =	vmul.f32 v56, v16;
	v40 =	vand.u32 $0xFFFF0000, v40;
	v52 =	vadd.s32 $0x8000, v52  }
0x316: {  	v40 =	vmul.f32 v40, v7;
	v44 =	vmul.f32 v46, v23;
	v52 =	vand.u32 $0xFFFF0000, v52  }
0x317: {  	v28 =	vld [tilespmem:$0x1FCF0];
	v42 =	vadd.s32 $0x8000, v42;
	v62 =	vmul.f32 v2, v23;
	v52 =	vmul.f32 v52, v7  }
0x318: {  	v42 =	vand.u32 $0xFFFF0000, v42;
	v55 =	vadd.f32 v44, v26;
	v44 =	vadd.f32 v54, v40  }
0x319: {  	v40 =	vadd.f32 v62, v26;
	v62 =	vld [tilespmem:$0x1FD00];
	v53 =	vmul.f32 v49, v23;
	v0 =	vadd.f32 v0, v52  }
0x31a: {  	v42 =	vmul.f32 v42, v24;
	v56 =	vadd.f32 $0.0e+00, v56  }
0x31b: {  	v55 =	vadd.s32 $0x8000, v55;
	v53 =	vadd.f32 v53, v26;
	[tilespmem:$0x1FD80] =	vst v0;
	v0 =	vadd.f32 v61, v51  }
0x31c: {  	v55 =	vand.u32 $0xFFFF0000, v55;
	v52 =	vmul.f32 v28, v23  }
0x31d: {  	v42 =	vadd.f32 v56, v42;
	v55 =	vmul.f32 v55, v7;
	v53 =	vadd.s32 $0x8000, v53;
	[tilespmem:$0x1FD90] =	vst v0;
	v0 =	vld [tilespmem:$0x1FD10]  }
0x31e: {  	v53 =	vand.u32 $0xFFFF0000, v53;
	v61 =	vmul.f32 v62, v23;
	v52 =	vadd.f32 v52, v26  }
0x31f: {  	v54 =	vadd.s32 $0x8000, v40;
	v40 =	vadd.f32 v60, v55;
	v53 =	vmul.f32 v53, v7  }
0x320: {  	v56 =	vadd.f32 v61, v26;
	v61 =	vand.u32 $0xFFFF0000, v54;
	v52 =	vadd.s32 $0x8000, v52  }
0x321: {  	v24 =	vld [tilespmem:$0x1FD20];
	v55 =	vmul.f32 v58, v23;
	v54 =	vmul.f32 v61, v7;
	v52 =	vand.u32 $0xFFFF0000, v52  }
0x322: {  	v56 =	vadd.s32 $0x8000, v56;
	v51 =	vadd.f32 v0, v53;
	v53 =	vmul.f32 v59, v23  }
0x323: {  	v16 =	vmovc v58;
	v58 =	vmul.f32 v52, v7;
	v56 =	vand.u32 $0xFFFF0000, v56;
	v52 =	vadd.f32 v43, v54  }
0x324: {  	v43 =	vmul.f32 v36, v23;
	v56 =	vmul.f32 v56, v7;
	v53 =	vadd.f32 v53, v26  }
0x325: {  	v60 =	vmovc v36;
	v36 =	vadd.f32 v55, v26;
	v54 =	vadd.f32 v57, v58;
	v57 =	vmul.f32 v1, v23  }
0x326: {  	v0 =	vmovc v38;
	v38 =	vmul.f32 v38, v23;
	v55 =	vadd.f32 v24, v56;
	v24 =	vld [tilespmem:$0x1FD30];
	v53 =	vadd.s32 $0x8000, v53  }
0x327: {  	v43 =	vadd.f32 v43, v26;
	v36 =	vadd.s32 $0x8000, v36;
	v53 =	vand.u32 $0xFFFF0000, v53  }
0x328: {  	v56 =	vand.u32 $0xFFFF0000, v36;
	v38 =	vadd.f32 v38, v26;
	v53 =	vmul.f32 v53, v7  }
0x329: {  	v47 =	vmul.f32 v47, v25;
	v43 =	vadd.s32 $0x8000, v43;
	v36 =	vmul.f32 v56, v7  }
0x32a: {  	v61 =	vmovc v59;
	v59 =	vmovc v1;
	v1 =	vld [tilespmem:$0x1FD40];
	v38 =	vadd.s32 $0x8000, v38;
	v56 =	vadd.f32 v41, v53;
	v41 =	vadd.f32 v57, v26  }
0x32b: {  	v43 =	vand.u32 $0xFFFF0000, v43;
	v38 =	vand.u32 $0xFFFF0000, v38;
	v58 =	vadd.f32 v24, v33  }
0x32c: {  	v43 =	vmul.f32 v43, v7;
	v38 =	vmul.f32 v38, v7;
	v41 =	vadd.s32 $0x8000, v41  }
0x32d: {  	v57 =	vadd.f32 v37, v36;
	v37 =	vadd.s32 $0x8000, v58;
	v36 =	vand.u32 $0xFFFF0000, v41  }
0x32e: {  	v37 =	vand.u32 $0xFFFF0000, v37;
	v41 =	vmul.f32 v50, v25;
	v36 =	vmul.f32 v36, v7;
	v7 =	vld [tilespmem:$0x1FD50]  }
0x32f: {  	v53 =	vadd.f32 v1, v43;
	v58 =	vadd.f32 v39, v38;
	v37 =	vmul.f32 v37, v35  }
0x330: {  	v39 =	vadd.f32 v41, v33;
	v50 =	vadd.f32 v42, v36;
	v36 =	vmul.f32 v48, v25  }
0x331: {  	v1 =	vld [tilespmem:$0x1FD60];
	v48 =	vadd.f32 v63, v37;
	v37 =	vadd.f32 v47, v33  }
0x332: {  	v41 =	vmul.f32 v46, v25;
	v39 =	vadd.s32 $0x8000, v39;
	v36 =	vadd.f32 v36, v33  }
0x333: {  	v39 =	vand.u32 $0xFFFF0000, v39;
	v37 =	vadd.s32 $0x8000, v37;
	v43 =	vmul.f32 v7, v25  }
0x334: {  	v63 =	vmul.f32 v45, v25;
	v39 =	vmul.f32 v39, v35;
	v37 =	vand.u32 $0xFFFF0000, v37  }
0x335: {  	v36 =	vadd.s32 $0x8000, v36;
	v37 =	vmul.f32 v37, v35;
	v38 =	vadd.f32 v43, v33  }
0x336: {  	v36 =	vand.u32 $0xFFFF0000, v36;
	v45 =	vadd.f32 v1, v39;
	v43 =	vadd.f32 v63, v33;
	v1 =	vld [tilespmem:$0x1FD70]  }
0x337: {  	v63 =	vmul.f32 v62, v25;
	v39 =	vmul.f32 v61, v25;
	v38 =	vadd.s32 $0x8000, v38  }
0x338: {  	v62 =	vmul.f32 v60, v25;
	v36 =	vmul.f32 v36, v35;
	v38 =	vand.u32 $0xFFFF0000, v38  }
0x339: {  	v7 =	vld [tilespmem:$0x1FD90];
	v61 =	vmul.f32 v0, v25;
	v39 =	vadd.f32 v39, v33;
	v38 =	vmul.f32 v38, v35  }
0x33a: {  	v42 =	vadd.f32 v62, v33;
	v46 =	vadd.f32 v44, v36;
	v44 =	vadd.s32 $0x8000, v43  }
0x33b: {  	v36 =	vand.u32 $0xFFFF0000, v44;
	v47 =	vadd.f32 v1, v38;
	v38 =	vmul.f32 v2, v25;
	v2 =	vld [tilespmem:$0x1FD80]  }
0x33c: {  	v39 =	vadd.s32 $0x8000, v39;
	v36 =	vmul.f32 v36, v35;
	v1 =	vadd.f32 v41, v33  }
0x33d: {  	v42 =	vadd.s32 $0x8000, v42;
	v39 =	vand.u32 $0xFFFF0000, v39;
	v41 =	vadd.f32 v61, v33  }
0x33e: {  	v43 =	vadd.f32 v7, v36;
	v36 =	vadd.f32 v63, v33;
	v1 =	vadd.s32 $0x8000, v1  }
0x33f: {  	v63 =	vmul.f32 v59, v25;
	v38 =	vadd.f32 v38, v33;
	v1 =	vand.u32 $0xFFFF0000, v1  }
0x340: {  	v1 =	vmul.f32 v1, v35;
	v44 =	vadd.f32 v2, v37;
	v2 =	vmul.f32 v49, v25  }
0x341: {  	v59 =	vadd.s32 $0x8000, v41;
	v36 =	vadd.s32 $0x8000, v36;
	v49 =	vmul.f32 v28, v25  }
0x342: {  	v40 =	vadd.f32 v40, v1;
	v1 =	vmul.f32 v16, v25;
	v2 =	vadd.f32 v2, v33  }
0x343: {  	v38 =	vadd.s32 $0x8000, v38;
	v37 =	vadd.f32 v49, v33;
	v49 =	vadd.f32 v63, v33  }
0x344: {  	v36 =	vand.u32 $0xFFFF0000, v36;
	v38 =	vand.u32 $0xFFFF0000, v38;
	v1 =	vadd.f32 v1, v33  }
0x345: {  	p1 =	sne.s32 s2, $0x1;
	v2 =	vadd.s32 $0x8000, v2;
	v37 =	vadd.s32 $0x8000, v37;
	v60 =	vadd.s32 $0x8000, v49  }
.Ltmp9:
0x346: {  	v49 =	vmul.f32 v36, v35;
	v1 =	vadd.s32 $0x8000, v1;
	v2 =	vand.u32 $0xFFFF0000, v2;
	(pc) =	sbr.rel @!p1 .LBB2_15-.Ltmp9, $4  }
0x347: {  	[tilespmem:$0x1FDA0] =	vst v35;
	v61 =	vand.u32 $0xFFFF0000, v37;
	v37 =	vmul.f32 v38, v35;
	v62 =	vand.u32 $0xFFFF0000, v1  }
0x348: {  	[tilespmem:$0x1FDC0] =	vst v23;
	v41 =	vmul.f32 v2, v35;
	v2 =	vand.u32 $0xFFFF0000, v59;
	v1 =	vmul.f32 v61, v35  }
0x349: {  	[tilespmem:$0x1FDD0] =	vst v25;
	v59 =	vand.u32 $0xFFFF0000, v42;
	v42 =	vmul.f32 v39, v35;
	v63 =	vmul.f32 v62, v35  }
0x34a: {  	s3 =	sadd.s32 $0xFFFFFFFF, s2;
	p0 =	por $0x1, $0x1;
	s2 =	simm.s32 $0x900;
	[tilespmem:$0x1FDB0] =	vst v32;
	v20 =	vmovc v23;
	v7 =	vand.u32 $0xFFFF0000, v60;
	v39 =	vmul.f32 v2, v35;
	v38 =	vmul.f32 v59, v35  }
.LBB2_16:
0x34b: {  	_ =	sdelay $0x1  }
0x34c: {  	v36 =	vadd.f32 v51, v41;
	v37 =	vadd.f32 v52, v37  }
0x34d: {  	v1 =	vadd.f32 v54, v1;
	v41 =	vadd.f32 v55, v49  }
0x34e: {  	v51 =	vadd.f32 v57, v63;
	v49 =	vperm.xlane v48, v29;
	v52 =	vperm.xlane v45, v29  }
0x34f: {  	v42 =	vadd.f32 v56, v42;
	v35 =	vperm.xlane v47, v29;
	v55 =	vperm.xlane v46, v29  }
0x350: {  	v16 =	vld [tilespmem:$0x1FDA0];
	v39 =	vadd.f32 v58, v39;
	v56 =	vperm.xlane v44, v29;
	v57 =	vperm.xlane v43, v29  }
0x351: {  	v38 =	vadd.f32 v53, v38;
	v58 =	vperm.xlane v40, v29;
	v53 =	vperm.xlane v36, v29  }
0x352: {  	v59 =	vperm.xlane v37, v29;
	v32 =	vperm.xlane v1, v29  }
0x353: {  	v60 =	vperm.xlane v41, v29;
	v61 =	vperm.xlane v51, v29;
	v47 =	vadd.f32 v47, v35  }
0x354: {  	v62 =	vperm.xlane v38, v29;
	v48 =	vadd.f32 v48, v49;
	v44 =	vadd.f32 v44, v56  }
0x355: {  	v2 =	vmul.f32 v7, v16;
	v45 =	vadd.f32 v45, v52;
	v40 =	vadd.f32 v40, v58  }
0x356: {  	v35 =	vperm.xlane v42, v29;
	v46 =	vadd.f32 v46, v55;
	v37 =	vadd.f32 v37, v59  }
0x357: {  	v52 =	vperm.xlane v39, v29;
	v43 =	vadd.f32 v43, v57;
	v41 =	vadd.f32 v41, v60  }
0x358: {  	v36 =	vadd.f32 v36, v53;
	v1 =	vadd.f32 v1, v32;
	v32 =	vperm.xlane v48, v30  }
0x359: {  	v42 =	vadd.f32 v42, v35;
	v49 =	vperm.xlane v45, v30;
	v35 =	vperm.xlane v47, v30  }
0x35a: {  	v39 =	vadd.f32 v39, v52;
	v52 =	vperm.xlane v46, v30;
	v56 =	vperm.xlane v44, v30  }
0x35b: {  	v51 =	vadd.f32 v51, v61;
	v54 =	vperm.xlane v43, v30;
	v57 =	vperm.xlane v40, v30  }
0x35c: {  	v38 =	vadd.f32 v38, v62;
	v55 =	vperm.xlane v36, v30;
	v58 =	vperm.xlane v37, v30  }
0x35d: {  	v2 =	vadd.f32 v50, v2;
	v59 =	vperm.xlane v1, v30;
	v60 =	vperm.xlane v41, v30  }
0x35e: {  	v62 =	vperm.xlane v38, v30;
	v48 =	vadd.f32 v48, v32;
	v45 =	vadd.f32 v45, v49  }
0x35f: {  	v63 =	vperm.xlane v2, v29;
	v47 =	vadd.f32 v47, v35;
	v46 =	vadd.f32 v46, v52  }
0x360: {  	v32 =	vperm.xlane v51, v30;
	v44 =	vadd.f32 v44, v56;
	v43 =	vadd.f32 v43, v54  }
0x361: {  	v35 =	vperm.xlane v42, v30;
	v40 =	vadd.f32 v40, v57;
	v36 =	vadd.f32 v36, v55  }
0x362: {  	v61 =	vperm.xlane v39, v30;
	v37 =	vadd.f32 v37, v58;
	v1 =	vadd.f32 v1, v59  }
0x363: {  	v41 =	vadd.f32 v41, v60;
	v50 =	vadd.f32 v51, v32;
	v51 =	vperm.xlane v47, v31  }
0x364: {  	v38 =	vadd.f32 v38, v62;
	v55 =	vperm.xlane v48, v31;
	v49 =	vperm.xlane v44, v31  }
0x365: {  	v2 =	vadd.f32 v2, v63;
	v56 =	vperm.xlane v45, v31;
	v52 =	vperm.xlane v40, v31  }
0x366: {  	v42 =	vadd.f32 v42, v35;
	v32 =	vperm.xlane v46, v31;
	v53 =	vperm.xlane v37, v31  }
0x367: {  	v39 =	vadd.f32 v39, v61;
	v35 =	vperm.xlane v43, v31;
	v63 =	vperm.xlane v2, v30  }
0x368: {  	v54 =	vperm.xlane v41, v31;
	v59 =	vperm.xlane v36, v31;
	v47 =	vadd.f32 v47, v51  }
0x369: {  	v60 =	vperm.xlane v1, v31;
	v48 =	vadd.f32 v48, v55;
	v2 =	vadd.f32 v2, v63  }
0x36a: {  	v62 =	vperm.xlane v38, v31;
	v44 =	vadd.f32 v44, v49;
	v45 =	vadd.f32 v45, v56  }
0x36b: {  	v40 =	vadd.f32 v40, v52;
	v46 =	vadd.f32 v46, v32;
	v63 =	vperm.xlane v2, v31  }
0x36c: {  	v32 =	vperm.xlane v39, v31;
	v37 =	vadd.f32 v37, v53;
	v43 =	vadd.f32 v43, v35  }
0x36d: {  	v38 =	vadd.f32 v38, v62;
	v35 =	vperm.xlane v42, v31;
	v2 =	vadd.f32 v2, v63  }
0x36e: {  	v56 =	vperm.xlane v50, v31;
	v36 =	vadd.f32 v36, v59;
	v39 =	vadd.f32 v39, v32  }
0x36f: {  	v57 =	vperm.xlane v38, v21;
	v42 =	vadd.f32 v42, v35;
	v58 =	vperm.xlane v2, v21  }
0x370: {  	v1 =	vadd.f32 v1, v60;
	v50 =	vadd.f32 v50, v56;
	v59 =	vperm.xlane v39, v21  }
0x371: {  	v38 =	vadd.f32 v38, v57;
	v60 =	vperm.xlane v42, v21;
	v2 =	vadd.f32 v2, v58  }
0x372: {  	v41 =	vadd.f32 v41, v54;
	v61 =	vperm.xlane v50, v21;
	v39 =	vadd.f32 v39, v59  }
0x373: {  	v63 =	vperm.xlane v1, v21;
	v62 =	vadd.f32 v42, v60;
	v2 =	vsel vm1, v38, v2  }
0x374: {  	v35 =	vperm.xlane v41, v21;
	v32 =	vadd.f32 v50, v61;
	v2 =	vsel vm2, v2, v39  }
0x375: {  	v50 =	vperm.xlane v36, v21;
	v1 =	vadd.f32 v1, v63;
	v2 =	vsel vm3, v2, v62  }
0x376: {  	v52 =	vperm.xlane v37, v21;
	v51 =	vadd.f32 v41, v35;
	v2 =	vsel vm4, v2, v32  }
0x377: {  	v53 =	vperm.xlane v43, v21;
	v1 =	vsel vm5, v2, v1;
	v2 =	vadd.f32 v36, v50  }
0x378: {  	v54 =	vperm.xlane v40, v21;
	v37 =	vadd.f32 v37, v52;
	v1 =	vsel vm6, v1, v51  }
0x379: {  	v55 =	vperm.xlane v46, v21;
	v1 =	vsel vm7, v1, v2;
	v2 =	vadd.f32 v43, v53  }
0x37a: {  	v56 =	vadd.f32 v40, v54;
	v57 =	vperm.xlane v44, v21;
	v1 =	vsel vm8, v1, v37  }
0x37b: {  	s2 =	sadd.s32 $0x10, s2;
	v58 =	vperm.xlane v45, v21;
	v1 =	vsel vm9, v1, v2;
	v2 =	vadd.f32 v46, v55  }
0x37c: {  	v59 =	vadd.f32 v44, v57;
	v60 =	vperm.xlane v47, v21;
	v61 =	vld [tilespmem:s2+$0x0];
	v1 =	vsel vm10, v1, v56  }
0x37d: {  	v62 =	vperm.xlane v48, v21;
	v1 =	vsel vm11, v1, v2;
	v2 =	vadd.f32 v45, v58  }
0x37e: {  	v63 =	vadd.f32 v47, v60;
	v1 =	vsel vm12, v1, v59  }
0x37f: {  	v1 =	vsel vm13, v1, v2;
	v2 =	vadd.f32 v48, v62  }
0x380: {  	v1 =	vsel vm14, v1, v63  }
0x381: {  	v1 =	vsel vm15, v1, v2  }
0x382: {  	v1 =	vadd.f32 v1, v19;
	_ =	sdelay $0x1  }
0x383: {  	s1 =	sadd.s32 $0x10, s1;
	[tilespmem:v61+s31+$0x0] =	vst.idx.msk $0xffff, v1  }
0x384: {  	v1 =	vld [tilespmem:s1+$0x0];
	_ =	sdelay $0x4  }
0x385: {  	v2 =	vperm.xlane v1, v17;
	v43 =	vperm.xlane v1, v18  }
0x386: {  	v44 =	vperm.xlane v1, v15;
	v45 =	vperm.xlane v1, v5  }
0x387: {  	v46 =	vperm.xlane v1, v13;
	v47 =	vperm.xlane v1, v14  }
0x388: {  	v48 =	vperm.xlane v1, v11;
	v49 =	vperm.xlane v1, v12  }
0x389: {  	v42 =	vperm.xlane v1, v9;
	v50 =	vperm.xlane v1, v10  }
0x38a: {  	v40 =	vperm.xlane v1, v22;
	v41 =	vperm.xlane v1, v8  }
0x38b: {  	v38 =	vperm.xlane v1, v4;
	v39 =	vperm.xlane v1, v6  }
0x38c: {  	v37 =	vperm.xlane v1, v27;
	v36 =	vperm.xlane v1, v3  }
0x38d: {  	v0 =	vmul.f32 v2, v25;
	v51 =	vmul.f32 v43, v25  }
0x38e: {  	v32 =	vmul.f32 v45, v25;
	v35 =	vmul.f32 v43, v20  }
0x38f: {  	v54 =	vmul.f32 v44, v25;
	v55 =	vmul.f32 v2, v20  }
0x390: {  	v56 =	vmul.f32 v47, v25;
	v57 =	vmul.f32 v45, v20  }
0x391: {  	v58 =	vmul.f32 v46, v25;
	v59 =	vmul.f32 v43, v34  }
0x392: {  	v60 =	vmul.f32 v44, v20;
	v61 =	vmul.f32 v2, v34  }
0x393: {  	v62 =	vmul.f32 v49, v25;
	v63 =	vmul.f32 v47, v20  }
0x394: {  	v8 =	vmul.f32 v45, v34;
	v9 =	vmul.f32 v48, v25  }
0x395: {  	v10 =	vmul.f32 v46, v20;
	v11 =	vmul.f32 v44, v34  }
0x396: {  	v12 =	vmul.f32 v50, v25;
	v13 =	vmul.f32 v49, v20  }
0x397: {  	v14 =	vmul.f32 v47, v34;
	v15 =	vmul.f32 v42, v25  }
0x398: {  	v27 =	vmul.f32 v48, v20;
	v17 =	vmul.f32 v46, v34  }
0x399: {  	v31 =	vld [tilespmem:$0x1FF90];
	v18 =	vmul.f32 v41, v25;
	v19 =	vmul.f32 v50, v20  }
0x39a: {  	v29 =	vmul.f32 v49, v34;
	v21 =	vmul.f32 v40, v25  }
0x39b: {  	v22 =	vmul.f32 v42, v20;
	v3 =	vmul.f32 v48, v34  }
0x39c: {  	v23 =	vmul.f32 v41, v20;
	v4 =	vmul.f32 v50, v34;
	v0 =	vadd.f32 v0, v33  }
0x39d: {  	v5 =	vmul.f32 v38, v25;
	v51 =	vadd.f32 v51, v33;
	v52 =	vadd.f32 v32, v33  }
0x39e: {  	v6 =	vmul.f32 v40, v20;
	v53 =	vadd.f32 v35, v31;
	v54 =	vadd.f32 v54, v33  }
0x39f: {  	v7 =	vmul.f32 v42, v34;
	v55 =	vadd.f32 v55, v31;
	v56 =	vadd.f32 v56, v33  }
0x3a0: {  	v24 =	vmul.f32 v37, v25;
	v57 =	vadd.f32 v57, v31;
	v58 =	vadd.f32 v58, v33  }
0x3a1: {  	v1 =	vld [tilespmem:$0x1FF60];
	v26 =	vmul.f32 v39, v20;
	v60 =	vadd.f32 v60, v31;
	v62 =	vadd.f32 v62, v33  }
0x3a2: {  	v28 =	vmul.f32 v38, v20;
	v63 =	vadd.f32 v63, v31;
	v9 =	vadd.f32 v9, v33  }
0x3a3: {  	v30 =	vmul.f32 v37, v20;
	v10 =	vadd.f32 v10, v31;
	v12 =	vadd.f32 v12, v33  }
0x3a4: {  	v20 =	vmul.f32 v36, v20;
	v13 =	vadd.f32 v13, v31;
	v15 =	vadd.f32 v15, v33  }
0x3a5: {  	v32 =	vmul.f32 v39, v25;
	v27 =	vadd.f32 v27, v31;
	v18 =	vadd.f32 v18, v33  }
0x3a6: {  	v19 =	vadd.f32 v19, v31;
	v43 =	vmul.f32 v43, v1;
	v2 =	vmul.f32 v2, v1  }
0x3a7: {  	v22 =	vadd.f32 v22, v31;
	v45 =	vmul.f32 v45, v1;
	v44 =	vmul.f32 v44, v1  }
0x3a8: {  	v23 =	vadd.f32 v23, v31;
	v47 =	vmul.f32 v47, v1;
	v46 =	vmul.f32 v46, v1  }
0x3a9: {  	v5 =	vadd.f32 v5, v33;
	v49 =	vmul.f32 v49, v1;
	v48 =	vmul.f32 v48, v1  }
0x3aa: {  	v26 =	vadd.f32 v26, v31;
	v50 =	vmul.f32 v50, v1;
	v42 =	vmul.f32 v42, v1  }
0x3ab: {  	v30 =	vadd.f32 v30, v31;
	[tilespmem:$0x1FB40] =	vst v27;
	v27 =	vmul.f32 v41, v34;
	v41 =	vmul.f32 v41, v1  }
0x3ac: {  	v52 =	vadd.s32 $0x8000, v52;
	v51 =	vadd.s32 $0x8000, v51;
	v54 =	vadd.s32 $0x8000, v54  }
0x3ad: {  	v55 =	vadd.s32 $0x8000, v55;
	v53 =	vadd.s32 $0x8000, v53;
	v56 =	vadd.s32 $0x8000, v56  }
0x3ae: {  	v57 =	vadd.s32 $0x8000, v57;
	v58 =	vadd.s32 $0x8000, v58;
	v60 =	vadd.s32 $0x8000, v60  }
0x3af: {  	v35 =	vld [tilespmem:$0x1FF80];
	v62 =	vadd.s32 $0x8000, v62;
	v63 =	vadd.s32 $0x8000, v63;
	v9 =	vadd.s32 $0x8000, v9  }
0x3b0: {  	v10 =	vadd.s32 $0x8000, v10;
	v12 =	vadd.s32 $0x8000, v12;
	v13 =	vadd.s32 $0x8000, v13  }
0x3b1: {  	v15 =	vadd.s32 $0x8000, v15;
	v18 =	vadd.s32 $0x8000, v18;
	v19 =	vadd.s32 $0x8000, v19  }
0x3b2: {  	[tilespmem:$0x1FB30] =	vst v0;
	v0 =	vld [tilespmem:$0x1FDB0];
	v22 =	vadd.s32 $0x8000, v22;
	v23 =	vadd.s32 $0x8000, v23;
	v5 =	vadd.s32 $0x8000, v5  }
0x3b3: {  	v26 =	vadd.s32 $0x8000, v26;
	v54 =	vand.u32 $0xFFFF0000, v54;
	v53 =	vand.u32 $0xFFFF0000, v53  }
0x3b4: {  	v56 =	vand.u32 $0xFFFF0000, v56;
	v57 =	vand.u32 $0xFFFF0000, v57;
	v59 =	vadd.f32 v59, v35  }
0x3b5: {  	v55 =	vand.u32 $0xFFFF0000, v55;
	v61 =	vadd.f32 v61, v35;
	v29 =	vadd.f32 v29, v35  }
0x3b6: {  	v58 =	vand.u32 $0xFFFF0000, v58;
	v8 =	vadd.f32 v8, v35;
	v11 =	vadd.f32 v11, v35  }
0x3b7: {  	v60 =	vand.u32 $0xFFFF0000, v60;
	[tilespmem:$0x1FB50] =	vst v29;
	v29 =	vadd.f32 v47, v0;
	v47 =	vadd.f32 v21, v33  }
0x3b8: {  	v62 =	vand.u32 $0xFFFF0000, v62;
	v21 =	vadd.f32 v4, v35;
	v4 =	vadd.f32 v7, v35  }
0x3b9: {  	v25 =	vld [tilespmem:$0x1FDD0];
	v63 =	vand.u32 $0xFFFF0000, v63;
	v14 =	vadd.f32 v14, v35;
	v17 =	vadd.f32 v17, v35  }
0x3ba: {  	v9 =	vand.u32 $0xFFFF0000, v9;
	v3 =	vadd.f32 v3, v35;
	[tilespmem:$0x1FB90] =	vst v4;
	v4 =	vadd.f32 v28, v31  }
0x3bb: {  	v10 =	vand.u32 $0xFFFF0000, v10;
	v27 =	vadd.f32 v27, v35;
	v43 =	vadd.f32 v43, v0  }
0x3bc: {  	v12 =	vand.u32 $0xFFFF0000, v12;
	v2 =	vadd.f32 v2, v0;
	[tilespmem:$0x1FBA0] =	vst v4;
	v4 =	vadd.f32 v50, v0  }
0x3bd: {  	v62 =	vmul.f32 v62, v16;
	v45 =	vadd.f32 v45, v0;
	v44 =	vadd.f32 v44, v0;
	[tilespmem:$0x1FB70] =	vst v3  }
0x3be: {  	v25 =	vmul.f32 v36, v25;
	v46 =	vadd.f32 v46, v0;
	v3 =	vadd.f32 v32, v33;
	[tilespmem:$0x1FBB0] =	vst v4;
	v4 =	vld [tilespmem:$0x1FDF0]  }
0x3bf: {  	v49 =	vadd.f32 v49, v0;
	v32 =	vmul.f32 v39, v34;
	v7 =	vadd.f32 v24, v33  }
0x3c0: {  	v25 =	vadd.f32 v25, v33;
	v33 =	vmul.f32 v38, v34;
	[tilespmem:$0x1FB80] =	vst v3;
	v3 =	vadd.f32 v6, v31  }
0x3c1: {  	v48 =	vadd.f32 v48, v0;
	v39 =	vmul.f32 v39, v1;
	v38 =	vmul.f32 v38, v1  }
0x3c2: {  	v41 =	vadd.f32 v41, v0;
	[tilespmem:$0x1FB60] =	vst v29;
	v29 =	vmul.f32 v40, v34;
	v24 =	vadd.s32 $0x8000, v3;
	v3 =	vld [tilespmem:$0x1FB90]  }
0x3c3: {  	v34 =	vmul.f32 v37, v34;
	v32 =	vadd.f32 v32, v35;
	v4 =	vmul.f32 v36, v4  }
0x3c4: {  	v59 =	vadd.s32 $0x8000, v59;
	v33 =	vadd.f32 v33, v35;
	v50 =	vadd.f32 v29, v35  }
0x3c5: {  	v61 =	vadd.s32 $0x8000, v61;
	v34 =	vadd.f32 v34, v35;
	v35 =	vadd.f32 v4, v35;
	v4 =	vld [tilespmem:$0x1FB50]  }
0x3c6: {  	v8 =	vadd.s32 $0x8000, v8;
	v11 =	vadd.s32 $0x8000, v11;
	v14 =	vadd.s32 $0x8000, v14  }
0x3c7: {  	v17 =	vadd.s32 $0x8000, v17;
	v29 =	vadd.s32 $0x8000, v7;
	v7 =	vadd.s32 $0x8000, v3;
	v3 =	vld [tilespmem:$0x1FBA0]  }
0x3c8: {  	v27 =	vadd.s32 $0x8000, v27;
	v40 =	vmul.f32 v40, v1;
	v6 =	vadd.f32 v42, v0  }
0x3c9: {  	v31 =	vadd.f32 v20, v31;
	v37 =	vmul.f32 v37, v1;
	v38 =	vadd.f32 v38, v0  }
0x3ca: {  	v39 =	vadd.f32 v39, v0;
	v36 =	vmul.f32 v36, v1;
	v20 =	vadd.s32 $0x8000, v4;
	v4 =	vld [tilespmem:$0x1FB60]  }
0x3cb: {  	v59 =	vand.u32 $0xFFFF0000, v59;
	v40 =	vadd.f32 v40, v0;
	v37 =	vadd.f32 v37, v0  }
0x3cc: {  	v36 =	vadd.f32 v36, v0;
	v0 =	vld [tilespmem:$0x1FB30];
	v42 =	vadd.s32 $0x8000, v3;
	v3 =	vadd.s32 $0x8000, v50  }
0x3cd: {  	v61 =	vand.u32 $0xFFFF0000, v61;
	v8 =	vand.u32 $0xFFFF0000, v8;
	v11 =	vand.u32 $0xFFFF0000, v11;
	[tilespmem:$0x1FBD0] =	vst v3;
	v3 =	vld [tilespmem:$0x1FBB0]  }
0x3ce: {  	v14 =	vand.u32 $0xFFFF0000, v14;
	v43 =	vadd.s32 $0x8000, v43;
	v2 =	vadd.s32 $0x8000, v2  }
0x3cf: {  	v45 =	vadd.s32 $0x8000, v45;
	v28 =	vadd.s32 $0x8000, v47;
	v47 =	vadd.s32 $0x8000, v4;
	v4 =	vld [tilespmem:$0x1FB70]  }
0x3d0: {  	v44 =	vadd.s32 $0x8000, v44;
	v46 =	vadd.s32 $0x8000, v46;
	v21 =	vadd.s32 $0x8000, v21  }
0x3d1: {  	v49 =	vadd.s32 $0x8000, v49;
	v48 =	vadd.s32 $0x8000, v48;
	v25 =	vadd.s32 $0x8000, v25  }
0x3d2: {  	[tilespmem:$0x1FBC0] =	vst v6;
	v1 =	vadd.s32 $0x8000, v0;
	v0 =	vld [tilespmem:$0x1FB40];
	v50 =	vadd.s32 $0x8000, v3;
	v3 =	vadd.s32 $0x8000, v30  }
0x3d3: {  	v41 =	vadd.s32 $0x8000, v41;
	v43 =	vand.u32 $0xFFFF0000, v43;
	v2 =	vand.u32 $0xFFFF0000, v2;
	[tilespmem:$0x1FBE0] =	vst v3;
	v3 =	vld [tilespmem:$0x1FBC0]  }
0x3d4: {  	v45 =	vand.u32 $0xFFFF0000, v45;
	v44 =	vand.u32 $0xFFFF0000, v44;
	v6 =	vadd.s32 $0x8000, v4;
	v4 =	vld [tilespmem:$0x1FB80]  }
0x3d5: {  	v48 =	vand.u32 $0xFFFF0000, v48;
	v31 =	vadd.s32 $0x8000, v31;
	v33 =	vadd.s32 $0x8000, v33  }
0x3d6: {  	v32 =	vadd.s32 $0x8000, v32;
	v38 =	vadd.s32 $0x8000, v38;
	v39 =	vadd.s32 $0x8000, v39  }
0x3d7: {  	v32 =	vand.u32 $0xFFFF0000, v32;
	v38 =	vand.u32 $0xFFFF0000, v38;
	v34 =	vadd.s32 $0x8000, v34  }
0x3d8: {  	v0 =	vadd.s32 $0x8000, v0;
	v30 =	vadd.s32 $0x8000, v3;
	v3 =	vadd.s32 $0x8000, v37  }
0x3d9: {  	v37 =	vand.u32 $0xFFFF0000, v1;
	v1 =	vand.u32 $0xFFFF0000, v51;
	v4 =	vadd.s32 $0x8000, v4  }
0x3da: {  	v51 =	vand.u32 $0xFFFF0000, v52;
	v52 =	vand.u32 $0xFFFF0000, v13;
	[tilespmem:$0x1FBF0] =	vst v3;
	v4 =	vand.u32 $0xFFFF0000, v4  }
0x3db: {  	v3 =	vadd.s32 $0x8000, v36;
	[tilespmem:$0x1FC30] =	vst v4;
	v4 =	vand.u32 $0xFFFF0000, v5;
	v5 =	vmul.f32 v37, v16  }
0x3dc: {  	v13 =	vand.u32 $0xFFFF0000, v28;
	v36 =	vand.u32 $0xFFFF0000, v15;
	v15 =	vand.u32 $0xFFFF0000, v19;
	[tilespmem:$0x1FC00] =	vst v3  }
0x3dd: {  	v3 =	vand.u32 $0xFFFF0000, v0;
	v0 =	vand.u32 $0xFFFF0000, v18;
	[tilespmem:$0x1FC40] =	vst v5;
	v5 =	vmul.f32 v54, v16  }
0x3de: {  	[tilespmem:$0x1FC20] =	vst v13;
	v18 =	vand.u32 $0xFFFF0000, v17;
	v17 =	vand.u32 $0xFFFF0000, v22;
	v22 =	vand.u32 $0xFFFF0000, v24;
	v24 =	vld [tilespmem:$0x1FF00]  }
0x3df: {  	v13 =	vand.u32 $0xFFFF0000, v23;
	v23 =	vand.u32 $0xFFFF0000, v46;
	v46 =	vand.u32 $0xFFFF0000, v21;
	[tilespmem:$0x1FC60] =	vst v5;
	v5 =	vld [tilespmem:$0x1FBD0]  }
0x3e0: {  	v21 =	vand.u32 $0xFFFF0000, v49;
	v49 =	vmul.f32 v36, v16;
	[tilespmem:$0x1FC10] =	vst v0;
	v0 =	vand.u32 $0xFFFF0000, v47  }
0x3e1: {  	v28 =	vand.u32 $0xFFFF0000, v6;
	v6 =	vand.u32 $0xFFFF0000, v7;
	v7 =	vand.u32 $0xFFFF0000, v25  }
0x3e2: {  	v25 =	vand.u32 $0xFFFF0000, v26;
	v47 =	vmul.f32 v51, v16;
	v26 =	vmul.f32 v56, v16  }
0x3e3: {  	v56 =	vand.u32 $0xFFFF0000, v31;
	v31 =	vmul.f32 v63, v24;
	v63 =	vmul.f32 v3, v24  }
0x3e4: {  	v15 =	vmul.f32 v15, v24;
	v17 =	vmul.f32 v17, v24;
	v51 =	vand.u32 $0xFFFF0000, v5;
	v5 =	vld [tilespmem:$0x1FE20]  }
0x3e5: {  	v40 =	vadd.s32 $0x8000, v40;
	v13 =	vmul.f32 v13, v24;
	v37 =	vmul.f32 v9, v16  }
0x3e6: {  	v9 =	vmul.f32 v10, v24;
	[tilespmem:$0x1FC50] =	vst v4;
	v4 =	vand.u32 $0xFFFF0000, v29;
	v29 =	vmul.f32 v58, v16  }
0x3e7: {  	[tilespmem:$0x1FC70] =	vst v4;
	v4 =	vand.u32 $0xFFFF0000, v27;
	v27 =	vmul.f32 v1, v16;
	v1 =	vand.u32 $0xFFFF0000, v50  }
0x3e8: {  	v50 =	vmul.f32 v53, v24;
	v53 =	vand.u32 $0xFFFF0000, v42;
	v42 =	vmul.f32 v55, v24  }
0x3e9: {  	v34 =	vand.u32 $0xFFFF0000, v34;
	v58 =	vmul.f32 v59, v5;
	v59 =	vmul.f32 v61, v5;
	v61 =	vld [tilespmem:$0x1FE10]  }
0x3ea: {  	v55 =	vmul.f32 v57, v24;
	v57 =	vand.u32 $0xFFFF0000, v30;
	v30 =	vmul.f32 v60, v24  }
0x3eb: {  	v60 =	vand.u32 $0xFFFF0000, v41;
	v41 =	vmul.f32 v12, v16;
	v12 =	vmul.f32 v52, v24  }
0x3ec: {  	v35 =	vadd.s32 $0x8000, v35;
	v8 =	vmul.f32 v8, v5;
	v11 =	vmul.f32 v11, v5  }
0x3ed: {  	v19 =	vand.u32 $0xFFFF0000, v20;
	v3 =	vld [tilespmem:$0x1FBF0];
	v14 =	vmul.f32 v14, v5;
	v18 =	vmul.f32 v18, v5  }
0x3ee: {  	v10 =	vand.u32 $0xFFFF0000, v33;
	v19 =	vmul.f32 v19, v5;
	v43 =	vmul.f32 v43, v61  }
0x3ef: {  	v33 =	vand.u32 $0xFFFF0000, v40;
	v2 =	vmul.f32 v2, v61;
	v40 =	vmul.f32 v45, v61  }
0x3f0: {  	v36 =	vand.u32 $0xFFFF0000, v39;
	v39 =	vmul.f32 v44, v61;
	v0 =	vmul.f32 v0, v61  }
0x3f1: {  	v35 =	vand.u32 $0xFFFF0000, v35;
	v23 =	vmul.f32 v23, v61;
	v48 =	vmul.f32 v48, v61  }
0x3f2: {  	v44 =	vand.u32 $0xFFFF0000, v3;
	v21 =	vmul.f32 v21, v61;
	v52 =	vmul.f32 v57, v61  }
0x3f3: {  	v1 =	vmul.f32 v1, v61;
	v43 =	vadd.f32 $0.0e+00, v43;
	v40 =	vadd.f32 $0.0e+00, v40  }
0x3f4: {  	v60 =	vmul.f32 v60, v61;
	v2 =	vadd.f32 $0.0e+00, v2;
	v0 =	vadd.f32 $0.0e+00, v0  }
0x3f5: {  	v33 =	vmul.f32 v33, v61;
	v39 =	vadd.f32 $0.0e+00, v39;
	v21 =	vadd.f32 $0.0e+00, v21  }
0x3f6: {  	v36 =	vmul.f32 v36, v61;
	v23 =	vadd.f32 $0.0e+00, v23;
	v1 =	vadd.f32 $0.0e+00, v1  }
0x3f7: {  	v38 =	vmul.f32 v38, v61;
	v48 =	vadd.f32 $0.0e+00, v48;
	v57 =	vadd.f32 $0.0e+00, v60  }
0x3f8: {  	v44 =	vmul.f32 v44, v61;
	v52 =	vadd.f32 $0.0e+00, v52;
	v36 =	vadd.f32 $0.0e+00, v36  }
0x3f9: {  	v28 =	vmul.f32 v28, v5;
	v33 =	vadd.f32 $0.0e+00, v33;
	v38 =	vadd.f32 $0.0e+00, v38  }
0x3fa: {  	v46 =	vmul.f32 v46, v5;
	v3 =	vld [tilespmem:$0x1FC00];
	v44 =	vadd.f32 $0.0e+00, v44;
	v43 =	vadd.f32 v43, v58  }
0x3fb: {  	v6 =	vmul.f32 v6, v5;
	v8 =	vadd.f32 v40, v8;
	v2 =	vadd.f32 v2, v59  }
0x3fc: {  	v20 =	vld [tilespmem:$0x1FBE0];
	v10 =	vmul.f32 v10, v5;
	v0 =	vadd.f32 v0, v14;
	v11 =	vadd.f32 v39, v11  }
0x3fd: {  	v14 =	vmul.f32 v32, v5;
	v19 =	vadd.f32 v21, v19;
	v18 =	vadd.f32 v23, v18  }
0x3fe: {  	v1 =	vadd.f32 v1, v46;
	v21 =	vadd.f32 v48, v28;
	v23 =	vmul.f32 v34, v5  }
0x3ff: {  	v45 =	vand.u32 $0xFFFF0000, v3;
	v3 =	vmul.f32 v4, v5;
	v4 =	vmul.f32 v22, v24;
	v22 =	vld [tilespmem:$0x1FC20]  }
0x400: {  	v25 =	vmul.f32 v25, v24;
	v6 =	vadd.f32 v52, v6;
	v10 =	vadd.f32 v38, v10  }
0x401: {  	v54 =	vand.u32 $0xFFFF0000, v20;
	v14 =	vadd.f32 v36, v14;
	v23 =	vadd.f32 v44, v23  }
0x402: {  	v28 =	vmul.f32 v35, v5;
	v46 =	vadd.f32 v43, v50;
	v8 =	vadd.f32 v8, v55  }
0x403: {  	v45 =	vmul.f32 v45, v61;
	v2 =	vadd.f32 v2, v42;
	v0 =	vadd.f32 v0, v31  }
0x404: {  	v11 =	vadd.f32 v11, v30;
	v52 =	vadd.f32 v21, v63;
	v63 =	vmul.f32 v22, v16;
	v22 =	vld [tilespmem:$0x1FC30]  }
0x405: {  	v61 =	vmul.f32 v51, v5;
	v12 =	vadd.f32 v19, v12;
	v9 =	vadd.f32 v18, v9  }
0x406: {  	v20 =	vld [tilespmem:$0x1FDC0];
	v18 =	vmul.f32 v53, v24;
	v51 =	vadd.f32 v1, v15;
	v15 =	vimm.s32 $0xC  }
0x407: {  	v34 =	vld [tilespmem:$0x1FDF0];
	v5 =	vimm.s32 $0xD;
	v1 =	vmul.f32 v54, v24;
	v55 =	vadd.f32 v6, v17  }
0x408: {  	v17 =	vimm.s32 $0xE;
	v48 =	vadd.f32 v46, v27;
	v46 =	vadd.f32 v0, v26;
	v0 =	vld [tilespmem:$0x1FC60]  }
0x409: {  	v3 =	vadd.f32 v57, v3;
	v45 =	vadd.f32 $0.0e+00, v45;
	v42 =	vmul.f32 v22, v16;
	v22 =	vld [tilespmem:$0x1FC40]  }
0x40a: {  	v31 =	vld [tilespmem:$0x1FFE0];
	v6 =	vimm.s32 $0x3;
	v40 =	vadd.f32 v33, v61;
	v53 =	vadd.f32 v23, v1  }
0x40b: {  	v30 =	vld [tilespmem:$0x1FFD0];
	v58 =	vadd.f32 v10, v18;
	v18 =	vimm.s32 $0xF;
	v10 =	vimm.s32 $0x7  }
0x40c: {  	v1 =	vld [tilespmem:$0x1FC10];
	v27 =	vimm.s32 $0x0;
	v43 =	vadd.f32 v12, v62;
	v54 =	vadd.f32 v3, v13  }
0x40d: {  	v12 =	vimm.s32 $0x9;
	v28 =	vadd.f32 v45, v28;
	v44 =	vadd.f32 v11, v0;
	v0 =	vld [tilespmem:$0x1FC70]  }
0x40e: {  	p1 =	sne.s32 s3, $0x1;
	v13 =	vimm.s32 $0xA;
	v45 =	vadd.f32 v8, v47;
	v47 =	vadd.f32 v2, v22;
	v2 =	vld [tilespmem:$0x1FC50]  }
.Ltmp10:
0x40f: {  	v19 =	vld [tilespmem:$0x1FF70];
	v3 =	vmul.f32 v56, v24;
	v56 =	vadd.f32 v14, v25;
	v14 =	vimm.s32 $0xB;
	(pc) =	sbr.rel @p1 .LBB2_16-.Ltmp10, $4  }
0x410: {  	v21 =	vld [tilespmem:$0x1FFB0];
	v57 =	vadd.f32 v40, v4;
	v4 =	vimm.s32 $0x2;
	v8 =	vimm.s32 $0x5  }
0x411: {  	v33 =	vld [tilespmem:$0x1FFA0];
	v40 =	vadd.f32 v9, v29;
	v9 =	vimm.s32 $0x6;
	v50 =	vadd.f32 v28, v3  }
0x412: {  	v25 =	vld [tilespmem:$0x1FDD0];
	v3 =	vimm.s32 $0x1;
	v1 =	vmul.f32 v1, v16;
	v11 =	vimm.s32 $0x8  }
0x413: {  	s3 =	sadd.s32 $0xFFFFFFFF, s3;
	v29 =	vld [tilespmem:$0x1FFC0];
	v38 =	vmul.f32 v0, v16;
	v22 =	vimm.s32 $0x4;
	v39 =	vmul.f32 v2, v16  }
.Ltmp11:
0x414: {  	(pc) =	sbr.rel .LBB2_18-.Ltmp11, $3  }
0x415: {  	_ = 	snop  }
0x416: {  	v35 =	vld [tilespmem:$0x1FDA0];
	_ =	sdelay $0x1  }
0x417: {  	v28 =	vlaneseq.u32  }
.LBB2_15:
.Ltmp12:
0x418: {  	(pc) =	sbr.rel .LBB2_18-.Ltmp12, $3  }
0x419: {  	_ = 	snop  }
0x41a: {  	v35 =	vld [tilespmem:$0x1FDA0];
	_ =	sdelay $0x1  }
0x41b: {  	s2 =	simm.s32 $0x900;
	v28 =	vlaneseq.u32  }
.LBB2_20:
0x41c: {  	_ =	sfence.sel $0x180000  }
0x41d: {  	[bflag:$0x0] =	sbarrier.arrive $0xFFFF  }
0x41e: {  	_ =	strace $0x90000047  }
0x41f: {  	s0 =	stileid.u32;
	[bflag:$0x2] =	sbarrier.arrive $0xFFFF  }
0x420: {  	p0 =	sne.s32 s0, $0x0;
	s0 =	rddreg [dreg:$0x8]  }
0x421: {  	s0 =	sadd.s32 @!p0 $0x100000, s0  }
0x422: {  	[sflag:s0] =	ssyncadd.tile.s32 @!p0 $0x1;
	_ =	shalt  }
.Lfunc_end2:
_tile_overlayer_lowered:
.L_overlay_start_2:
0x423: {  	(tag) =	ssettag $0x2  }
0x424: {  	s0 =	rddreg [dreg:$0x0];
	s2 =	stileid.u32  }
0x425: {  	s1 =	rddreg [dreg:$0x1];
	p0 =	sne.s32 s2, $0x0  }
0x426: {  	s3 =	rddreg [dreg:$0x2];
	[bflag:$0x3] =	sbarrier.arrive $0xFFFF;
	s2 =	simm.s32 @!p0 $0x1C04  }
0x427: {  	[timem:s3], [sflag:s2] =	dma.local @!p0 [hbm:s0], s1  }
0x428: {  	s0 =	simm.s32 @!p0 $0x4  }
0x429: {  	_ =	swait.ge @!p0 [sflag:s0], s1  }
0x42a: {  	s1 =	ssub.s32 @!p0 $0x0, s1;
	[sflag:s0] =	ssyncset.done @!p0 $0x0  }
0x42b: {  	[sflag:s0] =	ssyncadd.s32 @!p0 s1  }
0x42c: {  	[bflag:$0x3] =	sbarrier.arrive $0xFFFF  }
0x42d: {  	_ =	shalt  }

</sc_bundles>
